<compile_context>
chip_gen: v7x
topology: tpu7x:2x2x1
jax: 0.10.2.dev20260603
libtpu: 0.0.44.dev20260713+nightly
codegen_flags: <defaults>
</compile_context>

<pallas_src>
import functools

import jax
import jax.numpy as jnp
from jax import lax
from jax.experimental import pallas as pl
from jax.experimental.pallas import tpu as pltpu
from jax.experimental.pallas import tpu_sc as plsc

N = 10000
E = 320000
D = 128
DF = 64
DS = D - DF
NP = 10240
NW = 32
C = 80
K = 128
B = 32
NB = C // B
EP = NW * C * K
RPT = NP // 16
KA = 128
CA = EP // (16 * KA)
BA = 40
NBA = CA // BA

@functools.cache
def _deg_kernel():
    mesh = plsc.VectorSubcoreMesh(core_axis_name="c", subcore_axis_name="s")
    return functools.partial(
        pl.kernel,
        mesh=mesh,
        out_type=jax.ShapeDtypeStruct((2 * NP,), jnp.float32),
        scratch_types=[
            pltpu.VMEM((C, K), jnp.int32),
            pltpu.VMEM((K,), jnp.float32),
            pltpu.VMEM((RPT,), jnp.float32),
            pltpu.VMEM_SHARED((NP,), jnp.float32),
        ],
    )(_deg_body)


def _deg_body(dst_hbm, out_hbm, dst_v, ones_v, stage_v, acc_sh):
    cid = lax.axis_index("c")
    sid = lax.axis_index("s")
    wid = sid * 2 + cid

    for i in range(K // 16):
        ones_v[pl.ds(i * 16, 16)] = jnp.ones((16,), jnp.float32)
    for i in range(RPT // 16):
        stage_v[pl.ds(i * 16, 16)] = jnp.zeros((16,), jnp.float32)

    pltpu.sync_copy(stage_v, acc_sh.at[pl.ds(sid * RPT, RPT)])
    plsc.subcore_barrier()

    pltpu.sync_copy(dst_hbm.at[pl.ds(wid * C, C)], dst_v)

    def body(c, carry):
        pltpu.sync_copy(ones_v, acc_sh.at[dst_v.at[c]], add=True)
        return carry

    lax.fori_loop(0, C, body, 0)
    plsc.subcore_barrier()

    pltpu.sync_copy(acc_sh.at[pl.ds(sid * RPT, RPT)], stage_v)
    pltpu.sync_copy(stage_v, out_hbm.at[pl.ds(cid * NP + sid * RPT, RPT)])


@functools.cache
def _agg_kernel():
    mesh = plsc.VectorSubcoreMesh(core_axis_name="c", subcore_axis_name="s")
    return functools.partial(
        pl.kernel,
        mesh=mesh,
        compiler_params=pltpu.CompilerParams(use_tc_tiling_on_sc=False),
        out_type=(
            jax.ShapeDtypeStruct((NP, DF), jnp.float32),
            jax.ShapeDtypeStruct((NP, DS), jnp.float32),
        ),
        scratch_types=[
            pltpu.VMEM((BA, KA), jnp.int32),
            pltpu.VMEM((BA, KA), jnp.int32),
            pltpu.VMEM((KA, DF), jnp.float32),
            pltpu.VMEM((KA, DF), jnp.float32),
            pltpu.VMEM((KA, DS), jnp.float32),
            pltpu.VMEM((KA, DS), jnp.float32),
            pltpu.VMEM_SHARED((NP, DF), jnp.float32),
            pltpu.VMEM_SHARED((NP, DS), jnp.float32),
            pltpu.SemaphoreType.DMA,
            pltpu.SemaphoreType.DMA,
            pltpu.SemaphoreType.DMA,
            pltpu.SemaphoreType.DMA,
            pltpu.SemaphoreType.DMA,
        ],
    )(_agg_body)


def _agg_body(hsa_hbm, hsb_hbm, src_hbm, dst_hbm, za_hbm, zb_hbm,
              outa_hbm, outb_hbm,
              sidx, didx, ra0, ra1, rb0, rb1,
              acca_sh, accb_sh,
              sg0, sg1, ss0, ss1, wsem):
    cid = lax.axis_index("c")
    sid = lax.axis_index("s")

    gsem = (sg0, sg1)
    ssem = (ss0, ss1)

    def init(z_hbm, rows, acc):
        pltpu.sync_copy(z_hbm, rows[0])
        for z in range(RPT // KA):
            pltpu.async_copy(
                rows[0], acc.at[pl.ds(sid * RPT + z * KA, KA)], wsem)
        for z in range(RPT // KA):
            pltpu.make_async_copy(
                rows[0], acc.at[pl.ds(sid * RPT + z * KA, KA)], wsem).wait()

    def edge_loop(hs_hbm, rows, acc):
        def start_gather(j, b):
            pltpu.async_copy(hs_hbm.at[sidx.at[j]], rows[b], gsem[b])

        def wait_gather(j, b):
            pltpu.make_async_copy(
                hs_hbm.at[sidx.at[j]], rows[b], gsem[b]).wait()

        def start_scatter(j, b):
            pltpu.async_copy(rows[b], acc.at[didx.at[j]], ssem[b], add=True)

        def wait_scatter(j, b):
            pltpu.make_async_copy(rows[b], acc.at[didx.at[j]], ssem[b]).wait()

        def blk_body(blk, carry):
            r0 = sid * CA + blk * BA
            pltpu.sync_copy(src_hbm.at[pl.ds(r0, BA)], sidx)
            pltpu.sync_copy(dst_hbm.at[pl.ds(r0, BA)], didx)
            start_gather(0, 0)
            start_gather(1, 1)

            def inner(i, c):
                for b in range(2):
                    jj = i * 2 + b
                    wait_gather(jj, b)
                    start_scatter(jj, b)

                    @pl.when(jj + 2 < BA)
                    def _():
                        wait_scatter(jj, b)
                        start_gather(jj + 2, b)
                return c

            lax.fori_loop(0, BA // 2, inner, 0)
            wait_scatter(BA - 2, 0)
            wait_scatter(BA - 1, 1)
            return carry

        lax.fori_loop(0, NBA, blk_body, 0)

    def writeback(out_hbm, rows, acc):
        for z in range(RPT // KA):
            b = z % 2
            r0 = sid * RPT + z * KA
            if z >= 2:
                rp = sid * RPT + (z - 2) * KA
                pltpu.make_async_copy(
                    rows[b], out_hbm.at[pl.ds(rp, KA)], gsem[b]).wait()
            pltpu.sync_copy(acc.at[pl.ds(r0, KA)], rows[b])
            pltpu.async_copy(rows[b], out_hbm.at[pl.ds(r0, KA)], gsem[b])
        for z in range(RPT // KA - 2, RPT // KA):
            b = z % 2
            r0 = sid * RPT + z * KA
            pltpu.make_async_copy(
                rows[b], out_hbm.at[pl.ds(r0, KA)], gsem[b]).wait()

    @pl.when(cid == 0)
    def _():
        init(za_hbm, (ra0, ra1), acca_sh)

    @pl.when(cid == 1)
    def _():
        init(zb_hbm, (rb0, rb1), accb_sh)

    plsc.subcore_barrier()

    @pl.when(cid == 0)
    def _():
        edge_loop(hsa_hbm, (ra0, ra1), acca_sh)

    @pl.when(cid == 1)
    def _():
        edge_loop(hsb_hbm, (rb0, rb1), accb_sh)

    plsc.subcore_barrier()

    @pl.when(cid == 0)
    def _():
        writeback(outa_hbm, (ra0, ra1), acca_sh)

    @pl.when(cid == 1)
    def _():
        writeback(outb_hbm, (rb0, rb1), accb_sh)


_R = 2048


def _tc1_body(x_ref, w_ref, degp_ref, hsa_ref, hsb_ref, dinv_ref):
    deg = degp_ref[0, :] + degp_ref[1, :] + 1.0
    dinv = lax.rsqrt(jnp.maximum(deg, 1e-12))
    h = jnp.dot(x_ref[...], w_ref[...], preferred_element_type=jnp.float32)
    hs = h * dinv[:, None]
    hsa_ref[...] = hs[:, :DF]
    hsb_ref[...] = hs[:, DF:]
    dinv_ref[...] = dinv[:, None]


def _tc1(x_pad, W1, degp):
    return pl.pallas_call(
        _tc1_body,
        grid=(NP // _R,),
        in_specs=[
            pl.BlockSpec((_R, D), lambda i: (i, 0)),
            pl.BlockSpec((D, D), lambda i: (0, 0)),
            pl.BlockSpec((2, _R), lambda i: (0, i)),
        ],
        out_specs=[
            pl.BlockSpec((_R, DF), lambda i: (i, 0)),
            pl.BlockSpec((_R, DS), lambda i: (i, 0)),
            pl.BlockSpec((_R, 1), lambda i: (i, 0)),
        ],
        out_shape=[
            jax.ShapeDtypeStruct((NP, DF), jnp.float32),
            jax.ShapeDtypeStruct((NP, DS), jnp.float32),
            jax.ShapeDtypeStruct((NP, 1), jnp.float32),
        ],
    )(x_pad, W1, degp)


def _tc2_body(pa_ref, pb_ref, hsa_ref, hsb_ref, dinv_ref, b_ref, w_ref,
              outa_ref, outb_ref):
    agg = jnp.concatenate([pa_ref[...] + hsa_ref[...],
                           pb_ref[...] + hsb_ref[...]], axis=1)
    u = jnp.maximum(agg * dinv_ref[...] + b_ref[...], 0.0)
    h2 = jnp.dot(u, w_ref[...], preferred_element_type=jnp.float32)
    hs2 = h2 * dinv_ref[...]
    outa_ref[...] = hs2[:, :DF]
    outb_ref[...] = hs2[:, DF:]


def _tc2(pa, pb, hsa, hsb, dinv, b, W):
    return pl.pallas_call(
        _tc2_body,
        grid=(NP // _R,),
        in_specs=[
            pl.BlockSpec((_R, DF), lambda i: (i, 0)),
            pl.BlockSpec((_R, DS), lambda i: (i, 0)),
            pl.BlockSpec((_R, DF), lambda i: (i, 0)),
            pl.BlockSpec((_R, DS), lambda i: (i, 0)),
            pl.BlockSpec((_R, 1), lambda i: (i, 0)),
            pl.BlockSpec((1, D), lambda i: (0, 0)),
            pl.BlockSpec((D, D), lambda i: (0, 0)),
        ],
        out_specs=[
            pl.BlockSpec((_R, DF), lambda i: (i, 0)),
            pl.BlockSpec((_R, DS), lambda i: (i, 0)),
        ],
        out_shape=[
            jax.ShapeDtypeStruct((NP, DF), jnp.float32),
            jax.ShapeDtypeStruct((NP, DS), jnp.float32),
        ],
    )(pa, pb, hsa, hsb, dinv, b, W)


def _tc3_body(pa_ref, pb_ref, hsa_ref, hsb_ref, dinv_ref, b_ref, w_ref,
              blin_ref, out_ref):
    agg = jnp.concatenate([pa_ref[...] + hsa_ref[...],
                           pb_ref[...] + hsb_ref[...]], axis=1)
    u = jnp.maximum(agg * dinv_ref[...] + b_ref[...], 0.0)
    out_ref[...] = (
        jnp.dot(u, w_ref[...], preferred_element_type=jnp.float32)
        + blin_ref[...]
    )


def _tc3(pa, pb, hsa, hsb, dinv, b, W, blin):
    return pl.pallas_call(
        _tc3_body,
        grid=(NP // _R,),
        in_specs=[
            pl.BlockSpec((_R, DF), lambda i: (i, 0)),
            pl.BlockSpec((_R, DS), lambda i: (i, 0)),
            pl.BlockSpec((_R, DF), lambda i: (i, 0)),
            pl.BlockSpec((_R, DS), lambda i: (i, 0)),
            pl.BlockSpec((_R, 1), lambda i: (i, 0)),
            pl.BlockSpec((1, D), lambda i: (0, 0)),
            pl.BlockSpec((D, D), lambda i: (0, 0)),
            pl.BlockSpec((1, D), lambda i: (0, 0)),
        ],
        out_specs=pl.BlockSpec((_R, D), lambda i: (i, 0)),
        out_shape=jax.ShapeDtypeStruct((NP, D), jnp.float32),
    )(pa, pb, hsa, hsb, dinv, b, W, blin)


def kernel(x, edge_index, W1, b1, W2, b2, Wlin, blin):
    pad = jnp.full((EP - E,), N, dtype=jnp.int32)
    src_flat = jnp.concatenate([edge_index[0], pad])
    dst_flat = jnp.concatenate([edge_index[1], pad])
    dstp_deg = dst_flat.reshape(NW * C, K)
    srcp = src_flat.reshape(16 * CA, KA)
    dstp = dst_flat.reshape(16 * CA, KA)
    x_pad = jnp.zeros((NP, D), jnp.float32).at[:N].set(x)
    za = jnp.zeros((KA, DF), jnp.float32)
    zb = jnp.zeros((KA, DS), jnp.float32)

    degp = _deg_kernel()(dstp_deg).reshape(2, NP)
    hs1a, hs1b, dinv = _tc1(x_pad, W1, degp)
    p1a, p1b = _agg_kernel()(hs1a, hs1b, srcp, dstp, za, zb)
    hs2a, hs2b = _tc2(p1a, p1b, hs1a, hs1b, dinv, b1.reshape(1, D), W2)
    p2a, p2b = _agg_kernel()(hs2a, hs2b, srcp, dstp, za, zb)
    out = _tc3(p2a, p2b, hs2a, hs2b, dinv, b2.reshape(1, D), Wlin,
               blin.reshape(1, D))
    return out[:N]

# --- scband reference (transcript-rebuilt; emitter-appended) ---
"""Pipeline reference for scband-gcnmodel-48172353192007 (READ-ONLY COPY).

The authoritative reference and input builder live on the scoring server;
editing this copy changes nothing except your own understanding.
"""

import jax, jax.numpy as jnp
import numpy as np

N = 10000
E = 320000
D_IN = 128
D_HID = 128
D_OUT = 128


def setup_inputs(seed: int = 0) -> dict:
    key = jax.random.key(seed)
    ks = jax.random.split(key, 8)
    x = jax.random.normal(ks[0], (N, D_IN), dtype=jnp.float32)
    edge_index = jax.random.randint(ks[1], (2, E), 0, N, dtype=jnp.int32)
    W1 = jax.random.normal(ks[2], (D_IN, D_HID), dtype=jnp.float32) * (1.0 / np.sqrt(D_IN))
    b1 = jnp.zeros((D_HID,), dtype=jnp.float32)
    W2 = jax.random.normal(ks[3], (D_HID, D_HID), dtype=jnp.float32) * (1.0 / np.sqrt(D_HID))
    b2 = jnp.zeros((D_HID,), dtype=jnp.float32)
    Wlin = jax.random.normal(ks[4], (D_HID, D_OUT), dtype=jnp.float32) * (1.0 / np.sqrt(D_HID))
    blin = jnp.zeros((D_OUT,), dtype=jnp.float32)
    return {"x": x, "edge_index": edge_index, "W1": W1, "b1": b1, "W2": W2, "b2": b2, "Wlin": Wlin, "blin": blin}


def _gcn_conv(x, edge_index, W, b):
    # GCNConv: add self-loops, symmetric degree normalization, then aggregate.
    num_nodes = x.shape[0]
    src = edge_index[0]
    dst = edge_index[1]
    loop = jnp.arange(num_nodes, dtype=src.dtype)
    src = jnp.concatenate([src, loop])
    dst = jnp.concatenate([dst, loop])
    deg = jnp.zeros((num_nodes,), dtype=x.dtype).at[dst].add(1.0)
    dinv = jax.lax.rsqrt(jnp.maximum(deg, 1e-12))
    norm = dinv[src] * dinv[dst]
    h = x @ W
    msg = h[src] * norm[:, None]
    out = jnp.zeros_like(h).at[dst].add(msg)
    return out + b


def reference(x, edge_index, W1, b1, W2, b2, Wlin, blin):
    h = jax.nn.relu(_gcn_conv(x, edge_index, W1, b1))
    # F.dropout treated as identity (deterministic reference / eval mode)
    h = jax.nn.relu(_gcn_conv(h, edge_index, W2, b2))
    out = h @ Wlin + blin
    return out

if __name__ == "__main__":
    import jax
    _d = setup_inputs()
    print(jax.jit(kernel)(*tuple(_d.values())))

</pallas_src>

<mosaic_0001>
#map = affine_map<(d0, d1) -> (0, 0)>
module attributes {stable_mosaic.version = 14 : i64} {
  func.func @_agg_body(%arg0: i32, %arg1: i32, %arg2: memref<10240x64xf32, #tpu.memory_space<hbm>>, %arg3: memref<10240x64xf32, #tpu.memory_space<hbm>>, %arg4: memref<2560x128xi32, #tpu.memory_space<hbm>>, %arg5: memref<2560x128xi32, #tpu.memory_space<hbm>>, %arg6: memref<128x64xf32, #tpu.memory_space<hbm>>, %arg7: memref<128x64xf32, #tpu.memory_space<hbm>>, %arg8: memref<10240x64xf32, #tpu.memory_space<hbm>>, %arg9: memref<10240x64xf32, #tpu.memory_space<hbm>>, %arg10: memref<40x128xi32, #tpu.memory_space<vmem>>, %arg11: memref<40x128xi32, #tpu.memory_space<vmem>>, %arg12: memref<128x64xf32, #tpu.memory_space<vmem>>, %arg13: memref<128x64xf32, #tpu.memory_space<vmem>>, %arg14: memref<128x64xf32, #tpu.memory_space<vmem>>, %arg15: memref<128x64xf32, #tpu.memory_space<vmem>>, %arg16: memref<10240x64xf32, #tpu.memory_space<vmem_shared>>, %arg17: memref<10240x64xf32, #tpu.memory_space<vmem_shared>>, %arg18: memref<!tpu.dma_semaphore, #tpu.memory_space<semaphore_mem>>, %arg19: memref<!tpu.dma_semaphore, #tpu.memory_space<semaphore_mem>>, %arg20: memref<!tpu.dma_semaphore, #tpu.memory_space<semaphore_mem>>, %arg21: memref<!tpu.dma_semaphore, #tpu.memory_space<semaphore_mem>>, %arg22: memref<!tpu.dma_semaphore, #tpu.memory_space<semaphore_mem>>) attributes {dimension_semantics = [#tpu.dimension_semantics<core_parallel>, #tpu.dimension_semantics<subcore_parallel>], iteration_bounds = array<i64: 2, 16>, scalar_prefetch = 0 : i64, scratch_operands = 13 : i64, tpu.core_type = #tpu.core_type<sc_vector_subcore>, window_params = [{transform_indices = #map}, {transform_indices = #map}, {transform_indices = #map}, {transform_indices = #map}, {transform_indices = #map}, {transform_indices = #map}, {transform_indices = #map}, {transform_indices = #map}]} {
    %eq3A = arith.constant 0 : i32
    %eq3A_0 = arith.cmpi eq, %arg0, %eq3A : i32
    %convert_element_type3A = arith.extui %eq3A_0 : i1 to i32
    %cond3A = arith.constant 0 : i32
    %cond3A_1 = arith.cmpi ne, %convert_element_type3A, %cond3A : i32
    scf.if %cond3A_1 {
      "tpu.region"() ({
        %run_scoped3A = tpu.sem_alloc : memref<!tpu.dma_semaphore, #tpu.memory_space<semaphore_mem>>
        tpu.enqueue_dma source(%arg6 : memref<128x64xf32, #tpu.memory_space<hbm>>) target(%arg12 : memref<128x64xf32, #tpu.memory_space<vmem>>) target_semaphore(%run_scoped3A : memref<!tpu.dma_semaphore, #tpu.memory_space<semaphore_mem>>)
        tpu.wait_dma2 semaphore(%run_scoped3A : memref<!tpu.dma_semaphore, #tpu.memory_space<semaphore_mem>>) src(%arg6 : memref<128x64xf32, #tpu.memory_space<hbm>>) dst(%arg12 : memref<128x64xf32, #tpu.memory_space<vmem>>)
        tpu.yield
      }) : () -> ()
      %mul3A = arith.constant 640 : i32
      %mul3A_28 = arith.muli %arg1, %mul3A : i32
      %add3A = arith.constant 0 : i32
      %add3A_29 = arith.addi %mul3A_28, %add3A : i32
      %dma_start3A = arith.constant 0 : i32
      %dma_start3A_30 = tpu.memref_slice %arg16[%add3A_29, %dma_start3A] : memref<10240x64xf32, #tpu.memory_space<vmem_shared>> -> memref<128x64xf32, #tpu.memory_space<vmem_shared>>
      %dma_start3A_31 = arith.constant 0 : i32
      %dma_start3A_32 = tpu.memref_slice %arg16[%add3A_29, %dma_start3A_31] : memref<10240x64xf32, #tpu.memory_space<vmem_shared>> -> memref<128x64xf32, #tpu.memory_space<vmem_shared>>
      tpu.enqueue_dma source(%arg12 : memref<128x64xf32, #tpu.memory_space<vmem>>) target(%dma_start3A_32 : memref<128x64xf32, #tpu.memory_space<vmem_shared>>) target_semaphore(%arg22 : memref<!tpu.dma_semaphore, #tpu.memory_space<semaphore_mem>>)
      %mul3A_33 = arith.constant 640 : i32
      %mul3A_34 = arith.muli %arg1, %mul3A_33 : i32
      %add3A_35 = arith.constant 128 : i32
      %add3A_36 = arith.addi %mul3A_34, %add3A_35 : i32
      %dma_start3A_37 = arith.constant 0 : i32
      %dma_start3A_38 = tpu.memref_slice %arg16[%add3A_36, %dma_start3A_37] : memref<10240x64xf32, #tpu.memory_space<vmem_shared>> -> memref<128x64xf32, #tpu.memory_space<vmem_shared>>
      %dma_start3A_39 = arith.constant 0 : i32
      %dma_start3A_40 = tpu.memref_slice %arg16[%add3A_36, %dma_start3A_39] : memref<10240x64xf32, #tpu.memory_space<vmem_shared>> -> memref<128x64xf32, #tpu.memory_space<vmem_shared>>
      tpu.enqueue_dma source(%arg12 : memref<128x64xf32, #tpu.memory_space<vmem>>) target(%dma_start3A_40 : memref<128x64xf32, #tpu.memory_space<vmem_shared>>) target_semaphore(%arg22 : memref<!tpu.dma_semaphore, #tpu.memory_space<semaphore_mem>>)
      %mul3A_41 = arith.constant 640 : i32
      %mul3A_42 = arith.muli %arg1, %mul3A_41 : i32
      %add3A_43 = arith.constant 256 : i32
      %add3A_44 = arith.addi %mul3A_42, %add3A_43 : i32
      %dma_start3A_45 = arith.constant 0 : i32
      %dma_start3A_46 = tpu.memref_slice %arg16[%add3A_44, %dma_start3A_45] : memref<10240x64xf32, #tpu.memory_space<vmem_shared>> -> memref<128x64xf32, #tpu.memory_space<vmem_shared>>
      %dma_start3A_47 = arith.constant 0 : i32
      %dma_start3A_48 = tpu.memref_slice %arg16[%add3A_44, %dma_start3A_47] : memref<10240x64xf32, #tpu.memory_space<vmem_shared>> -> memref<128x64xf32, #tpu.memory_space<vmem_shared>>
      tpu.enqueue_dma source(%arg12 : memref<128x64xf32, #tpu.memory_space<vmem>>) target(%dma_start3A_48 : memref<128x64xf32, #tpu.memory_space<vmem_shared>>) target_semaphore(%arg22 : memref<!tpu.dma_semaphore, #tpu.memory_space<semaphore_mem>>)
      %mul3A_49 = arith.constant 640 : i32
      %mul3A_50 = arith.muli %arg1, %mul3A_49 : i32
      %add3A_51 = arith.constant 384 : i32
      %add3A_52 = arith.addi %mul3A_50, %add3A_51 : i32
      %dma_start3A_53 = arith.constant 0 : i32
      %dma_start3A_54 = tpu.memref_slice %arg16[%add3A_52, %dma_start3A_53] : memref<10240x64xf32, #tpu.memory_space<vmem_shared>> -> memref<128x64xf32, #tpu.memory_space<vmem_shared>>
      %dma_start3A_55 = arith.constant 0 : i32
      %dma_start3A_56 = tpu.memref_slice %arg16[%add3A_52, %dma_start3A_55] : memref<10240x64xf32, #tpu.memory_space<vmem_shared>> -> memref<128x64xf32, #tpu.memory_space<vmem_shared>>
      tpu.enqueue_dma source(%arg12 : memref<128x64xf32, #tpu.memory_space<vmem>>) target(%dma_start3A_56 : memref<128x64xf32, #tpu.memory_space<vmem_shared>>) target_semaphore(%arg22 : memref<!tpu.dma_semaphore, #tpu.memory_space<semaphore_mem>>)
      %mul3A_57 = arith.constant 640 : i32
      %mul3A_58 = arith.muli %arg1, %mul3A_57 : i32
      %add3A_59 = arith.constant 512 : i32
      %add3A_60 = arith.addi %mul3A_58, %add3A_59 : i32
      %dma_start3A_61 = arith.constant 0 : i32
      %dma_start3A_62 = tpu.memref_slice %arg16[%add3A_60, %dma_start3A_61] : memref<10240x64xf32, #tpu.memory_space<vmem_shared>> -> memref<128x64xf32, #tpu.memory_space<vmem_shared>>
      %dma_start3A_63 = arith.constant 0 : i32
      %dma_start3A_64 = tpu.memref_slice %arg16[%add3A_60, %dma_start3A_63] : memref<10240x64xf32, #tpu.memory_space<vmem_shared>> -> memref<128x64xf32, #tpu.memory_space<vmem_shared>>
      tpu.enqueue_dma source(%arg12 : memref<128x64xf32, #tpu.memory_space<vmem>>) target(%dma_start3A_64 : memref<128x64xf32, #tpu.memory_space<vmem_shared>>) target_semaphore(%arg22 : memref<!tpu.dma_semaphore, #tpu.memory_space<semaphore_mem>>)
      %mul3A_65 = arith.constant 640 : i32
      %mul3A_66 = arith.muli %arg1, %mul3A_65 : i32
      %add3A_67 = arith.constant 0 : i32
      %add3A_68 = arith.addi %mul3A_66, %add3A_67 : i32
      %dma_wait3A = arith.constant 0 : i32
      %dma_wait3A_69 = tpu.memref_slice %arg16[%add3A_68, %dma_wait3A] : memref<10240x64xf32, #tpu.memory_space<vmem_shared>> -> memref<128x64xf32, #tpu.memory_space<vmem_shared>>
      %dma_wait3A_70 = arith.constant 0 : i32
      %dma_wait3A_71 = tpu.memref_slice %arg16[%add3A_68, %dma_wait3A_70] : memref<10240x64xf32, #tpu.memory_space<vmem_shared>> -> memref<128x64xf32, #tpu.memory_space<vmem_shared>>
      tpu.wait_dma2 semaphore(%arg22 : memref<!tpu.dma_semaphore, #tpu.memory_space<semaphore_mem>>) src(%arg12 : memref<128x64xf32, #tpu.memory_space<vmem>>) dst(%dma_wait3A_71 : memref<128x64xf32, #tpu.memory_space<vmem_shared>>)
      %mul3A_72 = arith.constant 640 : i32
      %mul3A_73 = arith.muli %arg1, %mul3A_72 : i32
      %add3A_74 = arith.constant 128 : i32
      %add3A_75 = arith.addi %mul3A_73, %add3A_74 : i32
      %dma_wait3A_76 = arith.constant 0 : i32
      %dma_wait3A_77 = tpu.memref_slice %arg16[%add3A_75, %dma_wait3A_76] : memref<10240x64xf32, #tpu.memory_space<vmem_shared>> -> memref<128x64xf32, #tpu.memory_space<vmem_shared>>
      %dma_wait3A_78 = arith.constant 0 : i32
      %dma_wait3A_79 = tpu.memref_slice %arg16[%add3A_75, %dma_wait3A_78] : memref<10240x64xf32, #tpu.memory_space<vmem_shared>> -> memref<128x64xf32, #tpu.memory_space<vmem_shared>>
      tpu.wait_dma2 semaphore(%arg22 : memref<!tpu.dma_semaphore, #tpu.memory_space<semaphore_mem>>) src(%arg12 : memref<128x64xf32, #tpu.memory_space<vmem>>) dst(%dma_wait3A_79 : memref<128x64xf32, #tpu.memory_space<vmem_shared>>)
      %mul3A_80 = arith.constant 640 : i32
      %mul3A_81 = arith.muli %arg1, %mul3A_80 : i32
      %add3A_82 = arith.constant 256 : i32
      %add3A_83 = arith.addi %mul3A_81, %add3A_82 : i32
      %dma_wait3A_84 = arith.constant 0 : i32
      %dma_wait3A_85 = tpu.memref_slice %arg16[%add3A_83, %dma_wait3A_84] : memref<10240x64xf32, #tpu.memory_space<vmem_shared>> -> memref<128x64xf32, #tpu.memory_space<vmem_shared>>
      %dma_wait3A_86 = arith.constant 0 : i32
      %dma_wait3A_87 = tpu.memref_slice %arg16[%add3A_83, %dma_wait3A_86] : memref<10240x64xf32, #tpu.memory_space<vmem_shared>> -> memref<128x64xf32, #tpu.memory_space<vmem_shared>>
      tpu.wait_dma2 semaphore(%arg22 : memref<!tpu.dma_semaphore, #tpu.memory_space<semaphore_mem>>) src(%arg12 : memref<128x64xf32, #tpu.memory_space<vmem>>) dst(%dma_wait3A_87 : memref<128x64xf32, #tpu.memory_space<vmem_shared>>)
      %mul3A_88 = arith.constant 640 : i32
      %mul3A_89 = arith.muli %arg1, %mul3A_88 : i32
      %add3A_90 = arith.constant 384 : i32
      %add3A_91 = arith.addi %mul3A_89, %add3A_90 : i32
      %dma_wait3A_92 = arith.constant 0 : i32
      %dma_wait3A_93 = tpu.memref_slice %arg16[%add3A_91, %dma_wait3A_92] : memref<10240x64xf32, #tpu.memory_space<vmem_shared>> -> memref<128x64xf32, #tpu.memory_space<vmem_shared>>
      %dma_wait3A_94 = arith.constant 0 : i32
      %dma_wait3A_95 = tpu.memref_slice %arg16[%add3A_91, %dma_wait3A_94] : memref<10240x64xf32, #tpu.memory_space<vmem_shared>> -> memref<128x64xf32, #tpu.memory_space<vmem_shared>>
      tpu.wait_dma2 semaphore(%arg22 : memref<!tpu.dma_semaphore, #tpu.memory_space<semaphore_mem>>) src(%arg12 : memref<128x64xf32, #tpu.memory_space<vmem>>) dst(%dma_wait3A_95 : memref<128x64xf32, #tpu.memory_space<vmem_shared>>)
      %mul3A_96 = arith.constant 640 : i32
      %mul3A_97 = arith.muli %arg1, %mul3A_96 : i32
      %add3A_98 = arith.constant 512 : i32
      %add3A_99 = arith.addi %mul3A_97, %add3A_98 : i32
      %dma_wait3A_100 = arith.constant 0 : i32
      %dma_wait3A_101 = tpu.memref_slice %arg16[%add3A_99, %dma_wait3A_100] : memref<10240x64xf32, #tpu.memory_space<vmem_shared>> -> memref<128x64xf32, #tpu.memory_space<vmem_shared>>
      %dma_wait3A_102 = arith.constant 0 : i32
      %dma_wait3A_103 = tpu.memref_slice %arg16[%add3A_99, %dma_wait3A_102] : memref<10240x64xf32, #tpu.memory_space<vmem_shared>> -> memref<128x64xf32, #tpu.memory_space<vmem_shared>>
      tpu.wait_dma2 semaphore(%arg22 : memref<!tpu.dma_semaphore, #tpu.memory_space<semaphore_mem>>) src(%arg12 : memref<128x64xf32, #tpu.memory_space<vmem>>) dst(%dma_wait3A_103 : memref<128x64xf32, #tpu.memory_space<vmem_shared>>)
    } else {
    }
    %eq3A_2 = arith.constant 1 : i32
    %eq3A_3 = arith.cmpi eq, %arg0, %eq3A_2 : i32
    %convert_element_type3A_4 = arith.extui %eq3A_3 : i1 to i32
    %cond3A_5 = arith.constant 0 : i32
    %cond3A_6 = arith.cmpi ne, %convert_element_type3A_4, %cond3A_5 : i32
    scf.if %cond3A_6 {
      "tpu.region"() ({
        %run_scoped3A = tpu.sem_alloc : memref<!tpu.dma_semaphore, #tpu.memory_space<semaphore_mem>>
        tpu.enqueue_dma source(%arg7 : memref<128x64xf32, #tpu.memory_space<hbm>>) target(%arg14 : memref<128x64xf32, #tpu.memory_space<vmem>>) target_semaphore(%run_scoped3A : memref<!tpu.dma_semaphore, #tpu.memory_space<semaphore_mem>>)
        tpu.wait_dma2 semaphore(%run_scoped3A : memref<!tpu.dma_semaphore, #tpu.memory_space<semaphore_mem>>) src(%arg7 : memref<128x64xf32, #tpu.memory_space<hbm>>) dst(%arg14 : memref<128x64xf32, #tpu.memory_space<vmem>>)
        tpu.yield
      }) : () -> ()
      %mul3A = arith.constant 640 : i32
      %mul3A_28 = arith.muli %arg1, %mul3A : i32
      %add3A = arith.constant 0 : i32
      %add3A_29 = arith.addi %mul3A_28, %add3A : i32
      %dma_start3A = arith.constant 0 : i32
      %dma_start3A_30 = tpu.memref_slice %arg17[%add3A_29, %dma_start3A] : memref<10240x64xf32, #tpu.memory_space<vmem_shared>> -> memref<128x64xf32, #tpu.memory_space<vmem_shared>>
      %dma_start3A_31 = arith.constant 0 : i32
      %dma_start3A_32 = tpu.memref_slice %arg17[%add3A_29, %dma_start3A_31] : memref<10240x64xf32, #tpu.memory_space<vmem_shared>> -> memref<128x64xf32, #tpu.memory_space<vmem_shared>>
      tpu.enqueue_dma source(%arg14 : memref<128x64xf32, #tpu.memory_space<vmem>>) target(%dma_start3A_32 : memref<128x64xf32, #tpu.memory_space<vmem_shared>>) target_semaphore(%arg22 : memref<!tpu.dma_semaphore, #tpu.memory_space<semaphore_mem>>)
      %mul3A_33 = arith.constant 640 : i32
      %mul3A_34 = arith.muli %arg1, %mul3A_33 : i32
      %add3A_35 = arith.constant 128 : i32
      %add3A_36 = arith.addi %mul3A_34, %add3A_35 : i32
      %dma_start3A_37 = arith.constant 0 : i32
      %dma_start3A_38 = tpu.memref_slice %arg17[%add3A_36, %dma_start3A_37] : memref<10240x64xf32, #tpu.memory_space<vmem_shared>> -> memref<128x64xf32, #tpu.memory_space<vmem_shared>>
      %dma_start3A_39 = arith.constant 0 : i32
      %dma_start3A_40 = tpu.memref_slice %arg17[%add3A_36, %dma_start3A_39] : memref<10240x64xf32, #tpu.memory_space<vmem_shared>> -> memref<128x64xf32, #tpu.memory_space<vmem_shared>>
      tpu.enqueue_dma source(%arg14 : memref<128x64xf32, #tpu.memory_space<vmem>>) target(%dma_start3A_40 : memref<128x64xf32, #tpu.memory_space<vmem_shared>>) target_semaphore(%arg22 : memref<!tpu.dma_semaphore, #tpu.memory_space<semaphore_mem>>)
      %mul3A_41 = arith.constant 640 : i32
      %mul3A_42 = arith.muli %arg1, %mul3A_41 : i32
      %add3A_43 = arith.constant 256 : i32
      %add3A_44 = arith.addi %mul3A_42, %add3A_43 : i32
      %dma_start3A_45 = arith.constant 0 : i32
      %dma_start3A_46 = tpu.memref_slice %arg17[%add3A_44, %dma_start3A_45] : memref<10240x64xf32, #tpu.memory_space<vmem_shared>> -> memref<128x64xf32, #tpu.memory_space<vmem_shared>>
      %dma_start3A_47 = arith.constant 0 : i32
      %dma_start3A_48 = tpu.memref_slice %arg17[%add3A_44, %dma_start3A_47] : memref<10240x64xf32, #tpu.memory_space<vmem_shared>> -> memref<128x64xf32, #tpu.memory_space<vmem_shared>>
      tpu.enqueue_dma source(%arg14 : memref<128x64xf32, #tpu.memory_space<vmem>>) target(%dma_start3A_48 : memref<128x64xf32, #tpu.memory_space<vmem_shared>>) target_semaphore(%arg22 : memref<!tpu.dma_semaphore, #tpu.memory_space<semaphore_mem>>)
      %mul3A_49 = arith.constant 640 : i32
      %mul3A_50 = arith.muli %arg1, %mul3A_49 : i32
      %add3A_51 = arith.constant 384 : i32
      %add3A_52 = arith.addi %mul3A_50, %add3A_51 : i32
      %dma_start3A_53 = arith.constant 0 : i32
      %dma_start3A_54 = tpu.memref_slice %arg17[%add3A_52, %dma_start3A_53] : memref<10240x64xf32, #tpu.memory_space<vmem_shared>> -> memref<128x64xf32, #tpu.memory_space<vmem_shared>>
      %dma_start3A_55 = arith.constant 0 : i32
      %dma_start3A_56 = tpu.memref_slice %arg17[%add3A_52, %dma_start3A_55] : memref<10240x64xf32, #tpu.memory_space<vmem_shared>> -> memref<128x64xf32, #tpu.memory_space<vmem_shared>>
      tpu.enqueue_dma source(%arg14 : memref<128x64xf32, #tpu.memory_space<vmem>>) target(%dma_start3A_56 : memref<128x64xf32, #tpu.memory_space<vmem_shared>>) target_semaphore(%arg22 : memref<!tpu.dma_semaphore, #tpu.memory_space<semaphore_mem>>)
      %mul3A_57 = arith.constant 640 : i32
      %mul3A_58 = arith.muli %arg1, %mul3A_57 : i32
      %add3A_59 = arith.constant 512 : i32
      %add3A_60 = arith.addi %mul3A_58, %add3A_59 : i32
      %dma_start3A_61 = arith.constant 0 : i32
      %dma_start3A_62 = tpu.memref_slice %arg17[%add3A_60, %dma_start3A_61] : memref<10240x64xf32, #tpu.memory_space<vmem_shared>> -> memref<128x64xf32, #tpu.memory_space<vmem_shared>>
      %dma_start3A_63 = arith.constant 0 : i32
      %dma_start3A_64 = tpu.memref_slice %arg17[%add3A_60, %dma_start3A_63] : memref<10240x64xf32, #tpu.memory_space<vmem_shared>> -> memref<128x64xf32, #tpu.memory_space<vmem_shared>>
      tpu.enqueue_dma source(%arg14 : memref<128x64xf32, #tpu.memory_space<vmem>>) target(%dma_start3A_64 : memref<128x64xf32, #tpu.memory_space<vmem_shared>>) target_semaphore(%arg22 : memref<!tpu.dma_semaphore, #tpu.memory_space<semaphore_mem>>)
      %mul3A_65 = arith.constant 640 : i32
      %mul3A_66 = arith.muli %arg1, %mul3A_65 : i32
      %add3A_67 = arith.constant 0 : i32
      %add3A_68 = arith.addi %mul3A_66, %add3A_67 : i32
      %dma_wait3A = arith.constant 0 : i32
      %dma_wait3A_69 = tpu.memref_slice %arg17[%add3A_68, %dma_wait3A] : memref<10240x64xf32, #tpu.memory_space<vmem_shared>> -> memref<128x64xf32, #tpu.memory_space<vmem_shared>>
      %dma_wait3A_70 = arith.constant 0 : i32
      %dma_wait3A_71 = tpu.memref_slice %arg17[%add3A_68, %dma_wait3A_70] : memref<10240x64xf32, #tpu.memory_space<vmem_shared>> -> memref<128x64xf32, #tpu.memory_space<vmem_shared>>
      tpu.wait_dma2 semaphore(%arg22 : memref<!tpu.dma_semaphore, #tpu.memory_space<semaphore_mem>>) src(%arg14 : memref<128x64xf32, #tpu.memory_space<vmem>>) dst(%dma_wait3A_71 : memref<128x64xf32, #tpu.memory_space<vmem_shared>>)
      %mul3A_72 = arith.constant 640 : i32
      %mul3A_73 = arith.muli %arg1, %mul3A_72 : i32
      %add3A_74 = arith.constant 128 : i32
      %add3A_75 = arith.addi %mul3A_73, %add3A_74 : i32
      %dma_wait3A_76 = arith.constant 0 : i32
      %dma_wait3A_77 = tpu.memref_slice %arg17[%add3A_75, %dma_wait3A_76] : memref<10240x64xf32, #tpu.memory_space<vmem_shared>> -> memref<128x64xf32, #tpu.memory_space<vmem_shared>>
      %dma_wait3A_78 = arith.constant 0 : i32
      %dma_wait3A_79 = tpu.memref_slice %arg17[%add3A_75, %dma_wait3A_78] : memref<10240x64xf32, #tpu.memory_space<vmem_shared>> -> memref<128x64xf32, #tpu.memory_space<vmem_shared>>
      tpu.wait_dma2 semaphore(%arg22 : memref<!tpu.dma_semaphore, #tpu.memory_space<semaphore_mem>>) src(%arg14 : memref<128x64xf32, #tpu.memory_space<vmem>>) dst(%dma_wait3A_79 : memref<128x64xf32, #tpu.memory_space<vmem_shared>>)
      %mul3A_80 = arith.constant 640 : i32
      %mul3A_81 = arith.muli %arg1, %mul3A_80 : i32
      %add3A_82 = arith.constant 256 : i32
      %add3A_83 = arith.addi %mul3A_81, %add3A_82 : i32
      %dma_wait3A_84 = arith.constant 0 : i32
      %dma_wait3A_85 = tpu.memref_slice %arg17[%add3A_83, %dma_wait3A_84] : memref<10240x64xf32, #tpu.memory_space<vmem_shared>> -> memref<128x64xf32, #tpu.memory_space<vmem_shared>>
      %dma_wait3A_86 = arith.constant 0 : i32
      %dma_wait3A_87 = tpu.memref_slice %arg17[%add3A_83, %dma_wait3A_86] : memref<10240x64xf32, #tpu.memory_space<vmem_shared>> -> memref<128x64xf32, #tpu.memory_space<vmem_shared>>
      tpu.wait_dma2 semaphore(%arg22 : memref<!tpu.dma_semaphore, #tpu.memory_space<semaphore_mem>>) src(%arg14 : memref<128x64xf32, #tpu.memory_space<vmem>>) dst(%dma_wait3A_87 : memref<128x64xf32, #tpu.memory_space<vmem_shared>>)
      %mul3A_88 = arith.constant 640 : i32
      %mul3A_89 = arith.muli %arg1, %mul3A_88 : i32
      %add3A_90 = arith.constant 384 : i32
      %add3A_91 = arith.addi %mul3A_89, %add3A_90 : i32
      %dma_wait3A_92 = arith.constant 0 : i32
      %dma_wait3A_93 = tpu.memref_slice %arg17[%add3A_91, %dma_wait3A_92] : memref<10240x64xf32, #tpu.memory_space<vmem_shared>> -> memref<128x64xf32, #tpu.memory_space<vmem_shared>>
      %dma_wait3A_94 = arith.constant 0 : i32
      %dma_wait3A_95 = tpu.memref_slice %arg17[%add3A_91, %dma_wait3A_94] : memref<10240x64xf32, #tpu.memory_space<vmem_shared>> -> memref<128x64xf32, #tpu.memory_space<vmem_shared>>
      tpu.wait_dma2 semaphore(%arg22 : memref<!tpu.dma_semaphore, #tpu.memory_space<semaphore_mem>>) src(%arg14 : memref<128x64xf32, #tpu.memory_space<vmem>>) dst(%dma_wait3A_95 : memref<128x64xf32, #tpu.memory_space<vmem_shared>>)
      %mul3A_96 = arith.constant 640 : i32
      %mul3A_97 = arith.muli %arg1, %mul3A_96 : i32
      %add3A_98 = arith.constant 512 : i32
      %add3A_99 = arith.addi %mul3A_97, %add3A_98 : i32
      %dma_wait3A_100 = arith.constant 0 : i32
      %dma_wait3A_101 = tpu.memref_slice %arg17[%add3A_99, %dma_wait3A_100] : memref<10240x64xf32, #tpu.memory_space<vmem_shared>> -> memref<128x64xf32, #tpu.memory_space<vmem_shared>>
      %dma_wait3A_102 = arith.constant 0 : i32
      %dma_wait3A_103 = tpu.memref_slice %arg17[%add3A_99, %dma_wait3A_102] : memref<10240x64xf32, #tpu.memory_space<vmem_shared>> -> memref<128x64xf32, #tpu.memory_space<vmem_shared>>
      tpu.wait_dma2 semaphore(%arg22 : memref<!tpu.dma_semaphore, #tpu.memory_space<semaphore_mem>>) src(%arg14 : memref<128x64xf32, #tpu.memory_space<vmem>>) dst(%dma_wait3A_103 : memref<128x64xf32, #tpu.memory_space<vmem_shared>>)
    } else {
    }
    %barrier3A = arith.constant 0 : index
    tpu.barrier barrier_id(%barrier3A)
    %eq3A_7 = arith.constant 0 : i32
    %eq3A_8 = arith.cmpi eq, %arg0, %eq3A_7 : i32
    %convert_element_type3A_9 = arith.extui %eq3A_8 : i1 to i32
    %cond3A_10 = arith.constant 0 : i32
    %cond3A_11 = arith.cmpi ne, %convert_element_type3A_9, %cond3A_10 : i32
    scf.if %cond3A_11 {
      %scan3A = arith.constant 0 : i32
      %scan3A_28 = arith.constant 0 : i32
      %scan3A_29 = arith.constant 4 : i32
      %scan3A_30 = arith.addi %scan3A_28, %scan3A_29 : i32
      %scan3A_31 = arith.constant 1 : i32
      scf.for %scan3A_33 = %scan3A_28 to %scan3A_30 step %scan3A_31  : i32 {
        %mul3A = arith.constant 160 : i32
        %mul3A_34 = arith.muli %arg1, %mul3A : i32
        %mul3A_35 = arith.constant 40 : i32
        %mul3A_36 = arith.muli %scan3A_33, %mul3A_35 : i32
        %add3A = arith.addi %mul3A_34, %mul3A_36 : i32
        "tpu.region"() ({
          %run_scoped3A = tpu.sem_alloc : memref<!tpu.dma_semaphore, #tpu.memory_space<semaphore_mem>>
          %dma_start3A_69 = arith.constant 0 : i32
          %dma_start3A_70 = tpu.memref_slice %arg4[%add3A, %dma_start3A_69] : memref<2560x128xi32, #tpu.memory_space<hbm>> -> memref<40x128xi32, #tpu.memory_space<hbm>>
          %dma_start3A_71 = arith.constant 0 : i32
          %dma_start3A_72 = tpu.memref_slice %arg4[%add3A, %dma_start3A_71] : memref<2560x128xi32, #tpu.memory_space<hbm>> -> memref<40x128xi32, #tpu.memory_space<hbm>>
          tpu.enqueue_dma source(%dma_start3A_72 : memref<40x128xi32, #tpu.memory_space<hbm>>) target(%arg10 : memref<40x128xi32, #tpu.memory_space<vmem>>) target_semaphore(%run_scoped3A : memref<!tpu.dma_semaphore, #tpu.memory_space<semaphore_mem>>)
          %dma_wait3A_73 = arith.constant 0 : i32
          %dma_wait3A_74 = tpu.memref_slice %arg4[%add3A, %dma_wait3A_73] : memref<2560x128xi32, #tpu.memory_space<hbm>> -> memref<40x128xi32, #tpu.memory_space<hbm>>
          %dma_wait3A_75 = arith.constant 0 : i32
          %dma_wait3A_76 = tpu.memref_slice %arg4[%add3A, %dma_wait3A_75] : memref<2560x128xi32, #tpu.memory_space<hbm>> -> memref<40x128xi32, #tpu.memory_space<hbm>>
          tpu.wait_dma2 semaphore(%run_scoped3A : memref<!tpu.dma_semaphore, #tpu.memory_space<semaphore_mem>>) src(%dma_wait3A_76 : memref<40x128xi32, #tpu.memory_space<hbm>>) dst(%arg10 : memref<40x128xi32, #tpu.memory_space<vmem>>)
          tpu.yield
        }) : () -> ()
        "tpu.region"() ({
          %run_scoped3A = tpu.sem_alloc : memref<!tpu.dma_semaphore, #tpu.memory_space<semaphore_mem>>
          %dma_start3A_69 = arith.constant 0 : i32
          %dma_start3A_70 = tpu.memref_slice %arg5[%add3A, %dma_start3A_69] : memref<2560x128xi32, #tpu.memory_space<hbm>> -> memref<40x128xi32, #tpu.memory_space<hbm>>
          %dma_start3A_71 = arith.constant 0 : i32
          %dma_start3A_72 = tpu.memref_slice %arg5[%add3A, %dma_start3A_71] : memref<2560x128xi32, #tpu.memory_space<hbm>> -> memref<40x128xi32, #tpu.memory_space<hbm>>
          tpu.enqueue_dma source(%dma_start3A_72 : memref<40x128xi32, #tpu.memory_space<hbm>>) target(%arg11 : memref<40x128xi32, #tpu.memory_space<vmem>>) target_semaphore(%run_scoped3A : memref<!tpu.dma_semaphore, #tpu.memory_space<semaphore_mem>>)
          %dma_wait3A_73 = arith.constant 0 : i32
          %dma_wait3A_74 = tpu.memref_slice %arg5[%add3A, %dma_wait3A_73] : memref<2560x128xi32, #tpu.memory_space<hbm>> -> memref<40x128xi32, #tpu.memory_space<hbm>>
          %dma_wait3A_75 = arith.constant 0 : i32
          %dma_wait3A_76 = tpu.memref_slice %arg5[%add3A, %dma_wait3A_75] : memref<2560x128xi32, #tpu.memory_space<hbm>> -> memref<40x128xi32, #tpu.memory_space<hbm>>
          tpu.wait_dma2 semaphore(%run_scoped3A : memref<!tpu.dma_semaphore, #tpu.memory_space<semaphore_mem>>) src(%dma_wait3A_76 : memref<40x128xi32, #tpu.memory_space<hbm>>) dst(%arg11 : memref<40x128xi32, #tpu.memory_space<vmem>>)
          tpu.yield
        }) : () -> ()
        %dma_start3A = arith.constant 0 : i32
        %dma_start3A_37 = arith.constant 0 : i32
        %dma_start3A_38 = tpu.memref_slice %arg10[%dma_start3A, %dma_start3A_37] : memref<40x128xi32, #tpu.memory_space<vmem>> -> memref<1x128xi32, #tpu.memory_space<vmem>>
        %dma_start3A_39 = tpu.memref_squeeze %dma_start3A_38 : memref<1x128xi32, #tpu.memory_space<vmem>> -> memref<128xi32, #tpu.memory_space<vmem>>
        %dma_start3A_40 = arith.constant 0 : i32
        %dma_start3A_41 = arith.constant 0 : i32
        %dma_start3A_42 = tpu.memref_slice %arg2[%dma_start3A_40, %dma_start3A_41] : memref<10240x64xf32, #tpu.memory_space<hbm>> -> memref<10240x64xf32, #tpu.memory_space<hbm>>
        tpu.enqueue_indirect_dma source(%dma_start3A_42 : memref<10240x64xf32, #tpu.memory_space<hbm>>) target(%arg12 : memref<128x64xf32, #tpu.memory_space<vmem>>) offsets(%dma_start3A_39 : memref<128xi32, #tpu.memory_space<vmem>>) semaphore(%arg18 : memref<!tpu.dma_semaphore, #tpu.memory_space<semaphore_mem>>)
        %dma_start3A_43 = arith.constant 1 : i32
        %dma_start3A_44 = arith.constant 0 : i32
        %dma_start3A_45 = tpu.memref_slice %arg10[%dma_start3A_43, %dma_start3A_44] : memref<40x128xi32, #tpu.memory_space<vmem>> -> memref<1x128xi32, #tpu.memory_space<vmem>>
        %dma_start3A_46 = tpu.memref_squeeze %dma_start3A_45 : memref<1x128xi32, #tpu.memory_space<vmem>> -> memref<128xi32, #tpu.memory_space<vmem>>
        %dma_start3A_47 = arith.constant 0 : i32
        %dma_start3A_48 = arith.constant 0 : i32
        %dma_start3A_49 = tpu.memref_slice %arg2[%dma_start3A_47, %dma_start3A_48] : memref<10240x64xf32, #tpu.memory_space<hbm>> -> memref<10240x64xf32, #tpu.memory_space<hbm>>
        tpu.enqueue_indirect_dma source(%dma_start3A_49 : memref<10240x64xf32, #tpu.memory_space<hbm>>) target(%arg13 : memref<128x64xf32, #tpu.memory_space<vmem>>) offsets(%dma_start3A_46 : memref<128xi32, #tpu.memory_space<vmem>>) semaphore(%arg19 : memref<!tpu.dma_semaphore, #tpu.memory_space<semaphore_mem>>)
        %scan3A_50 = arith.constant 0 : i32
        %scan3A_51 = arith.constant 0 : i32
        %scan3A_52 = arith.constant 20 : i32
        %scan3A_53 = arith.addi %scan3A_51, %scan3A_52 : i32
        %scan3A_54 = arith.constant 1 : i32
        scf.for %scan3A_69 = %scan3A_51 to %scan3A_53 step %scan3A_54  : i32 {
          %mul3A_70 = arith.constant 2 : i32
          %mul3A_71 = arith.muli %scan3A_69, %mul3A_70 : i32
          %add3A_72 = arith.constant 0 : i32
          %add3A_73 = arith.addi %mul3A_71, %add3A_72 : i32
          %dma_wait3A_74 = arith.constant 0 : i32
          %dma_wait3A_75 = tpu.memref_slice %arg10[%add3A_73, %dma_wait3A_74] : memref<40x128xi32, #tpu.memory_space<vmem>> -> memref<1x128xi32, #tpu.memory_space<vmem>>
          %dma_wait3A_76 = tpu.memref_squeeze %dma_wait3A_75 : memref<1x128xi32, #tpu.memory_space<vmem>> -> memref<128xi32, #tpu.memory_space<vmem>>
          %dma_wait3A_77 = arith.constant 0 : i32
          %dma_wait3A_78 = arith.constant 0 : i32
          %dma_wait3A_79 = tpu.memref_slice %arg2[%dma_wait3A_77, %dma_wait3A_78] : memref<10240x64xf32, #tpu.memory_space<hbm>> -> memref<10240x64xf32, #tpu.memory_space<hbm>>
          tpu.wait_indirect_dma semaphore(%arg18 : memref<!tpu.dma_semaphore, #tpu.memory_space<semaphore_mem>>) src(%dma_wait3A_79 : memref<10240x64xf32, #tpu.memory_space<hbm>>) dst(%arg12 : memref<128x64xf32, #tpu.memory_space<vmem>>)
          %dma_start3A_80 = arith.constant 0 : i32
          %dma_start3A_81 = tpu.memref_slice %arg11[%add3A_73, %dma_start3A_80] : memref<40x128xi32, #tpu.memory_space<vmem>> -> memref<1x128xi32, #tpu.memory_space<vmem>>
          %dma_start3A_82 = tpu.memref_squeeze %dma_start3A_81 : memref<1x128xi32, #tpu.memory_space<vmem>> -> memref<128xi32, #tpu.memory_space<vmem>>
          %dma_start3A_83 = arith.constant 0 : i32
          %dma_start3A_84 = arith.constant 0 : i32
          %dma_start3A_85 = tpu.memref_slice %arg16[%dma_start3A_83, %dma_start3A_84] : memref<10240x64xf32, #tpu.memory_space<vmem_shared>> -> memref<10240x64xf32, #tpu.memory_space<vmem_shared>>
          tpu.enqueue_indirect_dma source(%arg12 : memref<128x64xf32, #tpu.memory_space<vmem>>) target(%dma_start3A_85 : memref<10240x64xf32, #tpu.memory_space<vmem_shared>>) offsets(%dma_start3A_82 : memref<128xi32, #tpu.memory_space<vmem>>) semaphore(%arg20 : memref<!tpu.dma_semaphore, #tpu.memory_space<semaphore_mem>>) {add = true}
          %add3A_86 = arith.constant 2 : i32
          %add3A_87 = arith.addi %add3A_73, %add3A_86 : i32
          %lt3A = arith.constant 40 : i32
          %lt3A_88 = arith.cmpi slt, %add3A_87, %lt3A : i32
          %convert_element_type3A_89 = arith.extui %lt3A_88 : i1 to i32
          %cond3A_90 = arith.constant 0 : i32
          %cond3A_91 = arith.cmpi ne, %convert_element_type3A_89, %cond3A_90 : i32
          scf.if %cond3A_91 {
            %dma_wait3A_115 = arith.constant 0 : i32
            %dma_wait3A_116 = tpu.memref_slice %arg11[%add3A_73, %dma_wait3A_115] : memref<40x128xi32, #tpu.memory_space<vmem>> -> memref<1x128xi32, #tpu.memory_space<vmem>>
            %dma_wait3A_117 = tpu.memref_squeeze %dma_wait3A_116 : memref<1x128xi32, #tpu.memory_space<vmem>> -> memref<128xi32, #tpu.memory_space<vmem>>
            %dma_wait3A_118 = arith.constant 0 : i32
            %dma_wait3A_119 = arith.constant 0 : i32
            %dma_wait3A_120 = tpu.memref_slice %arg16[%dma_wait3A_118, %dma_wait3A_119] : memref<10240x64xf32, #tpu.memory_space<vmem_shared>> -> memref<10240x64xf32, #tpu.memory_space<vmem_shared>>
            tpu.wait_indirect_dma semaphore(%arg20 : memref<!tpu.dma_semaphore, #tpu.memory_space<semaphore_mem>>) src(%arg12 : memref<128x64xf32, #tpu.memory_space<vmem>>) dst(%dma_wait3A_120 : memref<10240x64xf32, #tpu.memory_space<vmem_shared>>)
            %add3A_121 = arith.constant 2 : i32
            %add3A_122 = arith.addi %add3A_73, %add3A_121 : i32
            %dma_start3A_123 = arith.constant 0 : i32
            %dma_start3A_124 = tpu.memref_slice %arg10[%add3A_122, %dma_start3A_123] : memref<40x128xi32, #tpu.memory_space<vmem>> -> memref<1x128xi32, #tpu.memory_space<vmem>>
            %dma_start3A_125 = tpu.memref_squeeze %dma_start3A_124 : memref<1x128xi32, #tpu.memory_space<vmem>> -> memref<128xi32, #tpu.memory_space<vmem>>
            %dma_start3A_126 = arith.constant 0 : i32
            %dma_start3A_127 = arith.constant 0 : i32
            %dma_start3A_128 = tpu.memref_slice %arg2[%dma_start3A_126, %dma_start3A_127] : memref<10240x64xf32, #tpu.memory_space<hbm>> -> memref<10240x64xf32, #tpu.memory_space<hbm>>
            tpu.enqueue_indirect_dma source(%dma_start3A_128 : memref<10240x64xf32, #tpu.memory_space<hbm>>) target(%arg12 : memref<128x64xf32, #tpu.memory_space<vmem>>) offsets(%dma_start3A_125 : memref<128xi32, #tpu.memory_space<vmem>>) semaphore(%arg18 : memref<!tpu.dma_semaphore, #tpu.memory_space<semaphore_mem>>)
          } else {
          }
          %mul3A_92 = arith.constant 2 : i32
          %mul3A_93 = arith.muli %scan3A_69, %mul3A_92 : i32
          %add3A_94 = arith.constant 1 : i32
          %add3A_95 = arith.addi %mul3A_93, %add3A_94 : i32
          %dma_wait3A_96 = arith.constant 0 : i32
          %dma_wait3A_97 = tpu.memref_slice %arg10[%add3A_95, %dma_wait3A_96] : memref<40x128xi32, #tpu.memory_space<vmem>> -> memref<1x128xi32, #tpu.memory_space<vmem>>
          %dma_wait3A_98 = tpu.memref_squeeze %dma_wait3A_97 : memref<1x128xi32, #tpu.memory_space<vmem>> -> memref<128xi32, #tpu.memory_space<vmem>>
          %dma_wait3A_99 = arith.constant 0 : i32
          %dma_wait3A_100 = arith.constant 0 : i32
          %dma_wait3A_101 = tpu.memref_slice %arg2[%dma_wait3A_99, %dma_wait3A_100] : memref<10240x64xf32, #tpu.memory_space<hbm>> -> memref<10240x64xf32, #tpu.memory_space<hbm>>
          tpu.wait_indirect_dma semaphore(%arg19 : memref<!tpu.dma_semaphore, #tpu.memory_space<semaphore_mem>>) src(%dma_wait3A_101 : memref<10240x64xf32, #tpu.memory_space<hbm>>) dst(%arg13 : memref<128x64xf32, #tpu.memory_space<vmem>>)
          %dma_start3A_102 = arith.constant 0 : i32
          %dma_start3A_103 = tpu.memref_slice %arg11[%add3A_95, %dma_start3A_102] : memref<40x128xi32, #tpu.memory_space<vmem>> -> memref<1x128xi32, #tpu.memory_space<vmem>>
          %dma_start3A_104 = tpu.memref_squeeze %dma_start3A_103 : memref<1x128xi32, #tpu.memory_space<vmem>> -> memref<128xi32, #tpu.memory_space<vmem>>
          %dma_start3A_105 = arith.constant 0 : i32
          %dma_start3A_106 = arith.constant 0 : i32
          %dma_start3A_107 = tpu.memref_slice %arg16[%dma_start3A_105, %dma_start3A_106] : memref<10240x64xf32, #tpu.memory_space<vmem_shared>> -> memref<10240x64xf32, #tpu.memory_space<vmem_shared>>
          tpu.enqueue_indirect_dma source(%arg13 : memref<128x64xf32, #tpu.memory_space<vmem>>) target(%dma_start3A_107 : memref<10240x64xf32, #tpu.memory_space<vmem_shared>>) offsets(%dma_start3A_104 : memref<128xi32, #tpu.memory_space<vmem>>) semaphore(%arg21 : memref<!tpu.dma_semaphore, #tpu.memory_space<semaphore_mem>>) {add = true}
          %add3A_108 = arith.constant 2 : i32
          %add3A_109 = arith.addi %add3A_95, %add3A_108 : i32
          %lt3A_110 = arith.constant 40 : i32
          %lt3A_111 = arith.cmpi slt, %add3A_109, %lt3A_110 : i32
          %convert_element_type3A_112 = arith.extui %lt3A_111 : i1 to i32
          %cond3A_113 = arith.constant 0 : i32
          %cond3A_114 = arith.cmpi ne, %convert_element_type3A_112, %cond3A_113 : i32
          scf.if %cond3A_114 {
            %dma_wait3A_115 = arith.constant 0 : i32
            %dma_wait3A_116 = tpu.memref_slice %arg11[%add3A_95, %dma_wait3A_115] : memref<40x128xi32, #tpu.memory_space<vmem>> -> memref<1x128xi32, #tpu.memory_space<vmem>>
            %dma_wait3A_117 = tpu.memref_squeeze %dma_wait3A_116 : memref<1x128xi32, #tpu.memory_space<vmem>> -> memref<128xi32, #tpu.memory_space<vmem>>
            %dma_wait3A_118 = arith.constant 0 : i32
            %dma_wait3A_119 = arith.constant 0 : i32
            %dma_wait3A_120 = tpu.memref_slice %arg16[%dma_wait3A_118, %dma_wait3A_119] : memref<10240x64xf32, #tpu.memory_space<vmem_shared>> -> memref<10240x64xf32, #tpu.memory_space<vmem_shared>>
            tpu.wait_indirect_dma semaphore(%arg21 : memref<!tpu.dma_semaphore, #tpu.memory_space<semaphore_mem>>) src(%arg13 : memref<128x64xf32, #tpu.memory_space<vmem>>) dst(%dma_wait3A_120 : memref<10240x64xf32, #tpu.memory_space<vmem_shared>>)
            %add3A_121 = arith.constant 2 : i32
            %add3A_122 = arith.addi %add3A_95, %add3A_121 : i32
            %dma_start3A_123 = arith.constant 0 : i32
            %dma_start3A_124 = tpu.memref_slice %arg10[%add3A_122, %dma_start3A_123] : memref<40x128xi32, #tpu.memory_space<vmem>> -> memref<1x128xi32, #tpu.memory_space<vmem>>
            %dma_start3A_125 = tpu.memref_squeeze %dma_start3A_124 : memref<1x128xi32, #tpu.memory_space<vmem>> -> memref<128xi32, #tpu.memory_space<vmem>>
            %dma_start3A_126 = arith.constant 0 : i32
            %dma_start3A_127 = arith.constant 0 : i32
            %dma_start3A_128 = tpu.memref_slice %arg2[%dma_start3A_126, %dma_start3A_127] : memref<10240x64xf32, #tpu.memory_space<hbm>> -> memref<10240x64xf32, #tpu.memory_space<hbm>>
            tpu.enqueue_indirect_dma source(%dma_start3A_128 : memref<10240x64xf32, #tpu.memory_space<hbm>>) target(%arg13 : memref<128x64xf32, #tpu.memory_space<vmem>>) offsets(%dma_start3A_125 : memref<128xi32, #tpu.memory_space<vmem>>) semaphore(%arg19 : memref<!tpu.dma_semaphore, #tpu.memory_space<semaphore_mem>>)
          } else {
          }
        }
        %scan3A_55 = arith.constant 20 : i32
        %dma_wait3A = arith.constant 38 : i32
        %dma_wait3A_56 = arith.constant 0 : i32
        %dma_wait3A_57 = tpu.memref_slice %arg11[%dma_wait3A, %dma_wait3A_56] : memref<40x128xi32, #tpu.memory_space<vmem>> -> memref<1x128xi32, #tpu.memory_space<vmem>>
        %dma_wait3A_58 = tpu.memref_squeeze %dma_wait3A_57 : memref<1x128xi32, #tpu.memory_space<vmem>> -> memref<128xi32, #tpu.memory_space<vmem>>
        %dma_wait3A_59 = arith.constant 0 : i32
        %dma_wait3A_60 = arith.constant 0 : i32
        %dma_wait3A_61 = tpu.memref_slice %arg16[%dma_wait3A_59, %dma_wait3A_60] : memref<10240x64xf32, #tpu.memory_space<vmem_shared>> -> memref<10240x64xf32, #tpu.memory_space<vmem_shared>>
        tpu.wait_indirect_dma semaphore(%arg20 : memref<!tpu.dma_semaphore, #tpu.memory_space<semaphore_mem>>) src(%arg12 : memref<128x64xf32, #tpu.memory_space<vmem>>) dst(%dma_wait3A_61 : memref<10240x64xf32, #tpu.memory_space<vmem_shared>>)
        %dma_wait3A_62 = arith.constant 39 : i32
        %dma_wait3A_63 = arith.constant 0 : i32
        %dma_wait3A_64 = tpu.memref_slice %arg11[%dma_wait3A_62, %dma_wait3A_63] : memref<40x128xi32, #tpu.memory_space<vmem>> -> memref<1x128xi32, #tpu.memory_space<vmem>>
        %dma_wait3A_65 = tpu.memref_squeeze %dma_wait3A_64 : memref<1x128xi32, #tpu.memory_space<vmem>> -> memref<128xi32, #tpu.memory_space<vmem>>
        %dma_wait3A_66 = arith.constant 0 : i32
        %dma_wait3A_67 = arith.constant 0 : i32
        %dma_wait3A_68 = tpu.memref_slice %arg16[%dma_wait3A_66, %dma_wait3A_67] : memref<10240x64xf32, #tpu.memory_space<vmem_shared>> -> memref<10240x64xf32, #tpu.memory_space<vmem_shared>>
        tpu.wait_indirect_dma semaphore(%arg21 : memref<!tpu.dma_semaphore, #tpu.memory_space<semaphore_mem>>) src(%arg13 : memref<128x64xf32, #tpu.memory_space<vmem>>) dst(%dma_wait3A_68 : memref<10240x64xf32, #tpu.memory_space<vmem_shared>>)
      }
      %scan3A_32 = arith.constant 4 : i32
    } else {
    }
    %eq3A_12 = arith.constant 1 : i32
    %eq3A_13 = arith.cmpi eq, %arg0, %eq3A_12 : i32
    %convert_element_type3A_14 = arith.extui %eq3A_13 : i1 to i32
    %cond3A_15 = arith.constant 0 : i32
    %cond3A_16 = arith.cmpi ne, %convert_element_type3A_14, %cond3A_15 : i32
    scf.if %cond3A_16 {
      %scan3A = arith.constant 0 : i32
      %scan3A_28 = arith.constant 0 : i32
      %scan3A_29 = arith.constant 4 : i32
      %scan3A_30 = arith.addi %scan3A_28, %scan3A_29 : i32
      %scan3A_31 = arith.constant 1 : i32
      scf.for %scan3A_33 = %scan3A_28 to %scan3A_30 step %scan3A_31  : i32 {
        %mul3A = arith.constant 160 : i32
        %mul3A_34 = arith.muli %arg1, %mul3A : i32
        %mul3A_35 = arith.constant 40 : i32
        %mul3A_36 = arith.muli %scan3A_33, %mul3A_35 : i32
        %add3A = arith.addi %mul3A_34, %mul3A_36 : i32
        "tpu.region"() ({
          %run_scoped3A = tpu.sem_alloc : memref<!tpu.dma_semaphore, #tpu.memory_space<semaphore_mem>>
          %dma_start3A_69 = arith.constant 0 : i32
          %dma_start3A_70 = tpu.memref_slice %arg4[%add3A, %dma_start3A_69] : memref<2560x128xi32, #tpu.memory_space<hbm>> -> memref<40x128xi32, #tpu.memory_space<hbm>>
          %dma_start3A_71 = arith.constant 0 : i32
          %dma_start3A_72 = tpu.memref_slice %arg4[%add3A, %dma_start3A_71] : memref<2560x128xi32, #tpu.memory_space<hbm>> -> memref<40x128xi32, #tpu.memory_space<hbm>>
          tpu.enqueue_dma source(%dma_start3A_72 : memref<40x128xi32, #tpu.memory_space<hbm>>) target(%arg10 : memref<40x128xi32, #tpu.memory_space<vmem>>) target_semaphore(%run_scoped3A : memref<!tpu.dma_semaphore, #tpu.memory_space<semaphore_mem>>)
          %dma_wait3A_73 = arith.constant 0 : i32
          %dma_wait3A_74 = tpu.memref_slice %arg4[%add3A, %dma_wait3A_73] : memref<2560x128xi32, #tpu.memory_space<hbm>> -> memref<40x128xi32, #tpu.memory_space<hbm>>
          %dma_wait3A_75 = arith.constant 0 : i32
          %dma_wait3A_76 = tpu.memref_slice %arg4[%add3A, %dma_wait3A_75] : memref<2560x128xi32, #tpu.memory_space<hbm>> -> memref<40x128xi32, #tpu.memory_space<hbm>>
          tpu.wait_dma2 semaphore(%run_scoped3A : memref<!tpu.dma_semaphore, #tpu.memory_space<semaphore_mem>>) src(%dma_wait3A_76 : memref<40x128xi32, #tpu.memory_space<hbm>>) dst(%arg10 : memref<40x128xi32, #tpu.memory_space<vmem>>)
          tpu.yield
        }) : () -> ()
        "tpu.region"() ({
          %run_scoped3A = tpu.sem_alloc : memref<!tpu.dma_semaphore, #tpu.memory_space<semaphore_mem>>
          %dma_start3A_69 = arith.constant 0 : i32
          %dma_start3A_70 = tpu.memref_slice %arg5[%add3A, %dma_start3A_69] : memref<2560x128xi32, #tpu.memory_space<hbm>> -> memref<40x128xi32, #tpu.memory_space<hbm>>
          %dma_start3A_71 = arith.constant 0 : i32
          %dma_start3A_72 = tpu.memref_slice %arg5[%add3A, %dma_start3A_71] : memref<2560x128xi32, #tpu.memory_space<hbm>> -> memref<40x128xi32, #tpu.memory_space<hbm>>
          tpu.enqueue_dma source(%dma_start3A_72 : memref<40x128xi32, #tpu.memory_space<hbm>>) target(%arg11 : memref<40x128xi32, #tpu.memory_space<vmem>>) target_semaphore(%run_scoped3A : memref<!tpu.dma_semaphore, #tpu.memory_space<semaphore_mem>>)
          %dma_wait3A_73 = arith.constant 0 : i32
          %dma_wait3A_74 = tpu.memref_slice %arg5[%add3A, %dma_wait3A_73] : memref<2560x128xi32, #tpu.memory_space<hbm>> -> memref<40x128xi32, #tpu.memory_space<hbm>>
          %dma_wait3A_75 = arith.constant 0 : i32
          %dma_wait3A_76 = tpu.memref_slice %arg5[%add3A, %dma_wait3A_75] : memref<2560x128xi32, #tpu.memory_space<hbm>> -> memref<40x128xi32, #tpu.memory_space<hbm>>
          tpu.wait_dma2 semaphore(%run_scoped3A : memref<!tpu.dma_semaphore, #tpu.memory_space<semaphore_mem>>) src(%dma_wait3A_76 : memref<40x128xi32, #tpu.memory_space<hbm>>) dst(%arg11 : memref<40x128xi32, #tpu.memory_space<vmem>>)
          tpu.yield
        }) : () -> ()
        %dma_start3A = arith.constant 0 : i32
        %dma_start3A_37 = arith.constant 0 : i32
        %dma_start3A_38 = tpu.memref_slice %arg10[%dma_start3A, %dma_start3A_37] : memref<40x128xi32, #tpu.memory_space<vmem>> -> memref<1x128xi32, #tpu.memory_space<vmem>>
        %dma_start3A_39 = tpu.memref_squeeze %dma_start3A_38 : memref<1x128xi32, #tpu.memory_space<vmem>> -> memref<128xi32, #tpu.memory_space<vmem>>
        %dma_start3A_40 = arith.constant 0 : i32
        %dma_start3A_41 = arith.constant 0 : i32
        %dma_start3A_42 = tpu.memref_slice %arg3[%dma_start3A_40, %dma_start3A_41] : memref<10240x64xf32, #tpu.memory_space<hbm>> -> memref<10240x64xf32, #tpu.memory_space<hbm>>
        tpu.enqueue_indirect_dma source(%dma_start3A_42 : memref<10240x64xf32, #tpu.memory_space<hbm>>) target(%arg14 : memref<128x64xf32, #tpu.memory_space<vmem>>) offsets(%dma_start3A_39 : memref<128xi32, #tpu.memory_space<vmem>>) semaphore(%arg18 : memref<!tpu.dma_semaphore, #tpu.memory_space<semaphore_mem>>)
        %dma_start3A_43 = arith.constant 1 : i32
        %dma_start3A_44 = arith.constant 0 : i32
        %dma_start3A_45 = tpu.memref_slice %arg10[%dma_start3A_43, %dma_start3A_44] : memref<40x128xi32, #tpu.memory_space<vmem>> -> memref<1x128xi32, #tpu.memory_space<vmem>>
        %dma_start3A_46 = tpu.memref_squeeze %dma_start3A_45 : memref<1x128xi32, #tpu.memory_space<vmem>> -> memref<128xi32, #tpu.memory_space<vmem>>
        %dma_start3A_47 = arith.constant 0 : i32
        %dma_start3A_48 = arith.constant 0 : i32
        %dma_start3A_49 = tpu.memref_slice %arg3[%dma_start3A_47, %dma_start3A_48] : memref<10240x64xf32, #tpu.memory_space<hbm>> -> memref<10240x64xf32, #tpu.memory_space<hbm>>
        tpu.enqueue_indirect_dma source(%dma_start3A_49 : memref<10240x64xf32, #tpu.memory_space<hbm>>) target(%arg15 : memref<128x64xf32, #tpu.memory_space<vmem>>) offsets(%dma_start3A_46 : memref<128xi32, #tpu.memory_space<vmem>>) semaphore(%arg19 : memref<!tpu.dma_semaphore, #tpu.memory_space<semaphore_mem>>)
        %scan3A_50 = arith.constant 0 : i32
        %scan3A_51 = arith.constant 0 : i32
        %scan3A_52 = arith.constant 20 : i32
        %scan3A_53 = arith.addi %scan3A_51, %scan3A_52 : i32
        %scan3A_54 = arith.constant 1 : i32
        scf.for %scan3A_69 = %scan3A_51 to %scan3A_53 step %scan3A_54  : i32 {
          %mul3A_70 = arith.constant 2 : i32
          %mul3A_71 = arith.muli %scan3A_69, %mul3A_70 : i32
          %add3A_72 = arith.constant 0 : i32
          %add3A_73 = arith.addi %mul3A_71, %add3A_72 : i32
          %dma_wait3A_74 = arith.constant 0 : i32
          %dma_wait3A_75 = tpu.memref_slice %arg10[%add3A_73, %dma_wait3A_74] : memref<40x128xi32, #tpu.memory_space<vmem>> -> memref<1x128xi32, #tpu.memory_space<vmem>>
          %dma_wait3A_76 = tpu.memref_squeeze %dma_wait3A_75 : memref<1x128xi32, #tpu.memory_space<vmem>> -> memref<128xi32, #tpu.memory_space<vmem>>
          %dma_wait3A_77 = arith.constant 0 : i32
          %dma_wait3A_78 = arith.constant 0 : i32
          %dma_wait3A_79 = tpu.memref_slice %arg3[%dma_wait3A_77, %dma_wait3A_78] : memref<10240x64xf32, #tpu.memory_space<hbm>> -> memref<10240x64xf32, #tpu.memory_space<hbm>>
          tpu.wait_indirect_dma semaphore(%arg18 : memref<!tpu.dma_semaphore, #tpu.memory_space<semaphore_mem>>) src(%dma_wait3A_79 : memref<10240x64xf32, #tpu.memory_space<hbm>>) dst(%arg14 : memref<128x64xf32, #tpu.memory_space<vmem>>)
          %dma_start3A_80 = arith.constant 0 : i32
          %dma_start3A_81 = tpu.memref_slice %arg11[%add3A_73, %dma_start3A_80] : memref<40x128xi32, #tpu.memory_space<vmem>> -> memref<1x128xi32, #tpu.memory_space<vmem>>
          %dma_start3A_82 = tpu.memref_squeeze %dma_start3A_81 : memref<1x128xi32, #tpu.memory_space<vmem>> -> memref<128xi32, #tpu.memory_space<vmem>>
          %dma_start3A_83 = arith.constant 0 : i32
          %dma_start3A_84 = arith.constant 0 : i32
          %dma_start3A_85 = tpu.memref_slice %arg17[%dma_start3A_83, %dma_start3A_84] : memref<10240x64xf32, #tpu.memory_space<vmem_shared>> -> memref<10240x64xf32, #tpu.memory_space<vmem_shared>>
          tpu.enqueue_indirect_dma source(%arg14 : memref<128x64xf32, #tpu.memory_space<vmem>>) target(%dma_start3A_85 : memref<10240x64xf32, #tpu.memory_space<vmem_shared>>) offsets(%dma_start3A_82 : memref<128xi32, #tpu.memory_space<vmem>>) semaphore(%arg20 : memref<!tpu.dma_semaphore, #tpu.memory_space<semaphore_mem>>) {add = true}
          %add3A_86 = arith.constant 2 : i32
          %add3A_87 = arith.addi %add3A_73, %add3A_86 : i32
          %lt3A = arith.constant 40 : i32
          %lt3A_88 = arith.cmpi slt, %add3A_87, %lt3A : i32
          %convert_element_type3A_89 = arith.extui %lt3A_88 : i1 to i32
          %cond3A_90 = arith.constant 0 : i32
          %cond3A_91 = arith.cmpi ne, %convert_element_type3A_89, %cond3A_90 : i32
          scf.if %cond3A_91 {
            %dma_wait3A_115 = arith.constant 0 : i32
            %dma_wait3A_116 = tpu.memref_slice %arg11[%add3A_73, %dma_wait3A_115] : memref<40x128xi32, #tpu.memory_space<vmem>> -> memref<1x128xi32, #tpu.memory_space<vmem>>
            %dma_wait3A_117 = tpu.memref_squeeze %dma_wait3A_116 : memref<1x128xi32, #tpu.memory_space<vmem>> -> memref<128xi32, #tpu.memory_space<vmem>>
            %dma_wait3A_118 = arith.constant 0 : i32
            %dma_wait3A_119 = arith.constant 0 : i32
            %dma_wait3A_120 = tpu.memref_slice %arg17[%dma_wait3A_118, %dma_wait3A_119] : memref<10240x64xf32, #tpu.memory_space<vmem_shared>> -> memref<10240x64xf32, #tpu.memory_space<vmem_shared>>
            tpu.wait_indirect_dma semaphore(%arg20 : memref<!tpu.dma_semaphore, #tpu.memory_space<semaphore_mem>>) src(%arg14 : memref<128x64xf32, #tpu.memory_space<vmem>>) dst(%dma_wait3A_120 : memref<10240x64xf32, #tpu.memory_space<vmem_shared>>)
            %add3A_121 = arith.constant 2 : i32
            %add3A_122 = arith.addi %add3A_73, %add3A_121 : i32
            %dma_start3A_123 = arith.constant 0 : i32
            %dma_start3A_124 = tpu.memref_slice %arg10[%add3A_122, %dma_start3A_123] : memref<40x128xi32, #tpu.memory_space<vmem>> -> memref<1x128xi32, #tpu.memory_space<vmem>>
            %dma_start3A_125 = tpu.memref_squeeze %dma_start3A_124 : memref<1x128xi32, #tpu.memory_space<vmem>> -> memref<128xi32, #tpu.memory_space<vmem>>
            %dma_start3A_126 = arith.constant 0 : i32
            %dma_start3A_127 = arith.constant 0 : i32
            %dma_start3A_128 = tpu.memref_slice %arg3[%dma_start3A_126, %dma_start3A_127] : memref<10240x64xf32, #tpu.memory_space<hbm>> -> memref<10240x64xf32, #tpu.memory_space<hbm>>
            tpu.enqueue_indirect_dma source(%dma_start3A_128 : memref<10240x64xf32, #tpu.memory_space<hbm>>) target(%arg14 : memref<128x64xf32, #tpu.memory_space<vmem>>) offsets(%dma_start3A_125 : memref<128xi32, #tpu.memory_space<vmem>>) semaphore(%arg18 : memref<!tpu.dma_semaphore, #tpu.memory_space<semaphore_mem>>)
          } else {
          }
          %mul3A_92 = arith.constant 2 : i32
          %mul3A_93 = arith.muli %scan3A_69, %mul3A_92 : i32
          %add3A_94 = arith.constant 1 : i32
          %add3A_95 = arith.addi %mul3A_93, %add3A_94 : i32
          %dma_wait3A_96 = arith.constant 0 : i32
          %dma_wait3A_97 = tpu.memref_slice %arg10[%add3A_95, %dma_wait3A_96] : memref<40x128xi32, #tpu.memory_space<vmem>> -> memref<1x128xi32, #tpu.memory_space<vmem>>
          %dma_wait3A_98 = tpu.memref_squeeze %dma_wait3A_97 : memref<1x128xi32, #tpu.memory_space<vmem>> -> memref<128xi32, #tpu.memory_space<vmem>>
          %dma_wait3A_99 = arith.constant 0 : i32
          %dma_wait3A_100 = arith.constant 0 : i32
          %dma_wait3A_101 = tpu.memref_slice %arg3[%dma_wait3A_99, %dma_wait3A_100] : memref<10240x64xf32, #tpu.memory_space<hbm>> -> memref<10240x64xf32, #tpu.memory_space<hbm>>
          tpu.wait_indirect_dma semaphore(%arg19 : memref<!tpu.dma_semaphore, #tpu.memory_space<semaphore_mem>>) src(%dma_wait3A_101 : memref<10240x64xf32, #tpu.memory_space<hbm>>) dst(%arg15 : memref<128x64xf32, #tpu.memory_space<vmem>>)
          %dma_start3A_102 = arith.constant 0 : i32
          %dma_start3A_103 = tpu.memref_slice %arg11[%add3A_95, %dma_start3A_102] : memref<40x128xi32, #tpu.memory_space<vmem>> -> memref<1x128xi32, #tpu.memory_space<vmem>>
          %dma_start3A_104 = tpu.memref_squeeze %dma_start3A_103 : memref<1x128xi32, #tpu.memory_space<vmem>> -> memref<128xi32, #tpu.memory_space<vmem>>
          %dma_start3A_105 = arith.constant 0 : i32
          %dma_start3A_106 = arith.constant 0 : i32
          %dma_start3A_107 = tpu.memref_slice %arg17[%dma_start3A_105, %dma_start3A_106] : memref<10240x64xf32, #tpu.memory_space<vmem_shared>> -> memref<10240x64xf32, #tpu.memory_space<vmem_shared>>
          tpu.enqueue_indirect_dma source(%arg15 : memref<128x64xf32, #tpu.memory_space<vmem>>) target(%dma_start3A_107 : memref<10240x64xf32, #tpu.memory_space<vmem_shared>>) offsets(%dma_start3A_104 : memref<128xi32, #tpu.memory_space<vmem>>) semaphore(%arg21 : memref<!tpu.dma_semaphore, #tpu.memory_space<semaphore_mem>>) {add = true}
          %add3A_108 = arith.constant 2 : i32
          %add3A_109 = arith.addi %add3A_95, %add3A_108 : i32
          %lt3A_110 = arith.constant 40 : i32
          %lt3A_111 = arith.cmpi slt, %add3A_109, %lt3A_110 : i32
          %convert_element_type3A_112 = arith.extui %lt3A_111 : i1 to i32
          %cond3A_113 = arith.constant 0 : i32
          %cond3A_114 = arith.cmpi ne, %convert_element_type3A_112, %cond3A_113 : i32
          scf.if %cond3A_114 {
            %dma_wait3A_115 = arith.constant 0 : i32
            %dma_wait3A_116 = tpu.memref_slice %arg11[%add3A_95, %dma_wait3A_115] : memref<40x128xi32, #tpu.memory_space<vmem>> -> memref<1x128xi32, #tpu.memory_space<vmem>>
            %dma_wait3A_117 = tpu.memref_squeeze %dma_wait3A_116 : memref<1x128xi32, #tpu.memory_space<vmem>> -> memref<128xi32, #tpu.memory_space<vmem>>
            %dma_wait3A_118 = arith.constant 0 : i32
            %dma_wait3A_119 = arith.constant 0 : i32
            %dma_wait3A_120 = tpu.memref_slice %arg17[%dma_wait3A_118, %dma_wait3A_119] : memref<10240x64xf32, #tpu.memory_space<vmem_shared>> -> memref<10240x64xf32, #tpu.memory_space<vmem_shared>>
            tpu.wait_indirect_dma semaphore(%arg21 : memref<!tpu.dma_semaphore, #tpu.memory_space<semaphore_mem>>) src(%arg15 : memref<128x64xf32, #tpu.memory_space<vmem>>) dst(%dma_wait3A_120 : memref<10240x64xf32, #tpu.memory_space<vmem_shared>>)
            %add3A_121 = arith.constant 2 : i32
            %add3A_122 = arith.addi %add3A_95, %add3A_121 : i32
            %dma_start3A_123 = arith.constant 0 : i32
            %dma_start3A_124 = tpu.memref_slice %arg10[%add3A_122, %dma_start3A_123] : memref<40x128xi32, #tpu.memory_space<vmem>> -> memref<1x128xi32, #tpu.memory_space<vmem>>
            %dma_start3A_125 = tpu.memref_squeeze %dma_start3A_124 : memref<1x128xi32, #tpu.memory_space<vmem>> -> memref<128xi32, #tpu.memory_space<vmem>>
            %dma_start3A_126 = arith.constant 0 : i32
            %dma_start3A_127 = arith.constant 0 : i32
            %dma_start3A_128 = tpu.memref_slice %arg3[%dma_start3A_126, %dma_start3A_127] : memref<10240x64xf32, #tpu.memory_space<hbm>> -> memref<10240x64xf32, #tpu.memory_space<hbm>>
            tpu.enqueue_indirect_dma source(%dma_start3A_128 : memref<10240x64xf32, #tpu.memory_space<hbm>>) target(%arg15 : memref<128x64xf32, #tpu.memory_space<vmem>>) offsets(%dma_start3A_125 : memref<128xi32, #tpu.memory_space<vmem>>) semaphore(%arg19 : memref<!tpu.dma_semaphore, #tpu.memory_space<semaphore_mem>>)
          } else {
          }
        }
        %scan3A_55 = arith.constant 20 : i32
        %dma_wait3A = arith.constant 38 : i32
        %dma_wait3A_56 = arith.constant 0 : i32
        %dma_wait3A_57 = tpu.memref_slice %arg11[%dma_wait3A, %dma_wait3A_56] : memref<40x128xi32, #tpu.memory_space<vmem>> -> memref<1x128xi32, #tpu.memory_space<vmem>>
        %dma_wait3A_58 = tpu.memref_squeeze %dma_wait3A_57 : memref<1x128xi32, #tpu.memory_space<vmem>> -> memref<128xi32, #tpu.memory_space<vmem>>
        %dma_wait3A_59 = arith.constant 0 : i32
        %dma_wait3A_60 = arith.constant 0 : i32
        %dma_wait3A_61 = tpu.memref_slice %arg17[%dma_wait3A_59, %dma_wait3A_60] : memref<10240x64xf32, #tpu.memory_space<vmem_shared>> -> memref<10240x64xf32, #tpu.memory_space<vmem_shared>>
        tpu.wait_indirect_dma semaphore(%arg20 : memref<!tpu.dma_semaphore, #tpu.memory_space<semaphore_mem>>) src(%arg14 : memref<128x64xf32, #tpu.memory_space<vmem>>) dst(%dma_wait3A_61 : memref<10240x64xf32, #tpu.memory_space<vmem_shared>>)
        %dma_wait3A_62 = arith.constant 39 : i32
        %dma_wait3A_63 = arith.constant 0 : i32
        %dma_wait3A_64 = tpu.memref_slice %arg11[%dma_wait3A_62, %dma_wait3A_63] : memref<40x128xi32, #tpu.memory_space<vmem>> -> memref<1x128xi32, #tpu.memory_space<vmem>>
        %dma_wait3A_65 = tpu.memref_squeeze %dma_wait3A_64 : memref<1x128xi32, #tpu.memory_space<vmem>> -> memref<128xi32, #tpu.memory_space<vmem>>
        %dma_wait3A_66 = arith.constant 0 : i32
        %dma_wait3A_67 = arith.constant 0 : i32
        %dma_wait3A_68 = tpu.memref_slice %arg17[%dma_wait3A_66, %dma_wait3A_67] : memref<10240x64xf32, #tpu.memory_space<vmem_shared>> -> memref<10240x64xf32, #tpu.memory_space<vmem_shared>>
        tpu.wait_indirect_dma semaphore(%arg21 : memref<!tpu.dma_semaphore, #tpu.memory_space<semaphore_mem>>) src(%arg15 : memref<128x64xf32, #tpu.memory_space<vmem>>) dst(%dma_wait3A_68 : memref<10240x64xf32, #tpu.memory_space<vmem_shared>>)
      }
      %scan3A_32 = arith.constant 4 : i32
    } else {
    }
    %barrier3A_17 = arith.constant 0 : index
    tpu.barrier barrier_id(%barrier3A_17)
    %eq3A_18 = arith.constant 0 : i32
    %eq3A_19 = arith.cmpi eq, %arg0, %eq3A_18 : i32
    %convert_element_type3A_20 = arith.extui %eq3A_19 : i1 to i32
    %cond3A_21 = arith.constant 0 : i32
    %cond3A_22 = arith.cmpi ne, %convert_element_type3A_20, %cond3A_21 : i32
    scf.if %cond3A_22 {
      %mul3A = arith.constant 640 : i32
      %mul3A_28 = arith.muli %arg1, %mul3A : i32
      %add3A = arith.constant 0 : i32
      %add3A_29 = arith.addi %mul3A_28, %add3A : i32
      "tpu.region"() ({
        %run_scoped3A = tpu.sem_alloc : memref<!tpu.dma_semaphore, #tpu.memory_space<semaphore_mem>>
        %dma_start3A_104 = arith.constant 0 : i32
        %dma_start3A_105 = tpu.memref_slice %arg16[%add3A_29, %dma_start3A_104] : memref<10240x64xf32, #tpu.memory_space<vmem_shared>> -> memref<128x64xf32, #tpu.memory_space<vmem_shared>>
        %dma_start3A_106 = arith.constant 0 : i32
        %dma_start3A_107 = tpu.memref_slice %arg16[%add3A_29, %dma_start3A_106] : memref<10240x64xf32, #tpu.memory_space<vmem_shared>> -> memref<128x64xf32, #tpu.memory_space<vmem_shared>>
        tpu.enqueue_dma source(%dma_start3A_107 : memref<128x64xf32, #tpu.memory_space<vmem_shared>>) target(%arg12 : memref<128x64xf32, #tpu.memory_space<vmem>>) target_semaphore(%run_scoped3A : memref<!tpu.dma_semaphore, #tpu.memory_space<semaphore_mem>>)
        %dma_wait3A_108 = arith.constant 0 : i32
        %dma_wait3A_109 = tpu.memref_slice %arg16[%add3A_29, %dma_wait3A_108] : memref<10240x64xf32, #tpu.memory_space<vmem_shared>> -> memref<128x64xf32, #tpu.memory_space<vmem_shared>>
        %dma_wait3A_110 = arith.constant 0 : i32
        %dma_wait3A_111 = tpu.memref_slice %arg16[%add3A_29, %dma_wait3A_110] : memref<10240x64xf32, #tpu.memory_space<vmem_shared>> -> memref<128x64xf32, #tpu.memory_space<vmem_shared>>
        tpu.wait_dma2 semaphore(%run_scoped3A : memref<!tpu.dma_semaphore, #tpu.memory_space<semaphore_mem>>) src(%dma_wait3A_111 : memref<128x64xf32, #tpu.memory_space<vmem_shared>>) dst(%arg12 : memref<128x64xf32, #tpu.memory_space<vmem>>)
        tpu.yield
      }) : () -> ()
      %dma_start3A = arith.constant 0 : i32
      %dma_start3A_30 = tpu.memref_slice %arg8[%add3A_29, %dma_start3A] : memref<10240x64xf32, #tpu.memory_space<hbm>> -> memref<128x64xf32, #tpu.memory_space<hbm>>
      %dma_start3A_31 = arith.constant 0 : i32
      %dma_start3A_32 = tpu.memref_slice %arg8[%add3A_29, %dma_start3A_31] : memref<10240x64xf32, #tpu.memory_space<hbm>> -> memref<128x64xf32, #tpu.memory_space<hbm>>
      tpu.enqueue_dma source(%arg12 : memref<128x64xf32, #tpu.memory_space<vmem>>) target(%dma_start3A_32 : memref<128x64xf32, #tpu.memory_space<hbm>>) target_semaphore(%arg18 : memref<!tpu.dma_semaphore, #tpu.memory_space<semaphore_mem>>)
      %mul3A_33 = arith.constant 640 : i32
      %mul3A_34 = arith.muli %arg1, %mul3A_33 : i32
      %add3A_35 = arith.constant 128 : i32
      %add3A_36 = arith.addi %mul3A_34, %add3A_35 : i32
      "tpu.region"() ({
        %run_scoped3A = tpu.sem_alloc : memref<!tpu.dma_semaphore, #tpu.memory_space<semaphore_mem>>
        %dma_start3A_104 = arith.constant 0 : i32
        %dma_start3A_105 = tpu.memref_slice %arg16[%add3A_36, %dma_start3A_104] : memref<10240x64xf32, #tpu.memory_space<vmem_shared>> -> memref<128x64xf32, #tpu.memory_space<vmem_shared>>
        %dma_start3A_106 = arith.constant 0 : i32
        %dma_start3A_107 = tpu.memref_slice %arg16[%add3A_36, %dma_start3A_106] : memref<10240x64xf32, #tpu.memory_space<vmem_shared>> -> memref<128x64xf32, #tpu.memory_space<vmem_shared>>
        tpu.enqueue_dma source(%dma_start3A_107 : memref<128x64xf32, #tpu.memory_space<vmem_shared>>) target(%arg13 : memref<128x64xf32, #tpu.memory_space<vmem>>) target_semaphore(%run_scoped3A : memref<!tpu.dma_semaphore, #tpu.memory_space<semaphore_mem>>)
        %dma_wait3A_108 = arith.constant 0 : i32
        %dma_wait3A_109 = tpu.memref_slice %arg16[%add3A_36, %dma_wait3A_108] : memref<10240x64xf32, #tpu.memory_space<vmem_shared>> -> memref<128x64xf32, #tpu.memory_space<vmem_shared>>
        %dma_wait3A_110 = arith.constant 0 : i32
        %dma_wait3A_111 = tpu.memref_slice %arg16[%add3A_36, %dma_wait3A_110] : memref<10240x64xf32, #tpu.memory_space<vmem_shared>> -> memref<128x64xf32, #tpu.memory_space<vmem_shared>>
        tpu.wait_dma2 semaphore(%run_scoped3A : memref<!tpu.dma_semaphore, #tpu.memory_space<semaphore_mem>>) src(%dma_wait3A_111 : memref<128x64xf32, #tpu.memory_space<vmem_shared>>) dst(%arg13 : memref<128x64xf32, #tpu.memory_space<vmem>>)
        tpu.yield
      }) : () -> ()
      %dma_start3A_37 = arith.constant 0 : i32
      %dma_start3A_38 = tpu.memref_slice %arg8[%add3A_36, %dma_start3A_37] : memref<10240x64xf32, #tpu.memory_space<hbm>> -> memref<128x64xf32, #tpu.memory_space<hbm>>
      %dma_start3A_39 = arith.constant 0 : i32
      %dma_start3A_40 = tpu.memref_slice %arg8[%add3A_36, %dma_start3A_39] : memref<10240x64xf32, #tpu.memory_space<hbm>> -> memref<128x64xf32, #tpu.memory_space<hbm>>
      tpu.enqueue_dma source(%arg13 : memref<128x64xf32, #tpu.memory_space<vmem>>) target(%dma_start3A_40 : memref<128x64xf32, #tpu.memory_space<hbm>>) target_semaphore(%arg19 : memref<!tpu.dma_semaphore, #tpu.memory_space<semaphore_mem>>)
      %mul3A_41 = arith.constant 640 : i32
      %mul3A_42 = arith.muli %arg1, %mul3A_41 : i32
      %add3A_43 = arith.constant 256 : i32
      %add3A_44 = arith.addi %mul3A_42, %add3A_43 : i32
      %mul3A_45 = arith.constant 640 : i32
      %mul3A_46 = arith.muli %arg1, %mul3A_45 : i32
      %add3A_47 = arith.constant 0 : i32
      %add3A_48 = arith.addi %mul3A_46, %add3A_47 : i32
      %dma_wait3A = arith.constant 0 : i32
      %dma_wait3A_49 = tpu.memref_slice %arg8[%add3A_48, %dma_wait3A] : memref<10240x64xf32, #tpu.memory_space<hbm>> -> memref<128x64xf32, #tpu.memory_space<hbm>>
      %dma_wait3A_50 = arith.constant 0 : i32
      %dma_wait3A_51 = tpu.memref_slice %arg8[%add3A_48, %dma_wait3A_50] : memref<10240x64xf32, #tpu.memory_space<hbm>> -> memref<128x64xf32, #tpu.memory_space<hbm>>
      tpu.wait_dma2 semaphore(%arg18 : memref<!tpu.dma_semaphore, #tpu.memory_space<semaphore_mem>>) src(%arg12 : memref<128x64xf32, #tpu.memory_space<vmem>>) dst(%dma_wait3A_51 : memref<128x64xf32, #tpu.memory_space<hbm>>)
      "tpu.region"() ({
        %run_scoped3A = tpu.sem_alloc : memref<!tpu.dma_semaphore, #tpu.memory_space<semaphore_mem>>
        %dma_start3A_104 = arith.constant 0 : i32
        %dma_start3A_105 = tpu.memref_slice %arg16[%add3A_44, %dma_start3A_104] : memref<10240x64xf32, #tpu.memory_space<vmem_shared>> -> memref<128x64xf32, #tpu.memory_space<vmem_shared>>
        %dma_start3A_106 = arith.constant 0 : i32
        %dma_start3A_107 = tpu.memref_slice %arg16[%add3A_44, %dma_start3A_106] : memref<10240x64xf32, #tpu.memory_space<vmem_shared>> -> memref<128x64xf32, #tpu.memory_space<vmem_shared>>
        tpu.enqueue_dma source(%dma_start3A_107 : memref<128x64xf32, #tpu.memory_space<vmem_shared>>) target(%arg12 : memref<128x64xf32, #tpu.memory_space<vmem>>) target_semaphore(%run_scoped3A : memref<!tpu.dma_semaphore, #tpu.memory_space<semaphore_mem>>)
        %dma_wait3A_108 = arith.constant 0 : i32
        %dma_wait3A_109 = tpu.memref_slice %arg16[%add3A_44, %dma_wait3A_108] : memref<10240x64xf32, #tpu.memory_space<vmem_shared>> -> memref<128x64xf32, #tpu.memory_space<vmem_shared>>
        %dma_wait3A_110 = arith.constant 0 : i32
        %dma_wait3A_111 = tpu.memref_slice %arg16[%add3A_44, %dma_wait3A_110] : memref<10240x64xf32, #tpu.memory_space<vmem_shared>> -> memref<128x64xf32, #tpu.memory_space<vmem_shared>>
        tpu.wait_dma2 semaphore(%run_scoped3A : memref<!tpu.dma_semaphore, #tpu.memory_space<semaphore_mem>>) src(%dma_wait3A_111 : memref<128x64xf32, #tpu.memory_space<vmem_shared>>) dst(%arg12 : memref<128x64xf32, #tpu.memory_space<vmem>>)
        tpu.yield
      }) : () -> ()
      %dma_start3A_52 = arith.constant 0 : i32
      %dma_start3A_53 = tpu.memref_slice %arg8[%add3A_44, %dma_start3A_52] : memref<10240x64xf32, #tpu.memory_space<hbm>> -> memref<128x64xf32, #tpu.memory_space<hbm>>
      %dma_start3A_54 = arith.constant 0 : i32
      %dma_start3A_55 = tpu.memref_slice %arg8[%add3A_44, %dma_start3A_54] : memref<10240x64xf32, #tpu.memory_space<hbm>> -> memref<128x64xf32, #tpu.memory_space<hbm>>
      tpu.enqueue_dma source(%arg12 : memref<128x64xf32, #tpu.memory_space<vmem>>) target(%dma_start3A_55 : memref<128x64xf32, #tpu.memory_space<hbm>>) target_semaphore(%arg18 : memref<!tpu.dma_semaphore, #tpu.memory_space<semaphore_mem>>)
      %mul3A_56 = arith.constant 640 : i32
      %mul3A_57 = arith.muli %arg1, %mul3A_56 : i32
      %add3A_58 = arith.constant 384 : i32
      %add3A_59 = arith.addi %mul3A_57, %add3A_58 : i32
      %mul3A_60 = arith.constant 640 : i32
      %mul3A_61 = arith.muli %arg1, %mul3A_60 : i32
      %add3A_62 = arith.constant 128 : i32
      %add3A_63 = arith.addi %mul3A_61, %add3A_62 : i32
      %dma_wait3A_64 = arith.constant 0 : i32
      %dma_wait3A_65 = tpu.memref_slice %arg8[%add3A_63, %dma_wait3A_64] : memref<10240x64xf32, #tpu.memory_space<hbm>> -> memref<128x64xf32, #tpu.memory_space<hbm>>
      %dma_wait3A_66 = arith.constant 0 : i32
      %dma_wait3A_67 = tpu.memref_slice %arg8[%add3A_63, %dma_wait3A_66] : memref<10240x64xf32, #tpu.memory_space<hbm>> -> memref<128x64xf32, #tpu.memory_space<hbm>>
      tpu.wait_dma2 semaphore(%arg19 : memref<!tpu.dma_semaphore, #tpu.memory_space<semaphore_mem>>) src(%arg13 : memref<128x64xf32, #tpu.memory_space<vmem>>) dst(%dma_wait3A_67 : memref<128x64xf32, #tpu.memory_space<hbm>>)
      "tpu.region"() ({
        %run_scoped3A = tpu.sem_alloc : memref<!tpu.dma_semaphore, #tpu.memory_space<semaphore_mem>>
        %dma_start3A_104 = arith.constant 0 : i32
        %dma_start3A_105 = tpu.memref_slice %arg16[%add3A_59, %dma_start3A_104] : memref<10240x64xf32, #tpu.memory_space<vmem_shared>> -> memref<128x64xf32, #tpu.memory_space<vmem_shared>>
        %dma_start3A_106 = arith.constant 0 : i32
        %dma_start3A_107 = tpu.memref_slice %arg16[%add3A_59, %dma_start3A_106] : memref<10240x64xf32, #tpu.memory_space<vmem_shared>> -> memref<128x64xf32, #tpu.memory_space<vmem_shared>>
        tpu.enqueue_dma source(%dma_start3A_107 : memref<128x64xf32, #tpu.memory_space<vmem_shared>>) target(%arg13 : memref<128x64xf32, #tpu.memory_space<vmem>>) target_semaphore(%run_scoped3A : memref<!tpu.dma_semaphore, #tpu.memory_space<semaphore_mem>>)
        %dma_wait3A_108 = arith.constant 0 : i32
        %dma_wait3A_109 = tpu.memref_slice %arg16[%add3A_59, %dma_wait3A_108] : memref<10240x64xf32, #tpu.memory_space<vmem_shared>> -> memref<128x64xf32, #tpu.memory_space<vmem_shared>>
        %dma_wait3A_110 = arith.constant 0 : i32
        %dma_wait3A_111 = tpu.memref_slice %arg16[%add3A_59, %dma_wait3A_110] : memref<10240x64xf32, #tpu.memory_space<vmem_shared>> -> memref<128x64xf32, #tpu.memory_space<vmem_shared>>
        tpu.wait_dma2 semaphore(%run_scoped3A : memref<!tpu.dma_semaphore, #tpu.memory_space<semaphore_mem>>) src(%dma_wait3A_111 : memref<128x64xf32, #tpu.memory_space<vmem_shared>>) dst(%arg13 : memref<128x64xf32, #tpu.memory_space<vmem>>)
        tpu.yield
      }) : () -> ()
      %dma_start3A_68 = arith.constant 0 : i32
      %dma_start3A_69 = tpu.memref_slice %arg8[%add3A_59, %dma_start3A_68] : memref<10240x64xf32, #tpu.memory_space<hbm>> -> memref<128x64xf32, #tpu.memory_space<hbm>>
      %dma_start3A_70 = arith.constant 0 : i32
      %dma_start3A_71 = tpu.memref_slice %arg8[%add3A_59, %dma_start3A_70] : memref<10240x64xf32, #tpu.memory_space<hbm>> -> memref<128x64xf32, #tpu.memory_space<hbm>>
      tpu.enqueue_dma source(%arg13 : memref<128x64xf32, #tpu.memory_space<vmem>>) target(%dma_start3A_71 : memref<128x64xf32, #tpu.memory_space<hbm>>) target_semaphore(%arg19 : memref<!tpu.dma_semaphore, #tpu.memory_space<semaphore_mem>>)
      %mul3A_72 = arith.constant 640 : i32
      %mul3A_73 = arith.muli %arg1, %mul3A_72 : i32
      %add3A_74 = arith.constant 512 : i32
      %add3A_75 = arith.addi %mul3A_73, %add3A_74 : i32
      %mul3A_76 = arith.constant 640 : i32
      %mul3A_77 = arith.muli %arg1, %mul3A_76 : i32
      %add3A_78 = arith.constant 256 : i32
      %add3A_79 = arith.addi %mul3A_77, %add3A_78 : i32
      %dma_wait3A_80 = arith.constant 0 : i32
      %dma_wait3A_81 = tpu.memref_slice %arg8[%add3A_79, %dma_wait3A_80] : memref<10240x64xf32, #tpu.memory_space<hbm>> -> memref<128x64xf32, #tpu.memory_space<hbm>>
      %dma_wait3A_82 = arith.constant 0 : i32
      %dma_wait3A_83 = tpu.memref_slice %arg8[%add3A_79, %dma_wait3A_82] : memref<10240x64xf32, #tpu.memory_space<hbm>> -> memref<128x64xf32, #tpu.memory_space<hbm>>
      tpu.wait_dma2 semaphore(%arg18 : memref<!tpu.dma_semaphore, #tpu.memory_space<semaphore_mem>>) src(%arg12 : memref<128x64xf32, #tpu.memory_space<vmem>>) dst(%dma_wait3A_83 : memref<128x64xf32, #tpu.memory_space<hbm>>)
      "tpu.region"() ({
        %run_scoped3A = tpu.sem_alloc : memref<!tpu.dma_semaphore, #tpu.memory_space<semaphore_mem>>
        %dma_start3A_104 = arith.constant 0 : i32
        %dma_start3A_105 = tpu.memref_slice %arg16[%add3A_75, %dma_start3A_104] : memref<10240x64xf32, #tpu.memory_space<vmem_shared>> -> memref<128x64xf32, #tpu.memory_space<vmem_shared>>
        %dma_start3A_106 = arith.constant 0 : i32
        %dma_start3A_107 = tpu.memref_slice %arg16[%add3A_75, %dma_start3A_106] : memref<10240x64xf32, #tpu.memory_space<vmem_shared>> -> memref<128x64xf32, #tpu.memory_space<vmem_shared>>
        tpu.enqueue_dma source(%dma_start3A_107 : memref<128x64xf32, #tpu.memory_space<vmem_shared>>) target(%arg12 : memref<128x64xf32, #tpu.memory_space<vmem>>) target_semaphore(%run_scoped3A : memref<!tpu.dma_semaphore, #tpu.memory_space<semaphore_mem>>)
        %dma_wait3A_108 = arith.constant 0 : i32
        %dma_wait3A_109 = tpu.memref_slice %arg16[%add3A_75, %dma_wait3A_108] : memref<10240x64xf32, #tpu.memory_space<vmem_shared>> -> memref<128x64xf32, #tpu.memory_space<vmem_shared>>
        %dma_wait3A_110 = arith.constant 0 : i32
        %dma_wait3A_111 = tpu.memref_slice %arg16[%add3A_75, %dma_wait3A_110] : memref<10240x64xf32, #tpu.memory_space<vmem_shared>> -> memref<128x64xf32, #tpu.memory_space<vmem_shared>>
        tpu.wait_dma2 semaphore(%run_scoped3A : memref<!tpu.dma_semaphore, #tpu.memory_space<semaphore_mem>>) src(%dma_wait3A_111 : memref<128x64xf32, #tpu.memory_space<vmem_shared>>) dst(%arg12 : memref<128x64xf32, #tpu.memory_space<vmem>>)
        tpu.yield
      }) : () -> ()
      %dma_start3A_84 = arith.constant 0 : i32
      %dma_start3A_85 = tpu.memref_slice %arg8[%add3A_75, %dma_start3A_84] : memref<10240x64xf32, #tpu.memory_space<hbm>> -> memref<128x64xf32, #tpu.memory_space<hbm>>
      %dma_start3A_86 = arith.constant 0 : i32
      %dma_start3A_87 = tpu.memref_slice %arg8[%add3A_75, %dma_start3A_86] : memref<10240x64xf32, #tpu.memory_space<hbm>> -> memref<128x64xf32, #tpu.memory_space<hbm>>
      tpu.enqueue_dma source(%arg12 : memref<128x64xf32, #tpu.memory_space<vmem>>) target(%dma_start3A_87 : memref<128x64xf32, #tpu.memory_space<hbm>>) target_semaphore(%arg18 : memref<!tpu.dma_semaphore, #tpu.memory_space<semaphore_mem>>)
      %mul3A_88 = arith.constant 640 : i32
      %mul3A_89 = arith.muli %arg1, %mul3A_88 : i32
      %add3A_90 = arith.constant 384 : i32
      %add3A_91 = arith.addi %mul3A_89, %add3A_90 : i32
      %dma_wait3A_92 = arith.constant 0 : i32
      %dma_wait3A_93 = tpu.memref_slice %arg8[%add3A_91, %dma_wait3A_92] : memref<10240x64xf32, #tpu.memory_space<hbm>> -> memref<128x64xf32, #tpu.memory_space<hbm>>
      %dma_wait3A_94 = arith.constant 0 : i32
      %dma_wait3A_95 = tpu.memref_slice %arg8[%add3A_91, %dma_wait3A_94] : memref<10240x64xf32, #tpu.memory_space<hbm>> -> memref<128x64xf32, #tpu.memory_space<hbm>>
      tpu.wait_dma2 semaphore(%arg19 : memref<!tpu.dma_semaphore, #tpu.memory_space<semaphore_mem>>) src(%arg13 : memref<128x64xf32, #tpu.memory_space<vmem>>) dst(%dma_wait3A_95 : memref<128x64xf32, #tpu.memory_space<hbm>>)
      %mul3A_96 = arith.constant 640 : i32
      %mul3A_97 = arith.muli %arg1, %mul3A_96 : i32
      %add3A_98 = arith.constant 512 : i32
      %add3A_99 = arith.addi %mul3A_97, %add3A_98 : i32
      %dma_wait3A_100 = arith.constant 0 : i32
      %dma_wait3A_101 = tpu.memref_slice %arg8[%add3A_99, %dma_wait3A_100] : memref<10240x64xf32, #tpu.memory_space<hbm>> -> memref<128x64xf32, #tpu.memory_space<hbm>>
      %dma_wait3A_102 = arith.constant 0 : i32
      %dma_wait3A_103 = tpu.memref_slice %arg8[%add3A_99, %dma_wait3A_102] : memref<10240x64xf32, #tpu.memory_space<hbm>> -> memref<128x64xf32, #tpu.memory_space<hbm>>
      tpu.wait_dma2 semaphore(%arg18 : memref<!tpu.dma_semaphore, #tpu.memory_space<semaphore_mem>>) src(%arg12 : memref<128x64xf32, #tpu.memory_space<vmem>>) dst(%dma_wait3A_103 : memref<128x64xf32, #tpu.memory_space<hbm>>)
    } else {
    }
    %eq3A_23 = arith.constant 1 : i32
    %eq3A_24 = arith.cmpi eq, %arg0, %eq3A_23 : i32
    %convert_element_type3A_25 = arith.extui %eq3A_24 : i1 to i32
    %cond3A_26 = arith.constant 0 : i32
    %cond3A_27 = arith.cmpi ne, %convert_element_type3A_25, %cond3A_26 : i32
    scf.if %cond3A_27 {
      %mul3A = arith.constant 640 : i32
      %mul3A_28 = arith.muli %arg1, %mul3A : i32
      %add3A = arith.constant 0 : i32
      %add3A_29 = arith.addi %mul3A_28, %add3A : i32
      "tpu.region"() ({
        %run_scoped3A = tpu.sem_alloc : memref<!tpu.dma_semaphore, #tpu.memory_space<semaphore_mem>>
        %dma_start3A_104 = arith.constant 0 : i32
        %dma_start3A_105 = tpu.memref_slice %arg17[%add3A_29, %dma_start3A_104] : memref<10240x64xf32, #tpu.memory_space<vmem_shared>> -> memref<128x64xf32, #tpu.memory_space<vmem_shared>>
        %dma_start3A_106 = arith.constant 0 : i32
        %dma_start3A_107 = tpu.memref_slice %arg17[%add3A_29, %dma_start3A_106] : memref<10240x64xf32, #tpu.memory_space<vmem_shared>> -> memref<128x64xf32, #tpu.memory_space<vmem_shared>>
        tpu.enqueue_dma source(%dma_start3A_107 : memref<128x64xf32, #tpu.memory_space<vmem_shared>>) target(%arg14 : memref<128x64xf32, #tpu.memory_space<vmem>>) target_semaphore(%run_scoped3A : memref<!tpu.dma_semaphore, #tpu.memory_space<semaphore_mem>>)
        %dma_wait3A_108 = arith.constant 0 : i32
        %dma_wait3A_109 = tpu.memref_slice %arg17[%add3A_29, %dma_wait3A_108] : memref<10240x64xf32, #tpu.memory_space<vmem_shared>> -> memref<128x64xf32, #tpu.memory_space<vmem_shared>>
        %dma_wait3A_110 = arith.constant 0 : i32
        %dma_wait3A_111 = tpu.memref_slice %arg17[%add3A_29, %dma_wait3A_110] : memref<10240x64xf32, #tpu.memory_space<vmem_shared>> -> memref<128x64xf32, #tpu.memory_space<vmem_shared>>
        tpu.wait_dma2 semaphore(%run_scoped3A : memref<!tpu.dma_semaphore, #tpu.memory_space<semaphore_mem>>) src(%dma_wait3A_111 : memref<128x64xf32, #tpu.memory_space<vmem_shared>>) dst(%arg14 : memref<128x64xf32, #tpu.memory_space<vmem>>)
        tpu.yield
      }) : () -> ()
      %dma_start3A = arith.constant 0 : i32
      %dma_start3A_30 = tpu.memref_slice %arg9[%add3A_29, %dma_start3A] : memref<10240x64xf32, #tpu.memory_space<hbm>> -> memref<128x64xf32, #tpu.memory_space<hbm>>
      %dma_start3A_31 = arith.constant 0 : i32
      %dma_start3A_32 = tpu.memref_slice %arg9[%add3A_29, %dma_start3A_31] : memref<10240x64xf32, #tpu.memory_space<hbm>> -> memref<128x64xf32, #tpu.memory_space<hbm>>
      tpu.enqueue_dma source(%arg14 : memref<128x64xf32, #tpu.memory_space<vmem>>) target(%dma_start3A_32 : memref<128x64xf32, #tpu.memory_space<hbm>>) target_semaphore(%arg18 : memref<!tpu.dma_semaphore, #tpu.memory_space<semaphore_mem>>)
      %mul3A_33 = arith.constant 640 : i32
      %mul3A_34 = arith.muli %arg1, %mul3A_33 : i32
      %add3A_35 = arith.constant 128 : i32
      %add3A_36 = arith.addi %mul3A_34, %add3A_35 : i32
      "tpu.region"() ({
        %run_scoped3A = tpu.sem_alloc : memref<!tpu.dma_semaphore, #tpu.memory_space<semaphore_mem>>
        %dma_start3A_104 = arith.constant 0 : i32
        %dma_start3A_105 = tpu.memref_slice %arg17[%add3A_36, %dma_start3A_104] : memref<10240x64xf32, #tpu.memory_space<vmem_shared>> -> memref<128x64xf32, #tpu.memory_space<vmem_shared>>
        %dma_start3A_106 = arith.constant 0 : i32
        %dma_start3A_107 = tpu.memref_slice %arg17[%add3A_36, %dma_start3A_106] : memref<10240x64xf32, #tpu.memory_space<vmem_shared>> -> memref<128x64xf32, #tpu.memory_space<vmem_shared>>
        tpu.enqueue_dma source(%dma_start3A_107 : memref<128x64xf32, #tpu.memory_space<vmem_shared>>) target(%arg15 : memref<128x64xf32, #tpu.memory_space<vmem>>) target_semaphore(%run_scoped3A : memref<!tpu.dma_semaphore, #tpu.memory_space<semaphore_mem>>)
        %dma_wait3A_108 = arith.constant 0 : i32
        %dma_wait3A_109 = tpu.memref_slice %arg17[%add3A_36, %dma_wait3A_108] : memref<10240x64xf32, #tpu.memory_space<vmem_shared>> -> memref<128x64xf32, #tpu.memory_space<vmem_shared>>
        %dma_wait3A_110 = arith.constant 0 : i32
        %dma_wait3A_111 = tpu.memref_slice %arg17[%add3A_36, %dma_wait3A_110] : memref<10240x64xf32, #tpu.memory_space<vmem_shared>> -> memref<128x64xf32, #tpu.memory_space<vmem_shared>>
        tpu.wait_dma2 semaphore(%run_scoped3A : memref<!tpu.dma_semaphore, #tpu.memory_space<semaphore_mem>>) src(%dma_wait3A_111 : memref<128x64xf32, #tpu.memory_space<vmem_shared>>) dst(%arg15 : memref<128x64xf32, #tpu.memory_space<vmem>>)
        tpu.yield
      }) : () -> ()
      %dma_start3A_37 = arith.constant 0 : i32
      %dma_start3A_38 = tpu.memref_slice %arg9[%add3A_36, %dma_start3A_37] : memref<10240x64xf32, #tpu.memory_space<hbm>> -> memref<128x64xf32, #tpu.memory_space<hbm>>
      %dma_start3A_39 = arith.constant 0 : i32
      %dma_start3A_40 = tpu.memref_slice %arg9[%add3A_36, %dma_start3A_39] : memref<10240x64xf32, #tpu.memory_space<hbm>> -> memref<128x64xf32, #tpu.memory_space<hbm>>
      tpu.enqueue_dma source(%arg15 : memref<128x64xf32, #tpu.memory_space<vmem>>) target(%dma_start3A_40 : memref<128x64xf32, #tpu.memory_space<hbm>>) target_semaphore(%arg19 : memref<!tpu.dma_semaphore, #tpu.memory_space<semaphore_mem>>)
      %mul3A_41 = arith.constant 640 : i32
      %mul3A_42 = arith.muli %arg1, %mul3A_41 : i32
      %add3A_43 = arith.constant 256 : i32
      %add3A_44 = arith.addi %mul3A_42, %add3A_43 : i32
      %mul3A_45 = arith.constant 640 : i32
      %mul3A_46 = arith.muli %arg1, %mul3A_45 : i32
      %add3A_47 = arith.constant 0 : i32
      %add3A_48 = arith.addi %mul3A_46, %add3A_47 : i32
      %dma_wait3A = arith.constant 0 : i32
      %dma_wait3A_49 = tpu.memref_slice %arg9[%add3A_48, %dma_wait3A] : memref<10240x64xf32, #tpu.memory_space<hbm>> -> memref<128x64xf32, #tpu.memory_space<hbm>>
      %dma_wait3A_50 = arith.constant 0 : i32
      %dma_wait3A_51 = tpu.memref_slice %arg9[%add3A_48, %dma_wait3A_50] : memref<10240x64xf32, #tpu.memory_space<hbm>> -> memref<128x64xf32, #tpu.memory_space<hbm>>
      tpu.wait_dma2 semaphore(%arg18 : memref<!tpu.dma_semaphore, #tpu.memory_space<semaphore_mem>>) src(%arg14 : memref<128x64xf32, #tpu.memory_space<vmem>>) dst(%dma_wait3A_51 : memref<128x64xf32, #tpu.memory_space<hbm>>)
      "tpu.region"() ({
        %run_scoped3A = tpu.sem_alloc : memref<!tpu.dma_semaphore, #tpu.memory_space<semaphore_mem>>
        %dma_start3A_104 = arith.constant 0 : i32
        %dma_start3A_105 = tpu.memref_slice %arg17[%add3A_44, %dma_start3A_104] : memref<10240x64xf32, #tpu.memory_space<vmem_shared>> -> memref<128x64xf32, #tpu.memory_space<vmem_shared>>
        %dma_start3A_106 = arith.constant 0 : i32
        %dma_start3A_107 = tpu.memref_slice %arg17[%add3A_44, %dma_start3A_106] : memref<10240x64xf32, #tpu.memory_space<vmem_shared>> -> memref<128x64xf32, #tpu.memory_space<vmem_shared>>
        tpu.enqueue_dma source(%dma_start3A_107 : memref<128x64xf32, #tpu.memory_space<vmem_shared>>) target(%arg14 : memref<128x64xf32, #tpu.memory_space<vmem>>) target_semaphore(%run_scoped3A : memref<!tpu.dma_semaphore, #tpu.memory_space<semaphore_mem>>)
        %dma_wait3A_108 = arith.constant 0 : i32
        %dma_wait3A_109 = tpu.memref_slice %arg17[%add3A_44, %dma_wait3A_108] : memref<10240x64xf32, #tpu.memory_space<vmem_shared>> -> memref<128x64xf32, #tpu.memory_space<vmem_shared>>
        %dma_wait3A_110 = arith.constant 0 : i32
        %dma_wait3A_111 = tpu.memref_slice %arg17[%add3A_44, %dma_wait3A_110] : memref<10240x64xf32, #tpu.memory_space<vmem_shared>> -> memref<128x64xf32, #tpu.memory_space<vmem_shared>>
        tpu.wait_dma2 semaphore(%run_scoped3A : memref<!tpu.dma_semaphore, #tpu.memory_space<semaphore_mem>>) src(%dma_wait3A_111 : memref<128x64xf32, #tpu.memory_space<vmem_shared>>) dst(%arg14 : memref<128x64xf32, #tpu.memory_space<vmem>>)
        tpu.yield
      }) : () -> ()
      %dma_start3A_52 = arith.constant 0 : i32
      %dma_start3A_53 = tpu.memref_slice %arg9[%add3A_44, %dma_start3A_52] : memref<10240x64xf32, #tpu.memory_space<hbm>> -> memref<128x64xf32, #tpu.memory_space<hbm>>
      %dma_start3A_54 = arith.constant 0 : i32
      %dma_start3A_55 = tpu.memref_slice %arg9[%add3A_44, %dma_start3A_54] : memref<10240x64xf32, #tpu.memory_space<hbm>> -> memref<128x64xf32, #tpu.memory_space<hbm>>
      tpu.enqueue_dma source(%arg14 : memref<128x64xf32, #tpu.memory_space<vmem>>) target(%dma_start3A_55 : memref<128x64xf32, #tpu.memory_space<hbm>>) target_semaphore(%arg18 : memref<!tpu.dma_semaphore, #tpu.memory_space<semaphore_mem>>)
      %mul3A_56 = arith.constant 640 : i32
      %mul3A_57 = arith.muli %arg1, %mul3A_56 : i32
      %add3A_58 = arith.constant 384 : i32
      %add3A_59 = arith.addi %mul3A_57, %add3A_58 : i32
      %mul3A_60 = arith.constant 640 : i32
      %mul3A_61 = arith.muli %arg1, %mul3A_60 : i32
      %add3A_62 = arith.constant 128 : i32
      %add3A_63 = arith.addi %mul3A_61, %add3A_62 : i32
      %dma_wait3A_64 = arith.constant 0 : i32
      %dma_wait3A_65 = tpu.memref_slice %arg9[%add3A_63, %dma_wait3A_64] : memref<10240x64xf32, #tpu.memory_space<hbm>> -> memref<128x64xf32, #tpu.memory_space<hbm>>
      %dma_wait3A_66 = arith.constant 0 : i32
      %dma_wait3A_67 = tpu.memref_slice %arg9[%add3A_63, %dma_wait3A_66] : memref<10240x64xf32, #tpu.memory_space<hbm>> -> memref<128x64xf32, #tpu.memory_space<hbm>>
      tpu.wait_dma2 semaphore(%arg19 : memref<!tpu.dma_semaphore, #tpu.memory_space<semaphore_mem>>) src(%arg15 : memref<128x64xf32, #tpu.memory_space<vmem>>) dst(%dma_wait3A_67 : memref<128x64xf32, #tpu.memory_space<hbm>>)
      "tpu.region"() ({
        %run_scoped3A = tpu.sem_alloc : memref<!tpu.dma_semaphore, #tpu.memory_space<semaphore_mem>>
        %dma_start3A_104 = arith.constant 0 : i32
        %dma_start3A_105 = tpu.memref_slice %arg17[%add3A_59, %dma_start3A_104] : memref<10240x64xf32, #tpu.memory_space<vmem_shared>> -> memref<128x64xf32, #tpu.memory_space<vmem_shared>>
        %dma_start3A_106 = arith.constant 0 : i32
        %dma_start3A_107 = tpu.memref_slice %arg17[%add3A_59, %dma_start3A_106] : memref<10240x64xf32, #tpu.memory_space<vmem_shared>> -> memref<128x64xf32, #tpu.memory_space<vmem_shared>>
        tpu.enqueue_dma source(%dma_start3A_107 : memref<128x64xf32, #tpu.memory_space<vmem_shared>>) target(%arg15 : memref<128x64xf32, #tpu.memory_space<vmem>>) target_semaphore(%run_scoped3A : memref<!tpu.dma_semaphore, #tpu.memory_space<semaphore_mem>>)
        %dma_wait3A_108 = arith.constant 0 : i32
        %dma_wait3A_109 = tpu.memref_slice %arg17[%add3A_59, %dma_wait3A_108] : memref<10240x64xf32, #tpu.memory_space<vmem_shared>> -> memref<128x64xf32, #tpu.memory_space<vmem_shared>>
        %dma_wait3A_110 = arith.constant 0 : i32
        %dma_wait3A_111 = tpu.memref_slice %arg17[%add3A_59, %dma_wait3A_110] : memref<10240x64xf32, #tpu.memory_space<vmem_shared>> -> memref<128x64xf32, #tpu.memory_space<vmem_shared>>
        tpu.wait_dma2 semaphore(%run_scoped3A : memref<!tpu.dma_semaphore, #tpu.memory_space<semaphore_mem>>) src(%dma_wait3A_111 : memref<128x64xf32, #tpu.memory_space<vmem_shared>>) dst(%arg15 : memref<128x64xf32, #tpu.memory_space<vmem>>)
        tpu.yield
      }) : () -> ()
      %dma_start3A_68 = arith.constant 0 : i32
      %dma_start3A_69 = tpu.memref_slice %arg9[%add3A_59, %dma_start3A_68] : memref<10240x64xf32, #tpu.memory_space<hbm>> -> memref<128x64xf32, #tpu.memory_space<hbm>>
      %dma_start3A_70 = arith.constant 0 : i32
      %dma_start3A_71 = tpu.memref_slice %arg9[%add3A_59, %dma_start3A_70] : memref<10240x64xf32, #tpu.memory_space<hbm>> -> memref<128x64xf32, #tpu.memory_space<hbm>>
      tpu.enqueue_dma source(%arg15 : memref<128x64xf32, #tpu.memory_space<vmem>>) target(%dma_start3A_71 : memref<128x64xf32, #tpu.memory_space<hbm>>) target_semaphore(%arg19 : memref<!tpu.dma_semaphore, #tpu.memory_space<semaphore_mem>>)
      %mul3A_72 = arith.constant 640 : i32
      %mul3A_73 = arith.muli %arg1, %mul3A_72 : i32
      %add3A_74 = arith.constant 512 : i32
      %add3A_75 = arith.addi %mul3A_73, %add3A_74 : i32
      %mul3A_76 = arith.constant 640 : i32
      %mul3A_77 = arith.muli %arg1, %mul3A_76 : i32
      %add3A_78 = arith.constant 256 : i32
      %add3A_79 = arith.addi %mul3A_77, %add3A_78 : i32
      %dma_wait3A_80 = arith.constant 0 : i32
      %dma_wait3A_81 = tpu.memref_slice %arg9[%add3A_79, %dma_wait3A_80] : memref<10240x64xf32, #tpu.memory_space<hbm>> -> memref<128x64xf32, #tpu.memory_space<hbm>>
      %dma_wait3A_82 = arith.constant 0 : i32
      %dma_wait3A_83 = tpu.memref_slice %arg9[%add3A_79, %dma_wait3A_82] : memref<10240x64xf32, #tpu.memory_space<hbm>> -> memref<128x64xf32, #tpu.memory_space<hbm>>
      tpu.wait_dma2 semaphore(%arg18 : memref<!tpu.dma_semaphore, #tpu.memory_space<semaphore_mem>>) src(%arg14 : memref<128x64xf32, #tpu.memory_space<vmem>>) dst(%dma_wait3A_83 : memref<128x64xf32, #tpu.memory_space<hbm>>)
      "tpu.region"() ({
        %run_scoped3A = tpu.sem_alloc : memref<!tpu.dma_semaphore, #tpu.memory_space<semaphore_mem>>
        %dma_start3A_104 = arith.constant 0 : i32
        %dma_start3A_105 = tpu.memref_slice %arg17[%add3A_75, %dma_start3A_104] : memref<10240x64xf32, #tpu.memory_space<vmem_shared>> -> memref<128x64xf32, #tpu.memory_space<vmem_shared>>
        %dma_start3A_106 = arith.constant 0 : i32
        %dma_start3A_107 = tpu.memref_slice %arg17[%add3A_75, %dma_start3A_106] : memref<10240x64xf32, #tpu.memory_space<vmem_shared>> -> memref<128x64xf32, #tpu.memory_space<vmem_shared>>
        tpu.enqueue_dma source(%dma_start3A_107 : memref<128x64xf32, #tpu.memory_space<vmem_shared>>) target(%arg14 : memref<128x64xf32, #tpu.memory_space<vmem>>) target_semaphore(%run_scoped3A : memref<!tpu.dma_semaphore, #tpu.memory_space<semaphore_mem>>)
        %dma_wait3A_108 = arith.constant 0 : i32
        %dma_wait3A_109 = tpu.memref_slice %arg17[%add3A_75, %dma_wait3A_108] : memref<10240x64xf32, #tpu.memory_space<vmem_shared>> -> memref<128x64xf32, #tpu.memory_space<vmem_shared>>
        %dma_wait3A_110 = arith.constant 0 : i32
        %dma_wait3A_111 = tpu.memref_slice %arg17[%add3A_75, %dma_wait3A_110] : memref<10240x64xf32, #tpu.memory_space<vmem_shared>> -> memref<128x64xf32, #tpu.memory_space<vmem_shared>>
        tpu.wait_dma2 semaphore(%run_scoped3A : memref<!tpu.dma_semaphore, #tpu.memory_space<semaphore_mem>>) src(%dma_wait3A_111 : memref<128x64xf32, #tpu.memory_space<vmem_shared>>) dst(%arg14 : memref<128x64xf32, #tpu.memory_space<vmem>>)
        tpu.yield
      }) : () -> ()
      %dma_start3A_84 = arith.constant 0 : i32
      %dma_start3A_85 = tpu.memref_slice %arg9[%add3A_75, %dma_start3A_84] : memref<10240x64xf32, #tpu.memory_space<hbm>> -> memref<128x64xf32, #tpu.memory_space<hbm>>
      %dma_start3A_86 = arith.constant 0 : i32
      %dma_start3A_87 = tpu.memref_slice %arg9[%add3A_75, %dma_start3A_86] : memref<10240x64xf32, #tpu.memory_space<hbm>> -> memref<128x64xf32, #tpu.memory_space<hbm>>
      tpu.enqueue_dma source(%arg14 : memref<128x64xf32, #tpu.memory_space<vmem>>) target(%dma_start3A_87 : memref<128x64xf32, #tpu.memory_space<hbm>>) target_semaphore(%arg18 : memref<!tpu.dma_semaphore, #tpu.memory_space<semaphore_mem>>)
      %mul3A_88 = arith.constant 640 : i32
      %mul3A_89 = arith.muli %arg1, %mul3A_88 : i32
      %add3A_90 = arith.constant 384 : i32
      %add3A_91 = arith.addi %mul3A_89, %add3A_90 : i32
      %dma_wait3A_92 = arith.constant 0 : i32
      %dma_wait3A_93 = tpu.memref_slice %arg9[%add3A_91, %dma_wait3A_92] : memref<10240x64xf32, #tpu.memory_space<hbm>> -> memref<128x64xf32, #tpu.memory_space<hbm>>
      %dma_wait3A_94 = arith.constant 0 : i32
      %dma_wait3A_95 = tpu.memref_slice %arg9[%add3A_91, %dma_wait3A_94] : memref<10240x64xf32, #tpu.memory_space<hbm>> -> memref<128x64xf32, #tpu.memory_space<hbm>>
      tpu.wait_dma2 semaphore(%arg19 : memref<!tpu.dma_semaphore, #tpu.memory_space<semaphore_mem>>) src(%arg15 : memref<128x64xf32, #tpu.memory_space<vmem>>) dst(%dma_wait3A_95 : memref<128x64xf32, #tpu.memory_space<hbm>>)
      %mul3A_96 = arith.constant 640 : i32
      %mul3A_97 = arith.muli %arg1, %mul3A_96 : i32
      %add3A_98 = arith.constant 512 : i32
      %add3A_99 = arith.addi %mul3A_97, %add3A_98 : i32
      %dma_wait3A_100 = arith.constant 0 : i32
      %dma_wait3A_101 = tpu.memref_slice %arg9[%add3A_99, %dma_wait3A_100] : memref<10240x64xf32, #tpu.memory_space<hbm>> -> memref<128x64xf32, #tpu.memory_space<hbm>>
      %dma_wait3A_102 = arith.constant 0 : i32
      %dma_wait3A_103 = tpu.memref_slice %arg9[%add3A_99, %dma_wait3A_102] : memref<10240x64xf32, #tpu.memory_space<hbm>> -> memref<128x64xf32, #tpu.memory_space<hbm>>
      tpu.wait_dma2 semaphore(%arg18 : memref<!tpu.dma_semaphore, #tpu.memory_space<semaphore_mem>>) src(%arg14 : memref<128x64xf32, #tpu.memory_space<vmem>>) dst(%dma_wait3A_103 : memref<128x64xf32, #tpu.memory_space<hbm>>)
    } else {
    }
    return
  }
}

#map = affine_map<(d0, d1) -> (0, 0)>
#map1 = affine_map<(d0, d1) -> (0)>
module attributes {stable_mosaic.version = 14 : i64} {
  func.func @_deg_body(%arg0: i32, %arg1: i32, %arg2: memref<2560x128xi32, #tpu.memory_space<hbm>>, %arg3: memref<20480xf32, #tpu.memory_space<hbm>>, %arg4: memref<80x128xi32, #tpu.memory_space<vmem>>, %arg5: memref<128xf32, #tpu.memory_space<vmem>>, %arg6: memref<640xf32, #tpu.memory_space<vmem>>, %arg7: memref<10240xf32, #tpu.memory_space<vmem_shared>>) attributes {dimension_semantics = [#tpu.dimension_semantics<core_parallel>, #tpu.dimension_semantics<subcore_parallel>], iteration_bounds = array<i64: 2, 16>, scalar_prefetch = 0 : i64, scratch_operands = 4 : i64, tpu.core_type = #tpu.core_type<sc_vector_subcore>, window_params = [{transform_indices = #map}, {transform_indices = #map1}]} {
    %mul3A = arith.constant 2 : i32
    %mul3A_0 = arith.muli %arg1, %mul3A : i32
    %add3A = arith.addi %mul3A_0, %arg0 : i32
    %broadcast_in_dim3A = arith.constant 1.000000e+00 : f32
    %broadcast_in_dim3A_1 = vector.broadcast %broadcast_in_dim3A : f32 to vector<16xf32>
    %swap3A = arith.constant 0 : index
    %swap3A_2 = tpu.vector_load %arg5[%swap3A] {strides = array<i32>} : memref<128xf32, #tpu.memory_space<vmem>>, vector<16xf32>,
    %swap3A_3 = vector.shape_cast %swap3A_2 : vector<16xf32> to vector<16xf32>
    %swap3A_4 = vector.shape_cast %broadcast_in_dim3A_1 : vector<16xf32> to vector<16xf32>
    tpu.vector_store %arg5[%swap3A], %swap3A_4 {strides = array<i32>} : memref<128xf32, #tpu.memory_space<vmem>>, vector<16xf32>,
    %broadcast_in_dim3A_5 = arith.constant 1.000000e+00 : f32
    %broadcast_in_dim3A_6 = vector.broadcast %broadcast_in_dim3A_5 : f32 to vector<16xf32>
    %swap3A_7 = arith.constant 16 : index
    %swap3A_8 = tpu.vector_load %arg5[%swap3A_7] {strides = array<i32>} : memref<128xf32, #tpu.memory_space<vmem>>, vector<16xf32>,
    %swap3A_9 = vector.shape_cast %swap3A_8 : vector<16xf32> to vector<16xf32>
    %swap3A_10 = vector.shape_cast %broadcast_in_dim3A_6 : vector<16xf32> to vector<16xf32>
    tpu.vector_store %arg5[%swap3A_7], %swap3A_10 {strides = array<i32>} : memref<128xf32, #tpu.memory_space<vmem>>, vector<16xf32>,
    %broadcast_in_dim3A_11 = arith.constant 1.000000e+00 : f32
    %broadcast_in_dim3A_12 = vector.broadcast %broadcast_in_dim3A_11 : f32 to vector<16xf32>
    %swap3A_13 = arith.constant 32 : index
    %swap3A_14 = tpu.vector_load %arg5[%swap3A_13] {strides = array<i32>} : memref<128xf32, #tpu.memory_space<vmem>>, vector<16xf32>,
    %swap3A_15 = vector.shape_cast %swap3A_14 : vector<16xf32> to vector<16xf32>
    %swap3A_16 = vector.shape_cast %broadcast_in_dim3A_12 : vector<16xf32> to vector<16xf32>
    tpu.vector_store %arg5[%swap3A_13], %swap3A_16 {strides = array<i32>} : memref<128xf32, #tpu.memory_space<vmem>>, vector<16xf32>,
    %broadcast_in_dim3A_17 = arith.constant 1.000000e+00 : f32
    %broadcast_in_dim3A_18 = vector.broadcast %broadcast_in_dim3A_17 : f32 to vector<16xf32>
    %swap3A_19 = arith.constant 48 : index
    %swap3A_20 = tpu.vector_load %arg5[%swap3A_19] {strides = array<i32>} : memref<128xf32, #tpu.memory_space<vmem>>, vector<16xf32>,
    %swap3A_21 = vector.shape_cast %swap3A_20 : vector<16xf32> to vector<16xf32>
    %swap3A_22 = vector.shape_cast %broadcast_in_dim3A_18 : vector<16xf32> to vector<16xf32>
    tpu.vector_store %arg5[%swap3A_19], %swap3A_22 {strides = array<i32>} : memref<128xf32, #tpu.memory_space<vmem>>, vector<16xf32>,
    %broadcast_in_dim3A_23 = arith.constant 1.000000e+00 : f32
    %broadcast_in_dim3A_24 = vector.broadcast %broadcast_in_dim3A_23 : f32 to vector<16xf32>
    %swap3A_25 = arith.constant 64 : index
    %swap3A_26 = tpu.vector_load %arg5[%swap3A_25] {strides = array<i32>} : memref<128xf32, #tpu.memory_space<vmem>>, vector<16xf32>,
    %swap3A_27 = vector.shape_cast %swap3A_26 : vector<16xf32> to vector<16xf32>
    %swap3A_28 = vector.shape_cast %broadcast_in_dim3A_24 : vector<16xf32> to vector<16xf32>
    tpu.vector_store %arg5[%swap3A_25], %swap3A_28 {strides = array<i32>} : memref<128xf32, #tpu.memory_space<vmem>>, vector<16xf32>,
    %broadcast_in_dim3A_29 = arith.constant 1.000000e+00 : f32
    %broadcast_in_dim3A_30 = vector.broadcast %broadcast_in_dim3A_29 : f32 to vector<16xf32>
    %swap3A_31 = arith.constant 80 : index
    %swap3A_32 = tpu.vector_load %arg5[%swap3A_31] {strides = array<i32>} : memref<128xf32, #tpu.memory_space<vmem>>, vector<16xf32>,
    %swap3A_33 = vector.shape_cast %swap3A_32 : vector<16xf32> to vector<16xf32>
    %swap3A_34 = vector.shape_cast %broadcast_in_dim3A_30 : vector<16xf32> to vector<16xf32>
    tpu.vector_store %arg5[%swap3A_31], %swap3A_34 {strides = array<i32>} : memref<128xf32, #tpu.memory_space<vmem>>, vector<16xf32>,
    %broadcast_in_dim3A_35 = arith.constant 1.000000e+00 : f32
    %broadcast_in_dim3A_36 = vector.broadcast %broadcast_in_dim3A_35 : f32 to vector<16xf32>
    %swap3A_37 = arith.constant 96 : index
    %swap3A_38 = tpu.vector_load %arg5[%swap3A_37] {strides = array<i32>} : memref<128xf32, #tpu.memory_space<vmem>>, vector<16xf32>,
    %swap3A_39 = vector.shape_cast %swap3A_38 : vector<16xf32> to vector<16xf32>
    %swap3A_40 = vector.shape_cast %broadcast_in_dim3A_36 : vector<16xf32> to vector<16xf32>
    tpu.vector_store %arg5[%swap3A_37], %swap3A_40 {strides = array<i32>} : memref<128xf32, #tpu.memory_space<vmem>>, vector<16xf32>,
    %broadcast_in_dim3A_41 = arith.constant 1.000000e+00 : f32
    %broadcast_in_dim3A_42 = vector.broadcast %broadcast_in_dim3A_41 : f32 to vector<16xf32>
    %swap3A_43 = arith.constant 112 : index
    %swap3A_44 = tpu.vector_load %arg5[%swap3A_43] {strides = array<i32>} : memref<128xf32, #tpu.memory_space<vmem>>, vector<16xf32>,
    %swap3A_45 = vector.shape_cast %swap3A_44 : vector<16xf32> to vector<16xf32>
    %swap3A_46 = vector.shape_cast %broadcast_in_dim3A_42 : vector<16xf32> to vector<16xf32>
    tpu.vector_store %arg5[%swap3A_43], %swap3A_46 {strides = array<i32>} : memref<128xf32, #tpu.memory_space<vmem>>, vector<16xf32>,
    %broadcast_in_dim3A_47 = arith.constant 0.000000e+00 : f32
    %broadcast_in_dim3A_48 = vector.broadcast %broadcast_in_dim3A_47 : f32 to vector<16xf32>
    %swap3A_49 = arith.constant 0 : index
    %swap3A_50 = tpu.vector_load %arg6[%swap3A_49] {strides = array<i32>} : memref<640xf32, #tpu.memory_space<vmem>>, vector<16xf32>,
    %swap3A_51 = vector.shape_cast %swap3A_50 : vector<16xf32> to vector<16xf32>
    %swap3A_52 = vector.shape_cast %broadcast_in_dim3A_48 : vector<16xf32> to vector<16xf32>
    tpu.vector_store %arg6[%swap3A_49], %swap3A_52 {strides = array<i32>} : memref<640xf32, #tpu.memory_space<vmem>>, vector<16xf32>,
    %broadcast_in_dim3A_53 = arith.constant 0.000000e+00 : f32
    %broadcast_in_dim3A_54 = vector.broadcast %broadcast_in_dim3A_53 : f32 to vector<16xf32>
    %swap3A_55 = arith.constant 16 : index
    %swap3A_56 = tpu.vector_load %arg6[%swap3A_55] {strides = array<i32>} : memref<640xf32, #tpu.memory_space<vmem>>, vector<16xf32>,
    %swap3A_57 = vector.shape_cast %swap3A_56 : vector<16xf32> to vector<16xf32>
    %swap3A_58 = vector.shape_cast %broadcast_in_dim3A_54 : vector<16xf32> to vector<16xf32>
    tpu.vector_store %arg6[%swap3A_55], %swap3A_58 {strides = array<i32>} : memref<640xf32, #tpu.memory_space<vmem>>, vector<16xf32>,
    %broadcast_in_dim3A_59 = arith.constant 0.000000e+00 : f32
    %broadcast_in_dim3A_60 = vector.broadcast %broadcast_in_dim3A_59 : f32 to vector<16xf32>
    %swap3A_61 = arith.constant 32 : index
    %swap3A_62 = tpu.vector_load %arg6[%swap3A_61] {strides = array<i32>} : memref<640xf32, #tpu.memory_space<vmem>>, vector<16xf32>,
    %swap3A_63 = vector.shape_cast %swap3A_62 : vector<16xf32> to vector<16xf32>
    %swap3A_64 = vector.shape_cast %broadcast_in_dim3A_60 : vector<16xf32> to vector<16xf32>
    tpu.vector_store %arg6[%swap3A_61], %swap3A_64 {strides = array<i32>} : memref<640xf32, #tpu.memory_space<vmem>>, vector<16xf32>,
    %broadcast_in_dim3A_65 = arith.constant 0.000000e+00 : f32
    %broadcast_in_dim3A_66 = vector.broadcast %broadcast_in_dim3A_65 : f32 to vector<16xf32>
    %swap3A_67 = arith.constant 48 : index
    %swap3A_68 = tpu.vector_load %arg6[%swap3A_67] {strides = array<i32>} : memref<640xf32, #tpu.memory_space<vmem>>, vector<16xf32>,
    %swap3A_69 = vector.shape_cast %swap3A_68 : vector<16xf32> to vector<16xf32>
    %swap3A_70 = vector.shape_cast %broadcast_in_dim3A_66 : vector<16xf32> to vector<16xf32>
    tpu.vector_store %arg6[%swap3A_67], %swap3A_70 {strides = array<i32>} : memref<640xf32, #tpu.memory_space<vmem>>, vector<16xf32>,
    %broadcast_in_dim3A_71 = arith.constant 0.000000e+00 : f32
    %broadcast_in_dim3A_72 = vector.broadcast %broadcast_in_dim3A_71 : f32 to vector<16xf32>
    %swap3A_73 = arith.constant 64 : index
    %swap3A_74 = tpu.vector_load %arg6[%swap3A_73] {strides = array<i32>} : memref<640xf32, #tpu.memory_space<vmem>>, vector<16xf32>,
    %swap3A_75 = vector.shape_cast %swap3A_74 : vector<16xf32> to vector<16xf32>
    %swap3A_76 = vector.shape_cast %broadcast_in_dim3A_72 : vector<16xf32> to vector<16xf32>
    tpu.vector_store %arg6[%swap3A_73], %swap3A_76 {strides = array<i32>} : memref<640xf32, #tpu.memory_space<vmem>>, vector<16xf32>,
    %broadcast_in_dim3A_77 = arith.constant 0.000000e+00 : f32
    %broadcast_in_dim3A_78 = vector.broadcast %broadcast_in_dim3A_77 : f32 to vector<16xf32>
    %swap3A_79 = arith.constant 80 : index
    %swap3A_80 = tpu.vector_load %arg6[%swap3A_79] {strides = array<i32>} : memref<640xf32, #tpu.memory_space<vmem>>, vector<16xf32>,
    %swap3A_81 = vector.shape_cast %swap3A_80 : vector<16xf32> to vector<16xf32>
    %swap3A_82 = vector.shape_cast %broadcast_in_dim3A_78 : vector<16xf32> to vector<16xf32>
    tpu.vector_store %arg6[%swap3A_79], %swap3A_82 {strides = array<i32>} : memref<640xf32, #tpu.memory_space<vmem>>, vector<16xf32>,
    %broadcast_in_dim3A_83 = arith.constant 0.000000e+00 : f32
    %broadcast_in_dim3A_84 = vector.broadcast %broadcast_in_dim3A_83 : f32 to vector<16xf32>
    %swap3A_85 = arith.constant 96 : index
    %swap3A_86 = tpu.vector_load %arg6[%swap3A_85] {strides = array<i32>} : memref<640xf32, #tpu.memory_space<vmem>>, vector<16xf32>,
    %swap3A_87 = vector.shape_cast %swap3A_86 : vector<16xf32> to vector<16xf32>
    %swap3A_88 = vector.shape_cast %broadcast_in_dim3A_84 : vector<16xf32> to vector<16xf32>
    tpu.vector_store %arg6[%swap3A_85], %swap3A_88 {strides = array<i32>} : memref<640xf32, #tpu.memory_space<vmem>>, vector<16xf32>,
    %broadcast_in_dim3A_89 = arith.constant 0.000000e+00 : f32
    %broadcast_in_dim3A_90 = vector.broadcast %broadcast_in_dim3A_89 : f32 to vector<16xf32>
    %swap3A_91 = arith.constant 112 : index
    %swap3A_92 = tpu.vector_load %arg6[%swap3A_91] {strides = array<i32>} : memref<640xf32, #tpu.memory_space<vmem>>, vector<16xf32>,
    %swap3A_93 = vector.shape_cast %swap3A_92 : vector<16xf32> to vector<16xf32>
    %swap3A_94 = vector.shape_cast %broadcast_in_dim3A_90 : vector<16xf32> to vector<16xf32>
    tpu.vector_store %arg6[%swap3A_91], %swap3A_94 {strides = array<i32>} : memref<640xf32, #tpu.memory_space<vmem>>, vector<16xf32>,
    %broadcast_in_dim3A_95 = arith.constant 0.000000e+00 : f32
    %broadcast_in_dim3A_96 = vector.broadcast %broadcast_in_dim3A_95 : f32 to vector<16xf32>
    %swap3A_97 = arith.constant 128 : index
    %swap3A_98 = tpu.vector_load %arg6[%swap3A_97] {strides = array<i32>} : memref<640xf32, #tpu.memory_space<vmem>>, vector<16xf32>,
    %swap3A_99 = vector.shape_cast %swap3A_98 : vector<16xf32> to vector<16xf32>
    %swap3A_100 = vector.shape_cast %broadcast_in_dim3A_96 : vector<16xf32> to vector<16xf32>
    tpu.vector_store %arg6[%swap3A_97], %swap3A_100 {strides = array<i32>} : memref<640xf32, #tpu.memory_space<vmem>>, vector<16xf32>,
    %broadcast_in_dim3A_101 = arith.constant 0.000000e+00 : f32
    %broadcast_in_dim3A_102 = vector.broadcast %broadcast_in_dim3A_101 : f32 to vector<16xf32>
    %swap3A_103 = arith.constant 144 : index
    %swap3A_104 = tpu.vector_load %arg6[%swap3A_103] {strides = array<i32>} : memref<640xf32, #tpu.memory_space<vmem>>, vector<16xf32>,
    %swap3A_105 = vector.shape_cast %swap3A_104 : vector<16xf32> to vector<16xf32>
    %swap3A_106 = vector.shape_cast %broadcast_in_dim3A_102 : vector<16xf32> to vector<16xf32>
    tpu.vector_store %arg6[%swap3A_103], %swap3A_106 {strides = array<i32>} : memref<640xf32, #tpu.memory_space<vmem>>, vector<16xf32>,
    %broadcast_in_dim3A_107 = arith.constant 0.000000e+00 : f32
    %broadcast_in_dim3A_108 = vector.broadcast %broadcast_in_dim3A_107 : f32 to vector<16xf32>
    %swap3A_109 = arith.constant 160 : index
    %swap3A_110 = tpu.vector_load %arg6[%swap3A_109] {strides = array<i32>} : memref<640xf32, #tpu.memory_space<vmem>>, vector<16xf32>,
    %swap3A_111 = vector.shape_cast %swap3A_110 : vector<16xf32> to vector<16xf32>
    %swap3A_112 = vector.shape_cast %broadcast_in_dim3A_108 : vector<16xf32> to vector<16xf32>
    tpu.vector_store %arg6[%swap3A_109], %swap3A_112 {strides = array<i32>} : memref<640xf32, #tpu.memory_space<vmem>>, vector<16xf32>,
    %broadcast_in_dim3A_113 = arith.constant 0.000000e+00 : f32
    %broadcast_in_dim3A_114 = vector.broadcast %broadcast_in_dim3A_113 : f32 to vector<16xf32>
    %swap3A_115 = arith.constant 176 : index
    %swap3A_116 = tpu.vector_load %arg6[%swap3A_115] {strides = array<i32>} : memref<640xf32, #tpu.memory_space<vmem>>, vector<16xf32>,
    %swap3A_117 = vector.shape_cast %swap3A_116 : vector<16xf32> to vector<16xf32>
    %swap3A_118 = vector.shape_cast %broadcast_in_dim3A_114 : vector<16xf32> to vector<16xf32>
    tpu.vector_store %arg6[%swap3A_115], %swap3A_118 {strides = array<i32>} : memref<640xf32, #tpu.memory_space<vmem>>, vector<16xf32>,
    %broadcast_in_dim3A_119 = arith.constant 0.000000e+00 : f32
    %broadcast_in_dim3A_120 = vector.broadcast %broadcast_in_dim3A_119 : f32 to vector<16xf32>
    %swap3A_121 = arith.constant 192 : index
    %swap3A_122 = tpu.vector_load %arg6[%swap3A_121] {strides = array<i32>} : memref<640xf32, #tpu.memory_space<vmem>>, vector<16xf32>,
    %swap3A_123 = vector.shape_cast %swap3A_122 : vector<16xf32> to vector<16xf32>
    %swap3A_124 = vector.shape_cast %broadcast_in_dim3A_120 : vector<16xf32> to vector<16xf32>
    tpu.vector_store %arg6[%swap3A_121], %swap3A_124 {strides = array<i32>} : memref<640xf32, #tpu.memory_space<vmem>>, vector<16xf32>,
    %broadcast_in_dim3A_125 = arith.constant 0.000000e+00 : f32
    %broadcast_in_dim3A_126 = vector.broadcast %broadcast_in_dim3A_125 : f32 to vector<16xf32>
    %swap3A_127 = arith.constant 208 : index
    %swap3A_128 = tpu.vector_load %arg6[%swap3A_127] {strides = array<i32>} : memref<640xf32, #tpu.memory_space<vmem>>, vector<16xf32>,
    %swap3A_129 = vector.shape_cast %swap3A_128 : vector<16xf32> to vector<16xf32>
    %swap3A_130 = vector.shape_cast %broadcast_in_dim3A_126 : vector<16xf32> to vector<16xf32>
    tpu.vector_store %arg6[%swap3A_127], %swap3A_130 {strides = array<i32>} : memref<640xf32, #tpu.memory_space<vmem>>, vector<16xf32>,
    %broadcast_in_dim3A_131 = arith.constant 0.000000e+00 : f32
    %broadcast_in_dim3A_132 = vector.broadcast %broadcast_in_dim3A_131 : f32 to vector<16xf32>
    %swap3A_133 = arith.constant 224 : index
    %swap3A_134 = tpu.vector_load %arg6[%swap3A_133] {strides = array<i32>} : memref<640xf32, #tpu.memory_space<vmem>>, vector<16xf32>,
    %swap3A_135 = vector.shape_cast %swap3A_134 : vector<16xf32> to vector<16xf32>
    %swap3A_136 = vector.shape_cast %broadcast_in_dim3A_132 : vector<16xf32> to vector<16xf32>
    tpu.vector_store %arg6[%swap3A_133], %swap3A_136 {strides = array<i32>} : memref<640xf32, #tpu.memory_space<vmem>>, vector<16xf32>,
    %broadcast_in_dim3A_137 = arith.constant 0.000000e+00 : f32
    %broadcast_in_dim3A_138 = vector.broadcast %broadcast_in_dim3A_137 : f32 to vector<16xf32>
    %swap3A_139 = arith.constant 240 : index
    %swap3A_140 = tpu.vector_load %arg6[%swap3A_139] {strides = array<i32>} : memref<640xf32, #tpu.memory_space<vmem>>, vector<16xf32>,
    %swap3A_141 = vector.shape_cast %swap3A_140 : vector<16xf32> to vector<16xf32>
    %swap3A_142 = vector.shape_cast %broadcast_in_dim3A_138 : vector<16xf32> to vector<16xf32>
    tpu.vector_store %arg6[%swap3A_139], %swap3A_142 {strides = array<i32>} : memref<640xf32, #tpu.memory_space<vmem>>, vector<16xf32>,
    %broadcast_in_dim3A_143 = arith.constant 0.000000e+00 : f32
    %broadcast_in_dim3A_144 = vector.broadcast %broadcast_in_dim3A_143 : f32 to vector<16xf32>
    %swap3A_145 = arith.constant 256 : index
    %swap3A_146 = tpu.vector_load %arg6[%swap3A_145] {strides = array<i32>} : memref<640xf32, #tpu.memory_space<vmem>>, vector<16xf32>,
    %swap3A_147 = vector.shape_cast %swap3A_146 : vector<16xf32> to vector<16xf32>
    %swap3A_148 = vector.shape_cast %broadcast_in_dim3A_144 : vector<16xf32> to vector<16xf32>
    tpu.vector_store %arg6[%swap3A_145], %swap3A_148 {strides = array<i32>} : memref<640xf32, #tpu.memory_space<vmem>>, vector<16xf32>,
    %broadcast_in_dim3A_149 = arith.constant 0.000000e+00 : f32
    %broadcast_in_dim3A_150 = vector.broadcast %broadcast_in_dim3A_149 : f32 to vector<16xf32>
    %swap3A_151 = arith.constant 272 : index
    %swap3A_152 = tpu.vector_load %arg6[%swap3A_151] {strides = array<i32>} : memref<640xf32, #tpu.memory_space<vmem>>, vector<16xf32>,
    %swap3A_153 = vector.shape_cast %swap3A_152 : vector<16xf32> to vector<16xf32>
    %swap3A_154 = vector.shape_cast %broadcast_in_dim3A_150 : vector<16xf32> to vector<16xf32>
    tpu.vector_store %arg6[%swap3A_151], %swap3A_154 {strides = array<i32>} : memref<640xf32, #tpu.memory_space<vmem>>, vector<16xf32>,
    %broadcast_in_dim3A_155 = arith.constant 0.000000e+00 : f32
    %broadcast_in_dim3A_156 = vector.broadcast %broadcast_in_dim3A_155 : f32 to vector<16xf32>
    %swap3A_157 = arith.constant 288 : index
    %swap3A_158 = tpu.vector_load %arg6[%swap3A_157] {strides = array<i32>} : memref<640xf32, #tpu.memory_space<vmem>>, vector<16xf32>,
    %swap3A_159 = vector.shape_cast %swap3A_158 : vector<16xf32> to vector<16xf32>
    %swap3A_160 = vector.shape_cast %broadcast_in_dim3A_156 : vector<16xf32> to vector<16xf32>
    tpu.vector_store %arg6[%swap3A_157], %swap3A_160 {strides = array<i32>} : memref<640xf32, #tpu.memory_space<vmem>>, vector<16xf32>,
    %broadcast_in_dim3A_161 = arith.constant 0.000000e+00 : f32
    %broadcast_in_dim3A_162 = vector.broadcast %broadcast_in_dim3A_161 : f32 to vector<16xf32>
    %swap3A_163 = arith.constant 304 : index
    %swap3A_164 = tpu.vector_load %arg6[%swap3A_163] {strides = array<i32>} : memref<640xf32, #tpu.memory_space<vmem>>, vector<16xf32>,
    %swap3A_165 = vector.shape_cast %swap3A_164 : vector<16xf32> to vector<16xf32>
    %swap3A_166 = vector.shape_cast %broadcast_in_dim3A_162 : vector<16xf32> to vector<16xf32>
    tpu.vector_store %arg6[%swap3A_163], %swap3A_166 {strides = array<i32>} : memref<640xf32, #tpu.memory_space<vmem>>, vector<16xf32>,
    %broadcast_in_dim3A_167 = arith.constant 0.000000e+00 : f32
    %broadcast_in_dim3A_168 = vector.broadcast %broadcast_in_dim3A_167 : f32 to vector<16xf32>
    %swap3A_169 = arith.constant 320 : index
    %swap3A_170 = tpu.vector_load %arg6[%swap3A_169] {strides = array<i32>} : memref<640xf32, #tpu.memory_space<vmem>>, vector<16xf32>,
    %swap3A_171 = vector.shape_cast %swap3A_170 : vector<16xf32> to vector<16xf32>
    %swap3A_172 = vector.shape_cast %broadcast_in_dim3A_168 : vector<16xf32> to vector<16xf32>
    tpu.vector_store %arg6[%swap3A_169], %swap3A_172 {strides = array<i32>} : memref<640xf32, #tpu.memory_space<vmem>>, vector<16xf32>,
    %broadcast_in_dim3A_173 = arith.constant 0.000000e+00 : f32
    %broadcast_in_dim3A_174 = vector.broadcast %broadcast_in_dim3A_173 : f32 to vector<16xf32>
    %swap3A_175 = arith.constant 336 : index
    %swap3A_176 = tpu.vector_load %arg6[%swap3A_175] {strides = array<i32>} : memref<640xf32, #tpu.memory_space<vmem>>, vector<16xf32>,
    %swap3A_177 = vector.shape_cast %swap3A_176 : vector<16xf32> to vector<16xf32>
    %swap3A_178 = vector.shape_cast %broadcast_in_dim3A_174 : vector<16xf32> to vector<16xf32>
    tpu.vector_store %arg6[%swap3A_175], %swap3A_178 {strides = array<i32>} : memref<640xf32, #tpu.memory_space<vmem>>, vector<16xf32>,
    %broadcast_in_dim3A_179 = arith.constant 0.000000e+00 : f32
    %broadcast_in_dim3A_180 = vector.broadcast %broadcast_in_dim3A_179 : f32 to vector<16xf32>
    %swap3A_181 = arith.constant 352 : index
    %swap3A_182 = tpu.vector_load %arg6[%swap3A_181] {strides = array<i32>} : memref<640xf32, #tpu.memory_space<vmem>>, vector<16xf32>,
    %swap3A_183 = vector.shape_cast %swap3A_182 : vector<16xf32> to vector<16xf32>
    %swap3A_184 = vector.shape_cast %broadcast_in_dim3A_180 : vector<16xf32> to vector<16xf32>
    tpu.vector_store %arg6[%swap3A_181], %swap3A_184 {strides = array<i32>} : memref<640xf32, #tpu.memory_space<vmem>>, vector<16xf32>,
    %broadcast_in_dim3A_185 = arith.constant 0.000000e+00 : f32
    %broadcast_in_dim3A_186 = vector.broadcast %broadcast_in_dim3A_185 : f32 to vector<16xf32>
    %swap3A_187 = arith.constant 368 : index
    %swap3A_188 = tpu.vector_load %arg6[%swap3A_187] {strides = array<i32>} : memref<640xf32, #tpu.memory_space<vmem>>, vector<16xf32>,
    %swap3A_189 = vector.shape_cast %swap3A_188 : vector<16xf32> to vector<16xf32>
    %swap3A_190 = vector.shape_cast %broadcast_in_dim3A_186 : vector<16xf32> to vector<16xf32>
    tpu.vector_store %arg6[%swap3A_187], %swap3A_190 {strides = array<i32>} : memref<640xf32, #tpu.memory_space<vmem>>, vector<16xf32>,
    %broadcast_in_dim3A_191 = arith.constant 0.000000e+00 : f32
    %broadcast_in_dim3A_192 = vector.broadcast %broadcast_in_dim3A_191 : f32 to vector<16xf32>
    %swap3A_193 = arith.constant 384 : index
    %swap3A_194 = tpu.vector_load %arg6[%swap3A_193] {strides = array<i32>} : memref<640xf32, #tpu.memory_space<vmem>>, vector<16xf32>,
    %swap3A_195 = vector.shape_cast %swap3A_194 : vector<16xf32> to vector<16xf32>
    %swap3A_196 = vector.shape_cast %broadcast_in_dim3A_192 : vector<16xf32> to vector<16xf32>
    tpu.vector_store %arg6[%swap3A_193], %swap3A_196 {strides = array<i32>} : memref<640xf32, #tpu.memory_space<vmem>>, vector<16xf32>,
    %broadcast_in_dim3A_197 = arith.constant 0.000000e+00 : f32
    %broadcast_in_dim3A_198 = vector.broadcast %broadcast_in_dim3A_197 : f32 to vector<16xf32>
    %swap3A_199 = arith.constant 400 : index
    %swap3A_200 = tpu.vector_load %arg6[%swap3A_199] {strides = array<i32>} : memref<640xf32, #tpu.memory_space<vmem>>, vector<16xf32>,
    %swap3A_201 = vector.shape_cast %swap3A_200 : vector<16xf32> to vector<16xf32>
    %swap3A_202 = vector.shape_cast %broadcast_in_dim3A_198 : vector<16xf32> to vector<16xf32>
    tpu.vector_store %arg6[%swap3A_199], %swap3A_202 {strides = array<i32>} : memref<640xf32, #tpu.memory_space<vmem>>, vector<16xf32>,
    %broadcast_in_dim3A_203 = arith.constant 0.000000e+00 : f32
    %broadcast_in_dim3A_204 = vector.broadcast %broadcast_in_dim3A_203 : f32 to vector<16xf32>
    %swap3A_205 = arith.constant 416 : index
    %swap3A_206 = tpu.vector_load %arg6[%swap3A_205] {strides = array<i32>} : memref<640xf32, #tpu.memory_space<vmem>>, vector<16xf32>,
    %swap3A_207 = vector.shape_cast %swap3A_206 : vector<16xf32> to vector<16xf32>
    %swap3A_208 = vector.shape_cast %broadcast_in_dim3A_204 : vector<16xf32> to vector<16xf32>
    tpu.vector_store %arg6[%swap3A_205], %swap3A_208 {strides = array<i32>} : memref<640xf32, #tpu.memory_space<vmem>>, vector<16xf32>,
    %broadcast_in_dim3A_209 = arith.constant 0.000000e+00 : f32
    %broadcast_in_dim3A_210 = vector.broadcast %broadcast_in_dim3A_209 : f32 to vector<16xf32>
    %swap3A_211 = arith.constant 432 : index
    %swap3A_212 = tpu.vector_load %arg6[%swap3A_211] {strides = array<i32>} : memref<640xf32, #tpu.memory_space<vmem>>, vector<16xf32>,
    %swap3A_213 = vector.shape_cast %swap3A_212 : vector<16xf32> to vector<16xf32>
    %swap3A_214 = vector.shape_cast %broadcast_in_dim3A_210 : vector<16xf32> to vector<16xf32>
    tpu.vector_store %arg6[%swap3A_211], %swap3A_214 {strides = array<i32>} : memref<640xf32, #tpu.memory_space<vmem>>, vector<16xf32>,
    %broadcast_in_dim3A_215 = arith.constant 0.000000e+00 : f32
    %broadcast_in_dim3A_216 = vector.broadcast %broadcast_in_dim3A_215 : f32 to vector<16xf32>
    %swap3A_217 = arith.constant 448 : index
    %swap3A_218 = tpu.vector_load %arg6[%swap3A_217] {strides = array<i32>} : memref<640xf32, #tpu.memory_space<vmem>>, vector<16xf32>,
    %swap3A_219 = vector.shape_cast %swap3A_218 : vector<16xf32> to vector<16xf32>
    %swap3A_220 = vector.shape_cast %broadcast_in_dim3A_216 : vector<16xf32> to vector<16xf32>
    tpu.vector_store %arg6[%swap3A_217], %swap3A_220 {strides = array<i32>} : memref<640xf32, #tpu.memory_space<vmem>>, vector<16xf32>,
    %broadcast_in_dim3A_221 = arith.constant 0.000000e+00 : f32
    %broadcast_in_dim3A_222 = vector.broadcast %broadcast_in_dim3A_221 : f32 to vector<16xf32>
    %swap3A_223 = arith.constant 464 : index
    %swap3A_224 = tpu.vector_load %arg6[%swap3A_223] {strides = array<i32>} : memref<640xf32, #tpu.memory_space<vmem>>, vector<16xf32>,
    %swap3A_225 = vector.shape_cast %swap3A_224 : vector<16xf32> to vector<16xf32>
    %swap3A_226 = vector.shape_cast %broadcast_in_dim3A_222 : vector<16xf32> to vector<16xf32>
    tpu.vector_store %arg6[%swap3A_223], %swap3A_226 {strides = array<i32>} : memref<640xf32, #tpu.memory_space<vmem>>, vector<16xf32>,
    %broadcast_in_dim3A_227 = arith.constant 0.000000e+00 : f32
    %broadcast_in_dim3A_228 = vector.broadcast %broadcast_in_dim3A_227 : f32 to vector<16xf32>
    %swap3A_229 = arith.constant 480 : index
    %swap3A_230 = tpu.vector_load %arg6[%swap3A_229] {strides = array<i32>} : memref<640xf32, #tpu.memory_space<vmem>>, vector<16xf32>,
    %swap3A_231 = vector.shape_cast %swap3A_230 : vector<16xf32> to vector<16xf32>
    %swap3A_232 = vector.shape_cast %broadcast_in_dim3A_228 : vector<16xf32> to vector<16xf32>
    tpu.vector_store %arg6[%swap3A_229], %swap3A_232 {strides = array<i32>} : memref<640xf32, #tpu.memory_space<vmem>>, vector<16xf32>,
    %broadcast_in_dim3A_233 = arith.constant 0.000000e+00 : f32
    %broadcast_in_dim3A_234 = vector.broadcast %broadcast_in_dim3A_233 : f32 to vector<16xf32>
    %swap3A_235 = arith.constant 496 : index
    %swap3A_236 = tpu.vector_load %arg6[%swap3A_235] {strides = array<i32>} : memref<640xf32, #tpu.memory_space<vmem>>, vector<16xf32>,
    %swap3A_237 = vector.shape_cast %swap3A_236 : vector<16xf32> to vector<16xf32>
    %swap3A_238 = vector.shape_cast %broadcast_in_dim3A_234 : vector<16xf32> to vector<16xf32>
    tpu.vector_store %arg6[%swap3A_235], %swap3A_238 {strides = array<i32>} : memref<640xf32, #tpu.memory_space<vmem>>, vector<16xf32>,
    %broadcast_in_dim3A_239 = arith.constant 0.000000e+00 : f32
    %broadcast_in_dim3A_240 = vector.broadcast %broadcast_in_dim3A_239 : f32 to vector<16xf32>
    %swap3A_241 = arith.constant 512 : index
    %swap3A_242 = tpu.vector_load %arg6[%swap3A_241] {strides = array<i32>} : memref<640xf32, #tpu.memory_space<vmem>>, vector<16xf32>,
    %swap3A_243 = vector.shape_cast %swap3A_242 : vector<16xf32> to vector<16xf32>
    %swap3A_244 = vector.shape_cast %broadcast_in_dim3A_240 : vector<16xf32> to vector<16xf32>
    tpu.vector_store %arg6[%swap3A_241], %swap3A_244 {strides = array<i32>} : memref<640xf32, #tpu.memory_space<vmem>>, vector<16xf32>,
    %broadcast_in_dim3A_245 = arith.constant 0.000000e+00 : f32
    %broadcast_in_dim3A_246 = vector.broadcast %broadcast_in_dim3A_245 : f32 to vector<16xf32>
    %swap3A_247 = arith.constant 528 : index
    %swap3A_248 = tpu.vector_load %arg6[%swap3A_247] {strides = array<i32>} : memref<640xf32, #tpu.memory_space<vmem>>, vector<16xf32>,
    %swap3A_249 = vector.shape_cast %swap3A_248 : vector<16xf32> to vector<16xf32>
    %swap3A_250 = vector.shape_cast %broadcast_in_dim3A_246 : vector<16xf32> to vector<16xf32>
    tpu.vector_store %arg6[%swap3A_247], %swap3A_250 {strides = array<i32>} : memref<640xf32, #tpu.memory_space<vmem>>, vector<16xf32>,
    %broadcast_in_dim3A_251 = arith.constant 0.000000e+00 : f32
    %broadcast_in_dim3A_252 = vector.broadcast %broadcast_in_dim3A_251 : f32 to vector<16xf32>
    %swap3A_253 = arith.constant 544 : index
    %swap3A_254 = tpu.vector_load %arg6[%swap3A_253] {strides = array<i32>} : memref<640xf32, #tpu.memory_space<vmem>>, vector<16xf32>,
    %swap3A_255 = vector.shape_cast %swap3A_254 : vector<16xf32> to vector<16xf32>
    %swap3A_256 = vector.shape_cast %broadcast_in_dim3A_252 : vector<16xf32> to vector<16xf32>
    tpu.vector_store %arg6[%swap3A_253], %swap3A_256 {strides = array<i32>} : memref<640xf32, #tpu.memory_space<vmem>>, vector<16xf32>,
    %broadcast_in_dim3A_257 = arith.constant 0.000000e+00 : f32
    %broadcast_in_dim3A_258 = vector.broadcast %broadcast_in_dim3A_257 : f32 to vector<16xf32>
    %swap3A_259 = arith.constant 560 : index
    %swap3A_260 = tpu.vector_load %arg6[%swap3A_259] {strides = array<i32>} : memref<640xf32, #tpu.memory_space<vmem>>, vector<16xf32>,
    %swap3A_261 = vector.shape_cast %swap3A_260 : vector<16xf32> to vector<16xf32>
    %swap3A_262 = vector.shape_cast %broadcast_in_dim3A_258 : vector<16xf32> to vector<16xf32>
    tpu.vector_store %arg6[%swap3A_259], %swap3A_262 {strides = array<i32>} : memref<640xf32, #tpu.memory_space<vmem>>, vector<16xf32>,
    %broadcast_in_dim3A_263 = arith.constant 0.000000e+00 : f32
    %broadcast_in_dim3A_264 = vector.broadcast %broadcast_in_dim3A_263 : f32 to vector<16xf32>
    %swap3A_265 = arith.constant 576 : index
    %swap3A_266 = tpu.vector_load %arg6[%swap3A_265] {strides = array<i32>} : memref<640xf32, #tpu.memory_space<vmem>>, vector<16xf32>,
    %swap3A_267 = vector.shape_cast %swap3A_266 : vector<16xf32> to vector<16xf32>
    %swap3A_268 = vector.shape_cast %broadcast_in_dim3A_264 : vector<16xf32> to vector<16xf32>
    tpu.vector_store %arg6[%swap3A_265], %swap3A_268 {strides = array<i32>} : memref<640xf32, #tpu.memory_space<vmem>>, vector<16xf32>,
    %broadcast_in_dim3A_269 = arith.constant 0.000000e+00 : f32
    %broadcast_in_dim3A_270 = vector.broadcast %broadcast_in_dim3A_269 : f32 to vector<16xf32>
    %swap3A_271 = arith.constant 592 : index
    %swap3A_272 = tpu.vector_load %arg6[%swap3A_271] {strides = array<i32>} : memref<640xf32, #tpu.memory_space<vmem>>, vector<16xf32>,
    %swap3A_273 = vector.shape_cast %swap3A_272 : vector<16xf32> to vector<16xf32>
    %swap3A_274 = vector.shape_cast %broadcast_in_dim3A_270 : vector<16xf32> to vector<16xf32>
    tpu.vector_store %arg6[%swap3A_271], %swap3A_274 {strides = array<i32>} : memref<640xf32, #tpu.memory_space<vmem>>, vector<16xf32>,
    %broadcast_in_dim3A_275 = arith.constant 0.000000e+00 : f32
    %broadcast_in_dim3A_276 = vector.broadcast %broadcast_in_dim3A_275 : f32 to vector<16xf32>
    %swap3A_277 = arith.constant 608 : index
    %swap3A_278 = tpu.vector_load %arg6[%swap3A_277] {strides = array<i32>} : memref<640xf32, #tpu.memory_space<vmem>>, vector<16xf32>,
    %swap3A_279 = vector.shape_cast %swap3A_278 : vector<16xf32> to vector<16xf32>
    %swap3A_280 = vector.shape_cast %broadcast_in_dim3A_276 : vector<16xf32> to vector<16xf32>
    tpu.vector_store %arg6[%swap3A_277], %swap3A_280 {strides = array<i32>} : memref<640xf32, #tpu.memory_space<vmem>>, vector<16xf32>,
    %broadcast_in_dim3A_281 = arith.constant 0.000000e+00 : f32
    %broadcast_in_dim3A_282 = vector.broadcast %broadcast_in_dim3A_281 : f32 to vector<16xf32>
    %swap3A_283 = arith.constant 624 : index
    %swap3A_284 = tpu.vector_load %arg6[%swap3A_283] {strides = array<i32>} : memref<640xf32, #tpu.memory_space<vmem>>, vector<16xf32>,
    %swap3A_285 = vector.shape_cast %swap3A_284 : vector<16xf32> to vector<16xf32>
    %swap3A_286 = vector.shape_cast %broadcast_in_dim3A_282 : vector<16xf32> to vector<16xf32>
    tpu.vector_store %arg6[%swap3A_283], %swap3A_286 {strides = array<i32>} : memref<640xf32, #tpu.memory_space<vmem>>, vector<16xf32>,
    %mul3A_287 = arith.constant 640 : i32
    %mul3A_288 = arith.muli %arg1, %mul3A_287 : i32
    "tpu.region"() ({
      %run_scoped3A = tpu.sem_alloc : memref<!tpu.dma_semaphore, #tpu.memory_space<semaphore_mem>>
      %dma_start3A = tpu.memref_slice %arg7[%mul3A_288] : memref<10240xf32, #tpu.memory_space<vmem_shared>> -> memref<640xf32, #tpu.memory_space<vmem_shared>>
      %dma_start3A_304 = tpu.memref_slice %arg7[%mul3A_288] : memref<10240xf32, #tpu.memory_space<vmem_shared>> -> memref<640xf32, #tpu.memory_space<vmem_shared>>
      tpu.enqueue_dma source(%arg6 : memref<640xf32, #tpu.memory_space<vmem>>) target(%dma_start3A_304 : memref<640xf32, #tpu.memory_space<vmem_shared>>) target_semaphore(%run_scoped3A : memref<!tpu.dma_semaphore, #tpu.memory_space<semaphore_mem>>)
      %dma_wait3A = tpu.memref_slice %arg7[%mul3A_288] : memref<10240xf32, #tpu.memory_space<vmem_shared>> -> memref<640xf32, #tpu.memory_space<vmem_shared>>
      %dma_wait3A_305 = tpu.memref_slice %arg7[%mul3A_288] : memref<10240xf32, #tpu.memory_space<vmem_shared>> -> memref<640xf32, #tpu.memory_space<vmem_shared>>
      tpu.wait_dma2 semaphore(%run_scoped3A : memref<!tpu.dma_semaphore, #tpu.memory_space<semaphore_mem>>) src(%arg6 : memref<640xf32, #tpu.memory_space<vmem>>) dst(%dma_wait3A_305 : memref<640xf32, #tpu.memory_space<vmem_shared>>)
      tpu.yield
    }) : () -> ()
    %barrier3A = arith.constant 0 : index
    tpu.barrier barrier_id(%barrier3A)
    %mul3A_289 = arith.constant 80 : i32
    %mul3A_290 = arith.muli %add3A, %mul3A_289 : i32
    "tpu.region"() ({
      %run_scoped3A = tpu.sem_alloc : memref<!tpu.dma_semaphore, #tpu.memory_space<semaphore_mem>>
      %dma_start3A = arith.constant 0 : i32
      %dma_start3A_304 = tpu.memref_slice %arg2[%mul3A_290, %dma_start3A] : memref<2560x128xi32, #tpu.memory_space<hbm>> -> memref<80x128xi32, #tpu.memory_space<hbm>>
      %dma_start3A_305 = arith.constant 0 : i32
      %dma_start3A_306 = tpu.memref_slice %arg2[%mul3A_290, %dma_start3A_305] : memref<2560x128xi32, #tpu.memory_space<hbm>> -> memref<80x128xi32, #tpu.memory_space<hbm>>
      tpu.enqueue_dma source(%dma_start3A_306 : memref<80x128xi32, #tpu.memory_space<hbm>>) target(%arg4 : memref<80x128xi32, #tpu.memory_space<vmem>>) target_semaphore(%run_scoped3A : memref<!tpu.dma_semaphore, #tpu.memory_space<semaphore_mem>>)
      %dma_wait3A = arith.constant 0 : i32
      %dma_wait3A_307 = tpu.memref_slice %arg2[%mul3A_290, %dma_wait3A] : memref<2560x128xi32, #tpu.memory_space<hbm>> -> memref<80x128xi32, #tpu.memory_space<hbm>>
      %dma_wait3A_308 = arith.constant 0 : i32
      %dma_wait3A_309 = tpu.memref_slice %arg2[%mul3A_290, %dma_wait3A_308] : memref<2560x128xi32, #tpu.memory_space<hbm>> -> memref<80x128xi32, #tpu.memory_space<hbm>>
      tpu.wait_dma2 semaphore(%run_scoped3A : memref<!tpu.dma_semaphore, #tpu.memory_space<semaphore_mem>>) src(%dma_wait3A_309 : memref<80x128xi32, #tpu.memory_space<hbm>>) dst(%arg4 : memref<80x128xi32, #tpu.memory_space<vmem>>)
      tpu.yield
    }) : () -> ()
    %scan3A = arith.constant 0 : i32
    %scan3A_291 = arith.constant 0 : i32
    %scan3A_292 = arith.constant 80 : i32
    %scan3A_293 = arith.addi %scan3A_291, %scan3A_292 : i32
    %scan3A_294 = arith.constant 1 : i32
    scf.for %scan3A_304 = %scan3A_291 to %scan3A_293 step %scan3A_294  : i32 {
      "tpu.region"() ({
        %run_scoped3A = tpu.sem_alloc : memref<!tpu.dma_semaphore, #tpu.memory_space<semaphore_mem>>
        %dma_start3A = arith.constant 0 : i32
        %dma_start3A_305 = tpu.memref_slice %arg4[%scan3A_304, %dma_start3A] : memref<80x128xi32, #tpu.memory_space<vmem>> -> memref<1x128xi32, #tpu.memory_space<vmem>>
        %dma_start3A_306 = tpu.memref_squeeze %dma_start3A_305 : memref<1x128xi32, #tpu.memory_space<vmem>> -> memref<128xi32, #tpu.memory_space<vmem>>
        %dma_start3A_307 = arith.constant 0 : i32
        %dma_start3A_308 = tpu.memref_slice %arg7[%dma_start3A_307] : memref<10240xf32, #tpu.memory_space<vmem_shared>> -> memref<10240xf32, #tpu.memory_space<vmem_shared>>
        tpu.enqueue_indirect_dma source(%arg5 : memref<128xf32, #tpu.memory_space<vmem>>) target(%dma_start3A_308 : memref<10240xf32, #tpu.memory_space<vmem_shared>>) offsets(%dma_start3A_306 : memref<128xi32, #tpu.memory_space<vmem>>) semaphore(%run_scoped3A : memref<!tpu.dma_semaphore, #tpu.memory_space<semaphore_mem>>) {add = true}
        %dma_wait3A = arith.constant 0 : i32
        %dma_wait3A_309 = tpu.memref_slice %arg4[%scan3A_304, %dma_wait3A] : memref<80x128xi32, #tpu.memory_space<vmem>> -> memref<1x128xi32, #tpu.memory_space<vmem>>
        %dma_wait3A_310 = tpu.memref_squeeze %dma_wait3A_309 : memref<1x128xi32, #tpu.memory_space<vmem>> -> memref<128xi32, #tpu.memory_space<vmem>>
        %dma_wait3A_311 = arith.constant 0 : i32
        %dma_wait3A_312 = tpu.memref_slice %arg7[%dma_wait3A_311] : memref<10240xf32, #tpu.memory_space<vmem_shared>> -> memref<10240xf32, #tpu.memory_space<vmem_shared>>
        tpu.wait_indirect_dma semaphore(%run_scoped3A : memref<!tpu.dma_semaphore, #tpu.memory_space<semaphore_mem>>) src(%arg5 : memref<128xf32, #tpu.memory_space<vmem>>) dst(%dma_wait3A_312 : memref<10240xf32, #tpu.memory_space<vmem_shared>>)
        tpu.yield
      }) : () -> ()
    }
    %scan3A_295 = arith.constant 80 : i32
    %barrier3A_296 = arith.constant 0 : index
    tpu.barrier barrier_id(%barrier3A_296)
    %mul3A_297 = arith.constant 640 : i32
    %mul3A_298 = arith.muli %arg1, %mul3A_297 : i32
    "tpu.region"() ({
      %run_scoped3A = tpu.sem_alloc : memref<!tpu.dma_semaphore, #tpu.memory_space<semaphore_mem>>
      %dma_start3A = tpu.memref_slice %arg7[%mul3A_298] : memref<10240xf32, #tpu.memory_space<vmem_shared>> -> memref<640xf32, #tpu.memory_space<vmem_shared>>
      %dma_start3A_304 = tpu.memref_slice %arg7[%mul3A_298] : memref<10240xf32, #tpu.memory_space<vmem_shared>> -> memref<640xf32, #tpu.memory_space<vmem_shared>>
      tpu.enqueue_dma source(%dma_start3A_304 : memref<640xf32, #tpu.memory_space<vmem_shared>>) target(%arg6 : memref<640xf32, #tpu.memory_space<vmem>>) target_semaphore(%run_scoped3A : memref<!tpu.dma_semaphore, #tpu.memory_space<semaphore_mem>>)
      %dma_wait3A = tpu.memref_slice %arg7[%mul3A_298] : memref<10240xf32, #tpu.memory_space<vmem_shared>> -> memref<640xf32, #tpu.memory_space<vmem_shared>>
      %dma_wait3A_305 = tpu.memref_slice %arg7[%mul3A_298] : memref<10240xf32, #tpu.memory_space<vmem_shared>> -> memref<640xf32, #tpu.memory_space<vmem_shared>>
      tpu.wait_dma2 semaphore(%run_scoped3A : memref<!tpu.dma_semaphore, #tpu.memory_space<semaphore_mem>>) src(%dma_wait3A_305 : memref<640xf32, #tpu.memory_space<vmem_shared>>) dst(%arg6 : memref<640xf32, #tpu.memory_space<vmem>>)
      tpu.yield
    }) : () -> ()
    %mul3A_299 = arith.constant 10240 : i32
    %mul3A_300 = arith.muli %arg0, %mul3A_299 : i32
    %mul3A_301 = arith.constant 640 : i32
    %mul3A_302 = arith.muli %arg1, %mul3A_301 : i32
    %add3A_303 = arith.addi %mul3A_300, %mul3A_302 : i32
    "tpu.region"() ({
      %run_scoped3A = tpu.sem_alloc : memref<!tpu.dma_semaphore, #tpu.memory_space<semaphore_mem>>
      %dma_start3A = tpu.memref_slice %arg3[%add3A_303] : memref<20480xf32, #tpu.memory_space<hbm>> -> memref<640xf32, #tpu.memory_space<hbm>>
      %dma_start3A_304 = tpu.memref_slice %arg3[%add3A_303] : memref<20480xf32, #tpu.memory_space<hbm>> -> memref<640xf32, #tpu.memory_space<hbm>>
      tpu.enqueue_dma source(%arg6 : memref<640xf32, #tpu.memory_space<vmem>>) target(%dma_start3A_304 : memref<640xf32, #tpu.memory_space<hbm>>) target_semaphore(%run_scoped3A : memref<!tpu.dma_semaphore, #tpu.memory_space<semaphore_mem>>)
      %dma_wait3A = tpu.memref_slice %arg3[%add3A_303] : memref<20480xf32, #tpu.memory_space<hbm>> -> memref<640xf32, #tpu.memory_space<hbm>>
      %dma_wait3A_305 = tpu.memref_slice %arg3[%add3A_303] : memref<20480xf32, #tpu.memory_space<hbm>> -> memref<640xf32, #tpu.memory_space<hbm>>
      tpu.wait_dma2 semaphore(%run_scoped3A : memref<!tpu.dma_semaphore, #tpu.memory_space<semaphore_mem>>) src(%arg6 : memref<640xf32, #tpu.memory_space<vmem>>) dst(%dma_wait3A_305 : memref<640xf32, #tpu.memory_space<hbm>>)
      tpu.yield
    }) : () -> ()
    return
  }
}

#map = affine_map<(d0, d1) -> (0, 0)>
module attributes {stable_mosaic.version = 14 : i64} {
  func.func @_agg_body(%arg0: i32, %arg1: i32, %arg2: memref<10240x64xf32, #tpu.memory_space<hbm>>, %arg3: memref<10240x64xf32, #tpu.memory_space<hbm>>, %arg4: memref<2560x128xi32, #tpu.memory_space<hbm>>, %arg5: memref<2560x128xi32, #tpu.memory_space<hbm>>, %arg6: memref<128x64xf32, #tpu.memory_space<hbm>>, %arg7: memref<128x64xf32, #tpu.memory_space<hbm>>, %arg8: memref<10240x64xf32, #tpu.memory_space<hbm>>, %arg9: memref<10240x64xf32, #tpu.memory_space<hbm>>, %arg10: memref<40x128xi32, #tpu.memory_space<vmem>>, %arg11: memref<40x128xi32, #tpu.memory_space<vmem>>, %arg12: memref<128x64xf32, #tpu.memory_space<vmem>>, %arg13: memref<128x64xf32, #tpu.memory_space<vmem>>, %arg14: memref<128x64xf32, #tpu.memory_space<vmem>>, %arg15: memref<128x64xf32, #tpu.memory_space<vmem>>, %arg16: memref<10240x64xf32, #tpu.memory_space<vmem_shared>>, %arg17: memref<10240x64xf32, #tpu.memory_space<vmem_shared>>, %arg18: memref<!tpu.dma_semaphore, #tpu.memory_space<semaphore_mem>>, %arg19: memref<!tpu.dma_semaphore, #tpu.memory_space<semaphore_mem>>, %arg20: memref<!tpu.dma_semaphore, #tpu.memory_space<semaphore_mem>>, %arg21: memref<!tpu.dma_semaphore, #tpu.memory_space<semaphore_mem>>, %arg22: memref<!tpu.dma_semaphore, #tpu.memory_space<semaphore_mem>>) attributes {dimension_semantics = [#tpu.dimension_semantics<core_parallel>, #tpu.dimension_semantics<subcore_parallel>], iteration_bounds = array<i64: 2, 16>, scalar_prefetch = 0 : i64, scratch_operands = 13 : i64, tpu.core_type = #tpu.core_type<sc_vector_subcore>, window_params = [{transform_indices = #map}, {transform_indices = #map}, {transform_indices = #map}, {transform_indices = #map}, {transform_indices = #map}, {transform_indices = #map}, {transform_indices = #map}, {transform_indices = #map}]} {
    %eq3A = arith.constant 0 : i32
    %eq3A_0 = arith.cmpi eq, %arg0, %eq3A : i32
    %convert_element_type3A = arith.extui %eq3A_0 : i1 to i32
    %cond3A = arith.constant 0 : i32
    %cond3A_1 = arith.cmpi ne, %convert_element_type3A, %cond3A : i32
    scf.if %cond3A_1 {
      "tpu.region"() ({
        %run_scoped3A = tpu.sem_alloc : memref<!tpu.dma_semaphore, #tpu.memory_space<semaphore_mem>>
        tpu.enqueue_dma source(%arg6 : memref<128x64xf32, #tpu.memory_space<hbm>>) target(%arg12 : memref<128x64xf32, #tpu.memory_space<vmem>>) target_semaphore(%run_scoped3A : memref<!tpu.dma_semaphore, #tpu.memory_space<semaphore_mem>>)
        tpu.wait_dma2 semaphore(%run_scoped3A : memref<!tpu.dma_semaphore, #tpu.memory_space<semaphore_mem>>) src(%arg6 : memref<128x64xf32, #tpu.memory_space<hbm>>) dst(%arg12 : memref<128x64xf32, #tpu.memory_space<vmem>>)
        tpu.yield
      }) : () -> ()
      %mul3A = arith.constant 640 : i32
      %mul3A_28 = arith.muli %arg1, %mul3A : i32
      %add3A = arith.constant 0 : i32
      %add3A_29 = arith.addi %mul3A_28, %add3A : i32
      %dma_start3A = arith.constant 0 : i32
      %dma_start3A_30 = tpu.memref_slice %arg16[%add3A_29, %dma_start3A] : memref<10240x64xf32, #tpu.memory_space<vmem_shared>> -> memref<128x64xf32, #tpu.memory_space<vmem_shared>>
      %dma_start3A_31 = arith.constant 0 : i32
      %dma_start3A_32 = tpu.memref_slice %arg16[%add3A_29, %dma_start3A_31] : memref<10240x64xf32, #tpu.memory_space<vmem_shared>> -> memref<128x64xf32, #tpu.memory_space<vmem_shared>>
      tpu.enqueue_dma source(%arg12 : memref<128x64xf32, #tpu.memory_space<vmem>>) target(%dma_start3A_32 : memref<128x64xf32, #tpu.memory_space<vmem_shared>>) target_semaphore(%arg22 : memref<!tpu.dma_semaphore, #tpu.memory_space<semaphore_mem>>)
      %mul3A_33 = arith.constant 640 : i32
      %mul3A_34 = arith.muli %arg1, %mul3A_33 : i32
      %add3A_35 = arith.constant 128 : i32
      %add3A_36 = arith.addi %mul3A_34, %add3A_35 : i32
      %dma_start3A_37 = arith.constant 0 : i32
      %dma_start3A_38 = tpu.memref_slice %arg16[%add3A_36, %dma_start3A_37] : memref<10240x64xf32, #tpu.memory_space<vmem_shared>> -> memref<128x64xf32, #tpu.memory_space<vmem_shared>>
      %dma_start3A_39 = arith.constant 0 : i32
      %dma_start3A_40 = tpu.memref_slice %arg16[%add3A_36, %dma_start3A_39] : memref<10240x64xf32, #tpu.memory_space<vmem_shared>> -> memref<128x64xf32, #tpu.memory_space<vmem_shared>>
      tpu.enqueue_dma source(%arg12 : memref<128x64xf32, #tpu.memory_space<vmem>>) target(%dma_start3A_40 : memref<128x64xf32, #tpu.memory_space<vmem_shared>>) target_semaphore(%arg22 : memref<!tpu.dma_semaphore, #tpu.memory_space<semaphore_mem>>)
      %mul3A_41 = arith.constant 640 : i32
      %mul3A_42 = arith.muli %arg1, %mul3A_41 : i32
      %add3A_43 = arith.constant 256 : i32
      %add3A_44 = arith.addi %mul3A_42, %add3A_43 : i32
      %dma_start3A_45 = arith.constant 0 : i32
      %dma_start3A_46 = tpu.memref_slice %arg16[%add3A_44, %dma_start3A_45] : memref<10240x64xf32, #tpu.memory_space<vmem_shared>> -> memref<128x64xf32, #tpu.memory_space<vmem_shared>>
      %dma_start3A_47 = arith.constant 0 : i32
      %dma_start3A_48 = tpu.memref_slice %arg16[%add3A_44, %dma_start3A_47] : memref<10240x64xf32, #tpu.memory_space<vmem_shared>> -> memref<128x64xf32, #tpu.memory_space<vmem_shared>>
      tpu.enqueue_dma source(%arg12 : memref<128x64xf32, #tpu.memory_space<vmem>>) target(%dma_start3A_48 : memref<128x64xf32, #tpu.memory_space<vmem_shared>>) target_semaphore(%arg22 : memref<!tpu.dma_semaphore, #tpu.memory_space<semaphore_mem>>)
      %mul3A_49 = arith.constant 640 : i32
      %mul3A_50 = arith.muli %arg1, %mul3A_49 : i32
      %add3A_51 = arith.constant 384 : i32
      %add3A_52 = arith.addi %mul3A_50, %add3A_51 : i32
      %dma_start3A_53 = arith.constant 0 : i32
      %dma_start3A_54 = tpu.memref_slice %arg16[%add3A_52, %dma_start3A_53] : memref<10240x64xf32, #tpu.memory_space<vmem_shared>> -> memref<128x64xf32, #tpu.memory_space<vmem_shared>>
      %dma_start3A_55 = arith.constant 0 : i32
      %dma_start3A_56 = tpu.memref_slice %arg16[%add3A_52, %dma_start3A_55] : memref<10240x64xf32, #tpu.memory_space<vmem_shared>> -> memref<128x64xf32, #tpu.memory_space<vmem_shared>>
      tpu.enqueue_dma source(%arg12 : memref<128x64xf32, #tpu.memory_space<vmem>>) target(%dma_start3A_56 : memref<128x64xf32, #tpu.memory_space<vmem_shared>>) target_semaphore(%arg22 : memref<!tpu.dma_semaphore, #tpu.memory_space<semaphore_mem>>)
      %mul3A_57 = arith.constant 640 : i32
      %mul3A_58 = arith.muli %arg1, %mul3A_57 : i32
      %add3A_59 = arith.constant 512 : i32
      %add3A_60 = arith.addi %mul3A_58, %add3A_59 : i32
      %dma_start3A_61 = arith.constant 0 : i32
      %dma_start3A_62 = tpu.memref_slice %arg16[%add3A_60, %dma_start3A_61] : memref<10240x64xf32, #tpu.memory_space<vmem_shared>> -> memref<128x64xf32, #tpu.memory_space<vmem_shared>>
      %dma_start3A_63 = arith.constant 0 : i32
      %dma_start3A_64 = tpu.memref_slice %arg16[%add3A_60, %dma_start3A_63] : memref<10240x64xf32, #tpu.memory_space<vmem_shared>> -> memref<128x64xf32, #tpu.memory_space<vmem_shared>>
      tpu.enqueue_dma source(%arg12 : memref<128x64xf32, #tpu.memory_space<vmem>>) target(%dma_start3A_64 : memref<128x64xf32, #tpu.memory_space<vmem_shared>>) target_semaphore(%arg22 : memref<!tpu.dma_semaphore, #tpu.memory_space<semaphore_mem>>)
      %mul3A_65 = arith.constant 640 : i32
      %mul3A_66 = arith.muli %arg1, %mul3A_65 : i32
      %add3A_67 = arith.constant 0 : i32
      %add3A_68 = arith.addi %mul3A_66, %add3A_67 : i32
      %dma_wait3A = arith.constant 0 : i32
      %dma_wait3A_69 = tpu.memref_slice %arg16[%add3A_68, %dma_wait3A] : memref<10240x64xf32, #tpu.memory_space<vmem_shared>> -> memref<128x64xf32, #tpu.memory_space<vmem_shared>>
      %dma_wait3A_70 = arith.constant 0 : i32
      %dma_wait3A_71 = tpu.memref_slice %arg16[%add3A_68, %dma_wait3A_70] : memref<10240x64xf32, #tpu.memory_space<vmem_shared>> -> memref<128x64xf32, #tpu.memory_space<vmem_shared>>
      tpu.wait_dma2 semaphore(%arg22 : memref<!tpu.dma_semaphore, #tpu.memory_space<semaphore_mem>>) src(%arg12 : memref<128x64xf32, #tpu.memory_space<vmem>>) dst(%dma_wait3A_71 : memref<128x64xf32, #tpu.memory_space<vmem_shared>>)
      %mul3A_72 = arith.constant 640 : i32
      %mul3A_73 = arith.muli %arg1, %mul3A_72 : i32
      %add3A_74 = arith.constant 128 : i32
      %add3A_75 = arith.addi %mul3A_73, %add3A_74 : i32
      %dma_wait3A_76 = arith.constant 0 : i32
      %dma_wait3A_77 = tpu.memref_slice %arg16[%add3A_75, %dma_wait3A_76] : memref<10240x64xf32, #tpu.memory_space<vmem_shared>> -> memref<128x64xf32, #tpu.memory_space<vmem_shared>>
      %dma_wait3A_78 = arith.constant 0 : i32
      %dma_wait3A_79 = tpu.memref_slice %arg16[%add3A_75, %dma_wait3A_78] : memref<10240x64xf32, #tpu.memory_space<vmem_shared>> -> memref<128x64xf32, #tpu.memory_space<vmem_shared>>
      tpu.wait_dma2 semaphore(%arg22 : memref<!tpu.dma_semaphore, #tpu.memory_space<semaphore_mem>>) src(%arg12 : memref<128x64xf32, #tpu.memory_space<vmem>>) dst(%dma_wait3A_79 : memref<128x64xf32, #tpu.memory_space<vmem_shared>>)
      %mul3A_80 = arith.constant 640 : i32
      %mul3A_81 = arith.muli %arg1, %mul3A_80 : i32
      %add3A_82 = arith.constant 256 : i32
      %add3A_83 = arith.addi %mul3A_81, %add3A_82 : i32
      %dma_wait3A_84 = arith.constant 0 : i32
      %dma_wait3A_85 = tpu.memref_slice %arg16[%add3A_83, %dma_wait3A_84] : memref<10240x64xf32, #tpu.memory_space<vmem_shared>> -> memref<128x64xf32, #tpu.memory_space<vmem_shared>>
      %dma_wait3A_86 = arith.constant 0 : i32
      %dma_wait3A_87 = tpu.memref_slice %arg16[%add3A_83, %dma_wait3A_86] : memref<10240x64xf32, #tpu.memory_space<vmem_shared>> -> memref<128x64xf32, #tpu.memory_space<vmem_shared>>
      tpu.wait_dma2 semaphore(%arg22 : memref<!tpu.dma_semaphore, #tpu.memory_space<semaphore_mem>>) src(%arg12 : memref<128x64xf32, #tpu.memory_space<vmem>>) dst(%dma_wait3A_87 : memref<128x64xf32, #tpu.memory_space<vmem_shared>>)
      %mul3A_88 = arith.constant 640 : i32
      %mul3A_89 = arith.muli %arg1, %mul3A_88 : i32
      %add3A_90 = arith.constant 384 : i32
      %add3A_91 = arith.addi %mul3A_89, %add3A_90 : i32
      %dma_wait3A_92 = arith.constant 0 : i32
      %dma_wait3A_93 = tpu.memref_slice %arg16[%add3A_91, %dma_wait3A_92] : memref<10240x64xf32, #tpu.memory_space<vmem_shared>> -> memref<128x64xf32, #tpu.memory_space<vmem_shared>>
      %dma_wait3A_94 = arith.constant 0 : i32
      %dma_wait3A_95 = tpu.memref_slice %arg16[%add3A_91, %dma_wait3A_94] : memref<10240x64xf32, #tpu.memory_space<vmem_shared>> -> memref<128x64xf32, #tpu.memory_space<vmem_shared>>
      tpu.wait_dma2 semaphore(%arg22 : memref<!tpu.dma_semaphore, #tpu.memory_space<semaphore_mem>>) src(%arg12 : memref<128x64xf32, #tpu.memory_space<vmem>>) dst(%dma_wait3A_95 : memref<128x64xf32, #tpu.memory_space<vmem_shared>>)
      %mul3A_96 = arith.constant 640 : i32
      %mul3A_97 = arith.muli %arg1, %mul3A_96 : i32
      %add3A_98 = arith.constant 512 : i32
      %add3A_99 = arith.addi %mul3A_97, %add3A_98 : i32
      %dma_wait3A_100 = arith.constant 0 : i32
      %dma_wait3A_101 = tpu.memref_slice %arg16[%add3A_99, %dma_wait3A_100] : memref<10240x64xf32, #tpu.memory_space<vmem_shared>> -> memref<128x64xf32, #tpu.memory_space<vmem_shared>>
      %dma_wait3A_102 = arith.constant 0 : i32
      %dma_wait3A_103 = tpu.memref_slice %arg16[%add3A_99, %dma_wait3A_102] : memref<10240x64xf32, #tpu.memory_space<vmem_shared>> -> memref<128x64xf32, #tpu.memory_space<vmem_shared>>
      tpu.wait_dma2 semaphore(%arg22 : memref<!tpu.dma_semaphore, #tpu.memory_space<semaphore_mem>>) src(%arg12 : memref<128x64xf32, #tpu.memory_space<vmem>>) dst(%dma_wait3A_103 : memref<128x64xf32, #tpu.memory_space<vmem_shared>>)
    } else {
    }
    %eq3A_2 = arith.constant 1 : i32
    %eq3A_3 = arith.cmpi eq, %arg0, %eq3A_2 : i32
    %convert_element_type3A_4 = arith.extui %eq3A_3 : i1 to i32
    %cond3A_5 = arith.constant 0 : i32
    %cond3A_6 = arith.cmpi ne, %convert_element_type3A_4, %cond3A_5 : i32
    scf.if %cond3A_6 {
      "tpu.region"() ({
        %run_scoped3A = tpu.sem_alloc : memref<!tpu.dma_semaphore, #tpu.memory_space<semaphore_mem>>
        tpu.enqueue_dma source(%arg7 : memref<128x64xf32, #tpu.memory_space<hbm>>) target(%arg14 : memref<128x64xf32, #tpu.memory_space<vmem>>) target_semaphore(%run_scoped3A : memref<!tpu.dma_semaphore, #tpu.memory_space<semaphore_mem>>)
        tpu.wait_dma2 semaphore(%run_scoped3A : memref<!tpu.dma_semaphore, #tpu.memory_space<semaphore_mem>>) src(%arg7 : memref<128x64xf32, #tpu.memory_space<hbm>>) dst(%arg14 : memref<128x64xf32, #tpu.memory_space<vmem>>)
        tpu.yield
      }) : () -> ()
      %mul3A = arith.constant 640 : i32
      %mul3A_28 = arith.muli %arg1, %mul3A : i32
      %add3A = arith.constant 0 : i32
      %add3A_29 = arith.addi %mul3A_28, %add3A : i32
      %dma_start3A = arith.constant 0 : i32
      %dma_start3A_30 = tpu.memref_slice %arg17[%add3A_29, %dma_start3A] : memref<10240x64xf32, #tpu.memory_space<vmem_shared>> -> memref<128x64xf32, #tpu.memory_space<vmem_shared>>
      %dma_start3A_31 = arith.constant 0 : i32
      %dma_start3A_32 = tpu.memref_slice %arg17[%add3A_29, %dma_start3A_31] : memref<10240x64xf32, #tpu.memory_space<vmem_shared>> -> memref<128x64xf32, #tpu.memory_space<vmem_shared>>
      tpu.enqueue_dma source(%arg14 : memref<128x64xf32, #tpu.memory_space<vmem>>) target(%dma_start3A_32 : memref<128x64xf32, #tpu.memory_space<vmem_shared>>) target_semaphore(%arg22 : memref<!tpu.dma_semaphore, #tpu.memory_space<semaphore_mem>>)
      %mul3A_33 = arith.constant 640 : i32
      %mul3A_34 = arith.muli %arg1, %mul3A_33 : i32
      %add3A_35 = arith.constant 128 : i32
      %add3A_36 = arith.addi %mul3A_34, %add3A_35 : i32
      %dma_start3A_37 = arith.constant 0 : i32
      %dma_start3A_38 = tpu.memref_slice %arg17[%add3A_36, %dma_start3A_37] : memref<10240x64xf32, #tpu.memory_space<vmem_shared>> -> memref<128x64xf32, #tpu.memory_space<vmem_shared>>
      %dma_start3A_39 = arith.constant 0 : i32
      %dma_start3A_40 = tpu.memref_slice %arg17[%add3A_36, %dma_start3A_39] : memref<10240x64xf32, #tpu.memory_space<vmem_shared>> -> memref<128x64xf32, #tpu.memory_space<vmem_shared>>
      tpu.enqueue_dma source(%arg14 : memref<128x64xf32, #tpu.memory_space<vmem>>) target(%dma_start3A_40 : memref<128x64xf32, #tpu.memory_space<vmem_shared>>) target_semaphore(%arg22 : memref<!tpu.dma_semaphore, #tpu.memory_space<semaphore_mem>>)
      %mul3A_41 = arith.constant 640 : i32
      %mul3A_42 = arith.muli %arg1, %mul3A_41 : i32
      %add3A_43 = arith.constant 256 : i32
      %add3A_44 = arith.addi %mul3A_42, %add3A_43 : i32
      %dma_start3A_45 = arith.constant 0 : i32
      %dma_start3A_46 = tpu.memref_slice %arg17[%add3A_44, %dma_start3A_45] : memref<10240x64xf32, #tpu.memory_space<vmem_shared>> -> memref<128x64xf32, #tpu.memory_space<vmem_shared>>
      %dma_start3A_47 = arith.constant 0 : i32
      %dma_start3A_48 = tpu.memref_slice %arg17[%add3A_44, %dma_start3A_47] : memref<10240x64xf32, #tpu.memory_space<vmem_shared>> -> memref<128x64xf32, #tpu.memory_space<vmem_shared>>
      tpu.enqueue_dma source(%arg14 : memref<128x64xf32, #tpu.memory_space<vmem>>) target(%dma_start3A_48 : memref<128x64xf32, #tpu.memory_space<vmem_shared>>) target_semaphore(%arg22 : memref<!tpu.dma_semaphore, #tpu.memory_space<semaphore_mem>>)
      %mul3A_49 = arith.constant 640 : i32
      %mul3A_50 = arith.muli %arg1, %mul3A_49 : i32
      %add3A_51 = arith.constant 384 : i32
      %add3A_52 = arith.addi %mul3A_50, %add3A_51 : i32
      %dma_start3A_53 = arith.constant 0 : i32
      %dma_start3A_54 = tpu.memref_slice %arg17[%add3A_52, %dma_start3A_53] : memref<10240x64xf32, #tpu.memory_space<vmem_shared>> -> memref<128x64xf32, #tpu.memory_space<vmem_shared>>
      %dma_start3A_55 = arith.constant 0 : i32
      %dma_start3A_56 = tpu.memref_slice %arg17[%add3A_52, %dma_start3A_55] : memref<10240x64xf32, #tpu.memory_space<vmem_shared>> -> memref<128x64xf32, #tpu.memory_space<vmem_shared>>
      tpu.enqueue_dma source(%arg14 : memref<128x64xf32, #tpu.memory_space<vmem>>) target(%dma_start3A_56 : memref<128x64xf32, #tpu.memory_space<vmem_shared>>) target_semaphore(%arg22 : memref<!tpu.dma_semaphore, #tpu.memory_space<semaphore_mem>>)
      %mul3A_57 = arith.constant 640 : i32
      %mul3A_58 = arith.muli %arg1, %mul3A_57 : i32
      %add3A_59 = arith.constant 512 : i32
      %add3A_60 = arith.addi %mul3A_58, %add3A_59 : i32
      %dma_start3A_61 = arith.constant 0 : i32
      %dma_start3A_62 = tpu.memref_slice %arg17[%add3A_60, %dma_start3A_61] : memref<10240x64xf32, #tpu.memory_space<vmem_shared>> -> memref<128x64xf32, #tpu.memory_space<vmem_shared>>
      %dma_start3A_63 = arith.constant 0 : i32
      %dma_start3A_64 = tpu.memref_slice %arg17[%add3A_60, %dma_start3A_63] : memref<10240x64xf32, #tpu.memory_space<vmem_shared>> -> memref<128x64xf32, #tpu.memory_space<vmem_shared>>
      tpu.enqueue_dma source(%arg14 : memref<128x64xf32, #tpu.memory_space<vmem>>) target(%dma_start3A_64 : memref<128x64xf32, #tpu.memory_space<vmem_shared>>) target_semaphore(%arg22 : memref<!tpu.dma_semaphore, #tpu.memory_space<semaphore_mem>>)
      %mul3A_65 = arith.constant 640 : i32
      %mul3A_66 = arith.muli %arg1, %mul3A_65 : i32
      %add3A_67 = arith.constant 0 : i32
      %add3A_68 = arith.addi %mul3A_66, %add3A_67 : i32
      %dma_wait3A = arith.constant 0 : i32
      %dma_wait3A_69 = tpu.memref_slice %arg17[%add3A_68, %dma_wait3A] : memref<10240x64xf32, #tpu.memory_space<vmem_shared>> -> memref<128x64xf32, #tpu.memory_space<vmem_shared>>
      %dma_wait3A_70 = arith.constant 0 : i32
      %dma_wait3A_71 = tpu.memref_slice %arg17[%add3A_68, %dma_wait3A_70] : memref<10240x64xf32, #tpu.memory_space<vmem_shared>> -> memref<128x64xf32, #tpu.memory_space<vmem_shared>>
      tpu.wait_dma2 semaphore(%arg22 : memref<!tpu.dma_semaphore, #tpu.memory_space<semaphore_mem>>) src(%arg14 : memref<128x64xf32, #tpu.memory_space<vmem>>) dst(%dma_wait3A_71 : memref<128x64xf32, #tpu.memory_space<vmem_shared>>)
      %mul3A_72 = arith.constant 640 : i32
      %mul3A_73 = arith.muli %arg1, %mul3A_72 : i32
      %add3A_74 = arith.constant 128 : i32
      %add3A_75 = arith.addi %mul3A_73, %add3A_74 : i32
      %dma_wait3A_76 = arith.constant 0 : i32
      %dma_wait3A_77 = tpu.memref_slice %arg17[%add3A_75, %dma_wait3A_76] : memref<10240x64xf32, #tpu.memory_space<vmem_shared>> -> memref<128x64xf32, #tpu.memory_space<vmem_shared>>
      %dma_wait3A_78 = arith.constant 0 : i32
      %dma_wait3A_79 = tpu.memref_slice %arg17[%add3A_75, %dma_wait3A_78] : memref<10240x64xf32, #tpu.memory_space<vmem_shared>> -> memref<128x64xf32, #tpu.memory_space<vmem_shared>>
      tpu.wait_dma2 semaphore(%arg22 : memref<!tpu.dma_semaphore, #tpu.memory_space<semaphore_mem>>) src(%arg14 : memref<128x64xf32, #tpu.memory_space<vmem>>) dst(%dma_wait3A_79 : memref<128x64xf32, #tpu.memory_space<vmem_shared>>)
      %mul3A_80 = arith.constant 640 : i32
      %mul3A_81 = arith.muli %arg1, %mul3A_80 : i32
      %add3A_82 = arith.constant 256 : i32
      %add3A_83 = arith.addi %mul3A_81, %add3A_82 : i32
      %dma_wait3A_84 = arith.constant 0 : i32
      %dma_wait3A_85 = tpu.memref_slice %arg17[%add3A_83, %dma_wait3A_84] : memref<10240x64xf32, #tpu.memory_space<vmem_shared>> -> memref<128x64xf32, #tpu.memory_space<vmem_shared>>
      %dma_wait3A_86 = arith.constant 0 : i32
      %dma_wait3A_87 = tpu.memref_slice %arg17[%add3A_83, %dma_wait3A_86] : memref<10240x64xf32, #tpu.memory_space<vmem_shared>> -> memref<128x64xf32, #tpu.memory_space<vmem_shared>>
      tpu.wait_dma2 semaphore(%arg22 : memref<!tpu.dma_semaphore, #tpu.memory_space<semaphore_mem>>) src(%arg14 : memref<128x64xf32, #tpu.memory_space<vmem>>) dst(%dma_wait3A_87 : memref<128x64xf32, #tpu.memory_space<vmem_shared>>)
      %mul3A_88 = arith.constant 640 : i32
      %mul3A_89 = arith.muli %arg1, %mul3A_88 : i32
      %add3A_90 = arith.constant 384 : i32
      %add3A_91 = arith.addi %mul3A_89, %add3A_90 : i32
      %dma_wait3A_92 = arith.constant 0 : i32
      %dma_wait3A_93 = tpu.memref_slice %arg17[%add3A_91, %dma_wait3A_92] : memref<10240x64xf32, #tpu.memory_space<vmem_shared>> -> memref<128x64xf32, #tpu.memory_space<vmem_shared>>
      %dma_wait3A_94 = arith.constant 0 : i32
      %dma_wait3A_95 = tpu.memref_slice %arg17[%add3A_91, %dma_wait3A_94] : memref<10240x64xf32, #tpu.memory_space<vmem_shared>> -> memref<128x64xf32, #tpu.memory_space<vmem_shared>>
      tpu.wait_dma2 semaphore(%arg22 : memref<!tpu.dma_semaphore, #tpu.memory_space<semaphore_mem>>) src(%arg14 : memref<128x64xf32, #tpu.memory_space<vmem>>) dst(%dma_wait3A_95 : memref<128x64xf32, #tpu.memory_space<vmem_shared>>)
      %mul3A_96 = arith.constant 640 : i32
      %mul3A_97 = arith.muli %arg1, %mul3A_96 : i32
      %add3A_98 = arith.constant 512 : i32
      %add3A_99 = arith.addi %mul3A_97, %add3A_98 : i32
      %dma_wait3A_100 = arith.constant 0 : i32
      %dma_wait3A_101 = tpu.memref_slice %arg17[%add3A_99, %dma_wait3A_100] : memref<10240x64xf32, #tpu.memory_space<vmem_shared>> -> memref<128x64xf32, #tpu.memory_space<vmem_shared>>
      %dma_wait3A_102 = arith.constant 0 : i32
      %dma_wait3A_103 = tpu.memref_slice %arg17[%add3A_99, %dma_wait3A_102] : memref<10240x64xf32, #tpu.memory_space<vmem_shared>> -> memref<128x64xf32, #tpu.memory_space<vmem_shared>>
      tpu.wait_dma2 semaphore(%arg22 : memref<!tpu.dma_semaphore, #tpu.memory_space<semaphore_mem>>) src(%arg14 : memref<128x64xf32, #tpu.memory_space<vmem>>) dst(%dma_wait3A_103 : memref<128x64xf32, #tpu.memory_space<vmem_shared>>)
    } else {
    }
    %barrier3A = arith.constant 0 : index
    tpu.barrier barrier_id(%barrier3A)
    %eq3A_7 = arith.constant 0 : i32
    %eq3A_8 = arith.cmpi eq, %arg0, %eq3A_7 : i32
    %convert_element_type3A_9 = arith.extui %eq3A_8 : i1 to i32
    %cond3A_10 = arith.constant 0 : i32
    %cond3A_11 = arith.cmpi ne, %convert_element_type3A_9, %cond3A_10 : i32
    scf.if %cond3A_11 {
      %scan3A = arith.constant 0 : i32
      %scan3A_28 = arith.constant 0 : i32
      %scan3A_29 = arith.constant 4 : i32
      %scan3A_30 = arith.addi %scan3A_28, %scan3A_29 : i32
      %scan3A_31 = arith.constant 1 : i32
      scf.for %scan3A_33 = %scan3A_28 to %scan3A_30 step %scan3A_31  : i32 {
        %mul3A = arith.constant 160 : i32
        %mul3A_34 = arith.muli %arg1, %mul3A : i32
        %mul3A_35 = arith.constant 40 : i32
        %mul3A_36 = arith.muli %scan3A_33, %mul3A_35 : i32
        %add3A = arith.addi %mul3A_34, %mul3A_36 : i32
        "tpu.region"() ({
          %run_scoped3A = tpu.sem_alloc : memref<!tpu.dma_semaphore, #tpu.memory_space<semaphore_mem>>
          %dma_start3A_69 = arith.constant 0 : i32
          %dma_start3A_70 = tpu.memref_slice %arg4[%add3A, %dma_start3A_69] : memref<2560x128xi32, #tpu.memory_space<hbm>> -> memref<40x128xi32, #tpu.memory_space<hbm>>
          %dma_start3A_71 = arith.constant 0 : i32
          %dma_start3A_72 = tpu.memref_slice %arg4[%add3A, %dma_start3A_71] : memref<2560x128xi32, #tpu.memory_space<hbm>> -> memref<40x128xi32, #tpu.memory_space<hbm>>
          tpu.enqueue_dma source(%dma_start3A_72 : memref<40x128xi32, #tpu.memory_space<hbm>>) target(%arg10 : memref<40x128xi32, #tpu.memory_space<vmem>>) target_semaphore(%run_scoped3A : memref<!tpu.dma_semaphore, #tpu.memory_space<semaphore_mem>>)
          %dma_wait3A_73 = arith.constant 0 : i32
          %dma_wait3A_74 = tpu.memref_slice %arg4[%add3A, %dma_wait3A_73] : memref<2560x128xi32, #tpu.memory_space<hbm>> -> memref<40x128xi32, #tpu.memory_space<hbm>>
          %dma_wait3A_75 = arith.constant 0 : i32
          %dma_wait3A_76 = tpu.memref_slice %arg4[%add3A, %dma_wait3A_75] : memref<2560x128xi32, #tpu.memory_space<hbm>> -> memref<40x128xi32, #tpu.memory_space<hbm>>
          tpu.wait_dma2 semaphore(%run_scoped3A : memref<!tpu.dma_semaphore, #tpu.memory_space<semaphore_mem>>) src(%dma_wait3A_76 : memref<40x128xi32, #tpu.memory_space<hbm>>) dst(%arg10 : memref<40x128xi32, #tpu.memory_space<vmem>>)
          tpu.yield
        }) : () -> ()
        "tpu.region"() ({
          %run_scoped3A = tpu.sem_alloc : memref<!tpu.dma_semaphore, #tpu.memory_space<semaphore_mem>>
          %dma_start3A_69 = arith.constant 0 : i32
          %dma_start3A_70 = tpu.memref_slice %arg5[%add3A, %dma_start3A_69] : memref<2560x128xi32, #tpu.memory_space<hbm>> -> memref<40x128xi32, #tpu.memory_space<hbm>>
          %dma_start3A_71 = arith.constant 0 : i32
          %dma_start3A_72 = tpu.memref_slice %arg5[%add3A, %dma_start3A_71] : memref<2560x128xi32, #tpu.memory_space<hbm>> -> memref<40x128xi32, #tpu.memory_space<hbm>>
          tpu.enqueue_dma source(%dma_start3A_72 : memref<40x128xi32, #tpu.memory_space<hbm>>) target(%arg11 : memref<40x128xi32, #tpu.memory_space<vmem>>) target_semaphore(%run_scoped3A : memref<!tpu.dma_semaphore, #tpu.memory_space<semaphore_mem>>)
          %dma_wait3A_73 = arith.constant 0 : i32
          %dma_wait3A_74 = tpu.memref_slice %arg5[%add3A, %dma_wait3A_73] : memref<2560x128xi32, #tpu.memory_space<hbm>> -> memref<40x128xi32, #tpu.memory_space<hbm>>
          %dma_wait3A_75 = arith.constant 0 : i32
          %dma_wait3A_76 = tpu.memref_slice %arg5[%add3A, %dma_wait3A_75] : memref<2560x128xi32, #tpu.memory_space<hbm>> -> memref<40x128xi32, #tpu.memory_space<hbm>>
          tpu.wait_dma2 semaphore(%run_scoped3A : memref<!tpu.dma_semaphore, #tpu.memory_space<semaphore_mem>>) src(%dma_wait3A_76 : memref<40x128xi32, #tpu.memory_space<hbm>>) dst(%arg11 : memref<40x128xi32, #tpu.memory_space<vmem>>)
          tpu.yield
        }) : () -> ()
        %dma_start3A = arith.constant 0 : i32
        %dma_start3A_37 = arith.constant 0 : i32
        %dma_start3A_38 = tpu.memref_slice %arg10[%dma_start3A, %dma_start3A_37] : memref<40x128xi32, #tpu.memory_space<vmem>> -> memref<1x128xi32, #tpu.memory_space<vmem>>
        %dma_start3A_39 = tpu.memref_squeeze %dma_start3A_38 : memref<1x128xi32, #tpu.memory_space<vmem>> -> memref<128xi32, #tpu.memory_space<vmem>>
        %dma_start3A_40 = arith.constant 0 : i32
        %dma_start3A_41 = arith.constant 0 : i32
        %dma_start3A_42 = tpu.memref_slice %arg2[%dma_start3A_40, %dma_start3A_41] : memref<10240x64xf32, #tpu.memory_space<hbm>> -> memref<10240x64xf32, #tpu.memory_space<hbm>>
        tpu.enqueue_indirect_dma source(%dma_start3A_42 : memref<10240x64xf32, #tpu.memory_space<hbm>>) target(%arg12 : memref<128x64xf32, #tpu.memory_space<vmem>>) offsets(%dma_start3A_39 : memref<128xi32, #tpu.memory_space<vmem>>) semaphore(%arg18 : memref<!tpu.dma_semaphore, #tpu.memory_space<semaphore_mem>>)
        %dma_start3A_43 = arith.constant 1 : i32
        %dma_start3A_44 = arith.constant 0 : i32
        %dma_start3A_45 = tpu.memref_slice %arg10[%dma_start3A_43, %dma_start3A_44] : memref<40x128xi32, #tpu.memory_space<vmem>> -> memref<1x128xi32, #tpu.memory_space<vmem>>
        %dma_start3A_46 = tpu.memref_squeeze %dma_start3A_45 : memref<1x128xi32, #tpu.memory_space<vmem>> -> memref<128xi32, #tpu.memory_space<vmem>>
        %dma_start3A_47 = arith.constant 0 : i32
        %dma_start3A_48 = arith.constant 0 : i32
        %dma_start3A_49 = tpu.memref_slice %arg2[%dma_start3A_47, %dma_start3A_48] : memref<10240x64xf32, #tpu.memory_space<hbm>> -> memref<10240x64xf32, #tpu.memory_space<hbm>>
        tpu.enqueue_indirect_dma source(%dma_start3A_49 : memref<10240x64xf32, #tpu.memory_space<hbm>>) target(%arg13 : memref<128x64xf32, #tpu.memory_space<vmem>>) offsets(%dma_start3A_46 : memref<128xi32, #tpu.memory_space<vmem>>) semaphore(%arg19 : memref<!tpu.dma_semaphore, #tpu.memory_space<semaphore_mem>>)
        %scan3A_50 = arith.constant 0 : i32
        %scan3A_51 = arith.constant 0 : i32
        %scan3A_52 = arith.constant 20 : i32
        %scan3A_53 = arith.addi %scan3A_51, %scan3A_52 : i32
        %scan3A_54 = arith.constant 1 : i32
        scf.for %scan3A_69 = %scan3A_51 to %scan3A_53 step %scan3A_54  : i32 {
          %mul3A_70 = arith.constant 2 : i32
          %mul3A_71 = arith.muli %scan3A_69, %mul3A_70 : i32
          %add3A_72 = arith.constant 0 : i32
          %add3A_73 = arith.addi %mul3A_71, %add3A_72 : i32
          %dma_wait3A_74 = arith.constant 0 : i32
          %dma_wait3A_75 = tpu.memref_slice %arg10[%add3A_73, %dma_wait3A_74] : memref<40x128xi32, #tpu.memory_space<vmem>> -> memref<1x128xi32, #tpu.memory_space<vmem>>
          %dma_wait3A_76 = tpu.memref_squeeze %dma_wait3A_75 : memref<1x128xi32, #tpu.memory_space<vmem>> -> memref<128xi32, #tpu.memory_space<vmem>>
          %dma_wait3A_77 = arith.constant 0 : i32
          %dma_wait3A_78 = arith.constant 0 : i32
          %dma_wait3A_79 = tpu.memref_slice %arg2[%dma_wait3A_77, %dma_wait3A_78] : memref<10240x64xf32, #tpu.memory_space<hbm>> -> memref<10240x64xf32, #tpu.memory_space<hbm>>
          tpu.wait_indirect_dma semaphore(%arg18 : memref<!tpu.dma_semaphore, #tpu.memory_space<semaphore_mem>>) src(%dma_wait3A_79 : memref<10240x64xf32, #tpu.memory_space<hbm>>) dst(%arg12 : memref<128x64xf32, #tpu.memory_space<vmem>>)
          %dma_start3A_80 = arith.constant 0 : i32
          %dma_start3A_81 = tpu.memref_slice %arg11[%add3A_73, %dma_start3A_80] : memref<40x128xi32, #tpu.memory_space<vmem>> -> memref<1x128xi32, #tpu.memory_space<vmem>>
          %dma_start3A_82 = tpu.memref_squeeze %dma_start3A_81 : memref<1x128xi32, #tpu.memory_space<vmem>> -> memref<128xi32, #tpu.memory_space<vmem>>
          %dma_start3A_83 = arith.constant 0 : i32
          %dma_start3A_84 = arith.constant 0 : i32
          %dma_start3A_85 = tpu.memref_slice %arg16[%dma_start3A_83, %dma_start3A_84] : memref<10240x64xf32, #tpu.memory_space<vmem_shared>> -> memref<10240x64xf32, #tpu.memory_space<vmem_shared>>
          tpu.enqueue_indirect_dma source(%arg12 : memref<128x64xf32, #tpu.memory_space<vmem>>) target(%dma_start3A_85 : memref<10240x64xf32, #tpu.memory_space<vmem_shared>>) offsets(%dma_start3A_82 : memref<128xi32, #tpu.memory_space<vmem>>) semaphore(%arg20 : memref<!tpu.dma_semaphore, #tpu.memory_space<semaphore_mem>>) {add = true}
          %add3A_86 = arith.constant 2 : i32
          %add3A_87 = arith.addi %add3A_73, %add3A_86 : i32
          %lt3A = arith.constant 40 : i32
          %lt3A_88 = arith.cmpi slt, %add3A_87, %lt3A : i32
          %convert_element_type3A_89 = arith.extui %lt3A_88 : i1 to i32
          %cond3A_90 = arith.constant 0 : i32
          %cond3A_91 = arith.cmpi ne, %convert_element_type3A_89, %cond3A_90 : i32
          scf.if %cond3A_91 {
            %dma_wait3A_115 = arith.constant 0 : i32
            %dma_wait3A_116 = tpu.memref_slice %arg11[%add3A_73, %dma_wait3A_115] : memref<40x128xi32, #tpu.memory_space<vmem>> -> memref<1x128xi32, #tpu.memory_space<vmem>>
            %dma_wait3A_117 = tpu.memref_squeeze %dma_wait3A_116 : memref<1x128xi32, #tpu.memory_space<vmem>> -> memref<128xi32, #tpu.memory_space<vmem>>
            %dma_wait3A_118 = arith.constant 0 : i32
            %dma_wait3A_119 = arith.constant 0 : i32
            %dma_wait3A_120 = tpu.memref_slice %arg16[%dma_wait3A_118, %dma_wait3A_119] : memref<10240x64xf32, #tpu.memory_space<vmem_shared>> -> memref<10240x64xf32, #tpu.memory_space<vmem_shared>>
            tpu.wait_indirect_dma semaphore(%arg20 : memref<!tpu.dma_semaphore, #tpu.memory_space<semaphore_mem>>) src(%arg12 : memref<128x64xf32, #tpu.memory_space<vmem>>) dst(%dma_wait3A_120 : memref<10240x64xf32, #tpu.memory_space<vmem_shared>>)
            %add3A_121 = arith.constant 2 : i32
            %add3A_122 = arith.addi %add3A_73, %add3A_121 : i32
            %dma_start3A_123 = arith.constant 0 : i32
            %dma_start3A_124 = tpu.memref_slice %arg10[%add3A_122, %dma_start3A_123] : memref<40x128xi32, #tpu.memory_space<vmem>> -> memref<1x128xi32, #tpu.memory_space<vmem>>
            %dma_start3A_125 = tpu.memref_squeeze %dma_start3A_124 : memref<1x128xi32, #tpu.memory_space<vmem>> -> memref<128xi32, #tpu.memory_space<vmem>>
            %dma_start3A_126 = arith.constant 0 : i32
            %dma_start3A_127 = arith.constant 0 : i32
            %dma_start3A_128 = tpu.memref_slice %arg2[%dma_start3A_126, %dma_start3A_127] : memref<10240x64xf32, #tpu.memory_space<hbm>> -> memref<10240x64xf32, #tpu.memory_space<hbm>>
            tpu.enqueue_indirect_dma source(%dma_start3A_128 : memref<10240x64xf32, #tpu.memory_space<hbm>>) target(%arg12 : memref<128x64xf32, #tpu.memory_space<vmem>>) offsets(%dma_start3A_125 : memref<128xi32, #tpu.memory_space<vmem>>) semaphore(%arg18 : memref<!tpu.dma_semaphore, #tpu.memory_space<semaphore_mem>>)
          } else {
          }
          %mul3A_92 = arith.constant 2 : i32
          %mul3A_93 = arith.muli %scan3A_69, %mul3A_92 : i32
          %add3A_94 = arith.constant 1 : i32
          %add3A_95 = arith.addi %mul3A_93, %add3A_94 : i32
          %dma_wait3A_96 = arith.constant 0 : i32
          %dma_wait3A_97 = tpu.memref_slice %arg10[%add3A_95, %dma_wait3A_96] : memref<40x128xi32, #tpu.memory_space<vmem>> -> memref<1x128xi32, #tpu.memory_space<vmem>>
          %dma_wait3A_98 = tpu.memref_squeeze %dma_wait3A_97 : memref<1x128xi32, #tpu.memory_space<vmem>> -> memref<128xi32, #tpu.memory_space<vmem>>
          %dma_wait3A_99 = arith.constant 0 : i32
          %dma_wait3A_100 = arith.constant 0 : i32
          %dma_wait3A_101 = tpu.memref_slice %arg2[%dma_wait3A_99, %dma_wait3A_100] : memref<10240x64xf32, #tpu.memory_space<hbm>> -> memref<10240x64xf32, #tpu.memory_space<hbm>>
          tpu.wait_indirect_dma semaphore(%arg19 : memref<!tpu.dma_semaphore, #tpu.memory_space<semaphore_mem>>) src(%dma_wait3A_101 : memref<10240x64xf32, #tpu.memory_space<hbm>>) dst(%arg13 : memref<128x64xf32, #tpu.memory_space<vmem>>)
          %dma_start3A_102 = arith.constant 0 : i32
          %dma_start3A_103 = tpu.memref_slice %arg11[%add3A_95, %dma_start3A_102] : memref<40x128xi32, #tpu.memory_space<vmem>> -> memref<1x128xi32, #tpu.memory_space<vmem>>
          %dma_start3A_104 = tpu.memref_squeeze %dma_start3A_103 : memref<1x128xi32, #tpu.memory_space<vmem>> -> memref<128xi32, #tpu.memory_space<vmem>>
          %dma_start3A_105 = arith.constant 0 : i32
          %dma_start3A_106 = arith.constant 0 : i32
          %dma_start3A_107 = tpu.memref_slice %arg16[%dma_start3A_105, %dma_start3A_106] : memref<10240x64xf32, #tpu.memory_space<vmem_shared>> -> memref<10240x64xf32, #tpu.memory_space<vmem_shared>>
          tpu.enqueue_indirect_dma source(%arg13 : memref<128x64xf32, #tpu.memory_space<vmem>>) target(%dma_start3A_107 : memref<10240x64xf32, #tpu.memory_space<vmem_shared>>) offsets(%dma_start3A_104 : memref<128xi32, #tpu.memory_space<vmem>>) semaphore(%arg21 : memref<!tpu.dma_semaphore, #tpu.memory_space<semaphore_mem>>) {add = true}
          %add3A_108 = arith.constant 2 : i32
          %add3A_109 = arith.addi %add3A_95, %add3A_108 : i32
          %lt3A_110 = arith.constant 40 : i32
          %lt3A_111 = arith.cmpi slt, %add3A_109, %lt3A_110 : i32
          %convert_element_type3A_112 = arith.extui %lt3A_111 : i1 to i32
          %cond3A_113 = arith.constant 0 : i32
          %cond3A_114 = arith.cmpi ne, %convert_element_type3A_112, %cond3A_113 : i32
          scf.if %cond3A_114 {
            %dma_wait3A_115 = arith.constant 0 : i32
            %dma_wait3A_116 = tpu.memref_slice %arg11[%add3A_95, %dma_wait3A_115] : memref<40x128xi32, #tpu.memory_space<vmem>> -> memref<1x128xi32, #tpu.memory_space<vmem>>
            %dma_wait3A_117 = tpu.memref_squeeze %dma_wait3A_116 : memref<1x128xi32, #tpu.memory_space<vmem>> -> memref<128xi32, #tpu.memory_space<vmem>>
            %dma_wait3A_118 = arith.constant 0 : i32
            %dma_wait3A_119 = arith.constant 0 : i32
            %dma_wait3A_120 = tpu.memref_slice %arg16[%dma_wait3A_118, %dma_wait3A_119] : memref<10240x64xf32, #tpu.memory_space<vmem_shared>> -> memref<10240x64xf32, #tpu.memory_space<vmem_shared>>
            tpu.wait_indirect_dma semaphore(%arg21 : memref<!tpu.dma_semaphore, #tpu.memory_space<semaphore_mem>>) src(%arg13 : memref<128x64xf32, #tpu.memory_space<vmem>>) dst(%dma_wait3A_120 : memref<10240x64xf32, #tpu.memory_space<vmem_shared>>)
            %add3A_121 = arith.constant 2 : i32
            %add3A_122 = arith.addi %add3A_95, %add3A_121 : i32
            %dma_start3A_123 = arith.constant 0 : i32
            %dma_start3A_124 = tpu.memref_slice %arg10[%add3A_122, %dma_start3A_123] : memref<40x128xi32, #tpu.memory_space<vmem>> -> memref<1x128xi32, #tpu.memory_space<vmem>>
            %dma_start3A_125 = tpu.memref_squeeze %dma_start3A_124 : memref<1x128xi32, #tpu.memory_space<vmem>> -> memref<128xi32, #tpu.memory_space<vmem>>
            %dma_start3A_126 = arith.constant 0 : i32
            %dma_start3A_127 = arith.constant 0 : i32
            %dma_start3A_128 = tpu.memref_slice %arg2[%dma_start3A_126, %dma_start3A_127] : memref<10240x64xf32, #tpu.memory_space<hbm>> -> memref<10240x64xf32, #tpu.memory_space<hbm>>
            tpu.enqueue_indirect_dma source(%dma_start3A_128 : memref<10240x64xf32, #tpu.memory_space<hbm>>) target(%arg13 : memref<128x64xf32, #tpu.memory_space<vmem>>) offsets(%dma_start3A_125 : memref<128xi32, #tpu.memory_space<vmem>>) semaphore(%arg19 : memref<!tpu.dma_semaphore, #tpu.memory_space<semaphore_mem>>)
          } else {
          }
        }
        %scan3A_55 = arith.constant 20 : i32
        %dma_wait3A = arith.constant 38 : i32
        %dma_wait3A_56 = arith.constant 0 : i32
        %dma_wait3A_57 = tpu.memref_slice %arg11[%dma_wait3A, %dma_wait3A_56] : memref<40x128xi32, #tpu.memory_space<vmem>> -> memref<1x128xi32, #tpu.memory_space<vmem>>
        %dma_wait3A_58 = tpu.memref_squeeze %dma_wait3A_57 : memref<1x128xi32, #tpu.memory_space<vmem>> -> memref<128xi32, #tpu.memory_space<vmem>>
        %dma_wait3A_59 = arith.constant 0 : i32
        %dma_wait3A_60 = arith.constant 0 : i32
        %dma_wait3A_61 = tpu.memref_slice %arg16[%dma_wait3A_59, %dma_wait3A_60] : memref<10240x64xf32, #tpu.memory_space<vmem_shared>> -> memref<10240x64xf32, #tpu.memory_space<vmem_shared>>
        tpu.wait_indirect_dma semaphore(%arg20 : memref<!tpu.dma_semaphore, #tpu.memory_space<semaphore_mem>>) src(%arg12 : memref<128x64xf32, #tpu.memory_space<vmem>>) dst(%dma_wait3A_61 : memref<10240x64xf32, #tpu.memory_space<vmem_shared>>)
        %dma_wait3A_62 = arith.constant 39 : i32
        %dma_wait3A_63 = arith.constant 0 : i32
        %dma_wait3A_64 = tpu.memref_slice %arg11[%dma_wait3A_62, %dma_wait3A_63] : memref<40x128xi32, #tpu.memory_space<vmem>> -> memref<1x128xi32, #tpu.memory_space<vmem>>
        %dma_wait3A_65 = tpu.memref_squeeze %dma_wait3A_64 : memref<1x128xi32, #tpu.memory_space<vmem>> -> memref<128xi32, #tpu.memory_space<vmem>>
        %dma_wait3A_66 = arith.constant 0 : i32
        %dma_wait3A_67 = arith.constant 0 : i32
        %dma_wait3A_68 = tpu.memref_slice %arg16[%dma_wait3A_66, %dma_wait3A_67] : memref<10240x64xf32, #tpu.memory_space<vmem_shared>> -> memref<10240x64xf32, #tpu.memory_space<vmem_shared>>
        tpu.wait_indirect_dma semaphore(%arg21 : memref<!tpu.dma_semaphore, #tpu.memory_space<semaphore_mem>>) src(%arg13 : memref<128x64xf32, #tpu.memory_space<vmem>>) dst(%dma_wait3A_68 : memref<10240x64xf32, #tpu.memory_space<vmem_shared>>)
      }
      %scan3A_32 = arith.constant 4 : i32
    } else {
    }
    %eq3A_12 = arith.constant 1 : i32
    %eq3A_13 = arith.cmpi eq, %arg0, %eq3A_12 : i32
    %convert_element_type3A_14 = arith.extui %eq3A_13 : i1 to i32
    %cond3A_15 = arith.constant 0 : i32
    %cond3A_16 = arith.cmpi ne, %convert_element_type3A_14, %cond3A_15 : i32
    scf.if %cond3A_16 {
      %scan3A = arith.constant 0 : i32
      %scan3A_28 = arith.constant 0 : i32
      %scan3A_29 = arith.constant 4 : i32
      %scan3A_30 = arith.addi %scan3A_28, %scan3A_29 : i32
      %scan3A_31 = arith.constant 1 : i32
      scf.for %scan3A_33 = %scan3A_28 to %scan3A_30 step %scan3A_31  : i32 {
        %mul3A = arith.constant 160 : i32
        %mul3A_34 = arith.muli %arg1, %mul3A : i32
        %mul3A_35 = arith.constant 40 : i32
        %mul3A_36 = arith.muli %scan3A_33, %mul3A_35 : i32
        %add3A = arith.addi %mul3A_34, %mul3A_36 : i32
        "tpu.region"() ({
          %run_scoped3A = tpu.sem_alloc : memref<!tpu.dma_semaphore, #tpu.memory_space<semaphore_mem>>
          %dma_start3A_69 = arith.constant 0 : i32
          %dma_start3A_70 = tpu.memref_slice %arg4[%add3A, %dma_start3A_69] : memref<2560x128xi32, #tpu.memory_space<hbm>> -> memref<40x128xi32, #tpu.memory_space<hbm>>
          %dma_start3A_71 = arith.constant 0 : i32
          %dma_start3A_72 = tpu.memref_slice %arg4[%add3A, %dma_start3A_71] : memref<2560x128xi32, #tpu.memory_space<hbm>> -> memref<40x128xi32, #tpu.memory_space<hbm>>
          tpu.enqueue_dma source(%dma_start3A_72 : memref<40x128xi32, #tpu.memory_space<hbm>>) target(%arg10 : memref<40x128xi32, #tpu.memory_space<vmem>>) target_semaphore(%run_scoped3A : memref<!tpu.dma_semaphore, #tpu.memory_space<semaphore_mem>>)
          %dma_wait3A_73 = arith.constant 0 : i32
          %dma_wait3A_74 = tpu.memref_slice %arg4[%add3A, %dma_wait3A_73] : memref<2560x128xi32, #tpu.memory_space<hbm>> -> memref<40x128xi32, #tpu.memory_space<hbm>>
          %dma_wait3A_75 = arith.constant 0 : i32
          %dma_wait3A_76 = tpu.memref_slice %arg4[%add3A, %dma_wait3A_75] : memref<2560x128xi32, #tpu.memory_space<hbm>> -> memref<40x128xi32, #tpu.memory_space<hbm>>
          tpu.wait_dma2 semaphore(%run_scoped3A : memref<!tpu.dma_semaphore, #tpu.memory_space<semaphore_mem>>) src(%dma_wait3A_76 : memref<40x128xi32, #tpu.memory_space<hbm>>) dst(%arg10 : memref<40x128xi32, #tpu.memory_space<vmem>>)
          tpu.yield
        }) : () -> ()
        "tpu.region"() ({
          %run_scoped3A = tpu.sem_alloc : memref<!tpu.dma_semaphore, #tpu.memory_space<semaphore_mem>>
          %dma_start3A_69 = arith.constant 0 : i32
          %dma_start3A_70 = tpu.memref_slice %arg5[%add3A, %dma_start3A_69] : memref<2560x128xi32, #tpu.memory_space<hbm>> -> memref<40x128xi32, #tpu.memory_space<hbm>>
          %dma_start3A_71 = arith.constant 0 : i32
          %dma_start3A_72 = tpu.memref_slice %arg5[%add3A, %dma_start3A_71] : memref<2560x128xi32, #tpu.memory_space<hbm>> -> memref<40x128xi32, #tpu.memory_space<hbm>>
          tpu.enqueue_dma source(%dma_start3A_72 : memref<40x128xi32, #tpu.memory_space<hbm>>) target(%arg11 : memref<40x128xi32, #tpu.memory_space<vmem>>) target_semaphore(%run_scoped3A : memref<!tpu.dma_semaphore, #tpu.memory_space<semaphore_mem>>)
          %dma_wait3A_73 = arith.constant 0 : i32
          %dma_wait3A_74 = tpu.memref_slice %arg5[%add3A, %dma_wait3A_73] : memref<2560x128xi32, #tpu.memory_space<hbm>> -> memref<40x128xi32, #tpu.memory_space<hbm>>
          %dma_wait3A_75 = arith.constant 0 : i32
          %dma_wait3A_76 = tpu.memref_slice %arg5[%add3A, %dma_wait3A_75] : memref<2560x128xi32, #tpu.memory_space<hbm>> -> memref<40x128xi32, #tpu.memory_space<hbm>>
          tpu.wait_dma2 semaphore(%run_scoped3A : memref<!tpu.dma_semaphore, #tpu.memory_space<semaphore_mem>>) src(%dma_wait3A_76 : memref<40x128xi32, #tpu.memory_space<hbm>>) dst(%arg11 : memref<40x128xi32, #tpu.memory_space<vmem>>)
          tpu.yield
        }) : () -> ()
        %dma_start3A = arith.constant 0 : i32
        %dma_start3A_37 = arith.constant 0 : i32
        %dma_start3A_38 = tpu.memref_slice %arg10[%dma_start3A, %dma_start3A_37] : memref<40x128xi32, #tpu.memory_space<vmem>> -> memref<1x128xi32, #tpu.memory_space<vmem>>
        %dma_start3A_39 = tpu.memref_squeeze %dma_start3A_38 : memref<1x128xi32, #tpu.memory_space<vmem>> -> memref<128xi32, #tpu.memory_space<vmem>>
        %dma_start3A_40 = arith.constant 0 : i32
        %dma_start3A_41 = arith.constant 0 : i32
        %dma_start3A_42 = tpu.memref_slice %arg3[%dma_start3A_40, %dma_start3A_41] : memref<10240x64xf32, #tpu.memory_space<hbm>> -> memref<10240x64xf32, #tpu.memory_space<hbm>>
        tpu.enqueue_indirect_dma source(%dma_start3A_42 : memref<10240x64xf32, #tpu.memory_space<hbm>>) target(%arg14 : memref<128x64xf32, #tpu.memory_space<vmem>>) offsets(%dma_start3A_39 : memref<128xi32, #tpu.memory_space<vmem>>) semaphore(%arg18 : memref<!tpu.dma_semaphore, #tpu.memory_space<semaphore_mem>>)
        %dma_start3A_43 = arith.constant 1 : i32
        %dma_start3A_44 = arith.constant 0 : i32
        %dma_start3A_45 = tpu.memref_slice %arg10[%dma_start3A_43, %dma_start3A_44] : memref<40x128xi32, #tpu.memory_space<vmem>> -> memref<1x128xi32, #tpu.memory_space<vmem>>
        %dma_start3A_46 = tpu.memref_squeeze %dma_start3A_45 : memref<1x128xi32, #tpu.memory_space<vmem>> -> memref<128xi32, #tpu.memory_space<vmem>>
        %dma_start3A_47 = arith.constant 0 : i32
        %dma_start3A_48 = arith.constant 0 : i32
        %dma_start3A_49 = tpu.memref_slice %arg3[%dma_start3A_47, %dma_start3A_48] : memref<10240x64xf32, #tpu.memory_space<hbm>> -> memref<10240x64xf32, #tpu.memory_space<hbm>>
        tpu.enqueue_indirect_dma source(%dma_start3A_49 : memref<10240x64xf32, #tpu.memory_space<hbm>>) target(%arg15 : memref<128x64xf32, #tpu.memory_space<vmem>>) offsets(%dma_start3A_46 : memref<128xi32, #tpu.memory_space<vmem>>) semaphore(%arg19 : memref<!tpu.dma_semaphore, #tpu.memory_space<semaphore_mem>>)
        %scan3A_50 = arith.constant 0 : i32
        %scan3A_51 = arith.constant 0 : i32
        %scan3A_52 = arith.constant 20 : i32
        %scan3A_53 = arith.addi %scan3A_51, %scan3A_52 : i32
        %scan3A_54 = arith.constant 1 : i32
        scf.for %scan3A_69 = %scan3A_51 to %scan3A_53 step %scan3A_54  : i32 {
          %mul3A_70 = arith.constant 2 : i32
          %mul3A_71 = arith.muli %scan3A_69, %mul3A_70 : i32
          %add3A_72 = arith.constant 0 : i32
          %add3A_73 = arith.addi %mul3A_71, %add3A_72 : i32
          %dma_wait3A_74 = arith.constant 0 : i32
          %dma_wait3A_75 = tpu.memref_slice %arg10[%add3A_73, %dma_wait3A_74] : memref<40x128xi32, #tpu.memory_space<vmem>> -> memref<1x128xi32, #tpu.memory_space<vmem>>
          %dma_wait3A_76 = tpu.memref_squeeze %dma_wait3A_75 : memref<1x128xi32, #tpu.memory_space<vmem>> -> memref<128xi32, #tpu.memory_space<vmem>>
          %dma_wait3A_77 = arith.constant 0 : i32
          %dma_wait3A_78 = arith.constant 0 : i32
          %dma_wait3A_79 = tpu.memref_slice %arg3[%dma_wait3A_77, %dma_wait3A_78] : memref<10240x64xf32, #tpu.memory_space<hbm>> -> memref<10240x64xf32, #tpu.memory_space<hbm>>
          tpu.wait_indirect_dma semaphore(%arg18 : memref<!tpu.dma_semaphore, #tpu.memory_space<semaphore_mem>>) src(%dma_wait3A_79 : memref<10240x64xf32, #tpu.memory_space<hbm>>) dst(%arg14 : memref<128x64xf32, #tpu.memory_space<vmem>>)
          %dma_start3A_80 = arith.constant 0 : i32
          %dma_start3A_81 = tpu.memref_slice %arg11[%add3A_73, %dma_start3A_80] : memref<40x128xi32, #tpu.memory_space<vmem>> -> memref<1x128xi32, #tpu.memory_space<vmem>>
          %dma_start3A_82 = tpu.memref_squeeze %dma_start3A_81 : memref<1x128xi32, #tpu.memory_space<vmem>> -> memref<128xi32, #tpu.memory_space<vmem>>
          %dma_start3A_83 = arith.constant 0 : i32
          %dma_start3A_84 = arith.constant 0 : i32
          %dma_start3A_85 = tpu.memref_slice %arg17[%dma_start3A_83, %dma_start3A_84] : memref<10240x64xf32, #tpu.memory_space<vmem_shared>> -> memref<10240x64xf32, #tpu.memory_space<vmem_shared>>
          tpu.enqueue_indirect_dma source(%arg14 : memref<128x64xf32, #tpu.memory_space<vmem>>) target(%dma_start3A_85 : memref<10240x64xf32, #tpu.memory_space<vmem_shared>>) offsets(%dma_start3A_82 : memref<128xi32, #tpu.memory_space<vmem>>) semaphore(%arg20 : memref<!tpu.dma_semaphore, #tpu.memory_space<semaphore_mem>>) {add = true}
          %add3A_86 = arith.constant 2 : i32
          %add3A_87 = arith.addi %add3A_73, %add3A_86 : i32
          %lt3A = arith.constant 40 : i32
          %lt3A_88 = arith.cmpi slt, %add3A_87, %lt3A : i32
          %convert_element_type3A_89 = arith.extui %lt3A_88 : i1 to i32
          %cond3A_90 = arith.constant 0 : i32
          %cond3A_91 = arith.cmpi ne, %convert_element_type3A_89, %cond3A_90 : i32
          scf.if %cond3A_91 {
            %dma_wait3A_115 = arith.constant 0 : i32
            %dma_wait3A_116 = tpu.memref_slice %arg11[%add3A_73, %dma_wait3A_115] : memref<40x128xi32, #tpu.memory_space<vmem>> -> memref<1x128xi32, #tpu.memory_space<vmem>>
            %dma_wait3A_117 = tpu.memref_squeeze %dma_wait3A_116 : memref<1x128xi32, #tpu.memory_space<vmem>> -> memref<128xi32, #tpu.memory_space<vmem>>
            %dma_wait3A_118 = arith.constant 0 : i32
            %dma_wait3A_119 = arith.constant 0 : i32
            %dma_wait3A_120 = tpu.memref_slice %arg17[%dma_wait3A_118, %dma_wait3A_119] : memref<10240x64xf32, #tpu.memory_space<vmem_shared>> -> memref<10240x64xf32, #tpu.memory_space<vmem_shared>>
            tpu.wait_indirect_dma semaphore(%arg20 : memref<!tpu.dma_semaphore, #tpu.memory_space<semaphore_mem>>) src(%arg14 : memref<128x64xf32, #tpu.memory_space<vmem>>) dst(%dma_wait3A_120 : memref<10240x64xf32, #tpu.memory_space<vmem_shared>>)
            %add3A_121 = arith.constant 2 : i32
            %add3A_122 = arith.addi %add3A_73, %add3A_121 : i32
            %dma_start3A_123 = arith.constant 0 : i32
            %dma_start3A_124 = tpu.memref_slice %arg10[%add3A_122, %dma_start3A_123] : memref<40x128xi32, #tpu.memory_space<vmem>> -> memref<1x128xi32, #tpu.memory_space<vmem>>
            %dma_start3A_125 = tpu.memref_squeeze %dma_start3A_124 : memref<1x128xi32, #tpu.memory_space<vmem>> -> memref<128xi32, #tpu.memory_space<vmem>>
            %dma_start3A_126 = arith.constant 0 : i32
            %dma_start3A_127 = arith.constant 0 : i32
            %dma_start3A_128 = tpu.memref_slice %arg3[%dma_start3A_126, %dma_start3A_127] : memref<10240x64xf32, #tpu.memory_space<hbm>> -> memref<10240x64xf32, #tpu.memory_space<hbm>>
            tpu.enqueue_indirect_dma source(%dma_start3A_128 : memref<10240x64xf32, #tpu.memory_space<hbm>>) target(%arg14 : memref<128x64xf32, #tpu.memory_space<vmem>>) offsets(%dma_start3A_125 : memref<128xi32, #tpu.memory_space<vmem>>) semaphore(%arg18 : memref<!tpu.dma_semaphore, #tpu.memory_space<semaphore_mem>>)
          } else {
          }
          %mul3A_92 = arith.constant 2 : i32
          %mul3A_93 = arith.muli %scan3A_69, %mul3A_92 : i32
          %add3A_94 = arith.constant 1 : i32
          %add3A_95 = arith.addi %mul3A_93, %add3A_94 : i32
          %dma_wait3A_96 = arith.constant 0 : i32
          %dma_wait3A_97 = tpu.memref_slice %arg10[%add3A_95, %dma_wait3A_96] : memref<40x128xi32, #tpu.memory_space<vmem>> -> memref<1x128xi32, #tpu.memory_space<vmem>>
          %dma_wait3A_98 = tpu.memref_squeeze %dma_wait3A_97 : memref<1x128xi32, #tpu.memory_space<vmem>> -> memref<128xi32, #tpu.memory_space<vmem>>
          %dma_wait3A_99 = arith.constant 0 : i32
          %dma_wait3A_100 = arith.constant 0 : i32
          %dma_wait3A_101 = tpu.memref_slice %arg3[%dma_wait3A_99, %dma_wait3A_100] : memref<10240x64xf32, #tpu.memory_space<hbm>> -> memref<10240x64xf32, #tpu.memory_space<hbm>>
          tpu.wait_indirect_dma semaphore(%arg19 : memref<!tpu.dma_semaphore, #tpu.memory_space<semaphore_mem>>) src(%dma_wait3A_101 : memref<10240x64xf32, #tpu.memory_space<hbm>>) dst(%arg15 : memref<128x64xf32, #tpu.memory_space<vmem>>)
          %dma_start3A_102 = arith.constant 0 : i32
          %dma_start3A_103 = tpu.memref_slice %arg11[%add3A_95, %dma_start3A_102] : memref<40x128xi32, #tpu.memory_space<vmem>> -> memref<1x128xi32, #tpu.memory_space<vmem>>
          %dma_start3A_104 = tpu.memref_squeeze %dma_start3A_103 : memref<1x128xi32, #tpu.memory_space<vmem>> -> memref<128xi32, #tpu.memory_space<vmem>>
          %dma_start3A_105 = arith.constant 0 : i32
          %dma_start3A_106 = arith.constant 0 : i32
          %dma_start3A_107 = tpu.memref_slice %arg17[%dma_start3A_105, %dma_start3A_106] : memref<10240x64xf32, #tpu.memory_space<vmem_shared>> -> memref<10240x64xf32, #tpu.memory_space<vmem_shared>>
          tpu.enqueue_indirect_dma source(%arg15 : memref<128x64xf32, #tpu.memory_space<vmem>>) target(%dma_start3A_107 : memref<10240x64xf32, #tpu.memory_space<vmem_shared>>) offsets(%dma_start3A_104 : memref<128xi32, #tpu.memory_space<vmem>>) semaphore(%arg21 : memref<!tpu.dma_semaphore, #tpu.memory_space<semaphore_mem>>) {add = true}
          %add3A_108 = arith.constant 2 : i32
          %add3A_109 = arith.addi %add3A_95, %add3A_108 : i32
          %lt3A_110 = arith.constant 40 : i32
          %lt3A_111 = arith.cmpi slt, %add3A_109, %lt3A_110 : i32
          %convert_element_type3A_112 = arith.extui %lt3A_111 : i1 to i32
          %cond3A_113 = arith.constant 0 : i32
          %cond3A_114 = arith.cmpi ne, %convert_element_type3A_112, %cond3A_113 : i32
          scf.if %cond3A_114 {
            %dma_wait3A_115 = arith.constant 0 : i32
            %dma_wait3A_116 = tpu.memref_slice %arg11[%add3A_95, %dma_wait3A_115] : memref<40x128xi32, #tpu.memory_space<vmem>> -> memref<1x128xi32, #tpu.memory_space<vmem>>
            %dma_wait3A_117 = tpu.memref_squeeze %dma_wait3A_116 : memref<1x128xi32, #tpu.memory_space<vmem>> -> memref<128xi32, #tpu.memory_space<vmem>>
            %dma_wait3A_118 = arith.constant 0 : i32
            %dma_wait3A_119 = arith.constant 0 : i32
            %dma_wait3A_120 = tpu.memref_slice %arg17[%dma_wait3A_118, %dma_wait3A_119] : memref<10240x64xf32, #tpu.memory_space<vmem_shared>> -> memref<10240x64xf32, #tpu.memory_space<vmem_shared>>
            tpu.wait_indirect_dma semaphore(%arg21 : memref<!tpu.dma_semaphore, #tpu.memory_space<semaphore_mem>>) src(%arg15 : memref<128x64xf32, #tpu.memory_space<vmem>>) dst(%dma_wait3A_120 : memref<10240x64xf32, #tpu.memory_space<vmem_shared>>)
            %add3A_121 = arith.constant 2 : i32
            %add3A_122 = arith.addi %add3A_95, %add3A_121 : i32
            %dma_start3A_123 = arith.constant 0 : i32
            %dma_start3A_124 = tpu.memref_slice %arg10[%add3A_122, %dma_start3A_123] : memref<40x128xi32, #tpu.memory_space<vmem>> -> memref<1x128xi32, #tpu.memory_space<vmem>>
            %dma_start3A_125 = tpu.memref_squeeze %dma_start3A_124 : memref<1x128xi32, #tpu.memory_space<vmem>> -> memref<128xi32, #tpu.memory_space<vmem>>
            %dma_start3A_126 = arith.constant 0 : i32
            %dma_start3A_127 = arith.constant 0 : i32
            %dma_start3A_128 = tpu.memref_slice %arg3[%dma_start3A_126, %dma_start3A_127] : memref<10240x64xf32, #tpu.memory_space<hbm>> -> memref<10240x64xf32, #tpu.memory_space<hbm>>
            tpu.enqueue_indirect_dma source(%dma_start3A_128 : memref<10240x64xf32, #tpu.memory_space<hbm>>) target(%arg15 : memref<128x64xf32, #tpu.memory_space<vmem>>) offsets(%dma_start3A_125 : memref<128xi32, #tpu.memory_space<vmem>>) semaphore(%arg19 : memref<!tpu.dma_semaphore, #tpu.memory_space<semaphore_mem>>)
          } else {
          }
        }
        %scan3A_55 = arith.constant 20 : i32
        %dma_wait3A = arith.constant 38 : i32
        %dma_wait3A_56 = arith.constant 0 : i32
        %dma_wait3A_57 = tpu.memref_slice %arg11[%dma_wait3A, %dma_wait3A_56] : memref<40x128xi32, #tpu.memory_space<vmem>> -> memref<1x128xi32, #tpu.memory_space<vmem>>
        %dma_wait3A_58 = tpu.memref_squeeze %dma_wait3A_57 : memref<1x128xi32, #tpu.memory_space<vmem>> -> memref<128xi32, #tpu.memory_space<vmem>>
        %dma_wait3A_59 = arith.constant 0 : i32
        %dma_wait3A_60 = arith.constant 0 : i32
        %dma_wait3A_61 = tpu.memref_slice %arg17[%dma_wait3A_59, %dma_wait3A_60] : memref<10240x64xf32, #tpu.memory_space<vmem_shared>> -> memref<10240x64xf32, #tpu.memory_space<vmem_shared>>
        tpu.wait_indirect_dma semaphore(%arg20 : memref<!tpu.dma_semaphore, #tpu.memory_space<semaphore_mem>>) src(%arg14 : memref<128x64xf32, #tpu.memory_space<vmem>>) dst(%dma_wait3A_61 : memref<10240x64xf32, #tpu.memory_space<vmem_shared>>)
        %dma_wait3A_62 = arith.constant 39 : i32
        %dma_wait3A_63 = arith.constant 0 : i32
        %dma_wait3A_64 = tpu.memref_slice %arg11[%dma_wait3A_62, %dma_wait3A_63] : memref<40x128xi32, #tpu.memory_space<vmem>> -> memref<1x128xi32, #tpu.memory_space<vmem>>
        %dma_wait3A_65 = tpu.memref_squeeze %dma_wait3A_64 : memref<1x128xi32, #tpu.memory_space<vmem>> -> memref<128xi32, #tpu.memory_space<vmem>>
        %dma_wait3A_66 = arith.constant 0 : i32
        %dma_wait3A_67 = arith.constant 0 : i32
        %dma_wait3A_68 = tpu.memref_slice %arg17[%dma_wait3A_66, %dma_wait3A_67] : memref<10240x64xf32, #tpu.memory_space<vmem_shared>> -> memref<10240x64xf32, #tpu.memory_space<vmem_shared>>
        tpu.wait_indirect_dma semaphore(%arg21 : memref<!tpu.dma_semaphore, #tpu.memory_space<semaphore_mem>>) src(%arg15 : memref<128x64xf32, #tpu.memory_space<vmem>>) dst(%dma_wait3A_68 : memref<10240x64xf32, #tpu.memory_space<vmem_shared>>)
      }
      %scan3A_32 = arith.constant 4 : i32
    } else {
    }
    %barrier3A_17 = arith.constant 0 : index
    tpu.barrier barrier_id(%barrier3A_17)
    %eq3A_18 = arith.constant 0 : i32
    %eq3A_19 = arith.cmpi eq, %arg0, %eq3A_18 : i32
    %convert_element_type3A_20 = arith.extui %eq3A_19 : i1 to i32
    %cond3A_21 = arith.constant 0 : i32
    %cond3A_22 = arith.cmpi ne, %convert_element_type3A_20, %cond3A_21 : i32
    scf.if %cond3A_22 {
      %mul3A = arith.constant 640 : i32
      %mul3A_28 = arith.muli %arg1, %mul3A : i32
      %add3A = arith.constant 0 : i32
      %add3A_29 = arith.addi %mul3A_28, %add3A : i32
      "tpu.region"() ({
        %run_scoped3A = tpu.sem_alloc : memref<!tpu.dma_semaphore, #tpu.memory_space<semaphore_mem>>
        %dma_start3A_104 = arith.constant 0 : i32
        %dma_start3A_105 = tpu.memref_slice %arg16[%add3A_29, %dma_start3A_104] : memref<10240x64xf32, #tpu.memory_space<vmem_shared>> -> memref<128x64xf32, #tpu.memory_space<vmem_shared>>
        %dma_start3A_106 = arith.constant 0 : i32
        %dma_start3A_107 = tpu.memref_slice %arg16[%add3A_29, %dma_start3A_106] : memref<10240x64xf32, #tpu.memory_space<vmem_shared>> -> memref<128x64xf32, #tpu.memory_space<vmem_shared>>
        tpu.enqueue_dma source(%dma_start3A_107 : memref<128x64xf32, #tpu.memory_space<vmem_shared>>) target(%arg12 : memref<128x64xf32, #tpu.memory_space<vmem>>) target_semaphore(%run_scoped3A : memref<!tpu.dma_semaphore, #tpu.memory_space<semaphore_mem>>)
        %dma_wait3A_108 = arith.constant 0 : i32
        %dma_wait3A_109 = tpu.memref_slice %arg16[%add3A_29, %dma_wait3A_108] : memref<10240x64xf32, #tpu.memory_space<vmem_shared>> -> memref<128x64xf32, #tpu.memory_space<vmem_shared>>
        %dma_wait3A_110 = arith.constant 0 : i32
        %dma_wait3A_111 = tpu.memref_slice %arg16[%add3A_29, %dma_wait3A_110] : memref<10240x64xf32, #tpu.memory_space<vmem_shared>> -> memref<128x64xf32, #tpu.memory_space<vmem_shared>>
        tpu.wait_dma2 semaphore(%run_scoped3A : memref<!tpu.dma_semaphore, #tpu.memory_space<semaphore_mem>>) src(%dma_wait3A_111 : memref<128x64xf32, #tpu.memory_space<vmem_shared>>) dst(%arg12 : memref<128x64xf32, #tpu.memory_space<vmem>>)
        tpu.yield
      }) : () -> ()
      %dma_start3A = arith.constant 0 : i32
      %dma_start3A_30 = tpu.memref_slice %arg8[%add3A_29, %dma_start3A] : memref<10240x64xf32, #tpu.memory_space<hbm>> -> memref<128x64xf32, #tpu.memory_space<hbm>>
      %dma_start3A_31 = arith.constant 0 : i32
      %dma_start3A_32 = tpu.memref_slice %arg8[%add3A_29, %dma_start3A_31] : memref<10240x64xf32, #tpu.memory_space<hbm>> -> memref<128x64xf32, #tpu.memory_space<hbm>>
      tpu.enqueue_dma source(%arg12 : memref<128x64xf32, #tpu.memory_space<vmem>>) target(%dma_start3A_32 : memref<128x64xf32, #tpu.memory_space<hbm>>) target_semaphore(%arg18 : memref<!tpu.dma_semaphore, #tpu.memory_space<semaphore_mem>>)
      %mul3A_33 = arith.constant 640 : i32
      %mul3A_34 = arith.muli %arg1, %mul3A_33 : i32
      %add3A_35 = arith.constant 128 : i32
      %add3A_36 = arith.addi %mul3A_34, %add3A_35 : i32
      "tpu.region"() ({
        %run_scoped3A = tpu.sem_alloc : memref<!tpu.dma_semaphore, #tpu.memory_space<semaphore_mem>>
        %dma_start3A_104 = arith.constant 0 : i32
        %dma_start3A_105 = tpu.memref_slice %arg16[%add3A_36, %dma_start3A_104] : memref<10240x64xf32, #tpu.memory_space<vmem_shared>> -> memref<128x64xf32, #tpu.memory_space<vmem_shared>>
        %dma_start3A_106 = arith.constant 0 : i32
        %dma_start3A_107 = tpu.memref_slice %arg16[%add3A_36, %dma_start3A_106] : memref<10240x64xf32, #tpu.memory_space<vmem_shared>> -> memref<128x64xf32, #tpu.memory_space<vmem_shared>>
        tpu.enqueue_dma source(%dma_start3A_107 : memref<128x64xf32, #tpu.memory_space<vmem_shared>>) target(%arg13 : memref<128x64xf32, #tpu.memory_space<vmem>>) target_semaphore(%run_scoped3A : memref<!tpu.dma_semaphore, #tpu.memory_space<semaphore_mem>>)
        %dma_wait3A_108 = arith.constant 0 : i32
        %dma_wait3A_109 = tpu.memref_slice %arg16[%add3A_36, %dma_wait3A_108] : memref<10240x64xf32, #tpu.memory_space<vmem_shared>> -> memref<128x64xf32, #tpu.memory_space<vmem_shared>>
        %dma_wait3A_110 = arith.constant 0 : i32
        %dma_wait3A_111 = tpu.memref_slice %arg16[%add3A_36, %dma_wait3A_110] : memref<10240x64xf32, #tpu.memory_space<vmem_shared>> -> memref<128x64xf32, #tpu.memory_space<vmem_shared>>
        tpu.wait_dma2 semaphore(%run_scoped3A : memref<!tpu.dma_semaphore, #tpu.memory_space<semaphore_mem>>) src(%dma_wait3A_111 : memref<128x64xf32, #tpu.memory_space<vmem_shared>>) dst(%arg13 : memref<128x64xf32, #tpu.memory_space<vmem>>)
        tpu.yield
      }) : () -> ()
      %dma_start3A_37 = arith.constant 0 : i32
      %dma_start3A_38 = tpu.memref_slice %arg8[%add3A_36, %dma_start3A_37] : memref<10240x64xf32, #tpu.memory_space<hbm>> -> memref<128x64xf32, #tpu.memory_space<hbm>>
      %dma_start3A_39 = arith.constant 0 : i32
      %dma_start3A_40 = tpu.memref_slice %arg8[%add3A_36, %dma_start3A_39] : memref<10240x64xf32, #tpu.memory_space<hbm>> -> memref<128x64xf32, #tpu.memory_space<hbm>>
      tpu.enqueue_dma source(%arg13 : memref<128x64xf32, #tpu.memory_space<vmem>>) target(%dma_start3A_40 : memref<128x64xf32, #tpu.memory_space<hbm>>) target_semaphore(%arg19 : memref<!tpu.dma_semaphore, #tpu.memory_space<semaphore_mem>>)
      %mul3A_41 = arith.constant 640 : i32
      %mul3A_42 = arith.muli %arg1, %mul3A_41 : i32
      %add3A_43 = arith.constant 256 : i32
      %add3A_44 = arith.addi %mul3A_42, %add3A_43 : i32
      %mul3A_45 = arith.constant 640 : i32
      %mul3A_46 = arith.muli %arg1, %mul3A_45 : i32
      %add3A_47 = arith.constant 0 : i32
      %add3A_48 = arith.addi %mul3A_46, %add3A_47 : i32
      %dma_wait3A = arith.constant 0 : i32
      %dma_wait3A_49 = tpu.memref_slice %arg8[%add3A_48, %dma_wait3A] : memref<10240x64xf32, #tpu.memory_space<hbm>> -> memref<128x64xf32, #tpu.memory_space<hbm>>
      %dma_wait3A_50 = arith.constant 0 : i32
      %dma_wait3A_51 = tpu.memref_slice %arg8[%add3A_48, %dma_wait3A_50] : memref<10240x64xf32, #tpu.memory_space<hbm>> -> memref<128x64xf32, #tpu.memory_space<hbm>>
      tpu.wait_dma2 semaphore(%arg18 : memref<!tpu.dma_semaphore, #tpu.memory_space<semaphore_mem>>) src(%arg12 : memref<128x64xf32, #tpu.memory_space<vmem>>) dst(%dma_wait3A_51 : memref<128x64xf32, #tpu.memory_space<hbm>>)
      "tpu.region"() ({
        %run_scoped3A = tpu.sem_alloc : memref<!tpu.dma_semaphore, #tpu.memory_space<semaphore_mem>>
        %dma_start3A_104 = arith.constant 0 : i32
        %dma_start3A_105 = tpu.memref_slice %arg16[%add3A_44, %dma_start3A_104] : memref<10240x64xf32, #tpu.memory_space<vmem_shared>> -> memref<128x64xf32, #tpu.memory_space<vmem_shared>>
        %dma_start3A_106 = arith.constant 0 : i32
        %dma_start3A_107 = tpu.memref_slice %arg16[%add3A_44, %dma_start3A_106] : memref<10240x64xf32, #tpu.memory_space<vmem_shared>> -> memref<128x64xf32, #tpu.memory_space<vmem_shared>>
        tpu.enqueue_dma source(%dma_start3A_107 : memref<128x64xf32, #tpu.memory_space<vmem_shared>>) target(%arg12 : memref<128x64xf32, #tpu.memory_space<vmem>>) target_semaphore(%run_scoped3A : memref<!tpu.dma_semaphore, #tpu.memory_space<semaphore_mem>>)
        %dma_wait3A_108 = arith.constant 0 : i32
        %dma_wait3A_109 = tpu.memref_slice %arg16[%add3A_44, %dma_wait3A_108] : memref<10240x64xf32, #tpu.memory_space<vmem_shared>> -> memref<128x64xf32, #tpu.memory_space<vmem_shared>>
        %dma_wait3A_110 = arith.constant 0 : i32
        %dma_wait3A_111 = tpu.memref_slice %arg16[%add3A_44, %dma_wait3A_110] : memref<10240x64xf32, #tpu.memory_space<vmem_shared>> -> memref<128x64xf32, #tpu.memory_space<vmem_shared>>
        tpu.wait_dma2 semaphore(%run_scoped3A : memref<!tpu.dma_semaphore, #tpu.memory_space<semaphore_mem>>) src(%dma_wait3A_111 : memref<128x64xf32, #tpu.memory_space<vmem_shared>>) dst(%arg12 : memref<128x64xf32, #tpu.memory_space<vmem>>)
        tpu.yield
      }) : () -> ()
      %dma_start3A_52 = arith.constant 0 : i32
      %dma_start3A_53 = tpu.memref_slice %arg8[%add3A_44, %dma_start3A_52] : memref<10240x64xf32, #tpu.memory_space<hbm>> -> memref<128x64xf32, #tpu.memory_space<hbm>>
      %dma_start3A_54 = arith.constant 0 : i32
      %dma_start3A_55 = tpu.memref_slice %arg8[%add3A_44, %dma_start3A_54] : memref<10240x64xf32, #tpu.memory_space<hbm>> -> memref<128x64xf32, #tpu.memory_space<hbm>>
      tpu.enqueue_dma source(%arg12 : memref<128x64xf32, #tpu.memory_space<vmem>>) target(%dma_start3A_55 : memref<128x64xf32, #tpu.memory_space<hbm>>) target_semaphore(%arg18 : memref<!tpu.dma_semaphore, #tpu.memory_space<semaphore_mem>>)
      %mul3A_56 = arith.constant 640 : i32
      %mul3A_57 = arith.muli %arg1, %mul3A_56 : i32
      %add3A_58 = arith.constant 384 : i32
      %add3A_59 = arith.addi %mul3A_57, %add3A_58 : i32
      %mul3A_60 = arith.constant 640 : i32
      %mul3A_61 = arith.muli %arg1, %mul3A_60 : i32
      %add3A_62 = arith.constant 128 : i32
      %add3A_63 = arith.addi %mul3A_61, %add3A_62 : i32
      %dma_wait3A_64 = arith.constant 0 : i32
      %dma_wait3A_65 = tpu.memref_slice %arg8[%add3A_63, %dma_wait3A_64] : memref<10240x64xf32, #tpu.memory_space<hbm>> -> memref<128x64xf32, #tpu.memory_space<hbm>>
      %dma_wait3A_66 = arith.constant 0 : i32
      %dma_wait3A_67 = tpu.memref_slice %arg8[%add3A_63, %dma_wait3A_66] : memref<10240x64xf32, #tpu.memory_space<hbm>> -> memref<128x64xf32, #tpu.memory_space<hbm>>
      tpu.wait_dma2 semaphore(%arg19 : memref<!tpu.dma_semaphore, #tpu.memory_space<semaphore_mem>>) src(%arg13 : memref<128x64xf32, #tpu.memory_space<vmem>>) dst(%dma_wait3A_67 : memref<128x64xf32, #tpu.memory_space<hbm>>)
      "tpu.region"() ({
        %run_scoped3A = tpu.sem_alloc : memref<!tpu.dma_semaphore, #tpu.memory_space<semaphore_mem>>
        %dma_start3A_104 = arith.constant 0 : i32
        %dma_start3A_105 = tpu.memref_slice %arg16[%add3A_59, %dma_start3A_104] : memref<10240x64xf32, #tpu.memory_space<vmem_shared>> -> memref<128x64xf32, #tpu.memory_space<vmem_shared>>
        %dma_start3A_106 = arith.constant 0 : i32
        %dma_start3A_107 = tpu.memref_slice %arg16[%add3A_59, %dma_start3A_106] : memref<10240x64xf32, #tpu.memory_space<vmem_shared>> -> memref<128x64xf32, #tpu.memory_space<vmem_shared>>
        tpu.enqueue_dma source(%dma_start3A_107 : memref<128x64xf32, #tpu.memory_space<vmem_shared>>) target(%arg13 : memref<128x64xf32, #tpu.memory_space<vmem>>) target_semaphore(%run_scoped3A : memref<!tpu.dma_semaphore, #tpu.memory_space<semaphore_mem>>)
        %dma_wait3A_108 = arith.constant 0 : i32
        %dma_wait3A_109 = tpu.memref_slice %arg16[%add3A_59, %dma_wait3A_108] : memref<10240x64xf32, #tpu.memory_space<vmem_shared>> -> memref<128x64xf32, #tpu.memory_space<vmem_shared>>
        %dma_wait3A_110 = arith.constant 0 : i32
        %dma_wait3A_111 = tpu.memref_slice %arg16[%add3A_59, %dma_wait3A_110] : memref<10240x64xf32, #tpu.memory_space<vmem_shared>> -> memref<128x64xf32, #tpu.memory_space<vmem_shared>>
        tpu.wait_dma2 semaphore(%run_scoped3A : memref<!tpu.dma_semaphore, #tpu.memory_space<semaphore_mem>>) src(%dma_wait3A_111 : memref<128x64xf32, #tpu.memory_space<vmem_shared>>) dst(%arg13 : memref<128x64xf32, #tpu.memory_space<vmem>>)
        tpu.yield
      }) : () -> ()
      %dma_start3A_68 = arith.constant 0 : i32
      %dma_start3A_69 = tpu.memref_slice %arg8[%add3A_59, %dma_start3A_68] : memref<10240x64xf32, #tpu.memory_space<hbm>> -> memref<128x64xf32, #tpu.memory_space<hbm>>
      %dma_start3A_70 = arith.constant 0 : i32
      %dma_start3A_71 = tpu.memref_slice %arg8[%add3A_59, %dma_start3A_70] : memref<10240x64xf32, #tpu.memory_space<hbm>> -> memref<128x64xf32, #tpu.memory_space<hbm>>
      tpu.enqueue_dma source(%arg13 : memref<128x64xf32, #tpu.memory_space<vmem>>) target(%dma_start3A_71 : memref<128x64xf32, #tpu.memory_space<hbm>>) target_semaphore(%arg19 : memref<!tpu.dma_semaphore, #tpu.memory_space<semaphore_mem>>)
      %mul3A_72 = arith.constant 640 : i32
      %mul3A_73 = arith.muli %arg1, %mul3A_72 : i32
      %add3A_74 = arith.constant 512 : i32
      %add3A_75 = arith.addi %mul3A_73, %add3A_74 : i32
      %mul3A_76 = arith.constant 640 : i32
      %mul3A_77 = arith.muli %arg1, %mul3A_76 : i32
      %add3A_78 = arith.constant 256 : i32
      %add3A_79 = arith.addi %mul3A_77, %add3A_78 : i32
      %dma_wait3A_80 = arith.constant 0 : i32
      %dma_wait3A_81 = tpu.memref_slice %arg8[%add3A_79, %dma_wait3A_80] : memref<10240x64xf32, #tpu.memory_space<hbm>> -> memref<128x64xf32, #tpu.memory_space<hbm>>
      %dma_wait3A_82 = arith.constant 0 : i32
      %dma_wait3A_83 = tpu.memref_slice %arg8[%add3A_79, %dma_wait3A_82] : memref<10240x64xf32, #tpu.memory_space<hbm>> -> memref<128x64xf32, #tpu.memory_space<hbm>>
      tpu.wait_dma2 semaphore(%arg18 : memref<!tpu.dma_semaphore, #tpu.memory_space<semaphore_mem>>) src(%arg12 : memref<128x64xf32, #tpu.memory_space<vmem>>) dst(%dma_wait3A_83 : memref<128x64xf32, #tpu.memory_space<hbm>>)
      "tpu.region"() ({
        %run_scoped3A = tpu.sem_alloc : memref<!tpu.dma_semaphore, #tpu.memory_space<semaphore_mem>>
        %dma_start3A_104 = arith.constant 0 : i32
        %dma_start3A_105 = tpu.memref_slice %arg16[%add3A_75, %dma_start3A_104] : memref<10240x64xf32, #tpu.memory_space<vmem_shared>> -> memref<128x64xf32, #tpu.memory_space<vmem_shared>>
        %dma_start3A_106 = arith.constant 0 : i32
        %dma_start3A_107 = tpu.memref_slice %arg16[%add3A_75, %dma_start3A_106] : memref<10240x64xf32, #tpu.memory_space<vmem_shared>> -> memref<128x64xf32, #tpu.memory_space<vmem_shared>>
        tpu.enqueue_dma source(%dma_start3A_107 : memref<128x64xf32, #tpu.memory_space<vmem_shared>>) target(%arg12 : memref<128x64xf32, #tpu.memory_space<vmem>>) target_semaphore(%run_scoped3A : memref<!tpu.dma_semaphore, #tpu.memory_space<semaphore_mem>>)
        %dma_wait3A_108 = arith.constant 0 : i32
        %dma_wait3A_109 = tpu.memref_slice %arg16[%add3A_75, %dma_wait3A_108] : memref<10240x64xf32, #tpu.memory_space<vmem_shared>> -> memref<128x64xf32, #tpu.memory_space<vmem_shared>>
        %dma_wait3A_110 = arith.constant 0 : i32
        %dma_wait3A_111 = tpu.memref_slice %arg16[%add3A_75, %dma_wait3A_110] : memref<10240x64xf32, #tpu.memory_space<vmem_shared>> -> memref<128x64xf32, #tpu.memory_space<vmem_shared>>
        tpu.wait_dma2 semaphore(%run_scoped3A : memref<!tpu.dma_semaphore, #tpu.memory_space<semaphore_mem>>) src(%dma_wait3A_111 : memref<128x64xf32, #tpu.memory_space<vmem_shared>>) dst(%arg12 : memref<128x64xf32, #tpu.memory_space<vmem>>)
        tpu.yield
      }) : () -> ()
      %dma_start3A_84 = arith.constant 0 : i32
      %dma_start3A_85 = tpu.memref_slice %arg8[%add3A_75, %dma_start3A_84] : memref<10240x64xf32, #tpu.memory_space<hbm>> -> memref<128x64xf32, #tpu.memory_space<hbm>>
      %dma_start3A_86 = arith.constant 0 : i32
      %dma_start3A_87 = tpu.memref_slice %arg8[%add3A_75, %dma_start3A_86] : memref<10240x64xf32, #tpu.memory_space<hbm>> -> memref<128x64xf32, #tpu.memory_space<hbm>>
      tpu.enqueue_dma source(%arg12 : memref<128x64xf32, #tpu.memory_space<vmem>>) target(%dma_start3A_87 : memref<128x64xf32, #tpu.memory_space<hbm>>) target_semaphore(%arg18 : memref<!tpu.dma_semaphore, #tpu.memory_space<semaphore_mem>>)
      %mul3A_88 = arith.constant 640 : i32
      %mul3A_89 = arith.muli %arg1, %mul3A_88 : i32
      %add3A_90 = arith.constant 384 : i32
      %add3A_91 = arith.addi %mul3A_89, %add3A_90 : i32
      %dma_wait3A_92 = arith.constant 0 : i32
      %dma_wait3A_93 = tpu.memref_slice %arg8[%add3A_91, %dma_wait3A_92] : memref<10240x64xf32, #tpu.memory_space<hbm>> -> memref<128x64xf32, #tpu.memory_space<hbm>>
      %dma_wait3A_94 = arith.constant 0 : i32
      %dma_wait3A_95 = tpu.memref_slice %arg8[%add3A_91, %dma_wait3A_94] : memref<10240x64xf32, #tpu.memory_space<hbm>> -> memref<128x64xf32, #tpu.memory_space<hbm>>
      tpu.wait_dma2 semaphore(%arg19 : memref<!tpu.dma_semaphore, #tpu.memory_space<semaphore_mem>>) src(%arg13 : memref<128x64xf32, #tpu.memory_space<vmem>>) dst(%dma_wait3A_95 : memref<128x64xf32, #tpu.memory_space<hbm>>)
      %mul3A_96 = arith.constant 640 : i32
      %mul3A_97 = arith.muli %arg1, %mul3A_96 : i32
      %add3A_98 = arith.constant 512 : i32
      %add3A_99 = arith.addi %mul3A_97, %add3A_98 : i32
      %dma_wait3A_100 = arith.constant 0 : i32
      %dma_wait3A_101 = tpu.memref_slice %arg8[%add3A_99, %dma_wait3A_100] : memref<10240x64xf32, #tpu.memory_space<hbm>> -> memref<128x64xf32, #tpu.memory_space<hbm>>
      %dma_wait3A_102 = arith.constant 0 : i32
      %dma_wait3A_103 = tpu.memref_slice %arg8[%add3A_99, %dma_wait3A_102] : memref<10240x64xf32, #tpu.memory_space<hbm>> -> memref<128x64xf32, #tpu.memory_space<hbm>>
      tpu.wait_dma2 semaphore(%arg18 : memref<!tpu.dma_semaphore, #tpu.memory_space<semaphore_mem>>) src(%arg12 : memref<128x64xf32, #tpu.memory_space<vmem>>) dst(%dma_wait3A_103 : memref<128x64xf32, #tpu.memory_space<hbm>>)
    } else {
    }
    %eq3A_23 = arith.constant 1 : i32
    %eq3A_24 = arith.cmpi eq, %arg0, %eq3A_23 : i32
    %convert_element_type3A_25 = arith.extui %eq3A_24 : i1 to i32
    %cond3A_26 = arith.constant 0 : i32
    %cond3A_27 = arith.cmpi ne, %convert_element_type3A_25, %cond3A_26 : i32
    scf.if %cond3A_27 {
      %mul3A = arith.constant 640 : i32
      %mul3A_28 = arith.muli %arg1, %mul3A : i32
      %add3A = arith.constant 0 : i32
      %add3A_29 = arith.addi %mul3A_28, %add3A : i32
      "tpu.region"() ({
        %run_scoped3A = tpu.sem_alloc : memref<!tpu.dma_semaphore, #tpu.memory_space<semaphore_mem>>
        %dma_start3A_104 = arith.constant 0 : i32
        %dma_start3A_105 = tpu.memref_slice %arg17[%add3A_29, %dma_start3A_104] : memref<10240x64xf32, #tpu.memory_space<vmem_shared>> -> memref<128x64xf32, #tpu.memory_space<vmem_shared>>
        %dma_start3A_106 = arith.constant 0 : i32
        %dma_start3A_107 = tpu.memref_slice %arg17[%add3A_29, %dma_start3A_106] : memref<10240x64xf32, #tpu.memory_space<vmem_shared>> -> memref<128x64xf32, #tpu.memory_space<vmem_shared>>
        tpu.enqueue_dma source(%dma_start3A_107 : memref<128x64xf32, #tpu.memory_space<vmem_shared>>) target(%arg14 : memref<128x64xf32, #tpu.memory_space<vmem>>) target_semaphore(%run_scoped3A : memref<!tpu.dma_semaphore, #tpu.memory_space<semaphore_mem>>)
        %dma_wait3A_108 = arith.constant 0 : i32
        %dma_wait3A_109 = tpu.memref_slice %arg17[%add3A_29, %dma_wait3A_108] : memref<10240x64xf32, #tpu.memory_space<vmem_shared>> -> memref<128x64xf32, #tpu.memory_space<vmem_shared>>
        %dma_wait3A_110 = arith.constant 0 : i32
        %dma_wait3A_111 = tpu.memref_slice %arg17[%add3A_29, %dma_wait3A_110] : memref<10240x64xf32, #tpu.memory_space<vmem_shared>> -> memref<128x64xf32, #tpu.memory_space<vmem_shared>>
        tpu.wait_dma2 semaphore(%run_scoped3A : memref<!tpu.dma_semaphore, #tpu.memory_space<semaphore_mem>>) src(%dma_wait3A_111 : memref<128x64xf32, #tpu.memory_space<vmem_shared>>) dst(%arg14 : memref<128x64xf32, #tpu.memory_space<vmem>>)
        tpu.yield
      }) : () -> ()
      %dma_start3A = arith.constant 0 : i32
      %dma_start3A_30 = tpu.memref_slice %arg9[%add3A_29, %dma_start3A] : memref<10240x64xf32, #tpu.memory_space<hbm>> -> memref<128x64xf32, #tpu.memory_space<hbm>>
      %dma_start3A_31 = arith.constant 0 : i32
      %dma_start3A_32 = tpu.memref_slice %arg9[%add3A_29, %dma_start3A_31] : memref<10240x64xf32, #tpu.memory_space<hbm>> -> memref<128x64xf32, #tpu.memory_space<hbm>>
      tpu.enqueue_dma source(%arg14 : memref<128x64xf32, #tpu.memory_space<vmem>>) target(%dma_start3A_32 : memref<128x64xf32, #tpu.memory_space<hbm>>) target_semaphore(%arg18 : memref<!tpu.dma_semaphore, #tpu.memory_space<semaphore_mem>>)
      %mul3A_33 = arith.constant 640 : i32
      %mul3A_34 = arith.muli %arg1, %mul3A_33 : i32
      %add3A_35 = arith.constant 128 : i32
      %add3A_36 = arith.addi %mul3A_34, %add3A_35 : i32
      "tpu.region"() ({
        %run_scoped3A = tpu.sem_alloc : memref<!tpu.dma_semaphore, #tpu.memory_space<semaphore_mem>>
        %dma_start3A_104 = arith.constant 0 : i32
        %dma_start3A_105 = tpu.memref_slice %arg17[%add3A_36, %dma_start3A_104] : memref<10240x64xf32, #tpu.memory_space<vmem_shared>> -> memref<128x64xf32, #tpu.memory_space<vmem_shared>>
        %dma_start3A_106 = arith.constant 0 : i32
        %dma_start3A_107 = tpu.memref_slice %arg17[%add3A_36, %dma_start3A_106] : memref<10240x64xf32, #tpu.memory_space<vmem_shared>> -> memref<128x64xf32, #tpu.memory_space<vmem_shared>>
        tpu.enqueue_dma source(%dma_start3A_107 : memref<128x64xf32, #tpu.memory_space<vmem_shared>>) target(%arg15 : memref<128x64xf32, #tpu.memory_space<vmem>>) target_semaphore(%run_scoped3A : memref<!tpu.dma_semaphore, #tpu.memory_space<semaphore_mem>>)
        %dma_wait3A_108 = arith.constant 0 : i32
        %dma_wait3A_109 = tpu.memref_slice %arg17[%add3A_36, %dma_wait3A_108] : memref<10240x64xf32, #tpu.memory_space<vmem_shared>> -> memref<128x64xf32, #tpu.memory_space<vmem_shared>>
        %dma_wait3A_110 = arith.constant 0 : i32
        %dma_wait3A_111 = tpu.memref_slice %arg17[%add3A_36, %dma_wait3A_110] : memref<10240x64xf32, #tpu.memory_space<vmem_shared>> -> memref<128x64xf32, #tpu.memory_space<vmem_shared>>
        tpu.wait_dma2 semaphore(%run_scoped3A : memref<!tpu.dma_semaphore, #tpu.memory_space<semaphore_mem>>) src(%dma_wait3A_111 : memref<128x64xf32, #tpu.memory_space<vmem_shared>>) dst(%arg15 : memref<128x64xf32, #tpu.memory_space<vmem>>)
        tpu.yield
      }) : () -> ()
      %dma_start3A_37 = arith.constant 0 : i32
      %dma_start3A_38 = tpu.memref_slice %arg9[%add3A_36, %dma_start3A_37] : memref<10240x64xf32, #tpu.memory_space<hbm>> -> memref<128x64xf32, #tpu.memory_space<hbm>>
      %dma_start3A_39 = arith.constant 0 : i32
      %dma_start3A_40 = tpu.memref_slice %arg9[%add3A_36, %dma_start3A_39] : memref<10240x64xf32, #tpu.memory_space<hbm>> -> memref<128x64xf32, #tpu.memory_space<hbm>>
      tpu.enqueue_dma source(%arg15 : memref<128x64xf32, #tpu.memory_space<vmem>>) target(%dma_start3A_40 : memref<128x64xf32, #tpu.memory_space<hbm>>) target_semaphore(%arg19 : memref<!tpu.dma_semaphore, #tpu.memory_space<semaphore_mem>>)
      %mul3A_41 = arith.constant 640 : i32
      %mul3A_42 = arith.muli %arg1, %mul3A_41 : i32
      %add3A_43 = arith.constant 256 : i32
      %add3A_44 = arith.addi %mul3A_42, %add3A_43 : i32
      %mul3A_45 = arith.constant 640 : i32
      %mul3A_46 = arith.muli %arg1, %mul3A_45 : i32
      %add3A_47 = arith.constant 0 : i32
      %add3A_48 = arith.addi %mul3A_46, %add3A_47 : i32
      %dma_wait3A = arith.constant 0 : i32
      %dma_wait3A_49 = tpu.memref_slice %arg9[%add3A_48, %dma_wait3A] : memref<10240x64xf32, #tpu.memory_space<hbm>> -> memref<128x64xf32, #tpu.memory_space<hbm>>
      %dma_wait3A_50 = arith.constant 0 : i32
      %dma_wait3A_51 = tpu.memref_slice %arg9[%add3A_48, %dma_wait3A_50] : memref<10240x64xf32, #tpu.memory_space<hbm>> -> memref<128x64xf32, #tpu.memory_space<hbm>>
      tpu.wait_dma2 semaphore(%arg18 : memref<!tpu.dma_semaphore, #tpu.memory_space<semaphore_mem>>) src(%arg14 : memref<128x64xf32, #tpu.memory_space<vmem>>) dst(%dma_wait3A_51 : memref<128x64xf32, #tpu.memory_space<hbm>>)
      "tpu.region"() ({
        %run_scoped3A = tpu.sem_alloc : memref<!tpu.dma_semaphore, #tpu.memory_space<semaphore_mem>>
        %dma_start3A_104 = arith.constant 0 : i32
        %dma_start3A_105 = tpu.memref_slice %arg17[%add3A_44, %dma_start3A_104] : memref<10240x64xf32, #tpu.memory_space<vmem_shared>> -> memref<128x64xf32, #tpu.memory_space<vmem_shared>>
        %dma_start3A_106 = arith.constant 0 : i32
        %dma_start3A_107 = tpu.memref_slice %arg17[%add3A_44, %dma_start3A_106] : memref<10240x64xf32, #tpu.memory_space<vmem_shared>> -> memref<128x64xf32, #tpu.memory_space<vmem_shared>>
        tpu.enqueue_dma source(%dma_start3A_107 : memref<128x64xf32, #tpu.memory_space<vmem_shared>>) target(%arg14 : memref<128x64xf32, #tpu.memory_space<vmem>>) target_semaphore(%run_scoped3A : memref<!tpu.dma_semaphore, #tpu.memory_space<semaphore_mem>>)
        %dma_wait3A_108 = arith.constant 0 : i32
        %dma_wait3A_109 = tpu.memref_slice %arg17[%add3A_44, %dma_wait3A_108] : memref<10240x64xf32, #tpu.memory_space<vmem_shared>> -> memref<128x64xf32, #tpu.memory_space<vmem_shared>>
        %dma_wait3A_110 = arith.constant 0 : i32
        %dma_wait3A_111 = tpu.memref_slice %arg17[%add3A_44, %dma_wait3A_110] : memref<10240x64xf32, #tpu.memory_space<vmem_shared>> -> memref<128x64xf32, #tpu.memory_space<vmem_shared>>
        tpu.wait_dma2 semaphore(%run_scoped3A : memref<!tpu.dma_semaphore, #tpu.memory_space<semaphore_mem>>) src(%dma_wait3A_111 : memref<128x64xf32, #tpu.memory_space<vmem_shared>>) dst(%arg14 : memref<128x64xf32, #tpu.memory_space<vmem>>)
        tpu.yield
      }) : () -> ()
      %dma_start3A_52 = arith.constant 0 : i32
      %dma_start3A_53 = tpu.memref_slice %arg9[%add3A_44, %dma_start3A_52] : memref<10240x64xf32, #tpu.memory_space<hbm>> -> memref<128x64xf32, #tpu.memory_space<hbm>>
      %dma_start3A_54 = arith.constant 0 : i32
      %dma_start3A_55 = tpu.memref_slice %arg9[%add3A_44, %dma_start3A_54] : memref<10240x64xf32, #tpu.memory_space<hbm>> -> memref<128x64xf32, #tpu.memory_space<hbm>>
      tpu.enqueue_dma source(%arg14 : memref<128x64xf32, #tpu.memory_space<vmem>>) target(%dma_start3A_55 : memref<128x64xf32, #tpu.memory_space<hbm>>) target_semaphore(%arg18 : memref<!tpu.dma_semaphore, #tpu.memory_space<semaphore_mem>>)
      %mul3A_56 = arith.constant 640 : i32
      %mul3A_57 = arith.muli %arg1, %mul3A_56 : i32
      %add3A_58 = arith.constant 384 : i32
      %add3A_59 = arith.addi %mul3A_57, %add3A_58 : i32
      %mul3A_60 = arith.constant 640 : i32
      %mul3A_61 = arith.muli %arg1, %mul3A_60 : i32
      %add3A_62 = arith.constant 128 : i32
      %add3A_63 = arith.addi %mul3A_61, %add3A_62 : i32
      %dma_wait3A_64 = arith.constant 0 : i32
      %dma_wait3A_65 = tpu.memref_slice %arg9[%add3A_63, %dma_wait3A_64] : memref<10240x64xf32, #tpu.memory_space<hbm>> -> memref<128x64xf32, #tpu.memory_space<hbm>>
      %dma_wait3A_66 = arith.constant 0 : i32
      %dma_wait3A_67 = tpu.memref_slice %arg9[%add3A_63, %dma_wait3A_66] : memref<10240x64xf32, #tpu.memory_space<hbm>> -> memref<128x64xf32, #tpu.memory_space<hbm>>
      tpu.wait_dma2 semaphore(%arg19 : memref<!tpu.dma_semaphore, #tpu.memory_space<semaphore_mem>>) src(%arg15 : memref<128x64xf32, #tpu.memory_space<vmem>>) dst(%dma_wait3A_67 : memref<128x64xf32, #tpu.memory_space<hbm>>)
      "tpu.region"() ({
        %run_scoped3A = tpu.sem_alloc : memref<!tpu.dma_semaphore, #tpu.memory_space<semaphore_mem>>
        %dma_start3A_104 = arith.constant 0 : i32
        %dma_start3A_105 = tpu.memref_slice %arg17[%add3A_59, %dma_start3A_104] : memref<10240x64xf32, #tpu.memory_space<vmem_shared>> -> memref<128x64xf32, #tpu.memory_space<vmem_shared>>
        %dma_start3A_106 = arith.constant 0 : i32
        %dma_start3A_107 = tpu.memref_slice %arg17[%add3A_59, %dma_start3A_106] : memref<10240x64xf32, #tpu.memory_space<vmem_shared>> -> memref<128x64xf32, #tpu.memory_space<vmem_shared>>
        tpu.enqueue_dma source(%dma_start3A_107 : memref<128x64xf32, #tpu.memory_space<vmem_shared>>) target(%arg15 : memref<128x64xf32, #tpu.memory_space<vmem>>) target_semaphore(%run_scoped3A : memref<!tpu.dma_semaphore, #tpu.memory_space<semaphore_mem>>)
        %dma_wait3A_108 = arith.constant 0 : i32
        %dma_wait3A_109 = tpu.memref_slice %arg17[%add3A_59, %dma_wait3A_108] : memref<10240x64xf32, #tpu.memory_space<vmem_shared>> -> memref<128x64xf32, #tpu.memory_space<vmem_shared>>
        %dma_wait3A_110 = arith.constant 0 : i32
        %dma_wait3A_111 = tpu.memref_slice %arg17[%add3A_59, %dma_wait3A_110] : memref<10240x64xf32, #tpu.memory_space<vmem_shared>> -> memref<128x64xf32, #tpu.memory_space<vmem_shared>>
        tpu.wait_dma2 semaphore(%run_scoped3A : memref<!tpu.dma_semaphore, #tpu.memory_space<semaphore_mem>>) src(%dma_wait3A_111 : memref<128x64xf32, #tpu.memory_space<vmem_shared>>) dst(%arg15 : memref<128x64xf32, #tpu.memory_space<vmem>>)
        tpu.yield
      }) : () -> ()
      %dma_start3A_68 = arith.constant 0 : i32
      %dma_start3A_69 = tpu.memref_slice %arg9[%add3A_59, %dma_start3A_68] : memref<10240x64xf32, #tpu.memory_space<hbm>> -> memref<128x64xf32, #tpu.memory_space<hbm>>
      %dma_start3A_70 = arith.constant 0 : i32
      %dma_start3A_71 = tpu.memref_slice %arg9[%add3A_59, %dma_start3A_70] : memref<10240x64xf32, #tpu.memory_space<hbm>> -> memref<128x64xf32, #tpu.memory_space<hbm>>
      tpu.enqueue_dma source(%arg15 : memref<128x64xf32, #tpu.memory_space<vmem>>) target(%dma_start3A_71 : memref<128x64xf32, #tpu.memory_space<hbm>>) target_semaphore(%arg19 : memref<!tpu.dma_semaphore, #tpu.memory_space<semaphore_mem>>)
      %mul3A_72 = arith.constant 640 : i32
      %mul3A_73 = arith.muli %arg1, %mul3A_72 : i32
      %add3A_74 = arith.constant 512 : i32
      %add3A_75 = arith.addi %mul3A_73, %add3A_74 : i32
      %mul3A_76 = arith.constant 640 : i32
      %mul3A_77 = arith.muli %arg1, %mul3A_76 : i32
      %add3A_78 = arith.constant 256 : i32
      %add3A_79 = arith.addi %mul3A_77, %add3A_78 : i32
      %dma_wait3A_80 = arith.constant 0 : i32
      %dma_wait3A_81 = tpu.memref_slice %arg9[%add3A_79, %dma_wait3A_80] : memref<10240x64xf32, #tpu.memory_space<hbm>> -> memref<128x64xf32, #tpu.memory_space<hbm>>
      %dma_wait3A_82 = arith.constant 0 : i32
      %dma_wait3A_83 = tpu.memref_slice %arg9[%add3A_79, %dma_wait3A_82] : memref<10240x64xf32, #tpu.memory_space<hbm>> -> memref<128x64xf32, #tpu.memory_space<hbm>>
      tpu.wait_dma2 semaphore(%arg18 : memref<!tpu.dma_semaphore, #tpu.memory_space<semaphore_mem>>) src(%arg14 : memref<128x64xf32, #tpu.memory_space<vmem>>) dst(%dma_wait3A_83 : memref<128x64xf32, #tpu.memory_space<hbm>>)
      "tpu.region"() ({
        %run_scoped3A = tpu.sem_alloc : memref<!tpu.dma_semaphore, #tpu.memory_space<semaphore_mem>>
        %dma_start3A_104 = arith.constant 0 : i32
        %dma_start3A_105 = tpu.memref_slice %arg17[%add3A_75, %dma_start3A_104] : memref<10240x64xf32, #tpu.memory_space<vmem_shared>> -> memref<128x64xf32, #tpu.memory_space<vmem_shared>>
        %dma_start3A_106 = arith.constant 0 : i32
        %dma_start3A_107 = tpu.memref_slice %arg17[%add3A_75, %dma_start3A_106] : memref<10240x64xf32, #tpu.memory_space<vmem_shared>> -> memref<128x64xf32, #tpu.memory_space<vmem_shared>>
        tpu.enqueue_dma source(%dma_start3A_107 : memref<128x64xf32, #tpu.memory_space<vmem_shared>>) target(%arg14 : memref<128x64xf32, #tpu.memory_space<vmem>>) target_semaphore(%run_scoped3A : memref<!tpu.dma_semaphore, #tpu.memory_space<semaphore_mem>>)
        %dma_wait3A_108 = arith.constant 0 : i32
        %dma_wait3A_109 = tpu.memref_slice %arg17[%add3A_75, %dma_wait3A_108] : memref<10240x64xf32, #tpu.memory_space<vmem_shared>> -> memref<128x64xf32, #tpu.memory_space<vmem_shared>>
        %dma_wait3A_110 = arith.constant 0 : i32
        %dma_wait3A_111 = tpu.memref_slice %arg17[%add3A_75, %dma_wait3A_110] : memref<10240x64xf32, #tpu.memory_space<vmem_shared>> -> memref<128x64xf32, #tpu.memory_space<vmem_shared>>
        tpu.wait_dma2 semaphore(%run_scoped3A : memref<!tpu.dma_semaphore, #tpu.memory_space<semaphore_mem>>) src(%dma_wait3A_111 : memref<128x64xf32, #tpu.memory_space<vmem_shared>>) dst(%arg14 : memref<128x64xf32, #tpu.memory_space<vmem>>)
        tpu.yield
      }) : () -> ()
      %dma_start3A_84 = arith.constant 0 : i32
      %dma_start3A_85 = tpu.memref_slice %arg9[%add3A_75, %dma_start3A_84] : memref<10240x64xf32, #tpu.memory_space<hbm>> -> memref<128x64xf32, #tpu.memory_space<hbm>>
      %dma_start3A_86 = arith.constant 0 : i32
      %dma_start3A_87 = tpu.memref_slice %arg9[%add3A_75, %dma_start3A_86] : memref<10240x64xf32, #tpu.memory_space<hbm>> -> memref<128x64xf32, #tpu.memory_space<hbm>>
      tpu.enqueue_dma source(%arg14 : memref<128x64xf32, #tpu.memory_space<vmem>>) target(%dma_start3A_87 : memref<128x64xf32, #tpu.memory_space<hbm>>) target_semaphore(%arg18 : memref<!tpu.dma_semaphore, #tpu.memory_space<semaphore_mem>>)
      %mul3A_88 = arith.constant 640 : i32
      %mul3A_89 = arith.muli %arg1, %mul3A_88 : i32
      %add3A_90 = arith.constant 384 : i32
      %add3A_91 = arith.addi %mul3A_89, %add3A_90 : i32
      %dma_wait3A_92 = arith.constant 0 : i32
      %dma_wait3A_93 = tpu.memref_slice %arg9[%add3A_91, %dma_wait3A_92] : memref<10240x64xf32, #tpu.memory_space<hbm>> -> memref<128x64xf32, #tpu.memory_space<hbm>>
      %dma_wait3A_94 = arith.constant 0 : i32
      %dma_wait3A_95 = tpu.memref_slice %arg9[%add3A_91, %dma_wait3A_94] : memref<10240x64xf32, #tpu.memory_space<hbm>> -> memref<128x64xf32, #tpu.memory_space<hbm>>
      tpu.wait_dma2 semaphore(%arg19 : memref<!tpu.dma_semaphore, #tpu.memory_space<semaphore_mem>>) src(%arg15 : memref<128x64xf32, #tpu.memory_space<vmem>>) dst(%dma_wait3A_95 : memref<128x64xf32, #tpu.memory_space<hbm>>)
      %mul3A_96 = arith.constant 640 : i32
      %mul3A_97 = arith.muli %arg1, %mul3A_96 : i32
      %add3A_98 = arith.constant 512 : i32
      %add3A_99 = arith.addi %mul3A_97, %add3A_98 : i32
      %dma_wait3A_100 = arith.constant 0 : i32
      %dma_wait3A_101 = tpu.memref_slice %arg9[%add3A_99, %dma_wait3A_100] : memref<10240x64xf32, #tpu.memory_space<hbm>> -> memref<128x64xf32, #tpu.memory_space<hbm>>
      %dma_wait3A_102 = arith.constant 0 : i32
      %dma_wait3A_103 = tpu.memref_slice %arg9[%add3A_99, %dma_wait3A_102] : memref<10240x64xf32, #tpu.memory_space<hbm>> -> memref<128x64xf32, #tpu.memory_space<hbm>>
      tpu.wait_dma2 semaphore(%arg18 : memref<!tpu.dma_semaphore, #tpu.memory_space<semaphore_mem>>) src(%arg14 : memref<128x64xf32, #tpu.memory_space<vmem>>) dst(%dma_wait3A_103 : memref<128x64xf32, #tpu.memory_space<hbm>>)
    } else {
    }
    return
  }
}

module attributes {stable_mosaic.version = 14 : i64} {
  func.func @_tc1_body(%arg0: i32, %arg1: memref<2048x128xf32, #tpu.memory_space<vmem>>, %arg2: memref<128x128xf32, #tpu.memory_space<vmem>>, %arg3: memref<2x2048xf32, #tpu.memory_space<vmem>>, %arg4: memref<2048x64xf32, #tpu.memory_space<vmem>>, %arg5: memref<2048x64xf32, #tpu.memory_space<vmem>>, %arg6: memref<2048x1xf32, #tpu.memory_space<vmem>>) attributes {dimension_semantics = [#tpu.dimension_semantics<arbitrary>], iteration_bounds = array<i64: 5>, scalar_prefetch = 0 : i64, scratch_operands = 0 : i64, tpu.core_type = #tpu.core_type<tc>, window_params = [{transform_indices = @transform_0, window_bounds = array<i64: 2048, 128>}, {pipeline_mode = #tpu.pipeline_mode<synchronous>, transform_indices = @transform_1, window_bounds = array<i64: 128, 128>}, {transform_indices = @transform_2, window_bounds = array<i64: 2, 2048>}, {transform_indices = @transform_3, window_bounds = array<i64: 2048, 64>}, {transform_indices = @transform_4, window_bounds = array<i64: 2048, 64>}, {transform_indices = @transform_5, window_bounds = array<i64: 2048, 1>}]} {
    %get3A = arith.constant 0 : index
    %get3A_0 = arith.constant 0 : index
    %get3A_1 = vector.load %arg3[%get3A, %get3A_0] : memref<2x2048xf32, #tpu.memory_space<vmem>>, vector<1x2048xf32>
    %get3A_2 = vector.shape_cast %get3A_1 : vector<1x2048xf32> to vector<2048xf32>
    %get3A_3 = arith.constant 1 : index
    %get3A_4 = arith.constant 0 : index
    %get3A_5 = vector.load %arg3[%get3A_3, %get3A_4] : memref<2x2048xf32, #tpu.memory_space<vmem>>, vector<1x2048xf32>
    %get3A_6 = vector.shape_cast %get3A_5 : vector<1x2048xf32> to vector<2048xf32>
    %add3A = arith.addf %get3A_2, %get3A_6 : vector<2048xf32>
    %add3A_7 = arith.constant 1.000000e+00 : f32
    %add3A_8 = vector.broadcast %add3A_7 : f32 to vector<2048xf32>
    %add3A_9 = arith.addf %add3A, %add3A_8 : vector<2048xf32>
    %max3A = arith.constant 9.99999996E-13 : f32
    %max3A_10 = vector.broadcast %max3A : f32 to vector<2048xf32>
    %max3A_11 = arith.maximumf %add3A_9, %max3A_10 : vector<2048xf32>
    %rsqrt3A = math.rsqrt %max3A_11 : vector<2048xf32>
    %get3A_12 = arith.constant 0 : index
    %get3A_13 = arith.constant 0 : index
    %get3A_14 = vector.load %arg1[%get3A_12, %get3A_13] : memref<2048x128xf32, #tpu.memory_space<vmem>>, vector<2048x128xf32>
    %get3A_15 = arith.constant 0 : index
    %get3A_16 = arith.constant 0 : index
    %get3A_17 = vector.load %arg2[%get3A_15, %get3A_16] : memref<128x128xf32, #tpu.memory_space<vmem>>, vector<128x128xf32>
    %dot_general3A = arith.constant dense<0.000000e+00> : vector<2048x128xf32>
    %dot_general3A_18 = tpu.matmul %get3A_14, %get3A_17, %dot_general3A {dimension_numbers = #tpu.dot_dimension_numbers<[1], [0], [0], [1], [0, 0, 1, 1], [], []>, transpose_lhs_hint = false} : vector<2048x128xf32>, vector<128x128xf32>, vector<2048x128xf32> -> vector<2048x128xf32>
    %broadcast_in_dim3A = vector.shape_cast %rsqrt3A : vector<2048xf32> to vector<2048x1xf32>
    %mul3A = vector.broadcast %broadcast_in_dim3A : vector<2048x1xf32> to vector<2048x128xf32>
    %mul3A_19 = arith.mulf %dot_general3A_18, %mul3A : vector<2048x128xf32>
    %slice3A = vector.extract_strided_slice %mul3A_19 {offsets = [0, 0], sizes = [2048, 64], strides = [1, 1]} : vector<2048x128xf32> to vector<2048x64xf32>
    %swap3A = arith.constant 0 : index
    %swap3A_20 = arith.constant 0 : index
    %swap3A_21 = vector.load %arg4[%swap3A, %swap3A_20] : memref<2048x64xf32, #tpu.memory_space<vmem>>, vector<2048x64xf32>
    tpu.vector_store %arg4[%swap3A, %swap3A_20], %slice3A {strides = array<i32>} : memref<2048x64xf32, #tpu.memory_space<vmem>>, vector<2048x64xf32>,
    %slice3A_22 = vector.extract_strided_slice %mul3A_19 {offsets = [0, 64], sizes = [2048, 64], strides = [1, 1]} : vector<2048x128xf32> to vector<2048x64xf32>
    %swap3A_23 = arith.constant 0 : index
    %swap3A_24 = arith.constant 0 : index
    %swap3A_25 = vector.load %arg5[%swap3A_23, %swap3A_24] : memref<2048x64xf32, #tpu.memory_space<vmem>>, vector<2048x64xf32>
    tpu.vector_store %arg5[%swap3A_23, %swap3A_24], %slice3A_22 {strides = array<i32>} : memref<2048x64xf32, #tpu.memory_space<vmem>>, vector<2048x64xf32>,
    %broadcast_in_dim3A_26 = vector.shape_cast %rsqrt3A : vector<2048xf32> to vector<2048x1xf32>
    %swap3A_27 = arith.constant 0 : index
    %swap3A_28 = arith.constant 0 : index
    %swap3A_29 = vector.load %arg6[%swap3A_27, %swap3A_28] : memref<2048x1xf32, #tpu.memory_space<vmem>>, vector<2048x1xf32>
    tpu.vector_store %arg6[%swap3A_27, %swap3A_28], %broadcast_in_dim3A_26 {strides = array<i32>} : memref<2048x1xf32, #tpu.memory_space<vmem>>, vector<2048x1xf32>,
    return
  }
  func.func @transform_0(%arg0: i32) -> (i32, i32) {
    %c0_i32 = arith.constant 0 : i32
    %c0_i32_0 = arith.constant 0 : i32
    return %arg0, %c0_i32 : i32, i32
  }
  func.func @transform_1(%arg0: i32) -> (i32, i32) {
    %c0_i32 = arith.constant 0 : i32
    %c0_i32_0 = arith.constant 0 : i32
    %c0_i32_1 = arith.constant 0 : i32
    return %c0_i32, %c0_i32_0 : i32, i32
  }
  func.func @transform_2(%arg0: i32) -> (i32, i32) {
    %c0_i32 = arith.constant 0 : i32
    %c0_i32_0 = arith.constant 0 : i32
    return %c0_i32, %arg0 : i32, i32
  }
  func.func @transform_3(%arg0: i32) -> (i32, i32) {
    %c0_i32 = arith.constant 0 : i32
    %c0_i32_0 = arith.constant 0 : i32
    return %arg0, %c0_i32 : i32, i32
  }
  func.func @transform_4(%arg0: i32) -> (i32, i32) {
    %c0_i32 = arith.constant 0 : i32
    %c0_i32_0 = arith.constant 0 : i32
    return %arg0, %c0_i32 : i32, i32
  }
  func.func @transform_5(%arg0: i32) -> (i32, i32) {
    %c0_i32 = arith.constant 0 : i32
    %c0_i32_0 = arith.constant 0 : i32
    return %arg0, %c0_i32 : i32, i32
  }
}

module attributes {stable_mosaic.version = 14 : i64} {
  func.func @_tc2_body(%arg0: i32, %arg1: memref<2048x64xf32, #tpu.memory_space<vmem>>, %arg2: memref<2048x64xf32, #tpu.memory_space<vmem>>, %arg3: memref<2048x64xf32, #tpu.memory_space<vmem>>, %arg4: memref<2048x64xf32, #tpu.memory_space<vmem>>, %arg5: memref<2048x1xf32, #tpu.memory_space<vmem>>, %arg6: memref<1x128xf32, #tpu.memory_space<vmem>>, %arg7: memref<128x128xf32, #tpu.memory_space<vmem>>, %arg8: memref<2048x64xf32, #tpu.memory_space<vmem>>, %arg9: memref<2048x64xf32, #tpu.memory_space<vmem>>) attributes {dimension_semantics = [#tpu.dimension_semantics<arbitrary>], iteration_bounds = array<i64: 5>, scalar_prefetch = 0 : i64, scratch_operands = 0 : i64, tpu.core_type = #tpu.core_type<tc>, window_params = [{transform_indices = @transform_0, window_bounds = array<i64: 2048, 64>}, {transform_indices = @transform_1, window_bounds = array<i64: 2048, 64>}, {transform_indices = @transform_2, window_bounds = array<i64: 2048, 64>}, {transform_indices = @transform_3, window_bounds = array<i64: 2048, 64>}, {transform_indices = @transform_4, window_bounds = array<i64: 2048, 1>}, {pipeline_mode = #tpu.pipeline_mode<synchronous>, transform_indices = @transform_5, window_bounds = array<i64: 1, 128>}, {pipeline_mode = #tpu.pipeline_mode<synchronous>, transform_indices = @transform_6, window_bounds = array<i64: 128, 128>}, {transform_indices = @transform_7, window_bounds = array<i64: 2048, 64>}, {transform_indices = @transform_8, window_bounds = array<i64: 2048, 64>}]} {
    %get3A = arith.constant 0 : index
    %get3A_0 = arith.constant 0 : index
    %get3A_1 = vector.load %arg1[%get3A, %get3A_0] : memref<2048x64xf32, #tpu.memory_space<vmem>>, vector<2048x64xf32>
    %get3A_2 = arith.constant 0 : index
    %get3A_3 = arith.constant 0 : index
    %get3A_4 = vector.load %arg3[%get3A_2, %get3A_3] : memref<2048x64xf32, #tpu.memory_space<vmem>>, vector<2048x64xf32>
    %add3A = arith.addf %get3A_1, %get3A_4 : vector<2048x64xf32>
    %get3A_5 = arith.constant 0 : index
    %get3A_6 = arith.constant 0 : index
    %get3A_7 = vector.load %arg2[%get3A_5, %get3A_6] : memref<2048x64xf32, #tpu.memory_space<vmem>>, vector<2048x64xf32>
    %get3A_8 = arith.constant 0 : index
    %get3A_9 = arith.constant 0 : index
    %get3A_10 = vector.load %arg4[%get3A_8, %get3A_9] : memref<2048x64xf32, #tpu.memory_space<vmem>>, vector<2048x64xf32>
    %add3A_11 = arith.addf %get3A_7, %get3A_10 : vector<2048x64xf32>
    %concatenate3A = tpu.concatenate %add3A, %add3A_11 in 1 : vector<2048x64xf32>, vector<2048x64xf32> -> vector<2048x128xf32>
    %get3A_12 = arith.constant 0 : index
    %get3A_13 = arith.constant 0 : index
    %get3A_14 = vector.load %arg5[%get3A_12, %get3A_13] : memref<2048x1xf32, #tpu.memory_space<vmem>>, vector<2048x1xf32>
    %mul3A = vector.broadcast %get3A_14 : vector<2048x1xf32> to vector<2048x128xf32>
    %mul3A_15 = arith.mulf %concatenate3A, %mul3A : vector<2048x128xf32>
    %get3A_16 = arith.constant 0 : index
    %get3A_17 = arith.constant 0 : index
    %get3A_18 = vector.load %arg6[%get3A_16, %get3A_17] : memref<1x128xf32, #tpu.memory_space<vmem>>, vector<1x128xf32>
    %add3A_19 = vector.broadcast %get3A_18 : vector<1x128xf32> to vector<2048x128xf32>
    %add3A_20 = arith.addf %mul3A_15, %add3A_19 : vector<2048x128xf32>
    %max3A = arith.constant 0.000000e+00 : f32
    %max3A_21 = vector.broadcast %max3A : f32 to vector<2048x128xf32>
    %max3A_22 = arith.maximumf %add3A_20, %max3A_21 : vector<2048x128xf32>
    %get3A_23 = arith.constant 0 : index
    %get3A_24 = arith.constant 0 : index
    %get3A_25 = vector.load %arg7[%get3A_23, %get3A_24] : memref<128x128xf32, #tpu.memory_space<vmem>>, vector<128x128xf32>
    %dot_general3A = arith.constant dense<0.000000e+00> : vector<2048x128xf32>
    %dot_general3A_26 = tpu.matmul %max3A_22, %get3A_25, %dot_general3A {dimension_numbers = #tpu.dot_dimension_numbers<[1], [0], [0], [1], [0, 0, 1, 1], [], []>, transpose_lhs_hint = false} : vector<2048x128xf32>, vector<128x128xf32>, vector<2048x128xf32> -> vector<2048x128xf32>
    %get3A_27 = arith.constant 0 : index
    %get3A_28 = arith.constant 0 : index
    %get3A_29 = vector.load %arg5[%get3A_27, %get3A_28] : memref<2048x1xf32, #tpu.memory_space<vmem>>, vector<2048x1xf32>
    %mul3A_30 = vector.broadcast %get3A_29 : vector<2048x1xf32> to vector<2048x128xf32>
    %mul3A_31 = arith.mulf %dot_general3A_26, %mul3A_30 : vector<2048x128xf32>
    %slice3A = vector.extract_strided_slice %mul3A_31 {offsets = [0, 0], sizes = [2048, 64], strides = [1, 1]} : vector<2048x128xf32> to vector<2048x64xf32>
    %swap3A = arith.constant 0 : index
    %swap3A_32 = arith.constant 0 : index
    %swap3A_33 = vector.load %arg8[%swap3A, %swap3A_32] : memref<2048x64xf32, #tpu.memory_space<vmem>>, vector<2048x64xf32>
    tpu.vector_store %arg8[%swap3A, %swap3A_32], %slice3A {strides = array<i32>} : memref<2048x64xf32, #tpu.memory_space<vmem>>, vector<2048x64xf32>,
    %slice3A_34 = vector.extract_strided_slice %mul3A_31 {offsets = [0, 64], sizes = [2048, 64], strides = [1, 1]} : vector<2048x128xf32> to vector<2048x64xf32>
    %swap3A_35 = arith.constant 0 : index
    %swap3A_36 = arith.constant 0 : index
    %swap3A_37 = vector.load %arg9[%swap3A_35, %swap3A_36] : memref<2048x64xf32, #tpu.memory_space<vmem>>, vector<2048x64xf32>
    tpu.vector_store %arg9[%swap3A_35, %swap3A_36], %slice3A_34 {strides = array<i32>} : memref<2048x64xf32, #tpu.memory_space<vmem>>, vector<2048x64xf32>,
    return
  }
  func.func @transform_0(%arg0: i32) -> (i32, i32) {
    %c0_i32 = arith.constant 0 : i32
    %c0_i32_0 = arith.constant 0 : i32
    return %arg0, %c0_i32 : i32, i32
  }
  func.func @transform_1(%arg0: i32) -> (i32, i32) {
    %c0_i32 = arith.constant 0 : i32
    %c0_i32_0 = arith.constant 0 : i32
    return %arg0, %c0_i32 : i32, i32
  }
  func.func @transform_2(%arg0: i32) -> (i32, i32) {
    %c0_i32 = arith.constant 0 : i32
    %c0_i32_0 = arith.constant 0 : i32
    return %arg0, %c0_i32 : i32, i32
  }
  func.func @transform_3(%arg0: i32) -> (i32, i32) {
    %c0_i32 = arith.constant 0 : i32
    %c0_i32_0 = arith.constant 0 : i32
    return %arg0, %c0_i32 : i32, i32
  }
  func.func @transform_4(%arg0: i32) -> (i32, i32) {
    %c0_i32 = arith.constant 0 : i32
    %c0_i32_0 = arith.constant 0 : i32
    return %arg0, %c0_i32 : i32, i32
  }
  func.func @transform_5(%arg0: i32) -> (i32, i32) {
    %c0_i32 = arith.constant 0 : i32
    %c0_i32_0 = arith.constant 0 : i32
    %c0_i32_1 = arith.constant 0 : i32
    return %c0_i32, %c0_i32_0 : i32, i32
  }
  func.func @transform_6(%arg0: i32) -> (i32, i32) {
    %c0_i32 = arith.constant 0 : i32
    %c0_i32_0 = arith.constant 0 : i32
    %c0_i32_1 = arith.constant 0 : i32
    return %c0_i32, %c0_i32_0 : i32, i32
  }
  func.func @transform_7(%arg0: i32) -> (i32, i32) {
    %c0_i32 = arith.constant 0 : i32
    %c0_i32_0 = arith.constant 0 : i32
    return %arg0, %c0_i32 : i32, i32
  }
  func.func @transform_8(%arg0: i32) -> (i32, i32) {
    %c0_i32 = arith.constant 0 : i32
    %c0_i32_0 = arith.constant 0 : i32
    return %arg0, %c0_i32 : i32, i32
  }
}

module attributes {stable_mosaic.version = 14 : i64} {
  func.func @_tc3_body(%arg0: i32, %arg1: memref<2048x64xf32, #tpu.memory_space<vmem>>, %arg2: memref<2048x64xf32, #tpu.memory_space<vmem>>, %arg3: memref<2048x64xf32, #tpu.memory_space<vmem>>, %arg4: memref<2048x64xf32, #tpu.memory_space<vmem>>, %arg5: memref<2048x1xf32, #tpu.memory_space<vmem>>, %arg6: memref<1x128xf32, #tpu.memory_space<vmem>>, %arg7: memref<128x128xf32, #tpu.memory_space<vmem>>, %arg8: memref<1x128xf32, #tpu.memory_space<vmem>>, %arg9: memref<2048x128xf32, #tpu.memory_space<vmem>>) attributes {dimension_semantics = [#tpu.dimension_semantics<arbitrary>], iteration_bounds = array<i64: 5>, scalar_prefetch = 0 : i64, scratch_operands = 0 : i64, tpu.core_type = #tpu.core_type<tc>, window_params = [{transform_indices = @transform_0, window_bounds = array<i64: 2048, 64>}, {transform_indices = @transform_1, window_bounds = array<i64: 2048, 64>}, {transform_indices = @transform_2, window_bounds = array<i64: 2048, 64>}, {transform_indices = @transform_3, window_bounds = array<i64: 2048, 64>}, {transform_indices = @transform_4, window_bounds = array<i64: 2048, 1>}, {pipeline_mode = #tpu.pipeline_mode<synchronous>, transform_indices = @transform_5, window_bounds = array<i64: 1, 128>}, {pipeline_mode = #tpu.pipeline_mode<synchronous>, transform_indices = @transform_6, window_bounds = array<i64: 128, 128>}, {pipeline_mode = #tpu.pipeline_mode<synchronous>, transform_indices = @transform_7, window_bounds = array<i64: 1, 128>}, {transform_indices = @transform_8, window_bounds = array<i64: 2048, 128>}]} {
    %get3A = arith.constant 0 : index
    %get3A_0 = arith.constant 0 : index
    %get3A_1 = vector.load %arg1[%get3A, %get3A_0] : memref<2048x64xf32, #tpu.memory_space<vmem>>, vector<2048x64xf32>
    %get3A_2 = arith.constant 0 : index
    %get3A_3 = arith.constant 0 : index
    %get3A_4 = vector.load %arg3[%get3A_2, %get3A_3] : memref<2048x64xf32, #tpu.memory_space<vmem>>, vector<2048x64xf32>
    %add3A = arith.addf %get3A_1, %get3A_4 : vector<2048x64xf32>
    %get3A_5 = arith.constant 0 : index
    %get3A_6 = arith.constant 0 : index
    %get3A_7 = vector.load %arg2[%get3A_5, %get3A_6] : memref<2048x64xf32, #tpu.memory_space<vmem>>, vector<2048x64xf32>
    %get3A_8 = arith.constant 0 : index
    %get3A_9 = arith.constant 0 : index
    %get3A_10 = vector.load %arg4[%get3A_8, %get3A_9] : memref<2048x64xf32, #tpu.memory_space<vmem>>, vector<2048x64xf32>
    %add3A_11 = arith.addf %get3A_7, %get3A_10 : vector<2048x64xf32>
    %concatenate3A = tpu.concatenate %add3A, %add3A_11 in 1 : vector<2048x64xf32>, vector<2048x64xf32> -> vector<2048x128xf32>
    %get3A_12 = arith.constant 0 : index
    %get3A_13 = arith.constant 0 : index
    %get3A_14 = vector.load %arg5[%get3A_12, %get3A_13] : memref<2048x1xf32, #tpu.memory_space<vmem>>, vector<2048x1xf32>
    %mul3A = vector.broadcast %get3A_14 : vector<2048x1xf32> to vector<2048x128xf32>
    %mul3A_15 = arith.mulf %concatenate3A, %mul3A : vector<2048x128xf32>
    %get3A_16 = arith.constant 0 : index
    %get3A_17 = arith.constant 0 : index
    %get3A_18 = vector.load %arg6[%get3A_16, %get3A_17] : memref<1x128xf32, #tpu.memory_space<vmem>>, vector<1x128xf32>
    %add3A_19 = vector.broadcast %get3A_18 : vector<1x128xf32> to vector<2048x128xf32>
    %add3A_20 = arith.addf %mul3A_15, %add3A_19 : vector<2048x128xf32>
    %max3A = arith.constant 0.000000e+00 : f32
    %max3A_21 = vector.broadcast %max3A : f32 to vector<2048x128xf32>
    %max3A_22 = arith.maximumf %add3A_20, %max3A_21 : vector<2048x128xf32>
    %get3A_23 = arith.constant 0 : index
    %get3A_24 = arith.constant 0 : index
    %get3A_25 = vector.load %arg7[%get3A_23, %get3A_24] : memref<128x128xf32, #tpu.memory_space<vmem>>, vector<128x128xf32>
    %dot_general3A = arith.constant dense<0.000000e+00> : vector<2048x128xf32>
    %dot_general3A_26 = tpu.matmul %max3A_22, %get3A_25, %dot_general3A {dimension_numbers = #tpu.dot_dimension_numbers<[1], [0], [0], [1], [0, 0, 1, 1], [], []>, transpose_lhs_hint = false} : vector<2048x128xf32>, vector<128x128xf32>, vector<2048x128xf32> -> vector<2048x128xf32>
    %get3A_27 = arith.constant 0 : index
    %get3A_28 = arith.constant 0 : index
    %get3A_29 = vector.load %arg8[%get3A_27, %get3A_28] : memref<1x128xf32, #tpu.memory_space<vmem>>, vector<1x128xf32>
    %add3A_30 = vector.broadcast %get3A_29 : vector<1x128xf32> to vector<2048x128xf32>
    %add3A_31 = arith.addf %dot_general3A_26, %add3A_30 : vector<2048x128xf32>
    %swap3A = arith.constant 0 : index
    %swap3A_32 = arith.constant 0 : index
    %swap3A_33 = vector.load %arg9[%swap3A, %swap3A_32] : memref<2048x128xf32, #tpu.memory_space<vmem>>, vector<2048x128xf32>
    tpu.vector_store %arg9[%swap3A, %swap3A_32], %add3A_31 {strides = array<i32>} : memref<2048x128xf32, #tpu.memory_space<vmem>>, vector<2048x128xf32>,
    return
  }
  func.func @transform_0(%arg0: i32) -> (i32, i32) {
    %c0_i32 = arith.constant 0 : i32
    %c0_i32_0 = arith.constant 0 : i32
    return %arg0, %c0_i32 : i32, i32
  }
  func.func @transform_1(%arg0: i32) -> (i32, i32) {
    %c0_i32 = arith.constant 0 : i32
    %c0_i32_0 = arith.constant 0 : i32
    return %arg0, %c0_i32 : i32, i32
  }
  func.func @transform_2(%arg0: i32) -> (i32, i32) {
    %c0_i32 = arith.constant 0 : i32
    %c0_i32_0 = arith.constant 0 : i32
    return %arg0, %c0_i32 : i32, i32
  }
  func.func @transform_3(%arg0: i32) -> (i32, i32) {
    %c0_i32 = arith.constant 0 : i32
    %c0_i32_0 = arith.constant 0 : i32
    return %arg0, %c0_i32 : i32, i32
  }
  func.func @transform_4(%arg0: i32) -> (i32, i32) {
    %c0_i32 = arith.constant 0 : i32
    %c0_i32_0 = arith.constant 0 : i32
    return %arg0, %c0_i32 : i32, i32
  }
  func.func @transform_5(%arg0: i32) -> (i32, i32) {
    %c0_i32 = arith.constant 0 : i32
    %c0_i32_0 = arith.constant 0 : i32
    %c0_i32_1 = arith.constant 0 : i32
    return %c0_i32, %c0_i32_0 : i32, i32
  }
  func.func @transform_6(%arg0: i32) -> (i32, i32) {
    %c0_i32 = arith.constant 0 : i32
    %c0_i32_0 = arith.constant 0 : i32
    %c0_i32_1 = arith.constant 0 : i32
    return %c0_i32, %c0_i32_0 : i32, i32
  }
  func.func @transform_7(%arg0: i32) -> (i32, i32) {
    %c0_i32 = arith.constant 0 : i32
    %c0_i32_0 = arith.constant 0 : i32
    %c0_i32_1 = arith.constant 0 : i32
    return %c0_i32, %c0_i32_0 : i32, i32
  }
  func.func @transform_8(%arg0: i32) -> (i32, i32) {
    %c0_i32 = arith.constant 0 : i32
    %c0_i32_0 = arith.constant 0 : i32
    return %arg0, %c0_i32 : i32, i32
  }
}

</mosaic_0001>

<sc_bundles>
// kernel: kernel.11.cloned.1.call-start
scs
__scs_entry_jumppad:
0x0: {  	(pc) =	sbr.rel $0x88, $3  }
0x1: {  	(tag) =	ssettag $0x0;
	lr =	simm.s32 $0x1  }
0x2: {  	[smem:$0x3F99] =	sst lr;
	_ =	strace $0xD0000000  }
0x3: {  	_ = 	snop  }
0x4: {  	_ = 	snop  }
0x5: {  	_ = 	snop  }
0x6: {  	_ = 	snop  }
0x7: {  	_ = 	snop  }
__scs_overlays_trampoline_lowered:
0x8: {  	[smem:$0x3FA8] =	sst s0  }
0x9: {  	[smem:$0x3FA9] =	sst s1  }
0xa: {  	[smem:$0x3FAA] =	sst s2  }
0xb: {  	[smem:$0x3FAB] =	sst s3  }
0xc: {  	[smem:$0x3FAC] =	sst s4  }
0xd: {  	[smem:$0x3FAD] =	sst s5  }
0xe: {  	[smem:$0x3FAE] =	sst s6  }
0xf: {  	[smem:$0x3FAF] =	sst s7  }
0x10: {  	[smem:$0x3FB0] =	sst s8  }
0x11: {  	[smem:$0x3FB1] =	sst s9;
	s0 =	simm.s32 @!p0 $0x0  }
0x12: {  	s1 =	sld [smem:$0x3F97];
	s0 =	simm.s32 @p0 $0x1  }
0x13: {  	[smem:$0x3FB2] =	sst s0;
	s0 =	simm.s32 @!p1 $0x0  }
0x14: {  	s2 =	sld [smem:$0x3F96];
	s0 =	simm.s32 @p1 $0x1  }
0x15: {  	[smem:$0x3FB3] =	sst s0;
	s0 =	simm.s32 @!p2 $0x0  }
0x16: {  	s3 =	sld [smem:$0x3FDB];
	s0 =	simm.s32 @p2 $0x1  }
0x17: {  	s4 =	simm.s32 $0x1BF5;
	[smem:$0x3FB5] =	sst s0  }
0x18: {  	s0 =	sld [smem:$0x3F98];
	_ =	swait.ge [sflag:s4], $0x0  }
0x19: {  	s7 =	sld [smem:$0x3F99]  }
0x1a: {  	s8 =	sadd.s32 $0xFFFFE003, lr  }
0x1b: {  	s9 =	sadd.s32 $0xFFFFFEF7, lr;
	s5 =	simm.s32 $0xFFFFFFFF;
	p2 =	slt.u32 s8, $0xFFFFF086  }
0x1c: {  	p1 =	slt.u32 s9, $0xF7A;
	s5 =	simm.s32 @!p2 $0x0  }
0x1d: {  	s5 =	simm.s32 @p1 $0x1;
	p0 =	seq.s32 s7, s2  }
0x1e: {  	s7 =	smul.u32 @!p0 $0xF7A, s2;
	p2 =	seq.s32 @!p0 s5, $0x0  }
0x1f: {  	s9 =	smul.u32 $0xF7A, s1;
	s8 =	simm.s32 @!p0 $0x1BF5;
	p2 =	por !p2, p0  }
0x20: {  	[sflag:s8] =	ssyncset.s32 @!p0 $0xFFFFF086;
	s6 =	sadd.s32 @!p0 s3, s7;
	s7 =	simm.s32 @!p0 $0x108  }
0x21: {  	s3 =	sadd.s32 s3, s9;
	s6 =	sadd.s32 @!p0 $0x88, s6;
	s7 =	simm.s32 @p2 $0x1082  }
0x22: {  	[simem:s7], [sflag:s8] =	dma.local @!p0 [hbm:s6], $0xF7A  }
0x23: {  	s9 =	sor.u32 $0xD0000000, s2;
	s6 =	simm.s32 $0x108;
	_ =	swait.ge @!p0 [sflag:s8], $0x0  }
0x24: {  	s3 =	sadd.s32 $0x88, s3;
	s6 =	simm.s32 @!p1 $0x1082;
	[sflag:s4] =	ssyncset.s32 $0xFFFFF086  }
0x25: {  	[simem:s6], [sflag:s4] =	dma.local [hbm:s3], $0xF7A  }
0x26: {  	[smem:$0x3F99] =	sst s1;
	(tag) =	ssettag s2;
	_ =	strace s9  }
0x27: {  	s1 =	sld [smem:$0x3FA9]  }
0x28: {  	s2 =	sld [smem:$0x3FAA]  }
0x29: {  	s4 =	sld [smem:$0x3FAC]  }
0x2a: {  	p0 =	seq.s32 s5, $0x0;
	s5 =	sld [smem:$0x3FAD]  }
0x2b: {  	s6 =	sld [smem:$0x3FAE]  }
0x2c: {  	s7 =	sld [smem:$0x3FAF]  }
0x2d: {  	s3 =	simm.s32 $0x108;
	s8 =	sld [smem:$0x3FB0]  }
0x2e: {  	s3 =	simm.s32 @!p0 $0x1082;
	s9 =	sld [smem:$0x3FB1]  }
0x2f: {  	lr =	sadd.s32 s0, s3;
	s0 =	sld [smem:$0x3FA8]  }
0x30: {  	s3 =	sld [smem:$0x3FAB]  }
0x31: {  	[smem:$0x3FB4] =	sst s10  }
0x32: {  	s10 =	sld [smem:$0x3FB2];
	_ =	sdelay $0x3  }
0x33: {  	p0 =	seq.s32 s10, $0x1;
	s10 =	sld [smem:$0x3FB4];
	_ =	sdelay $0x3  }
0x34: {  	[smem:$0x3FB4] =	sst s10  }
0x35: {  	s10 =	sld [smem:$0x3FB3];
	_ =	sdelay $0x3  }
0x36: {  	p1 =	seq.s32 s10, $0x1;
	s10 =	sld [smem:$0x3FB4];
	_ =	sdelay $0x3  }
0x37: {  	[smem:$0x3FB4] =	sst s10  }
0x38: {  	s10 =	sld [smem:$0x3FB5]  }
0x39: {  	_ = 	snop;
	(pc) =	sbr.ind lr, $3  }
0x3a: {  	_ = 	snop  }
0x3b: {  	_ = 	snop  }
0x3c: {  	p2 =	seq.s32 s10, $0x1;
	s10 =	sld [smem:$0x3FB4]  }
0x3d: {  	_ =	shalt  }
0x3e: {  	_ =	shalt  }
0x3f: {  	_ =	shalt  }
0x40: {  	_ =	shalt  }
0x41: {  	_ =	shalt  }
0x42: {  	_ =	shalt  }
0x43: {  	_ =	shalt  }
0x44: {  	_ =	shalt  }
0x45: {  	_ =	shalt  }
0x46: {  	_ =	shalt  }
0x47: {  	_ =	shalt  }
0x48: {  	_ =	shalt  }
0x49: {  	_ =	shalt  }
0x4a: {  	_ =	shalt  }
0x4b: {  	_ =	shalt  }
0x4c: {  	_ =	shalt  }
0x4d: {  	_ =	shalt  }
0x4e: {  	_ =	shalt  }
0x4f: {  	_ =	shalt  }
0x50: {  	_ =	shalt  }
0x51: {  	_ =	shalt  }
0x52: {  	_ =	shalt  }
0x53: {  	_ =	shalt  }
0x54: {  	_ =	shalt  }
0x55: {  	_ =	shalt  }
0x56: {  	_ =	shalt  }
0x57: {  	_ =	shalt  }
0x58: {  	_ =	shalt  }
0x59: {  	_ =	shalt  }
0x5a: {  	_ =	shalt  }
0x5b: {  	_ =	shalt  }
0x5c: {  	_ =	shalt  }
0x5d: {  	_ =	shalt  }
0x5e: {  	_ =	shalt  }
0x5f: {  	_ =	shalt  }
0x60: {  	_ =	shalt  }
0x61: {  	_ =	shalt  }
0x62: {  	_ =	shalt  }
0x63: {  	_ =	shalt  }
0x64: {  	_ =	shalt  }
0x65: {  	_ =	shalt  }
0x66: {  	_ =	shalt  }
0x67: {  	_ =	shalt  }
0x68: {  	_ =	shalt  }
0x69: {  	_ =	shalt  }
0x6a: {  	_ =	shalt  }
0x6b: {  	_ =	shalt  }
0x6c: {  	_ =	shalt  }
0x6d: {  	_ =	shalt  }
0x6e: {  	_ =	shalt  }
0x6f: {  	_ =	shalt  }
0x70: {  	_ =	shalt  }
0x71: {  	_ =	shalt  }
0x72: {  	_ =	shalt  }
0x73: {  	_ =	shalt  }
0x74: {  	_ =	shalt  }
0x75: {  	_ =	shalt  }
0x76: {  	_ =	shalt  }
0x77: {  	_ =	shalt  }
0x78: {  	_ =	shalt  }
0x79: {  	_ =	shalt  }
0x7a: {  	_ =	shalt  }
0x7b: {  	_ =	shalt  }
0x7c: {  	_ =	shalt  }
0x7d: {  	_ =	shalt  }
0x7e: {  	_ =	shalt  }
0x7f: {  	_ =	shalt  }
0x80: {  	_ =	shalt  }
0x81: {  	_ =	shalt  }
0x82: {  	_ =	shalt  }
0x83: {  	_ =	shalt  }
0x84: {  	_ =	shalt  }
0x85: {  	_ =	shalt  }
0x86: {  	_ =	shalt  }
0x87: {  	_ =	shalt  }
.Lfunc_end0:
.L_simem_size_0:
called_computation.1_lowered:
.L_overlay_start_0:
0x88: {  	s2 =	sld [smem:$0x3FD9]  }
0x89: {  	s3 =	sld [smem:$0x3FFE];
	_ =	sdelay $0x1  }
0x8a: {  	s1 =	srdreg.scid  }
0x8b: {  	s0 =	sand.u32 $0x1, s1  }
0x8c: {  	s17 =	sshll.u32 s0, $0xA;
	s2 =	sadd.s32 s3, s2  }
0x8d: {  	s2 =	sadd.s32 s2, s17  }
0x8e: {  	[smem:$0x3FC0] =	sst s2  }
0x8f: {  	_ = 	snop  }
0x90: {  	s2 =	sld [smem:$0x3FD0];
	(tm) =	ssettm $0x1  }
0x91: {  	s18 =	sld [smem:$0x3FFB];
	_ =	sdelay $0x3  }
0x92: {  	_ =	strace s18  }
0x93: {  	s3 =	sld [smem:$0x3FFC];
	_ =	sdelay $0x3  }
0x94: {  	_ =	strace s3  }
0x95: {  	s3 =	sld [smem:$0x3FFD];
	_ =	sdelay $0x3  }
0x96: {  	_ =	strace s3  }
0x97: {  	_ =	strace $0x8FFFFFFF  }
0x98: {  	s19 =	sld [smem:$0x3FDB];
	_ =	sdelay $0x1  }
0x99: {  	s4 =	simm.s32 $_scs_section_size  }
0x9a: {  	s5 =	simm.s32 $_size__tile_overlayer_lowered;
	s6 =	simm.s32 $_tile_overlayer_lowered  }
0x9b: {  	s22 =	simm.s32 $0x1BFF;
	s21 =	sshll.u32 s6, $0x1;
	s3 =	sadd.s32 s4, s19  }
0x9c: {  	s7 =	simm.s32 $0x0;
	s20 =	sshll.u32 s5, $0x1;
	s5 =	sadd.s32 s21, s3  }
0x9d: {  	[timem:s7], [sflag:s22] =	dma.local [hbm:s5], s20  }
0x9e: {  	_ =	swait.ge [sflag:s22], s20  }
0x9f: {  	s4 =	ssub.s32 $0x0, s20;
	[sflag:s22] =	ssyncset.done $0x0  }
0xa0: {  	[sflag:s22] =	ssyncadd.s32 s4;
	_ =	sdelay $0x1  }
0xa1: {  	s23 =	simm.s32 $0x1B8B  }
0xa2: {  	_ =	swait.ge [sflag:s23], $0x1  }
0xa3: {  	[sflag:s23] =	ssyncset.done $0x0  }
0xa4: {  	s25 =	simm.s32 $0x1B8E;
	s24 =	sld [smem:$0x3FFE];
	[sflag:s23] =	ssyncadd.s32 $0xFFFFFFFF  }
0xa5: {  	s26 =	simm.s32 $execute0_lowered;
	[smem:$0x3FD2] =	sst s25  }
0xa6: {  	s5 =	sshll.u32 s26, $0x1;
	_ =	strace $0x80000049;
	[dreg:$0x1] =	wrdreg $0xFFFFFFFF  }
0xa7: {  	s28 =	simm.s32 $_size_execute0_lowered;
	s3 =	sadd.s32 s3, s5;
	[dreg:$0x0] =	wrdreg $0x0  }
0xa8: {  	s5 =	sshll.u32 s28, $0x1;
	[dreg:$0x2] =	wrdreg s3  }
0xa9: {  	[dreg:$0x3] =	wrdreg s5  }
0xaa: {  	[dreg:$0x4] =	wrdreg $0xC0  }
0xab: {  	_ =	task [dreg:s7], $0x5FFFF  }
0xac: {  	[dreg:$0x1] =	wrdreg $0xFFFFFFFF  }
0xad: {  	[dreg:$0x0] =	wrdreg $0x60  }
0xae: {  	[dreg:$0x2] =	wrdreg s2  }
0xaf: {  	[dreg:$0x3] =	wrdreg s24  }
0xb0: {  	[dreg:$0x4] =	wrdreg $0xA8000  }
0xb1: {  	[dreg:$0x5] =	wrdreg $0x148000  }
0xb2: {  	[dreg:$0x6] =	wrdreg $0x9  }
0xb3: {  	_ =	task.clear_ibuf [dreg:s7], $0x7FFFF;
	_ =	strace $0x90000049  }
0xb4: {  	s29 =	simm.s32 $0x9;
	_ =	strace $0x8000004B  }
0xb5: {  	_ =	swait.ge [sflag:s29], $0x1  }
0xb6: {  	[sflag:s29] =	ssyncadd.s32 $0xFFFFFFFF  }
0xb7: {  	_ =	strace $0x9000004B  }
0xb8: {  	_ =	sfence  }
0xb9: {  	s30 =	sld [smem:$0x0];
	_ =	sdelay $0x2  }
0xba: {  	s31 =	sshll.u32 s1, $0xD;
	s1 =	sshrl.u32 s1, $0x2  }
0xbb: {  	s3 =	sand.u32 $0x4000, s31;
	s1 =	sadd.s32 s1, s30  }
0xbc: {  	s0 =	sor.u32 s3, s0;
	s1 =	sshll.u32 s1, $0x11  }
0xbd: {  	s0 =	sor.u32 s1, s0  }
0xbe: {  	s0 =	sadd.s32 $0x8F2B, s0  }
0xbf: {  	[sflag:s0] =	ssyncadd.remote.s32 $0x1  }
0xc0: {  	_ =	sfence.sel $0xFFFF  }
0xc1: {  	[dreg:$0x0] =	wrdreg $0xFFFFFFFF;
	(pc) =	sbr.abs _section_cstart, $3  }
0xc2: {  	[dreg:$0x1] =	wrdreg $0xFFFFFFFF  }
0xc3: {  	_ =	task.clear_ibuf [dreg:s7], $0x2FFFF;
	_ =	strace $0x9FFFFFFF  }
0xc4: {  	(tm) =	ssettm $0x7FFFFFFF  }
0xc5: {  	_ =	shalt  }
tec
execute0_lowered:
.L_overlay_start_1:
0x0: {  	(tag) =	ssettag $0x1  }
0x1: {  	s1 =	rddreg [dreg:$0x0]  }
0x2: {  	s0 =	rddreg [dreg:$0x1]  }
0x3: {  	s2 =	rddreg [dreg:$0x2]  }
0x4: {  	s3 =	rddreg [dreg:$0x3]  }
0x5: {  	s4 =	simm.s32 $0x0;
	s5 =	srdreg.scid;
	s11 =	stileid.u32  }
0x6: {  	[smem:$0x7FF] =	sst s4;
	s5 =	sand.u32 $0x1, s5;
	s10 =	smul.u32 $0x28000, s11  }
0x7: {  	s17 =	sadd.s32 $0xB7C00, s0;
	s14 =	smul.u32 $0xA000, s11;
	s18 =	sadd.s32 $0xA3C00, s0  }
0x8: {  	_ =	strace $0x8000004A;
	s12 =	ssub.s32 $0x2, s5;
	[dreg:$0x6] =	wrdreg s18  }
0x9: {  	p0 =	seq.s32 s5, $0x0;
	[dreg:$0x5] =	wrdreg s17;
	s10 =	sshrl.u32 s10, $0x2  }
0xa: {  	s21 =	sadd.s32 $0x2000, s14;
	s22 =	sadd.s32 s14, s3;
	s26 =	sadd.s32 $0x4000, s14  }
0xb: {  	s16 =	sadd.s32 $0x6000, s14;
	s5 =	sadd.s32 $0x8000, s14;
	s19 =	sadd.s32 s10, s3  }
0xc: {  	s20 =	sadd.s32 s10, s2;
	[dreg:$0x9] =	wrdreg s22;
	s15 =	sadd.s32 s21, s3  }
0xd: {  	s10 =	sshrl.u32 s14, $0x3;
	s14 =	sadd.s32 s14, s2;
	[dreg:$0xb] =	wrdreg s15  }
0xe: {  	s24 =	sshrl.u32 s21, $0x3;
	s21 =	sadd.s32 s21, s2;
	[dreg:$0xd] =	wrdreg s14  }
0xf: {  	[dreg:$0xf] =	wrdreg s21  }
0x10: {  	s6 =	sadd.s32 $0x8FC00, s0;
	[dreg:$0x7] =	wrdreg s19  }
0x11: {  	s7 =	sadd.s32 $0xDC00, s0;
	s23 =	sadd.s32 s18, s10;
	[dreg:$0x8] =	wrdreg s20  }
0x12: {  	s8 =	sadd.s32 $0x3200, s0;
	s25 =	sadd.s32 s18, s24;
	[dreg:$0xa] =	wrdreg s23  }
0x13: {  	s9 =	sadd.s32 $0xD200, s0;
	s0 =	sadd.s32 s17, s10;
	[dreg:$0xc] =	wrdreg s25  }
0x14: {  	s13 =	sshrl.u32 s12, $0x1;
	s22 =	sadd.s32 s17, s24;
	[dreg:$0xe] =	wrdreg s0  }
0x15: {  	s12 =	ssub.s32 s12, s13;
	s10 =	sadd.s32 s16, s3;
	[dreg:$0x10] =	wrdreg s22  }
0x16: {  	s13 =	sshrl.u32 s16, $0x3;
	s14 =	sadd.s32 s16, s2;
	[dreg:$0x15] =	wrdreg s10  }
0x17: {  	s15 =	sadd.s32 s18, s13;
	[dreg:$0x16] =	wrdreg s14  }
0x18: {  	s28 =	simm.s32 $0x1400;
	s16 =	sadd.s32 s5, s3;
	[dreg:$0x17] =	wrdreg s15  }
0x19: {  	s29 =	simm.s32 $0x80;
	s21 =	sadd.s32 $0x6000, s19;
	[dreg:$0x19] =	wrdreg s16  }
0x1a: {  	s30 =	simm.s32 $0x4800;
	s23 =	sadd.s32 s26, s3;
	[dreg:$0x1d] =	wrdreg s21  }
0x1b: {  	s24 =	sshrl.u32 s26, $0x3;
	s25 =	sadd.s32 s26, s2;
	[dreg:$0x11] =	wrdreg s23  }
0x1c: {  	s31 =	simm.s32 $0x1;
	s26 =	sadd.s32 s18, s24;
	[dreg:$0x12] =	wrdreg s25  }
0x1d: {  	s0 =	sadd.s32 s17, s24;
	s14 =	smax.u32 s12, $0x1;
	[dreg:$0x13] =	wrdreg s26  }
0x1e: {  	s18 =	sadd.s32 $0x4000, s19;
	s22 =	sadd.s32 $0x8000, s19;
	[dreg:$0x14] =	wrdreg s0  }
0x1f: {  	s24 =	sadd.s32 $0x4000, s20;
	s15 =	simm.s32 $0x2;
	[dreg:$0x1c] =	wrdreg s18  }
0x20: {  	s16 =	simm.s32 $0x4;
	s21 =	simm.s32 $0x0;
	[dreg:$0x1e] =	wrdreg s22  }
0x21: {  	s0 =	sadd.s32 s17, s13;
	s17 =	sadd.s32 $0x2000, s19;
	[smem:$0x7FB] =	sst s24  }
0x22: {  	s23 =	sadd.s32 $0x2000, s20;
	s25 =	sadd.s32 $0x6000, s20;
	[dreg:$0x18] =	wrdreg s0  }
0x23: {  	s26 =	sadd.s32 $0x8000, s20;
	s24 =	simm.s32 $0x2800;
	[dreg:$0x1b] =	wrdreg s17  }
.Ltmp0:
0x24: {  	s18 =	simm.s32 $0x2780;
	[dreg:$0x1f] =	wrdreg s23;
	(pc) =	sbr.rel .LBB2_1-.Ltmp0, $4  }
0x25: {  	s19 =	simm.s32 $0x6800;
	s20 =	simm.s32 $0x8800;
	[smem:$0x7FC] =	sst s25  }
0x26: {  	s0 =	sshrl.u32 s5, $0x3;
	s5 =	sadd.s32 s5, s2;
	[smem:$0x7FD] =	sst s26  }
0x27: {  	s23 =	smul.u32 $0xA0, s11;
	s25 =	simm.s32 $0x6;
	s26 =	simm.s32 $0x5  }
0x28: {  	s17 =	simm.s32 $0x2700;
	[dreg:$0x1a] =	wrdreg s5;
	s5 =	simm.s32 $0x3  }
.LBB2_12:
0x29: {  	_ =	swait.ge [sflag:s25], $0x2000  }
0x2a: {  	[sflag:s25] =	ssyncset.done $0x0  }
0x2b: {  	s11 =	sadd.s32 s12, s0;
	s21 =	sadd.s32 $0x1, s21;
	[sflag:s25] =	ssyncadd.s32 $0xFFFFE000  }
0x2c: {  	[hbm4b:s11+s4] =	stream.linear.scatter [tilespmem:s10], [sflag:$0x1], $0x2000, $0x38;
	[tilespmem:$0x1E800] =	vst v63  }
0x2d: {  	p1 =	sne.s32 s21, s14;
	_ =	swait.ge [sflag:s15], $0x2000  }
.Ltmp1:
0x2e: {  	[sflag:s15] =	ssyncset.done $0x0;
	(pc) =	sbr.rel @!p1 .LBB2_13-.Ltmp1, $4  }
0x2f: {  	[sflag:s15] =	ssyncadd.s32 $0xFFFFE000  }
0x30: {  	_ =	swait.ge [sflag:s31], $0x2000  }
0x31: {  	[sflag:s31] =	ssyncset.done $0x0  }
0x32: {  	[sflag:s31] =	ssyncadd.s32 $0xFFFFE000  }
.LBB2_1:
.Ltmp2:
0x33: {  	(pc) =	sbr.rel @!p0 .LBB2_2-.Ltmp2, $2  }
0x34: {  	_ =	sdelay $0x2  }
0x35: {  	s22 =	simm.s32 $0x0  }
0x36: {  	[tilespmem:s24], [sflag:$0x6] =	stream.linear.gather [hbm4b:s9+s22], $0x2000, $0x38;
	[tilespmem:$0x1E800] =	vst v63  }
0x37: {  	_ =	swait.ge [sflag:s25], $0x2000  }
0x38: {  	[sflag:s25] =	ssyncset.done $0x0;
	s10 =	rddreg [dreg:$0x8]  }
0x39: {  	s13 =	rddreg [dreg:$0x1f];
	[sflag:s25] =	ssyncadd.s32 $0xFFFFE000  }
0x3a: {  	[spmem:s10] =	stream.linear.scatter [tilespmem:s24], [sflag:$0x5], $0x2000, $0x38;
	[tilespmem:$0x1E800] =	vst v63  }
0x3b: {  	s11 =	sld [smem:$0x7FB]  }
0x3c: {  	[spmem:s13] =	stream.linear.scatter [tilespmem:s24], [sflag:$0x5], $0x2000, $0x38;
	[tilespmem:$0x1E800] =	vst v63  }
0x3d: {  	s12 =	sld [smem:$0x7FC]  }
0x3e: {  	[spmem:s11] =	stream.linear.scatter [tilespmem:s24], [sflag:$0x5], $0x2000, $0x38;
	[tilespmem:$0x1E800] =	vst v63  }
0x3f: {  	s13 =	sld [smem:$0x7FD]  }
0x40: {  	[spmem:s12] =	stream.linear.scatter [tilespmem:s24], [sflag:$0x5], $0x2000, $0x38;
	[tilespmem:$0x1E800] =	vst v63  }
0x41: {  	_ = 	snop  }
0x42: {  	[spmem:s13] =	stream.linear.scatter [tilespmem:s24], [sflag:$0x5], $0x2000, $0x38;
	[tilespmem:$0x1E800] =	vst v63  }
0x43: {  	_ =	swait.ge [sflag:s26], $0x2000  }
0x44: {  	[sflag:s26] =	ssyncset.done $0x0  }
0x45: {  	[sflag:s26] =	ssyncadd.s32 $0xFFFFE000  }
0x46: {  	_ =	swait.ge [sflag:s26], $0x2000  }
0x47: {  	[sflag:s26] =	ssyncset.done $0x0  }
0x48: {  	[sflag:s26] =	ssyncadd.s32 $0xFFFFE000  }
0x49: {  	_ =	swait.ge [sflag:s26], $0x2000  }
0x4a: {  	[sflag:s26] =	ssyncset.done $0x0  }
0x4b: {  	[sflag:s26] =	ssyncadd.s32 $0xFFFFE000  }
0x4c: {  	_ =	swait.ge [sflag:s26], $0x2000  }
0x4d: {  	[sflag:s26] =	ssyncset.done $0x0  }
0x4e: {  	[sflag:s26] =	ssyncadd.s32 $0xFFFFE000  }
0x4f: {  	_ =	swait.ge [sflag:s26], $0x2000  }
0x50: {  	[sflag:s26] =	ssyncset.done $0x0  }
0x51: {  	[sflag:s26] =	ssyncadd.s32 $0xFFFFE000  }
0x52: {  	s10 =	simm.s32 $0x0;
	[bflag:$0x0] =	sbarrier.arrive $0xFFFF  }
.LBB2_8:
0x53: {  	s12 =	smul.u32 $0x28, s10;
	_ =	sdelay $0x1  }
0x54: {  	s12 =	sadd.s32 s23, s12  }
0x55: {  	s12 =	sshll.u32 s12, $0x4  }
0x56: {  	s13 =	sadd.s32 s7, s12  }
0x57: {  	[tilespmem:s22], [sflag:$0x6] =	stream.linear.gather [hbm4b:s13+s22], $0x1400, $0x38;
	[tilespmem:$0x1E800] =	vst v63  }
0x58: {  	_ =	swait.ge [sflag:s25], $0x1400  }
0x59: {  	[sflag:s25] =	ssyncset.done $0x0  }
0x5a: {  	s12 =	sadd.s32 s8, s12;
	[sflag:s25] =	ssyncadd.s32 $0xFFFFEC00  }
0x5b: {  	[tilespmem:s28], [sflag:$0x6] =	stream.linear.gather [hbm4b:s12+s22], $0x1400, $0x38;
	[tilespmem:$0x1E800] =	vst v63  }
0x5c: {  	_ =	swait.ge [sflag:s25], $0x1400  }
0x5d: {  	[sflag:s25] =	ssyncset.done $0x0  }
0x5e: {  	[sflag:s25] =	ssyncadd.s32 $0xFFFFEC00  }
0x5f: {  	[tilespmem:s24], [sflag:$0x1] =	stream.indirect.gather [hbm4b:s1+s29], $0x40, s22, s29, $0xb8;
	[tilespmem:$0x1E800] =	vst v63  }
0x60: {  	_ = 	snop  }
0x61: {  	[tilespmem:s30], [sflag:$0x2] =	stream.indirect.gather [hbm4b:s1+s29], $0x40, s29, s29, $0xb8;
	[tilespmem:$0x1E800] =	vst v63  }
0x62: {  	_ =	swait.ge [sflag:s31], $0x2000  }
0x63: {  	[sflag:s31] =	ssyncset.done $0x0  }
0x64: {  	s13 =	simm.s32 $0x1400;
	[sflag:s31] =	ssyncadd.s32 $0xFFFFE000  }
0x65: {  	[spmem:s2] =	stream.indirect.scatter.add.f32 [tilespmem:s24], [sflag:$0x3], $0x40, s13, s29, $0xb8;
	[tilespmem:$0x1E800] =	vst v63  }
0x66: {  	_ =	swait.ge [sflag:s5], $0x2000  }
0x67: {  	[sflag:s5] =	ssyncset.done $0x0  }
0x68: {  	s11 =	simm.s32 $0x100;
	[sflag:s5] =	ssyncadd.s32 $0xFFFFE000  }
0x69: {  	[tilespmem:s24], [sflag:$0x1] =	stream.indirect.gather [hbm4b:s1+s29], $0x40, s11, s29, $0xb8;
	[tilespmem:$0x1E800] =	vst v63  }
0x6a: {  	_ =	swait.ge [sflag:s15], $0x2000  }
0x6b: {  	[sflag:s15] =	ssyncset.done $0x0  }
0x6c: {  	s13 =	simm.s32 $0x1480;
	[sflag:s15] =	ssyncadd.s32 $0xFFFFE000  }
0x6d: {  	[spmem:s2] =	stream.indirect.scatter.add.f32 [tilespmem:s30], [sflag:$0x4], $0x40, s13, s29, $0xb8;
	[tilespmem:$0x1E800] =	vst v63  }
0x6e: {  	_ =	swait.ge [sflag:s16], $0x2000  }
0x6f: {  	[sflag:s16] =	ssyncset.done $0x0  }
0x70: {  	s12 =	simm.s32 $0x400;
	s13 =	simm.s32 $0x180;
	[sflag:s16] =	ssyncadd.s32 $0xFFFFE000  }
.LBB2_9:
0x71: {  	[tilespmem:s30], [sflag:$0x2] =	stream.indirect.gather [hbm4b:s1+s29], $0x40, s13, s29, $0xb8;
	[tilespmem:$0x1E800] =	vst v63  }
0x72: {  	s13 =	smov.u32 s12  }
0x73: {  	p1 =	sne.s32 s12, $0x4800;
	s12 =	sadd.s32 $0x400, s12;
	_ =	swait.ge [sflag:s31], $0x2000  }
0x74: {  	s13 =	sshra.s32 s13, $0x2;
	[sflag:s31] =	ssyncset.done $0x0  }
0x75: {  	s11 =	sadd.s32 $0x1400, s13;
	[sflag:s31] =	ssyncadd.s32 $0xFFFFE000  }
0x76: {  	[spmem:s2] =	stream.indirect.scatter.add.f32 [tilespmem:s24], [sflag:$0x3], $0x40, s11, s29, $0xb8;
	[tilespmem:$0x1E800] =	vst v63  }
0x77: {  	_ =	swait.ge [sflag:s5], $0x2000  }
0x78: {  	[sflag:s5] =	ssyncset.done $0x0  }
0x79: {  	s11 =	sadd.s32 $0x100, s13;
	[sflag:s5] =	ssyncadd.s32 $0xFFFFE000  }
0x7a: {  	[tilespmem:s24], [sflag:$0x1] =	stream.indirect.gather [hbm4b:s1+s29], $0x40, s11, s29, $0xb8;
	[tilespmem:$0x1E800] =	vst v63  }
0x7b: {  	_ =	swait.ge [sflag:s15], $0x2000  }
0x7c: {  	[sflag:s15] =	ssyncset.done $0x0  }
.Ltmp3:
0x7d: {  	s11 =	sadd.s32 $0x1480, s13;
	[sflag:s15] =	ssyncadd.s32 $0xFFFFE000;
	(pc) =	sbr.rel @p1 .LBB2_9-.Ltmp3, $4  }
0x7e: {  	[spmem:s2] =	stream.indirect.scatter.add.f32 [tilespmem:s30], [sflag:$0x4], $0x40, s11, s29, $0xb8;
	[tilespmem:$0x1E800] =	vst v63  }
0x7f: {  	_ =	swait.ge [sflag:s16], $0x2000  }
0x80: {  	[sflag:s16] =	ssyncset.done $0x0  }
0x81: {  	s13 =	sadd.s32 $0x180, s13;
	[sflag:s16] =	ssyncadd.s32 $0xFFFFE000  }
0x82: {  	[tilespmem:s30], [sflag:$0x2] =	stream.indirect.gather [hbm4b:s1+s29], $0x40, s13, s29, $0xb8;
	[tilespmem:$0x1E800] =	vst v63  }
0x83: {  	_ =	swait.ge [sflag:s31], $0x2000  }
0x84: {  	[sflag:s31] =	ssyncset.done $0x0  }
0x85: {  	[sflag:s31] =	ssyncadd.s32 $0xFFFFE000  }
0x86: {  	[spmem:s2] =	stream.indirect.scatter.add.f32 [tilespmem:s24], [sflag:$0x3], $0x40, s17, s29, $0xb8;
	[tilespmem:$0x1E800] =	vst v63  }
0x87: {  	_ =	swait.ge [sflag:s15], $0x2000  }
0x88: {  	[sflag:s15] =	ssyncset.done $0x0  }
0x89: {  	s10 =	sadd.s32 $0x1, s10;
	[sflag:s15] =	ssyncadd.s32 $0xFFFFE000  }
0x8a: {  	[spmem:s2] =	stream.indirect.scatter.add.f32 [tilespmem:s30], [sflag:$0x4], $0x40, s18, s29, $0xb8;
	[tilespmem:$0x1E800] =	vst v63  }
0x8b: {  	p1 =	sne.s32 s10, $0x4;
	_ =	swait.ge [sflag:s5], $0x2000  }
.Ltmp4:
0x8c: {  	[sflag:s5] =	ssyncset.done $0x0;
	(pc) =	sbr.rel @p1 .LBB2_8-.Ltmp4, $4  }
0x8d: {  	[sflag:s5] =	ssyncadd.s32 $0xFFFFE000  }
0x8e: {  	_ =	swait.ge [sflag:s16], $0x2000  }
0x8f: {  	[sflag:s16] =	ssyncset.done $0x0  }
0x90: {  	[sflag:s16] =	ssyncadd.s32 $0xFFFFE000  }
0x91: {  	[bflag:$0x0] =	sbarrier.arrive $0xFFFF  }
0x92: {  	s10 =	simm.s32 $0x2800;
	s11 =	rddreg [dreg:$0xd]  }
0x93: {  	[tilespmem:s10], [sflag:$0x6] =	stream.linear.gather [spmem:s11], $0x2000, $0x38;
	[tilespmem:$0x1E800] =	vst v63  }
0x94: {  	_ =	swait.ge [sflag:s25], $0x2000  }
0x95: {  	[sflag:s25] =	ssyncset.done $0x0  }
0x96: {  	s13 =	rddreg [dreg:$0xe];
	[sflag:s25] =	ssyncadd.s32 $0xFFFFE000  }
0x97: {  	[hbm4b:s13+s4] =	stream.linear.scatter [tilespmem:s10], [sflag:$0x1], $0x2000, $0x38;
	[tilespmem:$0x1E800] =	vst v63  }
0x98: {  	s22 =	rddreg [dreg:$0xf]  }
0x99: {  	[tilespmem:s30], [sflag:$0x6] =	stream.linear.gather [spmem:s22], $0x2000, $0x38;
	[tilespmem:$0x1E800] =	vst v63  }
0x9a: {  	_ =	swait.ge [sflag:s25], $0x2000  }
0x9b: {  	[sflag:s25] =	ssyncset.done $0x0  }
0x9c: {  	s12 =	rddreg [dreg:$0x10];
	[sflag:s25] =	ssyncadd.s32 $0xFFFFE000  }
0x9d: {  	[hbm4b:s12+s4] =	stream.linear.scatter [tilespmem:s30], [sflag:$0x2], $0x2000, $0x38;
	[tilespmem:$0x1E800] =	vst v63  }
0x9e: {  	_ =	swait.ge [sflag:s31], $0x2000  }
0x9f: {  	[sflag:s31] =	ssyncset.done $0x0  }
0xa0: {  	s13 =	rddreg [dreg:$0x12];
	[sflag:s31] =	ssyncadd.s32 $0xFFFFE000  }
0xa1: {  	[tilespmem:s10], [sflag:$0x6] =	stream.linear.gather [spmem:s13], $0x2000, $0x38;
	[tilespmem:$0x1E800] =	vst v63  }
0xa2: {  	_ =	swait.ge [sflag:s25], $0x2000  }
0xa3: {  	[sflag:s25] =	ssyncset.done $0x0  }
0xa4: {  	s22 =	rddreg [dreg:$0x14];
	[sflag:s25] =	ssyncadd.s32 $0xFFFFE000  }
0xa5: {  	[hbm4b:s22+s4] =	stream.linear.scatter [tilespmem:s10], [sflag:$0x1], $0x2000, $0x38;
	[tilespmem:$0x1E800] =	vst v63  }
0xa6: {  	_ =	swait.ge [sflag:s15], $0x2000  }
0xa7: {  	[sflag:s15] =	ssyncset.done $0x0  }
0xa8: {  	s12 =	rddreg [dreg:$0x16];
	[sflag:s15] =	ssyncadd.s32 $0xFFFFE000  }
0xa9: {  	[tilespmem:s30], [sflag:$0x6] =	stream.linear.gather [spmem:s12], $0x2000, $0x38;
	[tilespmem:$0x1E800] =	vst v63  }
0xaa: {  	_ =	swait.ge [sflag:s25], $0x2000  }
0xab: {  	[sflag:s25] =	ssyncset.done $0x0  }
0xac: {  	s13 =	rddreg [dreg:$0x18];
	[sflag:s25] =	ssyncadd.s32 $0xFFFFE000  }
0xad: {  	[hbm4b:s13+s4] =	stream.linear.scatter [tilespmem:s30], [sflag:$0x2], $0x2000, $0x38;
	[tilespmem:$0x1E800] =	vst v63  }
.Ltmp5:
0xae: {  	_ = 	snop;
	(pc) =	sbr.rel .LBB2_12-.Ltmp5, $4  }
0xaf: {  	_ =	swait.ge [sflag:s31], $0x2000  }
0xb0: {  	[sflag:s31] =	ssyncset.done $0x0;
	s22 =	rddreg [dreg:$0x1a]  }
0xb1: {  	s12 =	rddreg [dreg:$0x5];
	[sflag:s31] =	ssyncadd.s32 $0xFFFFE000  }
0xb2: {  	[tilespmem:s10], [sflag:$0x6] =	stream.linear.gather [spmem:s22], $0x2000, $0x38;
	[tilespmem:$0x1E800] =	vst v63  }
.LBB2_2:
0xb3: {  	[tilespmem:s19], [sflag:$0x6] =	stream.linear.gather [hbm4b:s9+s22], $0x2000, $0x38;
	[tilespmem:$0x1E800] =	vst v63  }
0xb4: {  	_ =	swait.ge [sflag:s25], $0x2000  }
0xb5: {  	[sflag:s25] =	ssyncset.done $0x0  }
0xb6: {  	s10 =	rddreg [dreg:$0x7];
	[sflag:s25] =	ssyncadd.s32 $0xFFFFE000  }
0xb7: {  	[spmem:s10] =	stream.linear.scatter [tilespmem:s19], [sflag:$0x5], $0x2000, $0x38;
	[tilespmem:$0x1E800] =	vst v63  }
0xb8: {  	s13 =	rddreg [dreg:$0x1b]  }
0xb9: {  	[spmem:s13] =	stream.linear.scatter [tilespmem:s19], [sflag:$0x5], $0x2000, $0x38;
	[tilespmem:$0x1E800] =	vst v63  }
0xba: {  	s11 =	rddreg [dreg:$0x1c]  }
0xbb: {  	[spmem:s11] =	stream.linear.scatter [tilespmem:s19], [sflag:$0x5], $0x2000, $0x38;
	[tilespmem:$0x1E800] =	vst v63  }
0xbc: {  	s12 =	rddreg [dreg:$0x1d]  }
0xbd: {  	[spmem:s12] =	stream.linear.scatter [tilespmem:s19], [sflag:$0x5], $0x2000, $0x38;
	[tilespmem:$0x1E800] =	vst v63  }
0xbe: {  	s13 =	rddreg [dreg:$0x1e]  }
0xbf: {  	[spmem:s13] =	stream.linear.scatter [tilespmem:s19], [sflag:$0x5], $0x2000, $0x38;
	[tilespmem:$0x1E800] =	vst v63  }
0xc0: {  	_ =	swait.ge [sflag:s26], $0x2000  }
0xc1: {  	[sflag:s26] =	ssyncset.done $0x0  }
0xc2: {  	[sflag:s26] =	ssyncadd.s32 $0xFFFFE000  }
0xc3: {  	_ =	swait.ge [sflag:s26], $0x2000  }
0xc4: {  	[sflag:s26] =	ssyncset.done $0x0  }
0xc5: {  	[sflag:s26] =	ssyncadd.s32 $0xFFFFE000  }
0xc6: {  	_ =	swait.ge [sflag:s26], $0x2000  }
0xc7: {  	[sflag:s26] =	ssyncset.done $0x0  }
0xc8: {  	[sflag:s26] =	ssyncadd.s32 $0xFFFFE000  }
0xc9: {  	_ =	swait.ge [sflag:s26], $0x2000  }
0xca: {  	[sflag:s26] =	ssyncset.done $0x0  }
0xcb: {  	[sflag:s26] =	ssyncadd.s32 $0xFFFFE000  }
0xcc: {  	_ =	swait.ge [sflag:s26], $0x2000  }
0xcd: {  	[sflag:s26] =	ssyncset.done $0x0  }
0xce: {  	[sflag:s26] =	ssyncadd.s32 $0xFFFFE000  }
0xcf: {  	s10 =	simm.s32 $0x0;
	[bflag:$0x0] =	sbarrier.arrive $0xFFFF  }
.LBB2_3:
0xd0: {  	s11 =	smul.u32 $0x28, s10;
	_ =	sdelay $0x1  }
0xd1: {  	s11 =	sadd.s32 s23, s11  }
0xd2: {  	s11 =	sshll.u32 s11, $0x4  }
0xd3: {  	s12 =	sadd.s32 s7, s11  }
0xd4: {  	[tilespmem:s22], [sflag:$0x6] =	stream.linear.gather [hbm4b:s12+s22], $0x1400, $0x38;
	[tilespmem:$0x1E800] =	vst v63  }
0xd5: {  	_ =	swait.ge [sflag:s25], $0x1400  }
0xd6: {  	[sflag:s25] =	ssyncset.done $0x0  }
0xd7: {  	s11 =	sadd.s32 s8, s11;
	[sflag:s25] =	ssyncadd.s32 $0xFFFFEC00  }
0xd8: {  	[tilespmem:s28], [sflag:$0x6] =	stream.linear.gather [hbm4b:s11+s22], $0x1400, $0x38;
	[tilespmem:$0x1E800] =	vst v63  }
0xd9: {  	_ =	swait.ge [sflag:s25], $0x1400  }
0xda: {  	[sflag:s25] =	ssyncset.done $0x0  }
0xdb: {  	[sflag:s25] =	ssyncadd.s32 $0xFFFFEC00  }
0xdc: {  	[tilespmem:s19], [sflag:$0x1] =	stream.indirect.gather [hbm4b:s6+s29], $0x40, s22, s29, $0xb8;
	[tilespmem:$0x1E800] =	vst v63  }
0xdd: {  	_ = 	snop  }
0xde: {  	[tilespmem:s20], [sflag:$0x2] =	stream.indirect.gather [hbm4b:s6+s29], $0x40, s29, s29, $0xb8;
	[tilespmem:$0x1E800] =	vst v63  }
0xdf: {  	_ =	swait.ge [sflag:s31], $0x2000  }
0xe0: {  	[sflag:s31] =	ssyncset.done $0x0  }
0xe1: {  	s13 =	simm.s32 $0x1400;
	[sflag:s31] =	ssyncadd.s32 $0xFFFFE000  }
0xe2: {  	[spmem:s3] =	stream.indirect.scatter.add.f32 [tilespmem:s19], [sflag:$0x3], $0x40, s13, s29, $0xb8;
	[tilespmem:$0x1E800] =	vst v63  }
0xe3: {  	_ =	swait.ge [sflag:s5], $0x2000  }
0xe4: {  	[sflag:s5] =	ssyncset.done $0x0  }
0xe5: {  	s12 =	simm.s32 $0x100;
	[sflag:s5] =	ssyncadd.s32 $0xFFFFE000  }
0xe6: {  	[tilespmem:s19], [sflag:$0x1] =	stream.indirect.gather [hbm4b:s6+s29], $0x40, s12, s29, $0xb8;
	[tilespmem:$0x1E800] =	vst v63  }
0xe7: {  	_ =	swait.ge [sflag:s15], $0x2000  }
0xe8: {  	[sflag:s15] =	ssyncset.done $0x0  }
0xe9: {  	s13 =	simm.s32 $0x1480;
	[sflag:s15] =	ssyncadd.s32 $0xFFFFE000  }
0xea: {  	[spmem:s3] =	stream.indirect.scatter.add.f32 [tilespmem:s20], [sflag:$0x4], $0x40, s13, s29, $0xb8;
	[tilespmem:$0x1E800] =	vst v63  }
0xeb: {  	_ =	swait.ge [sflag:s16], $0x2000  }
0xec: {  	[sflag:s16] =	ssyncset.done $0x0  }
0xed: {  	s12 =	simm.s32 $0x400;
	s13 =	simm.s32 $0x180;
	[sflag:s16] =	ssyncadd.s32 $0xFFFFE000  }
.LBB2_4:
0xee: {  	[tilespmem:s20], [sflag:$0x2] =	stream.indirect.gather [hbm4b:s6+s29], $0x40, s13, s29, $0xb8;
	[tilespmem:$0x1E800] =	vst v63  }
0xef: {  	s11 =	smov.u32 s12  }
0xf0: {  	p1 =	sne.s32 s12, $0x4800;
	s12 =	sadd.s32 $0x400, s12;
	_ =	swait.ge [sflag:s31], $0x2000  }
0xf1: {  	s11 =	sshra.s32 s11, $0x2;
	[sflag:s31] =	ssyncset.done $0x0  }
0xf2: {  	s13 =	sadd.s32 $0x1400, s11;
	[sflag:s31] =	ssyncadd.s32 $0xFFFFE000  }
0xf3: {  	[spmem:s3] =	stream.indirect.scatter.add.f32 [tilespmem:s19], [sflag:$0x3], $0x40, s13, s29, $0xb8;
	[tilespmem:$0x1E800] =	vst v63  }
0xf4: {  	_ =	swait.ge [sflag:s5], $0x2000  }
0xf5: {  	[sflag:s5] =	ssyncset.done $0x0  }
0xf6: {  	s13 =	sadd.s32 $0x100, s11;
	[sflag:s5] =	ssyncadd.s32 $0xFFFFE000  }
0xf7: {  	[tilespmem:s19], [sflag:$0x1] =	stream.indirect.gather [hbm4b:s6+s29], $0x40, s13, s29, $0xb8;
	[tilespmem:$0x1E800] =	vst v63  }
0xf8: {  	_ =	swait.ge [sflag:s15], $0x2000  }
0xf9: {  	[sflag:s15] =	ssyncset.done $0x0  }
.Ltmp6:
0xfa: {  	s13 =	sadd.s32 $0x1480, s11;
	[sflag:s15] =	ssyncadd.s32 $0xFFFFE000;
	(pc) =	sbr.rel @p1 .LBB2_4-.Ltmp6, $4  }
0xfb: {  	[spmem:s3] =	stream.indirect.scatter.add.f32 [tilespmem:s20], [sflag:$0x4], $0x40, s13, s29, $0xb8;
	[tilespmem:$0x1E800] =	vst v63  }
0xfc: {  	_ =	swait.ge [sflag:s16], $0x2000  }
0xfd: {  	[sflag:s16] =	ssyncset.done $0x0  }
0xfe: {  	s13 =	sadd.s32 $0x180, s11;
	[sflag:s16] =	ssyncadd.s32 $0xFFFFE000  }
0xff: {  	[tilespmem:s20], [sflag:$0x2] =	stream.indirect.gather [hbm4b:s6+s29], $0x40, s13, s29, $0xb8;
	[tilespmem:$0x1E800] =	vst v63  }
0x100: {  	_ =	swait.ge [sflag:s31], $0x2000  }
0x101: {  	[sflag:s31] =	ssyncset.done $0x0  }
0x102: {  	[sflag:s31] =	ssyncadd.s32 $0xFFFFE000  }
0x103: {  	[spmem:s3] =	stream.indirect.scatter.add.f32 [tilespmem:s19], [sflag:$0x3], $0x40, s17, s29, $0xb8;
	[tilespmem:$0x1E800] =	vst v63  }
0x104: {  	_ =	swait.ge [sflag:s15], $0x2000  }
0x105: {  	[sflag:s15] =	ssyncset.done $0x0  }
0x106: {  	s10 =	sadd.s32 $0x1, s10;
	[sflag:s15] =	ssyncadd.s32 $0xFFFFE000  }
0x107: {  	[spmem:s3] =	stream.indirect.scatter.add.f32 [tilespmem:s20], [sflag:$0x4], $0x40, s18, s29, $0xb8;
	[tilespmem:$0x1E800] =	vst v63  }
0x108: {  	p1 =	sne.s32 s10, $0x4;
	_ =	swait.ge [sflag:s5], $0x2000  }
.Ltmp7:
0x109: {  	[sflag:s5] =	ssyncset.done $0x0;
	(pc) =	sbr.rel @p1 .LBB2_3-.Ltmp7, $4  }
0x10a: {  	[sflag:s5] =	ssyncadd.s32 $0xFFFFE000  }
0x10b: {  	_ =	swait.ge [sflag:s16], $0x2000  }
0x10c: {  	[sflag:s16] =	ssyncset.done $0x0  }
0x10d: {  	[sflag:s16] =	ssyncadd.s32 $0xFFFFE000  }
0x10e: {  	[bflag:$0x0] =	sbarrier.arrive $0xFFFF  }
0x10f: {  	s10 =	simm.s32 $0x6800;
	s11 =	rddreg [dreg:$0x9]  }
0x110: {  	[tilespmem:s10], [sflag:$0x6] =	stream.linear.gather [spmem:s11], $0x2000, $0x38;
	[tilespmem:$0x1E800] =	vst v63  }
0x111: {  	_ =	swait.ge [sflag:s25], $0x2000  }
0x112: {  	[sflag:s25] =	ssyncset.done $0x0  }
0x113: {  	s13 =	rddreg [dreg:$0xa];
	[sflag:s25] =	ssyncadd.s32 $0xFFFFE000  }
0x114: {  	[hbm4b:s13+s4] =	stream.linear.scatter [tilespmem:s10], [sflag:$0x1], $0x2000, $0x38;
	[tilespmem:$0x1E800] =	vst v63  }
0x115: {  	s22 =	rddreg [dreg:$0xb]  }
0x116: {  	[tilespmem:s20], [sflag:$0x6] =	stream.linear.gather [spmem:s22], $0x2000, $0x38;
	[tilespmem:$0x1E800] =	vst v63  }
0x117: {  	_ =	swait.ge [sflag:s25], $0x2000  }
0x118: {  	[sflag:s25] =	ssyncset.done $0x0  }
0x119: {  	s12 =	rddreg [dreg:$0xc];
	[sflag:s25] =	ssyncadd.s32 $0xFFFFE000  }
0x11a: {  	[hbm4b:s12+s4] =	stream.linear.scatter [tilespmem:s20], [sflag:$0x2], $0x2000, $0x38;
	[tilespmem:$0x1E800] =	vst v63  }
0x11b: {  	_ =	swait.ge [sflag:s31], $0x2000  }
0x11c: {  	[sflag:s31] =	ssyncset.done $0x0  }
0x11d: {  	s13 =	rddreg [dreg:$0x11];
	[sflag:s31] =	ssyncadd.s32 $0xFFFFE000  }
0x11e: {  	[tilespmem:s10], [sflag:$0x6] =	stream.linear.gather [spmem:s13], $0x2000, $0x38;
	[tilespmem:$0x1E800] =	vst v63  }
0x11f: {  	_ =	swait.ge [sflag:s25], $0x2000  }
0x120: {  	[sflag:s25] =	ssyncset.done $0x0  }
0x121: {  	s22 =	rddreg [dreg:$0x13];
	[sflag:s25] =	ssyncadd.s32 $0xFFFFE000  }
0x122: {  	[hbm4b:s22+s4] =	stream.linear.scatter [tilespmem:s10], [sflag:$0x1], $0x2000, $0x38;
	[tilespmem:$0x1E800] =	vst v63  }
0x123: {  	_ =	swait.ge [sflag:s15], $0x2000  }
0x124: {  	[sflag:s15] =	ssyncset.done $0x0  }
0x125: {  	s12 =	rddreg [dreg:$0x15];
	[sflag:s15] =	ssyncadd.s32 $0xFFFFE000  }
0x126: {  	[tilespmem:s20], [sflag:$0x6] =	stream.linear.gather [spmem:s12], $0x2000, $0x38;
	[tilespmem:$0x1E800] =	vst v63  }
0x127: {  	_ =	swait.ge [sflag:s25], $0x2000  }
0x128: {  	[sflag:s25] =	ssyncset.done $0x0  }
0x129: {  	s13 =	rddreg [dreg:$0x17];
	[sflag:s25] =	ssyncadd.s32 $0xFFFFE000  }
0x12a: {  	[hbm4b:s13+s4] =	stream.linear.scatter [tilespmem:s20], [sflag:$0x2], $0x2000, $0x38;
	[tilespmem:$0x1E800] =	vst v63  }
.Ltmp8:
0x12b: {  	_ = 	snop;
	(pc) =	sbr.rel .LBB2_12-.Ltmp8, $4  }
0x12c: {  	_ =	swait.ge [sflag:s31], $0x2000  }
0x12d: {  	[sflag:s31] =	ssyncset.done $0x0;
	s22 =	rddreg [dreg:$0x19]  }
0x12e: {  	s12 =	rddreg [dreg:$0x6];
	[sflag:s31] =	ssyncadd.s32 $0xFFFFE000  }
0x12f: {  	[tilespmem:s10], [sflag:$0x6] =	stream.linear.gather [spmem:s22], $0x2000, $0x38;
	[tilespmem:$0x1E800] =	vst v63  }
.LBB2_13:
0x130: {  	_ =	sfence.sel $0x180000  }
0x131: {  	[bflag:$0x0] =	sbarrier.arrive $0xFFFF  }
0x132: {  	_ =	strace $0x9000004A  }
0x133: {  	s0 =	stileid.u32;
	[bflag:$0x2] =	sbarrier.arrive $0xFFFF  }
0x134: {  	p0 =	sne.s32 s0, $0x0;
	s0 =	rddreg [dreg:$0x4]  }
0x135: {  	s0 =	sadd.s32 @!p0 $0x100000, s0  }
0x136: {  	[sflag:s0] =	ssyncadd.tile.s32 @!p0 $0x1;
	_ =	shalt  }
.Lfunc_end2:
_tile_overlayer_lowered:
.L_overlay_start_2:
0x137: {  	(tag) =	ssettag $0x2  }
0x138: {  	s0 =	rddreg [dreg:$0x0];
	s2 =	stileid.u32  }
0x139: {  	s1 =	rddreg [dreg:$0x1];
	p0 =	sne.s32 s2, $0x0  }
0x13a: {  	s3 =	rddreg [dreg:$0x2];
	[bflag:$0x3] =	sbarrier.arrive $0xFFFF;
	s2 =	simm.s32 @!p0 $0x1C06  }
0x13b: {  	[timem:s3], [sflag:s2] =	dma.local @!p0 [hbm:s0], s1  }
0x13c: {  	s0 =	simm.s32 @!p0 $0x6  }
0x13d: {  	_ =	swait.ge @!p0 [sflag:s0], s1  }
0x13e: {  	s1 =	ssub.s32 @!p0 $0x0, s1;
	[sflag:s0] =	ssyncset.done @!p0 $0x0  }
0x13f: {  	[sflag:s0] =	ssyncadd.s32 @!p0 s1  }
0x140: {  	[bflag:$0x3] =	sbarrier.arrive $0xFFFF  }
0x141: {  	_ =	shalt  }

// kernel: kernel.14.cloned.1.call-start
scs
__scs_entry_jumppad:
0x0: {  	(pc) =	sbr.rel $0x88, $3  }
0x1: {  	(tag) =	ssettag $0x0;
	lr =	simm.s32 $0x1  }
0x2: {  	[smem:$0x3F99] =	sst lr;
	_ =	strace $0xD0000000  }
0x3: {  	_ = 	snop  }
0x4: {  	_ = 	snop  }
0x5: {  	_ = 	snop  }
0x6: {  	_ = 	snop  }
0x7: {  	_ = 	snop  }
__scs_overlays_trampoline_lowered:
0x8: {  	[smem:$0x3FA8] =	sst s0  }
0x9: {  	[smem:$0x3FA9] =	sst s1  }
0xa: {  	[smem:$0x3FAA] =	sst s2  }
0xb: {  	[smem:$0x3FAB] =	sst s3  }
0xc: {  	[smem:$0x3FAC] =	sst s4  }
0xd: {  	[smem:$0x3FAD] =	sst s5  }
0xe: {  	[smem:$0x3FAE] =	sst s6  }
0xf: {  	[smem:$0x3FAF] =	sst s7  }
0x10: {  	[smem:$0x3FB0] =	sst s8  }
0x11: {  	[smem:$0x3FB1] =	sst s9;
	s0 =	simm.s32 @!p0 $0x0  }
0x12: {  	s1 =	sld [smem:$0x3F97];
	s0 =	simm.s32 @p0 $0x1  }
0x13: {  	[smem:$0x3FB2] =	sst s0;
	s0 =	simm.s32 @!p1 $0x0  }
0x14: {  	s2 =	sld [smem:$0x3F96];
	s0 =	simm.s32 @p1 $0x1  }
0x15: {  	[smem:$0x3FB3] =	sst s0;
	s0 =	simm.s32 @!p2 $0x0  }
0x16: {  	s3 =	sld [smem:$0x3FDB];
	s0 =	simm.s32 @p2 $0x1  }
0x17: {  	s4 =	simm.s32 $0x1BF5;
	[smem:$0x3FB5] =	sst s0  }
0x18: {  	s0 =	sld [smem:$0x3F98];
	_ =	swait.ge [sflag:s4], $0x0  }
0x19: {  	s7 =	sld [smem:$0x3F99]  }
0x1a: {  	s8 =	sadd.s32 $0xFFFFE003, lr  }
0x1b: {  	s9 =	sadd.s32 $0xFFFFFEF7, lr;
	s5 =	simm.s32 $0xFFFFFFFF;
	p2 =	slt.u32 s8, $0xFFFFF086  }
0x1c: {  	p1 =	slt.u32 s9, $0xF7A;
	s5 =	simm.s32 @!p2 $0x0  }
0x1d: {  	s5 =	simm.s32 @p1 $0x1;
	p0 =	seq.s32 s7, s2  }
0x1e: {  	s7 =	smul.u32 @!p0 $0xF7A, s2;
	p2 =	seq.s32 @!p0 s5, $0x0  }
0x1f: {  	s9 =	smul.u32 $0xF7A, s1;
	s8 =	simm.s32 @!p0 $0x1BF5;
	p2 =	por !p2, p0  }
0x20: {  	[sflag:s8] =	ssyncset.s32 @!p0 $0xFFFFF086;
	s6 =	sadd.s32 @!p0 s3, s7;
	s7 =	simm.s32 @!p0 $0x108  }
0x21: {  	s3 =	sadd.s32 s3, s9;
	s6 =	sadd.s32 @!p0 $0x88, s6;
	s7 =	simm.s32 @p2 $0x1082  }
0x22: {  	[simem:s7], [sflag:s8] =	dma.local @!p0 [hbm:s6], $0xF7A  }
0x23: {  	s9 =	sor.u32 $0xD0000000, s2;
	s6 =	simm.s32 $0x108;
	_ =	swait.ge @!p0 [sflag:s8], $0x0  }
0x24: {  	s3 =	sadd.s32 $0x88, s3;
	s6 =	simm.s32 @!p1 $0x1082;
	[sflag:s4] =	ssyncset.s32 $0xFFFFF086  }
0x25: {  	[simem:s6], [sflag:s4] =	dma.local [hbm:s3], $0xF7A  }
0x26: {  	[smem:$0x3F99] =	sst s1;
	(tag) =	ssettag s2;
	_ =	strace s9  }
0x27: {  	s1 =	sld [smem:$0x3FA9]  }
0x28: {  	s2 =	sld [smem:$0x3FAA]  }
0x29: {  	s4 =	sld [smem:$0x3FAC]  }
0x2a: {  	p0 =	seq.s32 s5, $0x0;
	s5 =	sld [smem:$0x3FAD]  }
0x2b: {  	s6 =	sld [smem:$0x3FAE]  }
0x2c: {  	s7 =	sld [smem:$0x3FAF]  }
0x2d: {  	s3 =	simm.s32 $0x108;
	s8 =	sld [smem:$0x3FB0]  }
0x2e: {  	s3 =	simm.s32 @!p0 $0x1082;
	s9 =	sld [smem:$0x3FB1]  }
0x2f: {  	lr =	sadd.s32 s0, s3;
	s0 =	sld [smem:$0x3FA8]  }
0x30: {  	s3 =	sld [smem:$0x3FAB]  }
0x31: {  	[smem:$0x3FB4] =	sst s10  }
0x32: {  	s10 =	sld [smem:$0x3FB2];
	_ =	sdelay $0x3  }
0x33: {  	p0 =	seq.s32 s10, $0x1;
	s10 =	sld [smem:$0x3FB4];
	_ =	sdelay $0x3  }
0x34: {  	[smem:$0x3FB4] =	sst s10  }
0x35: {  	s10 =	sld [smem:$0x3FB3];
	_ =	sdelay $0x3  }
0x36: {  	p1 =	seq.s32 s10, $0x1;
	s10 =	sld [smem:$0x3FB4];
	_ =	sdelay $0x3  }
0x37: {  	[smem:$0x3FB4] =	sst s10  }
0x38: {  	s10 =	sld [smem:$0x3FB5]  }
0x39: {  	_ = 	snop;
	(pc) =	sbr.ind lr, $3  }
0x3a: {  	_ = 	snop  }
0x3b: {  	_ = 	snop  }
0x3c: {  	p2 =	seq.s32 s10, $0x1;
	s10 =	sld [smem:$0x3FB4]  }
0x3d: {  	_ =	shalt  }
0x3e: {  	_ =	shalt  }
0x3f: {  	_ =	shalt  }
0x40: {  	_ =	shalt  }
0x41: {  	_ =	shalt  }
0x42: {  	_ =	shalt  }
0x43: {  	_ =	shalt  }
0x44: {  	_ =	shalt  }
0x45: {  	_ =	shalt  }
0x46: {  	_ =	shalt  }
0x47: {  	_ =	shalt  }
0x48: {  	_ =	shalt  }
0x49: {  	_ =	shalt  }
0x4a: {  	_ =	shalt  }
0x4b: {  	_ =	shalt  }
0x4c: {  	_ =	shalt  }
0x4d: {  	_ =	shalt  }
0x4e: {  	_ =	shalt  }
0x4f: {  	_ =	shalt  }
0x50: {  	_ =	shalt  }
0x51: {  	_ =	shalt  }
0x52: {  	_ =	shalt  }
0x53: {  	_ =	shalt  }
0x54: {  	_ =	shalt  }
0x55: {  	_ =	shalt  }
0x56: {  	_ =	shalt  }
0x57: {  	_ =	shalt  }
0x58: {  	_ =	shalt  }
0x59: {  	_ =	shalt  }
0x5a: {  	_ =	shalt  }
0x5b: {  	_ =	shalt  }
0x5c: {  	_ =	shalt  }
0x5d: {  	_ =	shalt  }
0x5e: {  	_ =	shalt  }
0x5f: {  	_ =	shalt  }
0x60: {  	_ =	shalt  }
0x61: {  	_ =	shalt  }
0x62: {  	_ =	shalt  }
0x63: {  	_ =	shalt  }
0x64: {  	_ =	shalt  }
0x65: {  	_ =	shalt  }
0x66: {  	_ =	shalt  }
0x67: {  	_ =	shalt  }
0x68: {  	_ =	shalt  }
0x69: {  	_ =	shalt  }
0x6a: {  	_ =	shalt  }
0x6b: {  	_ =	shalt  }
0x6c: {  	_ =	shalt  }
0x6d: {  	_ =	shalt  }
0x6e: {  	_ =	shalt  }
0x6f: {  	_ =	shalt  }
0x70: {  	_ =	shalt  }
0x71: {  	_ =	shalt  }
0x72: {  	_ =	shalt  }
0x73: {  	_ =	shalt  }
0x74: {  	_ =	shalt  }
0x75: {  	_ =	shalt  }
0x76: {  	_ =	shalt  }
0x77: {  	_ =	shalt  }
0x78: {  	_ =	shalt  }
0x79: {  	_ =	shalt  }
0x7a: {  	_ =	shalt  }
0x7b: {  	_ =	shalt  }
0x7c: {  	_ =	shalt  }
0x7d: {  	_ =	shalt  }
0x7e: {  	_ =	shalt  }
0x7f: {  	_ =	shalt  }
0x80: {  	_ =	shalt  }
0x81: {  	_ =	shalt  }
0x82: {  	_ =	shalt  }
0x83: {  	_ =	shalt  }
0x84: {  	_ =	shalt  }
0x85: {  	_ =	shalt  }
0x86: {  	_ =	shalt  }
0x87: {  	_ =	shalt  }
.Lfunc_end0:
.L_simem_size_0:
called_computation.2_lowered:
.L_overlay_start_0:
0x88: {  	s2 =	sld [smem:$0x3FD9]  }
0x89: {  	s3 =	sld [smem:$0x3FFE];
	_ =	sdelay $0x1  }
0x8a: {  	s1 =	srdreg.scid  }
0x8b: {  	s0 =	sand.u32 $0x1, s1  }
0x8c: {  	s17 =	sshll.u32 s0, $0xA;
	s2 =	sadd.s32 s3, s2  }
0x8d: {  	s2 =	sadd.s32 s2, s17  }
0x8e: {  	[smem:$0x3FC0] =	sst s2  }
0x8f: {  	_ = 	snop  }
0x90: {  	s2 =	sld [smem:$0x3FD0];
	(tm) =	ssettm $0x1  }
0x91: {  	s18 =	sld [smem:$0x3FFB];
	_ =	sdelay $0x3  }
0x92: {  	_ =	strace s18  }
0x93: {  	s3 =	sld [smem:$0x3FFC];
	_ =	sdelay $0x3  }
0x94: {  	_ =	strace s3  }
0x95: {  	s3 =	sld [smem:$0x3FFD];
	_ =	sdelay $0x3  }
0x96: {  	_ =	strace s3  }
0x97: {  	_ =	strace $0x8FFFFFFF  }
0x98: {  	s19 =	sld [smem:$0x3FDB];
	_ =	sdelay $0x1  }
0x99: {  	s4 =	simm.s32 $_scs_section_size  }
0x9a: {  	s5 =	simm.s32 $_size__tile_overlayer_lowered;
	s6 =	simm.s32 $_tile_overlayer_lowered  }
0x9b: {  	s22 =	simm.s32 $0x1BFF;
	s21 =	sshll.u32 s6, $0x1;
	s3 =	sadd.s32 s4, s19  }
0x9c: {  	s7 =	simm.s32 $0x0;
	s20 =	sshll.u32 s5, $0x1;
	s5 =	sadd.s32 s21, s3  }
0x9d: {  	[timem:s7], [sflag:s22] =	dma.local [hbm:s5], s20  }
0x9e: {  	_ =	swait.ge [sflag:s22], s20  }
0x9f: {  	s4 =	ssub.s32 $0x0, s20;
	[sflag:s22] =	ssyncset.done $0x0  }
0xa0: {  	[sflag:s22] =	ssyncadd.s32 s4;
	_ =	sdelay $0x1  }
0xa1: {  	s23 =	simm.s32 $0x1B8B  }
0xa2: {  	_ =	swait.ge [sflag:s23], $0x1  }
0xa3: {  	[sflag:s23] =	ssyncset.done $0x0  }
0xa4: {  	s25 =	simm.s32 $0x1B8E;
	s24 =	sld [smem:$0x3FFE];
	[sflag:s23] =	ssyncadd.s32 $0xFFFFFFFF  }
0xa5: {  	s26 =	simm.s32 $execute0_lowered;
	[smem:$0x3FD2] =	sst s25  }
0xa6: {  	s5 =	sshll.u32 s26, $0x1;
	_ =	strace $0x8000004C;
	[dreg:$0x1] =	wrdreg $0xFFFFFFFF  }
0xa7: {  	s28 =	simm.s32 $_size_execute0_lowered;
	s3 =	sadd.s32 s3, s5;
	[dreg:$0x0] =	wrdreg $0x0  }
0xa8: {  	s5 =	sshll.u32 s28, $0x1;
	[dreg:$0x2] =	wrdreg s3  }
0xa9: {  	[dreg:$0x3] =	wrdreg s5  }
0xaa: {  	[dreg:$0x4] =	wrdreg $0xC0  }
0xab: {  	_ =	task [dreg:s7], $0x5FFFF  }
0xac: {  	[dreg:$0x1] =	wrdreg $0xFFFFFFFF  }
0xad: {  	[dreg:$0x0] =	wrdreg $0x60  }
0xae: {  	[dreg:$0x2] =	wrdreg s2  }
0xaf: {  	[dreg:$0x3] =	wrdreg s24  }
0xb0: {  	[dreg:$0x4] =	wrdreg $0xA8000  }
0xb1: {  	[dreg:$0x5] =	wrdreg $0x148000  }
0xb2: {  	[dreg:$0x6] =	wrdreg $0x9  }
0xb3: {  	_ =	task.clear_ibuf [dreg:s7], $0x7FFFF;
	_ =	strace $0x9000004C  }
0xb4: {  	s29 =	simm.s32 $0x9;
	_ =	strace $0x8000004E  }
0xb5: {  	_ =	swait.ge [sflag:s29], $0x1  }
0xb6: {  	[sflag:s29] =	ssyncadd.s32 $0xFFFFFFFF  }
0xb7: {  	_ =	strace $0x9000004E  }
0xb8: {  	_ =	sfence  }
0xb9: {  	s30 =	sld [smem:$0x0];
	_ =	sdelay $0x2  }
0xba: {  	s31 =	sshll.u32 s1, $0xD;
	s1 =	sshrl.u32 s1, $0x2  }
0xbb: {  	s3 =	sand.u32 $0x4000, s31;
	s1 =	sadd.s32 s1, s30  }
0xbc: {  	s0 =	sor.u32 s3, s0;
	s1 =	sshll.u32 s1, $0x11  }
0xbd: {  	s0 =	sor.u32 s1, s0  }
0xbe: {  	s0 =	sadd.s32 $0x8F2B, s0  }
0xbf: {  	[sflag:s0] =	ssyncadd.remote.s32 $0x1  }
0xc0: {  	_ =	sfence.sel $0xFFFF  }
0xc1: {  	[dreg:$0x0] =	wrdreg $0xFFFFFFFF;
	(pc) =	sbr.abs _section_cstart, $3  }
0xc2: {  	[dreg:$0x1] =	wrdreg $0xFFFFFFFF  }
0xc3: {  	_ =	task.clear_ibuf [dreg:s7], $0x2FFFF;
	_ =	strace $0x9FFFFFFF  }
0xc4: {  	(tm) =	ssettm $0x7FFFFFFF  }
0xc5: {  	_ =	shalt  }
tec
execute0_lowered:
.L_overlay_start_1:
0x0: {  	(tag) =	ssettag $0x1  }
0x1: {  	s1 =	rddreg [dreg:$0x0]  }
0x2: {  	s0 =	rddreg [dreg:$0x1]  }
0x3: {  	s2 =	rddreg [dreg:$0x2]  }
0x4: {  	s3 =	rddreg [dreg:$0x3]  }
0x5: {  	s4 =	simm.s32 $0x0;
	s5 =	srdreg.scid;
	s11 =	stileid.u32  }
0x6: {  	[smem:$0x7FF] =	sst s4;
	s5 =	sand.u32 $0x1, s5;
	s10 =	smul.u32 $0x28000, s11  }
0x7: {  	s17 =	sadd.s32 $0x8FC00, s0;
	s14 =	smul.u32 $0xA000, s11;
	s18 =	sadd.s32 $0x7BC00, s0  }
0x8: {  	_ =	strace $0x8000004D;
	s12 =	ssub.s32 $0x2, s5;
	[dreg:$0x6] =	wrdreg s18  }
0x9: {  	p0 =	seq.s32 s5, $0x0;
	[dreg:$0x5] =	wrdreg s17;
	s10 =	sshrl.u32 s10, $0x2  }
0xa: {  	s21 =	sadd.s32 $0x2000, s14;
	s22 =	sadd.s32 s14, s3;
	s26 =	sadd.s32 $0x4000, s14  }
0xb: {  	s16 =	sadd.s32 $0x6000, s14;
	s5 =	sadd.s32 $0x8000, s14;
	s19 =	sadd.s32 s10, s3  }
0xc: {  	s20 =	sadd.s32 s10, s2;
	[dreg:$0x9] =	wrdreg s22;
	s15 =	sadd.s32 s21, s3  }
0xd: {  	s10 =	sshrl.u32 s14, $0x3;
	s14 =	sadd.s32 s14, s2;
	[dreg:$0xb] =	wrdreg s15  }
0xe: {  	s24 =	sshrl.u32 s21, $0x3;
	s21 =	sadd.s32 s21, s2;
	[dreg:$0xd] =	wrdreg s14  }
0xf: {  	[dreg:$0xf] =	wrdreg s21  }
0x10: {  	s6 =	sadd.s32 $0x67C00, s0;
	[dreg:$0x7] =	wrdreg s19  }
0x11: {  	s7 =	sadd.s32 $0xDC00, s0;
	s23 =	sadd.s32 s18, s10;
	[dreg:$0x8] =	wrdreg s20  }
0x12: {  	s8 =	sadd.s32 $0x3200, s0;
	s25 =	sadd.s32 s18, s24;
	[dreg:$0xa] =	wrdreg s23  }
0x13: {  	s9 =	sadd.s32 $0xD200, s0;
	s0 =	sadd.s32 s17, s10;
	[dreg:$0xc] =	wrdreg s25  }
0x14: {  	s13 =	sshrl.u32 s12, $0x1;
	s22 =	sadd.s32 s17, s24;
	[dreg:$0xe] =	wrdreg s0  }
0x15: {  	s12 =	ssub.s32 s12, s13;
	s10 =	sadd.s32 s16, s3;
	[dreg:$0x10] =	wrdreg s22  }
0x16: {  	s13 =	sshrl.u32 s16, $0x3;
	s14 =	sadd.s32 s16, s2;
	[dreg:$0x15] =	wrdreg s10  }
0x17: {  	s15 =	sadd.s32 s18, s13;
	[dreg:$0x16] =	wrdreg s14  }
0x18: {  	s28 =	simm.s32 $0x1400;
	s16 =	sadd.s32 s5, s3;
	[dreg:$0x17] =	wrdreg s15  }
0x19: {  	s29 =	simm.s32 $0x80;
	s21 =	sadd.s32 $0x6000, s19;
	[dreg:$0x19] =	wrdreg s16  }
0x1a: {  	s30 =	simm.s32 $0x4800;
	s23 =	sadd.s32 s26, s3;
	[dreg:$0x1d] =	wrdreg s21  }
0x1b: {  	s24 =	sshrl.u32 s26, $0x3;
	s25 =	sadd.s32 s26, s2;
	[dreg:$0x11] =	wrdreg s23  }
0x1c: {  	s31 =	simm.s32 $0x1;
	s26 =	sadd.s32 s18, s24;
	[dreg:$0x12] =	wrdreg s25  }
0x1d: {  	s0 =	sadd.s32 s17, s24;
	s14 =	smax.u32 s12, $0x1;
	[dreg:$0x13] =	wrdreg s26  }
0x1e: {  	s18 =	sadd.s32 $0x4000, s19;
	s22 =	sadd.s32 $0x8000, s19;
	[dreg:$0x14] =	wrdreg s0  }
0x1f: {  	s24 =	sadd.s32 $0x4000, s20;
	s15 =	simm.s32 $0x2;
	[dreg:$0x1c] =	wrdreg s18  }
0x20: {  	s16 =	simm.s32 $0x4;
	s21 =	simm.s32 $0x0;
	[dreg:$0x1e] =	wrdreg s22  }
0x21: {  	s0 =	sadd.s32 s17, s13;
	s17 =	sadd.s32 $0x2000, s19;
	[smem:$0x7FB] =	sst s24  }
0x22: {  	s23 =	sadd.s32 $0x2000, s20;
	s25 =	sadd.s32 $0x6000, s20;
	[dreg:$0x18] =	wrdreg s0  }
0x23: {  	s26 =	sadd.s32 $0x8000, s20;
	s24 =	simm.s32 $0x2800;
	[dreg:$0x1b] =	wrdreg s17  }
.Ltmp0:
0x24: {  	s18 =	simm.s32 $0x2780;
	[dreg:$0x1f] =	wrdreg s23;
	(pc) =	sbr.rel .LBB2_1-.Ltmp0, $4  }
0x25: {  	s19 =	simm.s32 $0x6800;
	s20 =	simm.s32 $0x8800;
	[smem:$0x7FC] =	sst s25  }
0x26: {  	s0 =	sshrl.u32 s5, $0x3;
	s5 =	sadd.s32 s5, s2;
	[smem:$0x7FD] =	sst s26  }
0x27: {  	s23 =	smul.u32 $0xA0, s11;
	s25 =	simm.s32 $0x6;
	s26 =	simm.s32 $0x5  }
0x28: {  	s17 =	simm.s32 $0x2700;
	[dreg:$0x1a] =	wrdreg s5;
	s5 =	simm.s32 $0x3  }
.LBB2_12:
0x29: {  	_ =	swait.ge [sflag:s25], $0x2000  }
0x2a: {  	[sflag:s25] =	ssyncset.done $0x0  }
0x2b: {  	s11 =	sadd.s32 s12, s0;
	s21 =	sadd.s32 $0x1, s21;
	[sflag:s25] =	ssyncadd.s32 $0xFFFFE000  }
0x2c: {  	[hbm4b:s11+s4] =	stream.linear.scatter [tilespmem:s10], [sflag:$0x1], $0x2000, $0x38;
	[tilespmem:$0x1E800] =	vst v63  }
0x2d: {  	p1 =	sne.s32 s21, s14;
	_ =	swait.ge [sflag:s15], $0x2000  }
.Ltmp1:
0x2e: {  	[sflag:s15] =	ssyncset.done $0x0;
	(pc) =	sbr.rel @!p1 .LBB2_13-.Ltmp1, $4  }
0x2f: {  	[sflag:s15] =	ssyncadd.s32 $0xFFFFE000  }
0x30: {  	_ =	swait.ge [sflag:s31], $0x2000  }
0x31: {  	[sflag:s31] =	ssyncset.done $0x0  }
0x32: {  	[sflag:s31] =	ssyncadd.s32 $0xFFFFE000  }
.LBB2_1:
.Ltmp2:
0x33: {  	(pc) =	sbr.rel @!p0 .LBB2_2-.Ltmp2, $2  }
0x34: {  	_ =	sdelay $0x2  }
0x35: {  	s22 =	simm.s32 $0x0  }
0x36: {  	[tilespmem:s24], [sflag:$0x6] =	stream.linear.gather [hbm4b:s9+s22], $0x2000, $0x38;
	[tilespmem:$0x1E800] =	vst v63  }
0x37: {  	_ =	swait.ge [sflag:s25], $0x2000  }
0x38: {  	[sflag:s25] =	ssyncset.done $0x0;
	s10 =	rddreg [dreg:$0x8]  }
0x39: {  	s13 =	rddreg [dreg:$0x1f];
	[sflag:s25] =	ssyncadd.s32 $0xFFFFE000  }
0x3a: {  	[spmem:s10] =	stream.linear.scatter [tilespmem:s24], [sflag:$0x5], $0x2000, $0x38;
	[tilespmem:$0x1E800] =	vst v63  }
0x3b: {  	s11 =	sld [smem:$0x7FB]  }
0x3c: {  	[spmem:s13] =	stream.linear.scatter [tilespmem:s24], [sflag:$0x5], $0x2000, $0x38;
	[tilespmem:$0x1E800] =	vst v63  }
0x3d: {  	s12 =	sld [smem:$0x7FC]  }
0x3e: {  	[spmem:s11] =	stream.linear.scatter [tilespmem:s24], [sflag:$0x5], $0x2000, $0x38;
	[tilespmem:$0x1E800] =	vst v63  }
0x3f: {  	s13 =	sld [smem:$0x7FD]  }
0x40: {  	[spmem:s12] =	stream.linear.scatter [tilespmem:s24], [sflag:$0x5], $0x2000, $0x38;
	[tilespmem:$0x1E800] =	vst v63  }
0x41: {  	_ = 	snop  }
0x42: {  	[spmem:s13] =	stream.linear.scatter [tilespmem:s24], [sflag:$0x5], $0x2000, $0x38;
	[tilespmem:$0x1E800] =	vst v63  }
0x43: {  	_ =	swait.ge [sflag:s26], $0x2000  }
0x44: {  	[sflag:s26] =	ssyncset.done $0x0  }
0x45: {  	[sflag:s26] =	ssyncadd.s32 $0xFFFFE000  }
0x46: {  	_ =	swait.ge [sflag:s26], $0x2000  }
0x47: {  	[sflag:s26] =	ssyncset.done $0x0  }
0x48: {  	[sflag:s26] =	ssyncadd.s32 $0xFFFFE000  }
0x49: {  	_ =	swait.ge [sflag:s26], $0x2000  }
0x4a: {  	[sflag:s26] =	ssyncset.done $0x0  }
0x4b: {  	[sflag:s26] =	ssyncadd.s32 $0xFFFFE000  }
0x4c: {  	_ =	swait.ge [sflag:s26], $0x2000  }
0x4d: {  	[sflag:s26] =	ssyncset.done $0x0  }
0x4e: {  	[sflag:s26] =	ssyncadd.s32 $0xFFFFE000  }
0x4f: {  	_ =	swait.ge [sflag:s26], $0x2000  }
0x50: {  	[sflag:s26] =	ssyncset.done $0x0  }
0x51: {  	[sflag:s26] =	ssyncadd.s32 $0xFFFFE000  }
0x52: {  	s10 =	simm.s32 $0x0;
	[bflag:$0x0] =	sbarrier.arrive $0xFFFF  }
.LBB2_8:
0x53: {  	s12 =	smul.u32 $0x28, s10;
	_ =	sdelay $0x1  }
0x54: {  	s12 =	sadd.s32 s23, s12  }
0x55: {  	s12 =	sshll.u32 s12, $0x4  }
0x56: {  	s13 =	sadd.s32 s7, s12  }
0x57: {  	[tilespmem:s22], [sflag:$0x6] =	stream.linear.gather [hbm4b:s13+s22], $0x1400, $0x38;
	[tilespmem:$0x1E800] =	vst v63  }
0x58: {  	_ =	swait.ge [sflag:s25], $0x1400  }
0x59: {  	[sflag:s25] =	ssyncset.done $0x0  }
0x5a: {  	s12 =	sadd.s32 s8, s12;
	[sflag:s25] =	ssyncadd.s32 $0xFFFFEC00  }
0x5b: {  	[tilespmem:s28], [sflag:$0x6] =	stream.linear.gather [hbm4b:s12+s22], $0x1400, $0x38;
	[tilespmem:$0x1E800] =	vst v63  }
0x5c: {  	_ =	swait.ge [sflag:s25], $0x1400  }
0x5d: {  	[sflag:s25] =	ssyncset.done $0x0  }
0x5e: {  	[sflag:s25] =	ssyncadd.s32 $0xFFFFEC00  }
0x5f: {  	[tilespmem:s24], [sflag:$0x1] =	stream.indirect.gather [hbm4b:s1+s29], $0x40, s22, s29, $0xb8;
	[tilespmem:$0x1E800] =	vst v63  }
0x60: {  	_ = 	snop  }
0x61: {  	[tilespmem:s30], [sflag:$0x2] =	stream.indirect.gather [hbm4b:s1+s29], $0x40, s29, s29, $0xb8;
	[tilespmem:$0x1E800] =	vst v63  }
0x62: {  	_ =	swait.ge [sflag:s31], $0x2000  }
0x63: {  	[sflag:s31] =	ssyncset.done $0x0  }
0x64: {  	s13 =	simm.s32 $0x1400;
	[sflag:s31] =	ssyncadd.s32 $0xFFFFE000  }
0x65: {  	[spmem:s2] =	stream.indirect.scatter.add.f32 [tilespmem:s24], [sflag:$0x3], $0x40, s13, s29, $0xb8;
	[tilespmem:$0x1E800] =	vst v63  }
0x66: {  	_ =	swait.ge [sflag:s5], $0x2000  }
0x67: {  	[sflag:s5] =	ssyncset.done $0x0  }
0x68: {  	s11 =	simm.s32 $0x100;
	[sflag:s5] =	ssyncadd.s32 $0xFFFFE000  }
0x69: {  	[tilespmem:s24], [sflag:$0x1] =	stream.indirect.gather [hbm4b:s1+s29], $0x40, s11, s29, $0xb8;
	[tilespmem:$0x1E800] =	vst v63  }
0x6a: {  	_ =	swait.ge [sflag:s15], $0x2000  }
0x6b: {  	[sflag:s15] =	ssyncset.done $0x0  }
0x6c: {  	s13 =	simm.s32 $0x1480;
	[sflag:s15] =	ssyncadd.s32 $0xFFFFE000  }
0x6d: {  	[spmem:s2] =	stream.indirect.scatter.add.f32 [tilespmem:s30], [sflag:$0x4], $0x40, s13, s29, $0xb8;
	[tilespmem:$0x1E800] =	vst v63  }
0x6e: {  	_ =	swait.ge [sflag:s16], $0x2000  }
0x6f: {  	[sflag:s16] =	ssyncset.done $0x0  }
0x70: {  	s12 =	simm.s32 $0x400;
	s13 =	simm.s32 $0x180;
	[sflag:s16] =	ssyncadd.s32 $0xFFFFE000  }
.LBB2_9:
0x71: {  	[tilespmem:s30], [sflag:$0x2] =	stream.indirect.gather [hbm4b:s1+s29], $0x40, s13, s29, $0xb8;
	[tilespmem:$0x1E800] =	vst v63  }
0x72: {  	s13 =	smov.u32 s12  }
0x73: {  	p1 =	sne.s32 s12, $0x4800;
	s12 =	sadd.s32 $0x400, s12;
	_ =	swait.ge [sflag:s31], $0x2000  }
0x74: {  	s13 =	sshra.s32 s13, $0x2;
	[sflag:s31] =	ssyncset.done $0x0  }
0x75: {  	s11 =	sadd.s32 $0x1400, s13;
	[sflag:s31] =	ssyncadd.s32 $0xFFFFE000  }
0x76: {  	[spmem:s2] =	stream.indirect.scatter.add.f32 [tilespmem:s24], [sflag:$0x3], $0x40, s11, s29, $0xb8;
	[tilespmem:$0x1E800] =	vst v63  }
0x77: {  	_ =	swait.ge [sflag:s5], $0x2000  }
0x78: {  	[sflag:s5] =	ssyncset.done $0x0  }
0x79: {  	s11 =	sadd.s32 $0x100, s13;
	[sflag:s5] =	ssyncadd.s32 $0xFFFFE000  }
0x7a: {  	[tilespmem:s24], [sflag:$0x1] =	stream.indirect.gather [hbm4b:s1+s29], $0x40, s11, s29, $0xb8;
	[tilespmem:$0x1E800] =	vst v63  }
0x7b: {  	_ =	swait.ge [sflag:s15], $0x2000  }
0x7c: {  	[sflag:s15] =	ssyncset.done $0x0  }
.Ltmp3:
0x7d: {  	s11 =	sadd.s32 $0x1480, s13;
	[sflag:s15] =	ssyncadd.s32 $0xFFFFE000;
	(pc) =	sbr.rel @p1 .LBB2_9-.Ltmp3, $4  }
0x7e: {  	[spmem:s2] =	stream.indirect.scatter.add.f32 [tilespmem:s30], [sflag:$0x4], $0x40, s11, s29, $0xb8;
	[tilespmem:$0x1E800] =	vst v63  }
0x7f: {  	_ =	swait.ge [sflag:s16], $0x2000  }
0x80: {  	[sflag:s16] =	ssyncset.done $0x0  }
0x81: {  	s13 =	sadd.s32 $0x180, s13;
	[sflag:s16] =	ssyncadd.s32 $0xFFFFE000  }
0x82: {  	[tilespmem:s30], [sflag:$0x2] =	stream.indirect.gather [hbm4b:s1+s29], $0x40, s13, s29, $0xb8;
	[tilespmem:$0x1E800] =	vst v63  }
0x83: {  	_ =	swait.ge [sflag:s31], $0x2000  }
0x84: {  	[sflag:s31] =	ssyncset.done $0x0  }
0x85: {  	[sflag:s31] =	ssyncadd.s32 $0xFFFFE000  }
0x86: {  	[spmem:s2] =	stream.indirect.scatter.add.f32 [tilespmem:s24], [sflag:$0x3], $0x40, s17, s29, $0xb8;
	[tilespmem:$0x1E800] =	vst v63  }
0x87: {  	_ =	swait.ge [sflag:s15], $0x2000  }
0x88: {  	[sflag:s15] =	ssyncset.done $0x0  }
0x89: {  	s10 =	sadd.s32 $0x1, s10;
	[sflag:s15] =	ssyncadd.s32 $0xFFFFE000  }
0x8a: {  	[spmem:s2] =	stream.indirect.scatter.add.f32 [tilespmem:s30], [sflag:$0x4], $0x40, s18, s29, $0xb8;
	[tilespmem:$0x1E800] =	vst v63  }
0x8b: {  	p1 =	sne.s32 s10, $0x4;
	_ =	swait.ge [sflag:s5], $0x2000  }
.Ltmp4:
0x8c: {  	[sflag:s5] =	ssyncset.done $0x0;
	(pc) =	sbr.rel @p1 .LBB2_8-.Ltmp4, $4  }
0x8d: {  	[sflag:s5] =	ssyncadd.s32 $0xFFFFE000  }
0x8e: {  	_ =	swait.ge [sflag:s16], $0x2000  }
0x8f: {  	[sflag:s16] =	ssyncset.done $0x0  }
0x90: {  	[sflag:s16] =	ssyncadd.s32 $0xFFFFE000  }
0x91: {  	[bflag:$0x0] =	sbarrier.arrive $0xFFFF  }
0x92: {  	s10 =	simm.s32 $0x2800;
	s11 =	rddreg [dreg:$0xd]  }
0x93: {  	[tilespmem:s10], [sflag:$0x6] =	stream.linear.gather [spmem:s11], $0x2000, $0x38;
	[tilespmem:$0x1E800] =	vst v63  }
0x94: {  	_ =	swait.ge [sflag:s25], $0x2000  }
0x95: {  	[sflag:s25] =	ssyncset.done $0x0  }
0x96: {  	s13 =	rddreg [dreg:$0xe];
	[sflag:s25] =	ssyncadd.s32 $0xFFFFE000  }
0x97: {  	[hbm4b:s13+s4] =	stream.linear.scatter [tilespmem:s10], [sflag:$0x1], $0x2000, $0x38;
	[tilespmem:$0x1E800] =	vst v63  }
0x98: {  	s22 =	rddreg [dreg:$0xf]  }
0x99: {  	[tilespmem:s30], [sflag:$0x6] =	stream.linear.gather [spmem:s22], $0x2000, $0x38;
	[tilespmem:$0x1E800] =	vst v63  }
0x9a: {  	_ =	swait.ge [sflag:s25], $0x2000  }
0x9b: {  	[sflag:s25] =	ssyncset.done $0x0  }
0x9c: {  	s12 =	rddreg [dreg:$0x10];
	[sflag:s25] =	ssyncadd.s32 $0xFFFFE000  }
0x9d: {  	[hbm4b:s12+s4] =	stream.linear.scatter [tilespmem:s30], [sflag:$0x2], $0x2000, $0x38;
	[tilespmem:$0x1E800] =	vst v63  }
0x9e: {  	_ =	swait.ge [sflag:s31], $0x2000  }
0x9f: {  	[sflag:s31] =	ssyncset.done $0x0  }
0xa0: {  	s13 =	rddreg [dreg:$0x12];
	[sflag:s31] =	ssyncadd.s32 $0xFFFFE000  }
0xa1: {  	[tilespmem:s10], [sflag:$0x6] =	stream.linear.gather [spmem:s13], $0x2000, $0x38;
	[tilespmem:$0x1E800] =	vst v63  }
0xa2: {  	_ =	swait.ge [sflag:s25], $0x2000  }
0xa3: {  	[sflag:s25] =	ssyncset.done $0x0  }
0xa4: {  	s22 =	rddreg [dreg:$0x14];
	[sflag:s25] =	ssyncadd.s32 $0xFFFFE000  }
0xa5: {  	[hbm4b:s22+s4] =	stream.linear.scatter [tilespmem:s10], [sflag:$0x1], $0x2000, $0x38;
	[tilespmem:$0x1E800] =	vst v63  }
0xa6: {  	_ =	swait.ge [sflag:s15], $0x2000  }
0xa7: {  	[sflag:s15] =	ssyncset.done $0x0  }
0xa8: {  	s12 =	rddreg [dreg:$0x16];
	[sflag:s15] =	ssyncadd.s32 $0xFFFFE000  }
0xa9: {  	[tilespmem:s30], [sflag:$0x6] =	stream.linear.gather [spmem:s12], $0x2000, $0x38;
	[tilespmem:$0x1E800] =	vst v63  }
0xaa: {  	_ =	swait.ge [sflag:s25], $0x2000  }
0xab: {  	[sflag:s25] =	ssyncset.done $0x0  }
0xac: {  	s13 =	rddreg [dreg:$0x18];
	[sflag:s25] =	ssyncadd.s32 $0xFFFFE000  }
0xad: {  	[hbm4b:s13+s4] =	stream.linear.scatter [tilespmem:s30], [sflag:$0x2], $0x2000, $0x38;
	[tilespmem:$0x1E800] =	vst v63  }
.Ltmp5:
0xae: {  	_ = 	snop;
	(pc) =	sbr.rel .LBB2_12-.Ltmp5, $4  }
0xaf: {  	_ =	swait.ge [sflag:s31], $0x2000  }
0xb0: {  	[sflag:s31] =	ssyncset.done $0x0;
	s22 =	rddreg [dreg:$0x1a]  }
0xb1: {  	s12 =	rddreg [dreg:$0x5];
	[sflag:s31] =	ssyncadd.s32 $0xFFFFE000  }
0xb2: {  	[tilespmem:s10], [sflag:$0x6] =	stream.linear.gather [spmem:s22], $0x2000, $0x38;
	[tilespmem:$0x1E800] =	vst v63  }
.LBB2_2:
0xb3: {  	[tilespmem:s19], [sflag:$0x6] =	stream.linear.gather [hbm4b:s9+s22], $0x2000, $0x38;
	[tilespmem:$0x1E800] =	vst v63  }
0xb4: {  	_ =	swait.ge [sflag:s25], $0x2000  }
0xb5: {  	[sflag:s25] =	ssyncset.done $0x0  }
0xb6: {  	s10 =	rddreg [dreg:$0x7];
	[sflag:s25] =	ssyncadd.s32 $0xFFFFE000  }
0xb7: {  	[spmem:s10] =	stream.linear.scatter [tilespmem:s19], [sflag:$0x5], $0x2000, $0x38;
	[tilespmem:$0x1E800] =	vst v63  }
0xb8: {  	s13 =	rddreg [dreg:$0x1b]  }
0xb9: {  	[spmem:s13] =	stream.linear.scatter [tilespmem:s19], [sflag:$0x5], $0x2000, $0x38;
	[tilespmem:$0x1E800] =	vst v63  }
0xba: {  	s11 =	rddreg [dreg:$0x1c]  }
0xbb: {  	[spmem:s11] =	stream.linear.scatter [tilespmem:s19], [sflag:$0x5], $0x2000, $0x38;
	[tilespmem:$0x1E800] =	vst v63  }
0xbc: {  	s12 =	rddreg [dreg:$0x1d]  }
0xbd: {  	[spmem:s12] =	stream.linear.scatter [tilespmem:s19], [sflag:$0x5], $0x2000, $0x38;
	[tilespmem:$0x1E800] =	vst v63  }
0xbe: {  	s13 =	rddreg [dreg:$0x1e]  }
0xbf: {  	[spmem:s13] =	stream.linear.scatter [tilespmem:s19], [sflag:$0x5], $0x2000, $0x38;
	[tilespmem:$0x1E800] =	vst v63  }
0xc0: {  	_ =	swait.ge [sflag:s26], $0x2000  }
0xc1: {  	[sflag:s26] =	ssyncset.done $0x0  }
0xc2: {  	[sflag:s26] =	ssyncadd.s32 $0xFFFFE000  }
0xc3: {  	_ =	swait.ge [sflag:s26], $0x2000  }
0xc4: {  	[sflag:s26] =	ssyncset.done $0x0  }
0xc5: {  	[sflag:s26] =	ssyncadd.s32 $0xFFFFE000  }
0xc6: {  	_ =	swait.ge [sflag:s26], $0x2000  }
0xc7: {  	[sflag:s26] =	ssyncset.done $0x0  }
0xc8: {  	[sflag:s26] =	ssyncadd.s32 $0xFFFFE000  }
0xc9: {  	_ =	swait.ge [sflag:s26], $0x2000  }
0xca: {  	[sflag:s26] =	ssyncset.done $0x0  }
0xcb: {  	[sflag:s26] =	ssyncadd.s32 $0xFFFFE000  }
0xcc: {  	_ =	swait.ge [sflag:s26], $0x2000  }
0xcd: {  	[sflag:s26] =	ssyncset.done $0x0  }
0xce: {  	[sflag:s26] =	ssyncadd.s32 $0xFFFFE000  }
0xcf: {  	s10 =	simm.s32 $0x0;
	[bflag:$0x0] =	sbarrier.arrive $0xFFFF  }
.LBB2_3:
0xd0: {  	s11 =	smul.u32 $0x28, s10;
	_ =	sdelay $0x1  }
0xd1: {  	s11 =	sadd.s32 s23, s11  }
0xd2: {  	s11 =	sshll.u32 s11, $0x4  }
0xd3: {  	s12 =	sadd.s32 s7, s11  }
0xd4: {  	[tilespmem:s22], [sflag:$0x6] =	stream.linear.gather [hbm4b:s12+s22], $0x1400, $0x38;
	[tilespmem:$0x1E800] =	vst v63  }
0xd5: {  	_ =	swait.ge [sflag:s25], $0x1400  }
0xd6: {  	[sflag:s25] =	ssyncset.done $0x0  }
0xd7: {  	s11 =	sadd.s32 s8, s11;
	[sflag:s25] =	ssyncadd.s32 $0xFFFFEC00  }
0xd8: {  	[tilespmem:s28], [sflag:$0x6] =	stream.linear.gather [hbm4b:s11+s22], $0x1400, $0x38;
	[tilespmem:$0x1E800] =	vst v63  }
0xd9: {  	_ =	swait.ge [sflag:s25], $0x1400  }
0xda: {  	[sflag:s25] =	ssyncset.done $0x0  }
0xdb: {  	[sflag:s25] =	ssyncadd.s32 $0xFFFFEC00  }
0xdc: {  	[tilespmem:s19], [sflag:$0x1] =	stream.indirect.gather [hbm4b:s6+s29], $0x40, s22, s29, $0xb8;
	[tilespmem:$0x1E800] =	vst v63  }
0xdd: {  	_ = 	snop  }
0xde: {  	[tilespmem:s20], [sflag:$0x2] =	stream.indirect.gather [hbm4b:s6+s29], $0x40, s29, s29, $0xb8;
	[tilespmem:$0x1E800] =	vst v63  }
0xdf: {  	_ =	swait.ge [sflag:s31], $0x2000  }
0xe0: {  	[sflag:s31] =	ssyncset.done $0x0  }
0xe1: {  	s13 =	simm.s32 $0x1400;
	[sflag:s31] =	ssyncadd.s32 $0xFFFFE000  }
0xe2: {  	[spmem:s3] =	stream.indirect.scatter.add.f32 [tilespmem:s19], [sflag:$0x3], $0x40, s13, s29, $0xb8;
	[tilespmem:$0x1E800] =	vst v63  }
0xe3: {  	_ =	swait.ge [sflag:s5], $0x2000  }
0xe4: {  	[sflag:s5] =	ssyncset.done $0x0  }
0xe5: {  	s12 =	simm.s32 $0x100;
	[sflag:s5] =	ssyncadd.s32 $0xFFFFE000  }
0xe6: {  	[tilespmem:s19], [sflag:$0x1] =	stream.indirect.gather [hbm4b:s6+s29], $0x40, s12, s29, $0xb8;
	[tilespmem:$0x1E800] =	vst v63  }
0xe7: {  	_ =	swait.ge [sflag:s15], $0x2000  }
0xe8: {  	[sflag:s15] =	ssyncset.done $0x0  }
0xe9: {  	s13 =	simm.s32 $0x1480;
	[sflag:s15] =	ssyncadd.s32 $0xFFFFE000  }
0xea: {  	[spmem:s3] =	stream.indirect.scatter.add.f32 [tilespmem:s20], [sflag:$0x4], $0x40, s13, s29, $0xb8;
	[tilespmem:$0x1E800] =	vst v63  }
0xeb: {  	_ =	swait.ge [sflag:s16], $0x2000  }
0xec: {  	[sflag:s16] =	ssyncset.done $0x0  }
0xed: {  	s12 =	simm.s32 $0x400;
	s13 =	simm.s32 $0x180;
	[sflag:s16] =	ssyncadd.s32 $0xFFFFE000  }
.LBB2_4:
0xee: {  	[tilespmem:s20], [sflag:$0x2] =	stream.indirect.gather [hbm4b:s6+s29], $0x40, s13, s29, $0xb8;
	[tilespmem:$0x1E800] =	vst v63  }
0xef: {  	s11 =	smov.u32 s12  }
0xf0: {  	p1 =	sne.s32 s12, $0x4800;
	s12 =	sadd.s32 $0x400, s12;
	_ =	swait.ge [sflag:s31], $0x2000  }
0xf1: {  	s11 =	sshra.s32 s11, $0x2;
	[sflag:s31] =	ssyncset.done $0x0  }
0xf2: {  	s13 =	sadd.s32 $0x1400, s11;
	[sflag:s31] =	ssyncadd.s32 $0xFFFFE000  }
0xf3: {  	[spmem:s3] =	stream.indirect.scatter.add.f32 [tilespmem:s19], [sflag:$0x3], $0x40, s13, s29, $0xb8;
	[tilespmem:$0x1E800] =	vst v63  }
0xf4: {  	_ =	swait.ge [sflag:s5], $0x2000  }
0xf5: {  	[sflag:s5] =	ssyncset.done $0x0  }
0xf6: {  	s13 =	sadd.s32 $0x100, s11;
	[sflag:s5] =	ssyncadd.s32 $0xFFFFE000  }
0xf7: {  	[tilespmem:s19], [sflag:$0x1] =	stream.indirect.gather [hbm4b:s6+s29], $0x40, s13, s29, $0xb8;
	[tilespmem:$0x1E800] =	vst v63  }
0xf8: {  	_ =	swait.ge [sflag:s15], $0x2000  }
0xf9: {  	[sflag:s15] =	ssyncset.done $0x0  }
.Ltmp6:
0xfa: {  	s13 =	sadd.s32 $0x1480, s11;
	[sflag:s15] =	ssyncadd.s32 $0xFFFFE000;
	(pc) =	sbr.rel @p1 .LBB2_4-.Ltmp6, $4  }
0xfb: {  	[spmem:s3] =	stream.indirect.scatter.add.f32 [tilespmem:s20], [sflag:$0x4], $0x40, s13, s29, $0xb8;
	[tilespmem:$0x1E800] =	vst v63  }
0xfc: {  	_ =	swait.ge [sflag:s16], $0x2000  }
0xfd: {  	[sflag:s16] =	ssyncset.done $0x0  }
0xfe: {  	s13 =	sadd.s32 $0x180, s11;
	[sflag:s16] =	ssyncadd.s32 $0xFFFFE000  }
0xff: {  	[tilespmem:s20], [sflag:$0x2] =	stream.indirect.gather [hbm4b:s6+s29], $0x40, s13, s29, $0xb8;
	[tilespmem:$0x1E800] =	vst v63  }
0x100: {  	_ =	swait.ge [sflag:s31], $0x2000  }
0x101: {  	[sflag:s31] =	ssyncset.done $0x0  }
0x102: {  	[sflag:s31] =	ssyncadd.s32 $0xFFFFE000  }
0x103: {  	[spmem:s3] =	stream.indirect.scatter.add.f32 [tilespmem:s19], [sflag:$0x3], $0x40, s17, s29, $0xb8;
	[tilespmem:$0x1E800] =	vst v63  }
0x104: {  	_ =	swait.ge [sflag:s15], $0x2000  }
0x105: {  	[sflag:s15] =	ssyncset.done $0x0  }
0x106: {  	s10 =	sadd.s32 $0x1, s10;
	[sflag:s15] =	ssyncadd.s32 $0xFFFFE000  }
0x107: {  	[spmem:s3] =	stream.indirect.scatter.add.f32 [tilespmem:s20], [sflag:$0x4], $0x40, s18, s29, $0xb8;
	[tilespmem:$0x1E800] =	vst v63  }
0x108: {  	p1 =	sne.s32 s10, $0x4;
	_ =	swait.ge [sflag:s5], $0x2000  }
.Ltmp7:
0x109: {  	[sflag:s5] =	ssyncset.done $0x0;
	(pc) =	sbr.rel @p1 .LBB2_3-.Ltmp7, $4  }
0x10a: {  	[sflag:s5] =	ssyncadd.s32 $0xFFFFE000  }
0x10b: {  	_ =	swait.ge [sflag:s16], $0x2000  }
0x10c: {  	[sflag:s16] =	ssyncset.done $0x0  }
0x10d: {  	[sflag:s16] =	ssyncadd.s32 $0xFFFFE000  }
0x10e: {  	[bflag:$0x0] =	sbarrier.arrive $0xFFFF  }
0x10f: {  	s10 =	simm.s32 $0x6800;
	s11 =	rddreg [dreg:$0x9]  }
0x110: {  	[tilespmem:s10], [sflag:$0x6] =	stream.linear.gather [spmem:s11], $0x2000, $0x38;
	[tilespmem:$0x1E800] =	vst v63  }
0x111: {  	_ =	swait.ge [sflag:s25], $0x2000  }
0x112: {  	[sflag:s25] =	ssyncset.done $0x0  }
0x113: {  	s13 =	rddreg [dreg:$0xa];
	[sflag:s25] =	ssyncadd.s32 $0xFFFFE000  }
0x114: {  	[hbm4b:s13+s4] =	stream.linear.scatter [tilespmem:s10], [sflag:$0x1], $0x2000, $0x38;
	[tilespmem:$0x1E800] =	vst v63  }
0x115: {  	s22 =	rddreg [dreg:$0xb]  }
0x116: {  	[tilespmem:s20], [sflag:$0x6] =	stream.linear.gather [spmem:s22], $0x2000, $0x38;
	[tilespmem:$0x1E800] =	vst v63  }
0x117: {  	_ =	swait.ge [sflag:s25], $0x2000  }
0x118: {  	[sflag:s25] =	ssyncset.done $0x0  }
0x119: {  	s12 =	rddreg [dreg:$0xc];
	[sflag:s25] =	ssyncadd.s32 $0xFFFFE000  }
0x11a: {  	[hbm4b:s12+s4] =	stream.linear.scatter [tilespmem:s20], [sflag:$0x2], $0x2000, $0x38;
	[tilespmem:$0x1E800] =	vst v63  }
0x11b: {  	_ =	swait.ge [sflag:s31], $0x2000  }
0x11c: {  	[sflag:s31] =	ssyncset.done $0x0  }
0x11d: {  	s13 =	rddreg [dreg:$0x11];
	[sflag:s31] =	ssyncadd.s32 $0xFFFFE000  }
0x11e: {  	[tilespmem:s10], [sflag:$0x6] =	stream.linear.gather [spmem:s13], $0x2000, $0x38;
	[tilespmem:$0x1E800] =	vst v63  }
0x11f: {  	_ =	swait.ge [sflag:s25], $0x2000  }
0x120: {  	[sflag:s25] =	ssyncset.done $0x0  }
0x121: {  	s22 =	rddreg [dreg:$0x13];
	[sflag:s25] =	ssyncadd.s32 $0xFFFFE000  }
0x122: {  	[hbm4b:s22+s4] =	stream.linear.scatter [tilespmem:s10], [sflag:$0x1], $0x2000, $0x38;
	[tilespmem:$0x1E800] =	vst v63  }
0x123: {  	_ =	swait.ge [sflag:s15], $0x2000  }
0x124: {  	[sflag:s15] =	ssyncset.done $0x0  }
0x125: {  	s12 =	rddreg [dreg:$0x15];
	[sflag:s15] =	ssyncadd.s32 $0xFFFFE000  }
0x126: {  	[tilespmem:s20], [sflag:$0x6] =	stream.linear.gather [spmem:s12], $0x2000, $0x38;
	[tilespmem:$0x1E800] =	vst v63  }
0x127: {  	_ =	swait.ge [sflag:s25], $0x2000  }
0x128: {  	[sflag:s25] =	ssyncset.done $0x0  }
0x129: {  	s13 =	rddreg [dreg:$0x17];
	[sflag:s25] =	ssyncadd.s32 $0xFFFFE000  }
0x12a: {  	[hbm4b:s13+s4] =	stream.linear.scatter [tilespmem:s20], [sflag:$0x2], $0x2000, $0x38;
	[tilespmem:$0x1E800] =	vst v63  }
.Ltmp8:
0x12b: {  	_ = 	snop;
	(pc) =	sbr.rel .LBB2_12-.Ltmp8, $4  }
0x12c: {  	_ =	swait.ge [sflag:s31], $0x2000  }
0x12d: {  	[sflag:s31] =	ssyncset.done $0x0;
	s22 =	rddreg [dreg:$0x19]  }
0x12e: {  	s12 =	rddreg [dreg:$0x6];
	[sflag:s31] =	ssyncadd.s32 $0xFFFFE000  }
0x12f: {  	[tilespmem:s10], [sflag:$0x6] =	stream.linear.gather [spmem:s22], $0x2000, $0x38;
	[tilespmem:$0x1E800] =	vst v63  }
.LBB2_13:
0x130: {  	_ =	sfence.sel $0x180000  }
0x131: {  	[bflag:$0x0] =	sbarrier.arrive $0xFFFF  }
0x132: {  	_ =	strace $0x9000004D  }
0x133: {  	s0 =	stileid.u32;
	[bflag:$0x2] =	sbarrier.arrive $0xFFFF  }
0x134: {  	p0 =	sne.s32 s0, $0x0;
	s0 =	rddreg [dreg:$0x4]  }
0x135: {  	s0 =	sadd.s32 @!p0 $0x100000, s0  }
0x136: {  	[sflag:s0] =	ssyncadd.tile.s32 @!p0 $0x1;
	_ =	shalt  }
.Lfunc_end2:
_tile_overlayer_lowered:
.L_overlay_start_2:
0x137: {  	(tag) =	ssettag $0x2  }
0x138: {  	s0 =	rddreg [dreg:$0x0];
	s2 =	stileid.u32  }
0x139: {  	s1 =	rddreg [dreg:$0x1];
	p0 =	sne.s32 s2, $0x0  }
0x13a: {  	s3 =	rddreg [dreg:$0x2];
	[bflag:$0x3] =	sbarrier.arrive $0xFFFF;
	s2 =	simm.s32 @!p0 $0x1C06  }
0x13b: {  	[timem:s3], [sflag:s2] =	dma.local @!p0 [hbm:s0], s1  }
0x13c: {  	s0 =	simm.s32 @!p0 $0x6  }
0x13d: {  	_ =	swait.ge @!p0 [sflag:s0], s1  }
0x13e: {  	s1 =	ssub.s32 @!p0 $0x0, s1;
	[sflag:s0] =	ssyncset.done @!p0 $0x0  }
0x13f: {  	[sflag:s0] =	ssyncadd.s32 @!p0 s1  }
0x140: {  	[bflag:$0x3] =	sbarrier.arrive $0xFFFF  }
0x141: {  	_ =	shalt  }

// kernel: kernel.8.cloned.1.call-start
scs
__scs_entry_jumppad:
0x0: {  	(pc) =	sbr.rel $0x88, $3  }
0x1: {  	(tag) =	ssettag $0x0;
	lr =	simm.s32 $0x1  }
0x2: {  	[smem:$0x3F99] =	sst lr;
	_ =	strace $0xD0000000  }
0x3: {  	_ = 	snop  }
0x4: {  	_ = 	snop  }
0x5: {  	_ = 	snop  }
0x6: {  	_ = 	snop  }
0x7: {  	_ = 	snop  }
__scs_overlays_trampoline_lowered:
0x8: {  	[smem:$0x3FA8] =	sst s0  }
0x9: {  	[smem:$0x3FA9] =	sst s1  }
0xa: {  	[smem:$0x3FAA] =	sst s2  }
0xb: {  	[smem:$0x3FAB] =	sst s3  }
0xc: {  	[smem:$0x3FAC] =	sst s4  }
0xd: {  	[smem:$0x3FAD] =	sst s5  }
0xe: {  	[smem:$0x3FAE] =	sst s6  }
0xf: {  	[smem:$0x3FAF] =	sst s7  }
0x10: {  	[smem:$0x3FB0] =	sst s8  }
0x11: {  	[smem:$0x3FB1] =	sst s9;
	s0 =	simm.s32 @!p0 $0x0  }
0x12: {  	s1 =	sld [smem:$0x3F97];
	s0 =	simm.s32 @p0 $0x1  }
0x13: {  	[smem:$0x3FB2] =	sst s0;
	s0 =	simm.s32 @!p1 $0x0  }
0x14: {  	s2 =	sld [smem:$0x3F96];
	s0 =	simm.s32 @p1 $0x1  }
0x15: {  	[smem:$0x3FB3] =	sst s0;
	s0 =	simm.s32 @!p2 $0x0  }
0x16: {  	s3 =	sld [smem:$0x3FDB];
	s0 =	simm.s32 @p2 $0x1  }
0x17: {  	s4 =	simm.s32 $0x1BF5;
	[smem:$0x3FB5] =	sst s0  }
0x18: {  	s0 =	sld [smem:$0x3F98];
	_ =	swait.ge [sflag:s4], $0x0  }
0x19: {  	s7 =	sld [smem:$0x3F99]  }
0x1a: {  	s8 =	sadd.s32 $0xFFFFE003, lr  }
0x1b: {  	s9 =	sadd.s32 $0xFFFFFEF7, lr;
	s5 =	simm.s32 $0xFFFFFFFF;
	p2 =	slt.u32 s8, $0xFFFFF086  }
0x1c: {  	p1 =	slt.u32 s9, $0xF7A;
	s5 =	simm.s32 @!p2 $0x0  }
0x1d: {  	s5 =	simm.s32 @p1 $0x1;
	p0 =	seq.s32 s7, s2  }
0x1e: {  	s7 =	smul.u32 @!p0 $0xF7A, s2;
	p2 =	seq.s32 @!p0 s5, $0x0  }
0x1f: {  	s9 =	smul.u32 $0xF7A, s1;
	s8 =	simm.s32 @!p0 $0x1BF5;
	p2 =	por !p2, p0  }
0x20: {  	[sflag:s8] =	ssyncset.s32 @!p0 $0xFFFFF086;
	s6 =	sadd.s32 @!p0 s3, s7;
	s7 =	simm.s32 @!p0 $0x108  }
0x21: {  	s3 =	sadd.s32 s3, s9;
	s6 =	sadd.s32 @!p0 $0x88, s6;
	s7 =	simm.s32 @p2 $0x1082  }
0x22: {  	[simem:s7], [sflag:s8] =	dma.local @!p0 [hbm:s6], $0xF7A  }
0x23: {  	s9 =	sor.u32 $0xD0000000, s2;
	s6 =	simm.s32 $0x108;
	_ =	swait.ge @!p0 [sflag:s8], $0x0  }
0x24: {  	s3 =	sadd.s32 $0x88, s3;
	s6 =	simm.s32 @!p1 $0x1082;
	[sflag:s4] =	ssyncset.s32 $0xFFFFF086  }
0x25: {  	[simem:s6], [sflag:s4] =	dma.local [hbm:s3], $0xF7A  }
0x26: {  	[smem:$0x3F99] =	sst s1;
	(tag) =	ssettag s2;
	_ =	strace s9  }
0x27: {  	s1 =	sld [smem:$0x3FA9]  }
0x28: {  	s2 =	sld [smem:$0x3FAA]  }
0x29: {  	s4 =	sld [smem:$0x3FAC]  }
0x2a: {  	p0 =	seq.s32 s5, $0x0;
	s5 =	sld [smem:$0x3FAD]  }
0x2b: {  	s6 =	sld [smem:$0x3FAE]  }
0x2c: {  	s7 =	sld [smem:$0x3FAF]  }
0x2d: {  	s3 =	simm.s32 $0x108;
	s8 =	sld [smem:$0x3FB0]  }
0x2e: {  	s3 =	simm.s32 @!p0 $0x1082;
	s9 =	sld [smem:$0x3FB1]  }
0x2f: {  	lr =	sadd.s32 s0, s3;
	s0 =	sld [smem:$0x3FA8]  }
0x30: {  	s3 =	sld [smem:$0x3FAB]  }
0x31: {  	[smem:$0x3FB4] =	sst s10  }
0x32: {  	s10 =	sld [smem:$0x3FB2];
	_ =	sdelay $0x3  }
0x33: {  	p0 =	seq.s32 s10, $0x1;
	s10 =	sld [smem:$0x3FB4];
	_ =	sdelay $0x3  }
0x34: {  	[smem:$0x3FB4] =	sst s10  }
0x35: {  	s10 =	sld [smem:$0x3FB3];
	_ =	sdelay $0x3  }
0x36: {  	p1 =	seq.s32 s10, $0x1;
	s10 =	sld [smem:$0x3FB4];
	_ =	sdelay $0x3  }
0x37: {  	[smem:$0x3FB4] =	sst s10  }
0x38: {  	s10 =	sld [smem:$0x3FB5]  }
0x39: {  	_ = 	snop;
	(pc) =	sbr.ind lr, $3  }
0x3a: {  	_ = 	snop  }
0x3b: {  	_ = 	snop  }
0x3c: {  	p2 =	seq.s32 s10, $0x1;
	s10 =	sld [smem:$0x3FB4]  }
0x3d: {  	_ =	shalt  }
0x3e: {  	_ =	shalt  }
0x3f: {  	_ =	shalt  }
0x40: {  	_ =	shalt  }
0x41: {  	_ =	shalt  }
0x42: {  	_ =	shalt  }
0x43: {  	_ =	shalt  }
0x44: {  	_ =	shalt  }
0x45: {  	_ =	shalt  }
0x46: {  	_ =	shalt  }
0x47: {  	_ =	shalt  }
0x48: {  	_ =	shalt  }
0x49: {  	_ =	shalt  }
0x4a: {  	_ =	shalt  }
0x4b: {  	_ =	shalt  }
0x4c: {  	_ =	shalt  }
0x4d: {  	_ =	shalt  }
0x4e: {  	_ =	shalt  }
0x4f: {  	_ =	shalt  }
0x50: {  	_ =	shalt  }
0x51: {  	_ =	shalt  }
0x52: {  	_ =	shalt  }
0x53: {  	_ =	shalt  }
0x54: {  	_ =	shalt  }
0x55: {  	_ =	shalt  }
0x56: {  	_ =	shalt  }
0x57: {  	_ =	shalt  }
0x58: {  	_ =	shalt  }
0x59: {  	_ =	shalt  }
0x5a: {  	_ =	shalt  }
0x5b: {  	_ =	shalt  }
0x5c: {  	_ =	shalt  }
0x5d: {  	_ =	shalt  }
0x5e: {  	_ =	shalt  }
0x5f: {  	_ =	shalt  }
0x60: {  	_ =	shalt  }
0x61: {  	_ =	shalt  }
0x62: {  	_ =	shalt  }
0x63: {  	_ =	shalt  }
0x64: {  	_ =	shalt  }
0x65: {  	_ =	shalt  }
0x66: {  	_ =	shalt  }
0x67: {  	_ =	shalt  }
0x68: {  	_ =	shalt  }
0x69: {  	_ =	shalt  }
0x6a: {  	_ =	shalt  }
0x6b: {  	_ =	shalt  }
0x6c: {  	_ =	shalt  }
0x6d: {  	_ =	shalt  }
0x6e: {  	_ =	shalt  }
0x6f: {  	_ =	shalt  }
0x70: {  	_ =	shalt  }
0x71: {  	_ =	shalt  }
0x72: {  	_ =	shalt  }
0x73: {  	_ =	shalt  }
0x74: {  	_ =	shalt  }
0x75: {  	_ =	shalt  }
0x76: {  	_ =	shalt  }
0x77: {  	_ =	shalt  }
0x78: {  	_ =	shalt  }
0x79: {  	_ =	shalt  }
0x7a: {  	_ =	shalt  }
0x7b: {  	_ =	shalt  }
0x7c: {  	_ =	shalt  }
0x7d: {  	_ =	shalt  }
0x7e: {  	_ =	shalt  }
0x7f: {  	_ =	shalt  }
0x80: {  	_ =	shalt  }
0x81: {  	_ =	shalt  }
0x82: {  	_ =	shalt  }
0x83: {  	_ =	shalt  }
0x84: {  	_ =	shalt  }
0x85: {  	_ =	shalt  }
0x86: {  	_ =	shalt  }
0x87: {  	_ =	shalt  }
.Lfunc_end0:
.L_simem_size_0:
called_computation_lowered:
.L_overlay_start_0:
0x88: {  	s2 =	sld [smem:$0x3FD9]  }
0x89: {  	s3 =	sld [smem:$0x3FFE];
	_ =	sdelay $0x1  }
0x8a: {  	s1 =	srdreg.scid  }
0x8b: {  	s0 =	sand.u32 $0x1, s1  }
0x8c: {  	s17 =	sshll.u32 s0, $0xA;
	s2 =	sadd.s32 s3, s2  }
0x8d: {  	s2 =	sadd.s32 s2, s17  }
0x8e: {  	[smem:$0x3FC0] =	sst s2  }
0x8f: {  	_ = 	snop  }
0x90: {  	s2 =	sld [smem:$0x3FD0];
	(tm) =	ssettm $0x1  }
0x91: {  	s18 =	sld [smem:$0x3FFB];
	_ =	sdelay $0x3  }
0x92: {  	_ =	strace s18  }
0x93: {  	s3 =	sld [smem:$0x3FFC];
	_ =	sdelay $0x3  }
0x94: {  	_ =	strace s3  }
0x95: {  	s3 =	sld [smem:$0x3FFD];
	_ =	sdelay $0x3  }
0x96: {  	_ =	strace s3  }
0x97: {  	_ =	strace $0x8FFFFFFF  }
0x98: {  	s19 =	sld [smem:$0x3FDB];
	_ =	sdelay $0x1  }
0x99: {  	s4 =	simm.s32 $_scs_section_size  }
0x9a: {  	s5 =	simm.s32 $_size__tile_overlayer_lowered;
	s6 =	simm.s32 $_tile_overlayer_lowered  }
0x9b: {  	s22 =	simm.s32 $0x1BFF;
	s21 =	sshll.u32 s6, $0x1;
	s3 =	sadd.s32 s4, s19  }
0x9c: {  	s7 =	simm.s32 $0x0;
	s20 =	sshll.u32 s5, $0x1;
	s5 =	sadd.s32 s21, s3  }
0x9d: {  	[timem:s7], [sflag:s22] =	dma.local [hbm:s5], s20  }
0x9e: {  	_ =	swait.ge [sflag:s22], s20  }
0x9f: {  	s4 =	ssub.s32 $0x0, s20;
	[sflag:s22] =	ssyncset.done $0x0  }
0xa0: {  	[sflag:s22] =	ssyncadd.s32 s4;
	_ =	sdelay $0x1  }
0xa1: {  	s23 =	simm.s32 $0x1B8B  }
0xa2: {  	_ =	swait.ge [sflag:s23], $0x1  }
0xa3: {  	[sflag:s23] =	ssyncset.done $0x0  }
0xa4: {  	s25 =	simm.s32 $0x1B8E;
	s24 =	sld [smem:$0x3FFE];
	[sflag:s23] =	ssyncadd.s32 $0xFFFFFFFF  }
0xa5: {  	s26 =	simm.s32 $execute0_lowered;
	[smem:$0x3FD2] =	sst s25  }
0xa6: {  	s5 =	sshll.u32 s26, $0x1;
	_ =	strace $0x80000046;
	[dreg:$0x1] =	wrdreg $0xFFFFFFFF  }
0xa7: {  	s28 =	simm.s32 $_size_execute0_lowered;
	s3 =	sadd.s32 s3, s5;
	[dreg:$0x0] =	wrdreg $0x0  }
0xa8: {  	s5 =	sshll.u32 s28, $0x1;
	[dreg:$0x2] =	wrdreg s3  }
0xa9: {  	[dreg:$0x3] =	wrdreg s5  }
0xaa: {  	[dreg:$0x4] =	wrdreg $0xC0  }
0xab: {  	_ =	task [dreg:s7], $0x5FFFF  }
0xac: {  	[dreg:$0x1] =	wrdreg $0xFFFFFFFF  }
0xad: {  	[dreg:$0x0] =	wrdreg $0x60  }
0xae: {  	[dreg:$0x2] =	wrdreg s2  }
0xaf: {  	[dreg:$0x3] =	wrdreg s24  }
0xb0: {  	[dreg:$0x4] =	wrdreg $0x2B000  }
0xb1: {  	[dreg:$0x5] =	wrdreg $0x9  }
0xb2: {  	_ =	task.clear_ibuf [dreg:s7], $0x6FFFF;
	_ =	strace $0x90000046  }
0xb3: {  	s29 =	simm.s32 $0x9;
	_ =	strace $0x80000048  }
0xb4: {  	_ =	swait.ge [sflag:s29], $0x1  }
0xb5: {  	[sflag:s29] =	ssyncadd.s32 $0xFFFFFFFF  }
0xb6: {  	_ =	strace $0x90000048  }
0xb7: {  	_ =	sfence  }
0xb8: {  	s30 =	sld [smem:$0x0];
	_ =	sdelay $0x2  }
0xb9: {  	s31 =	sshll.u32 s1, $0xD;
	s1 =	sshrl.u32 s1, $0x2  }
0xba: {  	s3 =	sand.u32 $0x4000, s31;
	s1 =	sadd.s32 s1, s30  }
0xbb: {  	s0 =	sor.u32 s3, s0;
	s1 =	sshll.u32 s1, $0x11  }
0xbc: {  	s0 =	sor.u32 s1, s0  }
0xbd: {  	s0 =	sadd.s32 $0x8F2B, s0  }
0xbe: {  	[sflag:s0] =	ssyncadd.remote.s32 $0x1  }
0xbf: {  	_ =	sfence.sel $0xFFFF  }
0xc0: {  	[dreg:$0x0] =	wrdreg $0xFFFFFFFF;
	(pc) =	sbr.abs _section_cstart, $3  }
0xc1: {  	[dreg:$0x1] =	wrdreg $0xFFFFFFFF  }
0xc2: {  	_ =	task.clear_ibuf [dreg:s7], $0x2FFFF;
	_ =	strace $0x9FFFFFFF  }
0xc3: {  	(tm) =	ssettm $0x7FFFFFFF  }
tec
execute0_lowered:
.L_overlay_start_1:
0x0: {  	(tag) =	ssettag $0x1  }
0x1: {  	s5 =	rddreg [dreg:$0x0]  }
0x2: {  	s4 =	rddreg [dreg:$0x1];
	s1 =	srdreg.scid  }
0x3: {  	s0 =	stileid.u32;
	s2 =	rddreg [dreg:$0x2];
	s3 =	simm.s32 $0x0  }
0x4: {  	s11 =	simm.s32 $0x2800;
	s12 =	simm.s32 $0x0;
	s6 =	sand.u32 $0x1, s1  }
0x5: {  	s7 =	smul.u32 $0x280, s0;
	s1 =	rddreg [dreg:$0x3];
	s9 =	sshll.u32 s0, $0x1  }
0x6: {  	s8 =	smul.u32 $0x2800, s6;
	s10 =	ssub.s32 $0x2, s6;
	s6 =	sor.u32 s6, s9  }
0x7: {  	[smem:$0x7FF] =	sst s3;
	s31 =	sshrl.u32 s10, $0x1;
	s6 =	smul.u32 $0x500, s6  }
0x8: {  	_ =	strace $0x80000047;
	s8 =	sadd.s32 s7, s8;
	s9 =	ssub.s32 s10, s31  }
0x9: {  	s10 =	simm.s32 $0x80;
	s8 =	sshrl.u32 s8, $0x3;
	s5 =	sadd.s32 s5, s6  }
0xa: {  	s8 =	sadd.s32 s8, s4;
	s4 =	sadd.s32 s7, s2;
	s7 =	smax.u32 s9, $0x1  }
0xb: {  	v0 =	vimm.f32 $1.000000000e+00;
	v1 =	vimm.f32 $0.0e+00;
	s9 =	simm.s32 $0x1;
	s6 =	sadd.s32 $0xD200, s8;
	s8 =	simm.s32 $0x2880  }
.LBB2_1:
0xc: {  	[tilespmem:$0x2800] =	vst v0  }
0xd: {  	[tilespmem:$0x2810] =	vst v0  }
0xe: {  	[tilespmem:$0x2820] =	vst v0  }
0xf: {  	[tilespmem:$0x2830] =	vst v0  }
0x10: {  	[tilespmem:$0x2840] =	vst v0  }
0x11: {  	[tilespmem:$0x2850] =	vst v0  }
0x12: {  	[tilespmem:$0x2860] =	vst v0  }
0x13: {  	[tilespmem:$0x2870] =	vst v0  }
0x14: {  	[tilespmem:$0x2880] =	vst v1  }
0x15: {  	[tilespmem:$0x2890] =	vst v1  }
0x16: {  	[tilespmem:$0x28A0] =	vst v1  }
0x17: {  	[tilespmem:$0x28B0] =	vst v1  }
0x18: {  	[tilespmem:$0x28C0] =	vst v1  }
0x19: {  	[tilespmem:$0x28D0] =	vst v1  }
0x1a: {  	[tilespmem:$0x28E0] =	vst v1  }
0x1b: {  	[tilespmem:$0x28F0] =	vst v1  }
0x1c: {  	[tilespmem:$0x2900] =	vst v1  }
0x1d: {  	[tilespmem:$0x2910] =	vst v1  }
0x1e: {  	[tilespmem:$0x2920] =	vst v1  }
0x1f: {  	[tilespmem:$0x2930] =	vst v1  }
0x20: {  	[tilespmem:$0x2940] =	vst v1  }
0x21: {  	[tilespmem:$0x2950] =	vst v1  }
0x22: {  	[tilespmem:$0x2960] =	vst v1  }
0x23: {  	[tilespmem:$0x2970] =	vst v1  }
0x24: {  	[tilespmem:$0x2980] =	vst v1  }
0x25: {  	[tilespmem:$0x2990] =	vst v1  }
0x26: {  	[tilespmem:$0x29A0] =	vst v1  }
0x27: {  	[tilespmem:$0x29B0] =	vst v1  }
0x28: {  	[tilespmem:$0x29C0] =	vst v1  }
0x29: {  	[tilespmem:$0x29D0] =	vst v1  }
0x2a: {  	[tilespmem:$0x29E0] =	vst v1  }
0x2b: {  	[tilespmem:$0x29F0] =	vst v1  }
0x2c: {  	[tilespmem:$0x2A00] =	vst v1  }
0x2d: {  	[tilespmem:$0x2A10] =	vst v1  }
0x2e: {  	[tilespmem:$0x2A20] =	vst v1  }
0x2f: {  	[tilespmem:$0x2A30] =	vst v1  }
0x30: {  	[tilespmem:$0x2A40] =	vst v1  }
0x31: {  	[tilespmem:$0x2A50] =	vst v1  }
0x32: {  	[tilespmem:$0x2A60] =	vst v1  }
0x33: {  	[tilespmem:$0x2A70] =	vst v1  }
0x34: {  	[tilespmem:$0x2A80] =	vst v1  }
0x35: {  	[tilespmem:$0x2A90] =	vst v1  }
0x36: {  	[tilespmem:$0x2AA0] =	vst v1  }
0x37: {  	[tilespmem:$0x2AB0] =	vst v1  }
0x38: {  	[tilespmem:$0x2AC0] =	vst v1  }
0x39: {  	[tilespmem:$0x2AD0] =	vst v1  }
0x3a: {  	[tilespmem:$0x2AE0] =	vst v1  }
0x3b: {  	[tilespmem:$0x2AF0] =	vst v1  }
0x3c: {  	[spmem:s4] =	stream.linear.scatter [tilespmem:s8], [sflag:$0x1], $0x280, $0x38;
	[tilespmem:$0x2D80] =	vst v63  }
0x3d: {  	_ =	swait.ge [sflag:s9], $0x280  }
0x3e: {  	[sflag:s9] =	ssyncset.done $0x0  }
0x3f: {  	[sflag:s9] =	ssyncadd.s32 $0xFFFFFD80  }
0x40: {  	[bflag:$0x0] =	sbarrier.arrive $0xFFFF  }
0x41: {  	[tilespmem:s3], [sflag:$0x1] =	stream.linear.gather [hbm4b:s5+s3], $0x2800, $0x38;
	[tilespmem:$0x2D80] =	vst v63  }
0x42: {  	_ =	swait.ge [sflag:s9], $0x2800  }
0x43: {  	[sflag:s9] =	ssyncset.done $0x0  }
0x44: {  	s13 =	simm.s32 $0x0;
	[sflag:s9] =	ssyncadd.s32 $0xFFFFD800  }
0x45: {  	[spmem:s2] =	stream.indirect.scatter.add.f32 [tilespmem:s11], [sflag:$0x1], $0x1, s13, s10, $0xb8;
	[tilespmem:$0x2D80] =	vst v63  }
0x46: {  	_ =	swait.ge [sflag:s9], $0x80  }
0x47: {  	s13 =	simm.s32 $0x200;
	[sflag:s9] =	ssyncset.done $0x0  }
.LBB2_2:
0x48: {  	s14 =	sshra.s32 s13, $0x2;
	[sflag:s9] =	ssyncadd.s32 $0xFFFFFF80;
	p0 =	sne.s32 s13, $0x9E00  }
0x49: {  	[spmem:s2] =	stream.indirect.scatter.add.f32 [tilespmem:s11], [sflag:$0x1], $0x1, s14, s10, $0xb8;
	[tilespmem:$0x2D80] =	vst v63  }
.Ltmp0:
0x4a: {  	_ = 	snop;
	(pc) =	sbr.rel @p0 .LBB2_2-.Ltmp0, $4  }
0x4b: {  	_ = 	snop  }
0x4c: {  	s13 =	sadd.s32 $0x200, s13  }
0x4d: {  	_ =	swait.ge [sflag:s9], $0x80  }
0x4e: {  	[sflag:s9] =	ssyncset.done $0x0  }
0x4f: {  	[sflag:s9] =	ssyncadd.s32 $0xFFFFFF80  }
0x50: {  	[bflag:$0x0] =	sbarrier.arrive $0xFFFF  }
0x51: {  	[tilespmem:s8], [sflag:$0x1] =	stream.linear.gather [spmem:s4], $0x280, $0x38;
	[tilespmem:$0x2D80] =	vst v63  }
0x52: {  	s12 =	sadd.s32 $0x1, s12;
	_ =	swait.ge [sflag:s9], $0x280  }
0x53: {  	p0 =	sne.s32 s12, s7;
	[sflag:s9] =	ssyncset.done $0x0  }
.Ltmp1:
0x54: {  	[sflag:s9] =	ssyncadd.s32 $0xFFFFFD80;
	(pc) =	sbr.rel @p0 .LBB2_1-.Ltmp1, $4  }
0x55: {  	[hbm4b:s6+s3] =	stream.linear.scatter [tilespmem:s8], [sflag:$0x1], $0x280, $0x38;
	[tilespmem:$0x2D80] =	vst v63  }
0x56: {  	_ =	swait.ge [sflag:s9], $0x280  }
0x57: {  	[sflag:s9] =	ssyncset.done $0x0  }
0x58: {  	[sflag:s9] =	ssyncadd.s32 $0xFFFFFD80  }
0x59: {  	_ =	sfence.sel $0x180000  }
0x5a: {  	[bflag:$0x0] =	sbarrier.arrive $0xFFFF  }
0x5b: {  	p0 =	sne.s32 s0, $0x0;
	_ =	strace $0x90000047  }
0x5c: {  	s0 =	sadd.s32 @!p0 $0x100000, s1;
	[bflag:$0x2] =	sbarrier.arrive $0xFFFF  }
0x5d: {  	[sflag:s0] =	ssyncadd.tile.s32 @!p0 $0x1;
	_ =	shalt  }
.Lfunc_end2:
_tile_overlayer_lowered:
.L_overlay_start_2:
0x5e: {  	(tag) =	ssettag $0x2  }
0x5f: {  	s0 =	rddreg [dreg:$0x0];
	s2 =	stileid.u32  }
0x60: {  	s1 =	rddreg [dreg:$0x1];
	p0 =	sne.s32 s2, $0x0  }
0x61: {  	s3 =	rddreg [dreg:$0x2];
	[bflag:$0x3] =	sbarrier.arrive $0xFFFF;
	s2 =	simm.s32 @!p0 $0x1C01  }
0x62: {  	[timem:s3], [sflag:s2] =	dma.local @!p0 [hbm:s0], s1  }
0x63: {  	s0 =	simm.s32 @!p0 $0x1  }
0x64: {  	_ =	swait.ge @!p0 [sflag:s0], s1  }
0x65: {  	s1 =	ssub.s32 @!p0 $0x0, s1;
	[sflag:s0] =	ssyncset.done @!p0 $0x0  }
0x66: {  	[sflag:s0] =	ssyncadd.s32 @!p0 s1  }
0x67: {  	[bflag:$0x3] =	sbarrier.arrive $0xFFFF  }
0x68: {  	_ =	shalt  }

</sc_bundles>
